<compile_context>
chip_gen: v7x
topology: tpu7x:2x2x1
jax: 0.10.2.dev20260603
libtpu: 0.0.44.dev20260713+nightly
codegen_flags: <defaults>
</compile_context>

<pallas_src>
import jax
import jax.numpy as jnp
from jax import lax
from jax.experimental import pallas as pl
from jax.experimental.pallas import tpu as pltpu
from jax.experimental.pallas import tpu_sc as plsc

_M = 1000000
_K = 32
_B = 16384
_NC = 2
_NS = 16
_NW = _NC * _NS
_BPW = _B // _NW
_L = 16
_NST = _BPW // _L
_MP = 1000064


def _body(users_hbm, items_hbm, neg_hbm, pt_hbm, qt_hbm, pos_out, neg_out,
          idx_u, idx_i, idx_n, buf, eu, ei, en, pos_v, neg_v, sem):
    wid = lax.axis_index("s") * _NC + lax.axis_index("c")
    base = wid * _BPW

    pltpu.sync_copy(users_hbm.at[pl.ds(base, _BPW)], idx_u)
    pltpu.sync_copy(items_hbm.at[pl.ds(base, _BPW)], idx_i)
    pltpu.sync_copy(neg_hbm.at[pl.ds(base, _BPW)], idx_n)

    def fetch_and_extract(tbl_hbm, smem_idx, vec_idx, dst, t):
        idxv = smem_idx[pl.ds(t * _L, _L)]
        blkv = (idxv >> 7) * 128
        copies = []
        for r in range(_L):
            off = pl.multiple_of(blkv[r], 128)
            copies.append(pltpu.async_copy(
                tbl_hbm.at[:, pl.ds(off, 128)],
                buf.at[pl.ds(r * _K, _K), :], sem))
        for cp in copies:
            cp.wait()
        lanes = jnp.bitwise_and(vec_idx[pl.ds(t * _L, _L)],
                                jnp.full((_L,), 127, jnp.int32))
        for k in range(_K):
            rows = jnp.arange(_L, dtype=jnp.int32) * _K + k
            dst[k, pl.ds(0, _L)] = plsc.load_gather(buf, [rows, lanes])

    def step(t, carry):
        fetch_and_extract(pt_hbm, idx_u, idx_u, eu, t)
        fetch_and_extract(qt_hbm, idx_i, idx_i, ei, t)
        fetch_and_extract(qt_hbm, idx_n, idx_n, en, t)
        acc_p = jnp.zeros((_L,), jnp.float32)
        acc_n = jnp.zeros((_L,), jnp.float32)
        for k in range(_K):
            uvec = eu[k, pl.ds(0, _L)]
            acc_p = acc_p + uvec * ei[k, pl.ds(0, _L)]
            acc_n = acc_n + uvec * en[k, pl.ds(0, _L)]
        o = pl.ds(t * _L, _L)
        pos_v[o] = acc_p
        neg_v[o] = acc_n
        return carry
    lax.fori_loop(0, _NST, step, 0)

    pltpu.sync_copy(pos_v, pos_out.at[pl.ds(base, _BPW)])
    pltpu.sync_copy(neg_v, neg_out.at[pl.ds(base, _BPW)])


@jax.jit
def _run(users, items, neg_items, p, q):
    mesh = plsc.VectorSubcoreMesh(core_axis_name="c", subcore_axis_name="s")
    f = pl.kernel(
        _body,
        mesh=mesh,
        out_type=(
            jax.ShapeDtypeStruct((_B,), jnp.float32),
            jax.ShapeDtypeStruct((_B,), jnp.float32),
        ),
        scratch_types=[
            pltpu.VMEM((_BPW,), jnp.int32),
            pltpu.VMEM((_BPW,), jnp.int32),
            pltpu.VMEM((_BPW,), jnp.int32),
            pltpu.VMEM((_L * _K, 128), jnp.float32),
            pltpu.VMEM((_K, _L), jnp.float32),
            pltpu.VMEM((_K, _L), jnp.float32),
            pltpu.VMEM((_K, _L), jnp.float32),
            pltpu.VMEM((_BPW,), jnp.float32),
            pltpu.VMEM((_BPW,), jnp.float32),
            pltpu.SemaphoreType.DMA,
        ],
        compiler_params=pltpu.CompilerParams(
            needs_layout_passes=False, use_tc_tiling_on_sc=True
        ),
    )
    pt = jnp.pad(p.T, ((0, 0), (0, _MP - _M)))
    qt = jnp.pad(q.T, ((0, 0), (0, _MP - _M)))
    return f(users, items, neg_items, pt, qt)


def kernel(users, items, neg_items, P, Q):
    users = users.astype(jnp.int32)
    items = items.astype(jnp.int32)
    neg_items = neg_items.astype(jnp.int32)
    return _run(users, items, neg_items, P, Q)

# --- scband reference (transcript-rebuilt; emitter-appended) ---
"""Pipeline reference for scband-bpr-matrix-factorization-14551349199270 (READ-ONLY COPY).

The authoritative reference and input builder live on the scoring server;
editing this copy changes nothing except your own understanding.
"""

import jax, jax.numpy as jnp
import numpy as np

M = 1000000
N = 1000000
K = 32
B = 16384

def setup_inputs(seed: int = 0) -> dict:
    key = jax.random.key(seed)
    k1, k2, k3, k4, k5 = jax.random.split(key, 5)
    users = jax.random.randint(k1, (B,), 0, M)
    items = jax.random.randint(k2, (B,), 0, N)
    neg_items = jax.random.randint(k3, (B,), 0, N)
    P = jax.random.normal(k4, (M, K), dtype=jnp.float32) * 0.01
    Q = jax.random.normal(k5, (N, K), dtype=jnp.float32) * 0.01
    return {"users": users, "items": items, "neg_items": neg_items, "P": P, "Q": Q}

def reference(users, items, neg_items, P, Q):
    users_e = jnp.take(P, users, axis=0)
    items_e = jnp.take(Q, items, axis=0)
    pos_prediction = (users_e * items_e).sum(axis=-1)
    neg_items_e = jnp.take(Q, neg_items, axis=0)
    neg_prediction = (users_e * neg_items_e).sum(axis=-1)
    return (pos_prediction, neg_prediction)

if __name__ == "__main__":
    import jax
    _d = setup_inputs()
    print(jax.jit(kernel)(*tuple(_d.values())))

</pallas_src>

<mosaic_0001>
#map = affine_map<(d0, d1) -> (0)>
#map1 = affine_map<(d0, d1) -> (0, 0)>
module attributes {stable_mosaic.version = 14 : i64} {
  func.func @_body(%arg0: i32, %arg1: i32, %arg2: memref<16384xi32, #tpu.memory_space<hbm>>, %arg3: memref<16384xi32, #tpu.memory_space<hbm>>, %arg4: memref<16384xi32, #tpu.memory_space<hbm>>, %arg5: memref<32x1000064xf32, #tpu.memory_space<hbm>>, %arg6: memref<32x1000064xf32, #tpu.memory_space<hbm>>, %arg7: memref<16384xf32, #tpu.memory_space<hbm>>, %arg8: memref<16384xf32, #tpu.memory_space<hbm>>, %arg9: memref<512xi32, #tpu.memory_space<vmem>>, %arg10: memref<512xi32, #tpu.memory_space<vmem>>, %arg11: memref<512xi32, #tpu.memory_space<vmem>>, %arg12: memref<512x128xf32, #tpu.memory_space<vmem>>, %arg13: memref<32x16xf32, #tpu.memory_space<vmem>>, %arg14: memref<32x16xf32, #tpu.memory_space<vmem>>, %arg15: memref<32x16xf32, #tpu.memory_space<vmem>>, %arg16: memref<512xf32, #tpu.memory_space<vmem>>, %arg17: memref<512xf32, #tpu.memory_space<vmem>>, %arg18: memref<!tpu.dma_semaphore, #tpu.memory_space<semaphore_mem>>) attributes {dimension_semantics = [#tpu.dimension_semantics<core_parallel>, #tpu.dimension_semantics<subcore_parallel>], iteration_bounds = array<i64: 2, 16>, scalar_prefetch = 0 : i64, scratch_operands = 10 : i64, tpu.core_type = #tpu.core_type<sc_vector_subcore>, window_params = [{transform_indices = #map}, {transform_indices = #map}, {transform_indices = #map}, {transform_indices = #map1}, {transform_indices = #map1}, {transform_indices = #map}, {transform_indices = #map}]} {
    %mul3A = arith.constant 2 : i32
    %mul3A_0 = arith.muli %arg1, %mul3A : i32
    %add3A = arith.addi %mul3A_0, %arg0 : i32
    %mul3A_1 = arith.constant 512 : i32
    %mul3A_2 = arith.muli %add3A, %mul3A_1 : i32
    "tpu.region"() ({
      %run_scoped3A = tpu.sem_alloc : memref<!tpu.dma_semaphore, #tpu.memory_space<semaphore_mem>>
      %dma_start3A = tpu.memref_slice %arg2[%mul3A_2] : memref<16384xi32, #tpu.memory_space<hbm>> -> memref<512xi32, #tpu.memory_space<hbm>>
      %dma_start3A_8 = tpu.memref_slice %arg2[%mul3A_2] : memref<16384xi32, #tpu.memory_space<hbm>> -> memref<512xi32, #tpu.memory_space<hbm>>
      tpu.enqueue_dma source(%dma_start3A_8 : memref<512xi32, #tpu.memory_space<hbm>>) target(%arg9 : memref<512xi32, #tpu.memory_space<vmem>>) target_semaphore(%run_scoped3A : memref<!tpu.dma_semaphore, #tpu.memory_space<semaphore_mem>>)
      %dma_wait3A = tpu.memref_slice %arg2[%mul3A_2] : memref<16384xi32, #tpu.memory_space<hbm>> -> memref<512xi32, #tpu.memory_space<hbm>>
      %dma_wait3A_9 = tpu.memref_slice %arg2[%mul3A_2] : memref<16384xi32, #tpu.memory_space<hbm>> -> memref<512xi32, #tpu.memory_space<hbm>>
      tpu.wait_dma2 semaphore(%run_scoped3A : memref<!tpu.dma_semaphore, #tpu.memory_space<semaphore_mem>>) src(%dma_wait3A_9 : memref<512xi32, #tpu.memory_space<hbm>>) dst(%arg9 : memref<512xi32, #tpu.memory_space<vmem>>)
      tpu.yield
    }) : () -> ()
    "tpu.region"() ({
      %run_scoped3A = tpu.sem_alloc : memref<!tpu.dma_semaphore, #tpu.memory_space<semaphore_mem>>
      %dma_start3A = tpu.memref_slice %arg3[%mul3A_2] : memref<16384xi32, #tpu.memory_space<hbm>> -> memref<512xi32, #tpu.memory_space<hbm>>
      %dma_start3A_8 = tpu.memref_slice %arg3[%mul3A_2] : memref<16384xi32, #tpu.memory_space<hbm>> -> memref<512xi32, #tpu.memory_space<hbm>>
      tpu.enqueue_dma source(%dma_start3A_8 : memref<512xi32, #tpu.memory_space<hbm>>) target(%arg10 : memref<512xi32, #tpu.memory_space<vmem>>) target_semaphore(%run_scoped3A : memref<!tpu.dma_semaphore, #tpu.memory_space<semaphore_mem>>)
      %dma_wait3A = tpu.memref_slice %arg3[%mul3A_2] : memref<16384xi32, #tpu.memory_space<hbm>> -> memref<512xi32, #tpu.memory_space<hbm>>
      %dma_wait3A_9 = tpu.memref_slice %arg3[%mul3A_2] : memref<16384xi32, #tpu.memory_space<hbm>> -> memref<512xi32, #tpu.memory_space<hbm>>
      tpu.wait_dma2 semaphore(%run_scoped3A : memref<!tpu.dma_semaphore, #tpu.memory_space<semaphore_mem>>) src(%dma_wait3A_9 : memref<512xi32, #tpu.memory_space<hbm>>) dst(%arg10 : memref<512xi32, #tpu.memory_space<vmem>>)
      tpu.yield
    }) : () -> ()
    "tpu.region"() ({
      %run_scoped3A = tpu.sem_alloc : memref<!tpu.dma_semaphore, #tpu.memory_space<semaphore_mem>>
      %dma_start3A = tpu.memref_slice %arg4[%mul3A_2] : memref<16384xi32, #tpu.memory_space<hbm>> -> memref<512xi32, #tpu.memory_space<hbm>>
      %dma_start3A_8 = tpu.memref_slice %arg4[%mul3A_2] : memref<16384xi32, #tpu.memory_space<hbm>> -> memref<512xi32, #tpu.memory_space<hbm>>
      tpu.enqueue_dma source(%dma_start3A_8 : memref<512xi32, #tpu.memory_space<hbm>>) target(%arg11 : memref<512xi32, #tpu.memory_space<vmem>>) target_semaphore(%run_scoped3A : memref<!tpu.dma_semaphore, #tpu.memory_space<semaphore_mem>>)
      %dma_wait3A = tpu.memref_slice %arg4[%mul3A_2] : memref<16384xi32, #tpu.memory_space<hbm>> -> memref<512xi32, #tpu.memory_space<hbm>>
      %dma_wait3A_9 = tpu.memref_slice %arg4[%mul3A_2] : memref<16384xi32, #tpu.memory_space<hbm>> -> memref<512xi32, #tpu.memory_space<hbm>>
      tpu.wait_dma2 semaphore(%run_scoped3A : memref<!tpu.dma_semaphore, #tpu.memory_space<semaphore_mem>>) src(%dma_wait3A_9 : memref<512xi32, #tpu.memory_space<hbm>>) dst(%arg11 : memref<512xi32, #tpu.memory_space<vmem>>)
      tpu.yield
    }) : () -> ()
    %scan3A = arith.constant 0 : i32
    %scan3A_3 = arith.constant 0 : i32
    %scan3A_4 = arith.constant 32 : i32
    %scan3A_5 = arith.addi %scan3A_3, %scan3A_4 : i32
    %scan3A_6 = arith.constant 1 : i32
    scf.for %scan3A_8 = %scan3A_3 to %scan3A_5 step %scan3A_6  : i32 {
      %mul3A_9 = arith.constant 16 : i32
      %mul3A_10 = arith.muli %scan3A_8, %mul3A_9 : i32
      %get3A = arith.index_cast %mul3A_10 : i32 to index
      %get3A_11 = tpu.vector_load %arg9[%get3A] {strides = array<i32>} : memref<512xi32, #tpu.memory_space<vmem>>, vector<16xi32>,
      %shift_right_arithmetic3A = arith.constant 7 : i32
      %shift_right_arithmetic3A_12 = vector.broadcast %shift_right_arithmetic3A : i32 to vector<16xi32>
      %shift_right_arithmetic3A_13 = arith.shrsi %get3A_11, %shift_right_arithmetic3A_12 : vector<16xi32>
      %mul3A_14 = arith.constant 128 : i32
      %mul3A_15 = vector.broadcast %mul3A_14 : i32 to vector<16xi32>
      %mul3A_16 = arith.muli %shift_right_arithmetic3A_13, %mul3A_15 : vector<16xi32>
      %slice3A = vector.extract_strided_slice %mul3A_16 {offsets = [0], sizes = [1], strides = [1]} : vector<16xi32> to vector<1xi32>
      %squeeze3A = vector.extract %slice3A[0] : i32 from vector<1xi32>
      %multiple_of3A = tpu.assume_multiple %squeeze3A, 128 : i32
      %dma_start3A = arith.constant 0 : i32
      %dma_start3A_17 = arith.constant 0 : i32
      %dma_start3A_18 = tpu.memref_slice %arg12[%dma_start3A, %dma_start3A_17] : memref<512x128xf32, #tpu.memory_space<vmem>> -> memref<32x128xf32, #tpu.memory_space<vmem>>
      %dma_start3A_19 = arith.constant 0 : i32
      %dma_start3A_20 = tpu.memref_slice %arg5[%dma_start3A_19, %multiple_of3A] : memref<32x1000064xf32, #tpu.memory_space<hbm>> -> memref<32x128xf32, #tpu.memory_space<hbm>>
      %dma_start3A_21 = arith.constant 0 : i32
      %dma_start3A_22 = arith.constant 0 : i32
      %dma_start3A_23 = tpu.memref_slice %arg12[%dma_start3A_21, %dma_start3A_22] : memref<512x128xf32, #tpu.memory_space<vmem>> -> memref<32x128xf32, #tpu.memory_space<vmem>>
      %dma_start3A_24 = arith.constant 0 : i32
      %dma_start3A_25 = tpu.memref_slice %arg5[%dma_start3A_24, %multiple_of3A] : memref<32x1000064xf32, #tpu.memory_space<hbm>> -> memref<32x128xf32, #tpu.memory_space<hbm>>
      tpu.enqueue_dma source(%dma_start3A_25 : memref<32x128xf32, #tpu.memory_space<hbm>>) target(%dma_start3A_23 : memref<32x128xf32, #tpu.memory_space<vmem>>) target_semaphore(%arg18 : memref<!tpu.dma_semaphore, #tpu.memory_space<semaphore_mem>>)
      %slice3A_26 = vector.extract_strided_slice %mul3A_16 {offsets = [1], sizes = [1], strides = [1]} : vector<16xi32> to vector<1xi32>
      %squeeze3A_27 = vector.extract %slice3A_26[0] : i32 from vector<1xi32>
      %multiple_of3A_28 = tpu.assume_multiple %squeeze3A_27, 128 : i32
      %dma_start3A_29 = arith.constant 32 : i32
      %dma_start3A_30 = arith.constant 0 : i32
      %dma_start3A_31 = tpu.memref_slice %arg12[%dma_start3A_29, %dma_start3A_30] : memref<512x128xf32, #tpu.memory_space<vmem>> -> memref<32x128xf32, #tpu.memory_space<vmem>>
      %dma_start3A_32 = arith.constant 0 : i32
      %dma_start3A_33 = tpu.memref_slice %arg5[%dma_start3A_32, %multiple_of3A_28] : memref<32x1000064xf32, #tpu.memory_space<hbm>> -> memref<32x128xf32, #tpu.memory_space<hbm>>
      %dma_start3A_34 = arith.constant 32 : i32
      %dma_start3A_35 = arith.constant 0 : i32
      %dma_start3A_36 = tpu.memref_slice %arg12[%dma_start3A_34, %dma_start3A_35] : memref<512x128xf32, #tpu.memory_space<vmem>> -> memref<32x128xf32, #tpu.memory_space<vmem>>
      %dma_start3A_37 = arith.constant 0 : i32
      %dma_start3A_38 = tpu.memref_slice %arg5[%dma_start3A_37, %multiple_of3A_28] : memref<32x1000064xf32, #tpu.memory_space<hbm>> -> memref<32x128xf32, #tpu.memory_space<hbm>>
      tpu.enqueue_dma source(%dma_start3A_38 : memref<32x128xf32, #tpu.memory_space<hbm>>) target(%dma_start3A_36 : memref<32x128xf32, #tpu.memory_space<vmem>>) target_semaphore(%arg18 : memref<!tpu.dma_semaphore, #tpu.memory_space<semaphore_mem>>)
      %slice3A_39 = vector.extract_strided_slice %mul3A_16 {offsets = [2], sizes = [1], strides = [1]} : vector<16xi32> to vector<1xi32>
      %squeeze3A_40 = vector.extract %slice3A_39[0] : i32 from vector<1xi32>
      %multiple_of3A_41 = tpu.assume_multiple %squeeze3A_40, 128 : i32
      %dma_start3A_42 = arith.constant 64 : i32
      %dma_start3A_43 = arith.constant 0 : i32
      %dma_start3A_44 = tpu.memref_slice %arg12[%dma_start3A_42, %dma_start3A_43] : memref<512x128xf32, #tpu.memory_space<vmem>> -> memref<32x128xf32, #tpu.memory_space<vmem>>
      %dma_start3A_45 = arith.constant 0 : i32
      %dma_start3A_46 = tpu.memref_slice %arg5[%dma_start3A_45, %multiple_of3A_41] : memref<32x1000064xf32, #tpu.memory_space<hbm>> -> memref<32x128xf32, #tpu.memory_space<hbm>>
      %dma_start3A_47 = arith.constant 64 : i32
      %dma_start3A_48 = arith.constant 0 : i32
      %dma_start3A_49 = tpu.memref_slice %arg12[%dma_start3A_47, %dma_start3A_48] : memref<512x128xf32, #tpu.memory_space<vmem>> -> memref<32x128xf32, #tpu.memory_space<vmem>>
      %dma_start3A_50 = arith.constant 0 : i32
      %dma_start3A_51 = tpu.memref_slice %arg5[%dma_start3A_50, %multiple_of3A_41] : memref<32x1000064xf32, #tpu.memory_space<hbm>> -> memref<32x128xf32, #tpu.memory_space<hbm>>
      tpu.enqueue_dma source(%dma_start3A_51 : memref<32x128xf32, #tpu.memory_space<hbm>>) target(%dma_start3A_49 : memref<32x128xf32, #tpu.memory_space<vmem>>) target_semaphore(%arg18 : memref<!tpu.dma_semaphore, #tpu.memory_space<semaphore_mem>>)
      %slice3A_52 = vector.extract_strided_slice %mul3A_16 {offsets = [3], sizes = [1], strides = [1]} : vector<16xi32> to vector<1xi32>
      %squeeze3A_53 = vector.extract %slice3A_52[0] : i32 from vector<1xi32>
      %multiple_of3A_54 = tpu.assume_multiple %squeeze3A_53, 128 : i32
      %dma_start3A_55 = arith.constant 96 : i32
      %dma_start3A_56 = arith.constant 0 : i32
      %dma_start3A_57 = tpu.memref_slice %arg12[%dma_start3A_55, %dma_start3A_56] : memref<512x128xf32, #tpu.memory_space<vmem>> -> memref<32x128xf32, #tpu.memory_space<vmem>>
      %dma_start3A_58 = arith.constant 0 : i32
      %dma_start3A_59 = tpu.memref_slice %arg5[%dma_start3A_58, %multiple_of3A_54] : memref<32x1000064xf32, #tpu.memory_space<hbm>> -> memref<32x128xf32, #tpu.memory_space<hbm>>
      %dma_start3A_60 = arith.constant 96 : i32
      %dma_start3A_61 = arith.constant 0 : i32
      %dma_start3A_62 = tpu.memref_slice %arg12[%dma_start3A_60, %dma_start3A_61] : memref<512x128xf32, #tpu.memory_space<vmem>> -> memref<32x128xf32, #tpu.memory_space<vmem>>
      %dma_start3A_63 = arith.constant 0 : i32
      %dma_start3A_64 = tpu.memref_slice %arg5[%dma_start3A_63, %multiple_of3A_54] : memref<32x1000064xf32, #tpu.memory_space<hbm>> -> memref<32x128xf32, #tpu.memory_space<hbm>>
      tpu.enqueue_dma source(%dma_start3A_64 : memref<32x128xf32, #tpu.memory_space<hbm>>) target(%dma_start3A_62 : memref<32x128xf32, #tpu.memory_space<vmem>>) target_semaphore(%arg18 : memref<!tpu.dma_semaphore, #tpu.memory_space<semaphore_mem>>)
      %slice3A_65 = vector.extract_strided_slice %mul3A_16 {offsets = [4], sizes = [1], strides = [1]} : vector<16xi32> to vector<1xi32>
      %squeeze3A_66 = vector.extract %slice3A_65[0] : i32 from vector<1xi32>
      %multiple_of3A_67 = tpu.assume_multiple %squeeze3A_66, 128 : i32
      %dma_start3A_68 = arith.constant 128 : i32
      %dma_start3A_69 = arith.constant 0 : i32
      %dma_start3A_70 = tpu.memref_slice %arg12[%dma_start3A_68, %dma_start3A_69] : memref<512x128xf32, #tpu.memory_space<vmem>> -> memref<32x128xf32, #tpu.memory_space<vmem>>
      %dma_start3A_71 = arith.constant 0 : i32
      %dma_start3A_72 = tpu.memref_slice %arg5[%dma_start3A_71, %multiple_of3A_67] : memref<32x1000064xf32, #tpu.memory_space<hbm>> -> memref<32x128xf32, #tpu.memory_space<hbm>>
      %dma_start3A_73 = arith.constant 128 : i32
      %dma_start3A_74 = arith.constant 0 : i32
      %dma_start3A_75 = tpu.memref_slice %arg12[%dma_start3A_73, %dma_start3A_74] : memref<512x128xf32, #tpu.memory_space<vmem>> -> memref<32x128xf32, #tpu.memory_space<vmem>>
      %dma_start3A_76 = arith.constant 0 : i32
      %dma_start3A_77 = tpu.memref_slice %arg5[%dma_start3A_76, %multiple_of3A_67] : memref<32x1000064xf32, #tpu.memory_space<hbm>> -> memref<32x128xf32, #tpu.memory_space<hbm>>
      tpu.enqueue_dma source(%dma_start3A_77 : memref<32x128xf32, #tpu.memory_space<hbm>>) target(%dma_start3A_75 : memref<32x128xf32, #tpu.memory_space<vmem>>) target_semaphore(%arg18 : memref<!tpu.dma_semaphore, #tpu.memory_space<semaphore_mem>>)
      %slice3A_78 = vector.extract_strided_slice %mul3A_16 {offsets = [5], sizes = [1], strides = [1]} : vector<16xi32> to vector<1xi32>
      %squeeze3A_79 = vector.extract %slice3A_78[0] : i32 from vector<1xi32>
      %multiple_of3A_80 = tpu.assume_multiple %squeeze3A_79, 128 : i32
      %dma_start3A_81 = arith.constant 160 : i32
      %dma_start3A_82 = arith.constant 0 : i32
      %dma_start3A_83 = tpu.memref_slice %arg12[%dma_start3A_81, %dma_start3A_82] : memref<512x128xf32, #tpu.memory_space<vmem>> -> memref<32x128xf32, #tpu.memory_space<vmem>>
      %dma_start3A_84 = arith.constant 0 : i32
      %dma_start3A_85 = tpu.memref_slice %arg5[%dma_start3A_84, %multiple_of3A_80] : memref<32x1000064xf32, #tpu.memory_space<hbm>> -> memref<32x128xf32, #tpu.memory_space<hbm>>
      %dma_start3A_86 = arith.constant 160 : i32
      %dma_start3A_87 = arith.constant 0 : i32
      %dma_start3A_88 = tpu.memref_slice %arg12[%dma_start3A_86, %dma_start3A_87] : memref<512x128xf32, #tpu.memory_space<vmem>> -> memref<32x128xf32, #tpu.memory_space<vmem>>
      %dma_start3A_89 = arith.constant 0 : i32
      %dma_start3A_90 = tpu.memref_slice %arg5[%dma_start3A_89, %multiple_of3A_80] : memref<32x1000064xf32, #tpu.memory_space<hbm>> -> memref<32x128xf32, #tpu.memory_space<hbm>>
      tpu.enqueue_dma source(%dma_start3A_90 : memref<32x128xf32, #tpu.memory_space<hbm>>) target(%dma_start3A_88 : memref<32x128xf32, #tpu.memory_space<vmem>>) target_semaphore(%arg18 : memref<!tpu.dma_semaphore, #tpu.memory_space<semaphore_mem>>)
      %slice3A_91 = vector.extract_strided_slice %mul3A_16 {offsets = [6], sizes = [1], strides = [1]} : vector<16xi32> to vector<1xi32>
      %squeeze3A_92 = vector.extract %slice3A_91[0] : i32 from vector<1xi32>
      %multiple_of3A_93 = tpu.assume_multiple %squeeze3A_92, 128 : i32
      %dma_start3A_94 = arith.constant 192 : i32
      %dma_start3A_95 = arith.constant 0 : i32
      %dma_start3A_96 = tpu.memref_slice %arg12[%dma_start3A_94, %dma_start3A_95] : memref<512x128xf32, #tpu.memory_space<vmem>> -> memref<32x128xf32, #tpu.memory_space<vmem>>
      %dma_start3A_97 = arith.constant 0 : i32
      %dma_start3A_98 = tpu.memref_slice %arg5[%dma_start3A_97, %multiple_of3A_93] : memref<32x1000064xf32, #tpu.memory_space<hbm>> -> memref<32x128xf32, #tpu.memory_space<hbm>>
      %dma_start3A_99 = arith.constant 192 : i32
      %dma_start3A_100 = arith.constant 0 : i32
      %dma_start3A_101 = tpu.memref_slice %arg12[%dma_start3A_99, %dma_start3A_100] : memref<512x128xf32, #tpu.memory_space<vmem>> -> memref<32x128xf32, #tpu.memory_space<vmem>>
      %dma_start3A_102 = arith.constant 0 : i32
      %dma_start3A_103 = tpu.memref_slice %arg5[%dma_start3A_102, %multiple_of3A_93] : memref<32x1000064xf32, #tpu.memory_space<hbm>> -> memref<32x128xf32, #tpu.memory_space<hbm>>
      tpu.enqueue_dma source(%dma_start3A_103 : memref<32x128xf32, #tpu.memory_space<hbm>>) target(%dma_start3A_101 : memref<32x128xf32, #tpu.memory_space<vmem>>) target_semaphore(%arg18 : memref<!tpu.dma_semaphore, #tpu.memory_space<semaphore_mem>>)
      %slice3A_104 = vector.extract_strided_slice %mul3A_16 {offsets = [7], sizes = [1], strides = [1]} : vector<16xi32> to vector<1xi32>
      %squeeze3A_105 = vector.extract %slice3A_104[0] : i32 from vector<1xi32>
      %multiple_of3A_106 = tpu.assume_multiple %squeeze3A_105, 128 : i32
      %dma_start3A_107 = arith.constant 224 : i32
      %dma_start3A_108 = arith.constant 0 : i32
      %dma_start3A_109 = tpu.memref_slice %arg12[%dma_start3A_107, %dma_start3A_108] : memref<512x128xf32, #tpu.memory_space<vmem>> -> memref<32x128xf32, #tpu.memory_space<vmem>>
      %dma_start3A_110 = arith.constant 0 : i32
      %dma_start3A_111 = tpu.memref_slice %arg5[%dma_start3A_110, %multiple_of3A_106] : memref<32x1000064xf32, #tpu.memory_space<hbm>> -> memref<32x128xf32, #tpu.memory_space<hbm>>
      %dma_start3A_112 = arith.constant 224 : i32
      %dma_start3A_113 = arith.constant 0 : i32
      %dma_start3A_114 = tpu.memref_slice %arg12[%dma_start3A_112, %dma_start3A_113] : memref<512x128xf32, #tpu.memory_space<vmem>> -> memref<32x128xf32, #tpu.memory_space<vmem>>
      %dma_start3A_115 = arith.constant 0 : i32
      %dma_start3A_116 = tpu.memref_slice %arg5[%dma_start3A_115, %multiple_of3A_106] : memref<32x1000064xf32, #tpu.memory_space<hbm>> -> memref<32x128xf32, #tpu.memory_space<hbm>>
      tpu.enqueue_dma source(%dma_start3A_116 : memref<32x128xf32, #tpu.memory_space<hbm>>) target(%dma_start3A_114 : memref<32x128xf32, #tpu.memory_space<vmem>>) target_semaphore(%arg18 : memref<!tpu.dma_semaphore, #tpu.memory_space<semaphore_mem>>)
      %slice3A_117 = vector.extract_strided_slice %mul3A_16 {offsets = [8], sizes = [1], strides = [1]} : vector<16xi32> to vector<1xi32>
      %squeeze3A_118 = vector.extract %slice3A_117[0] : i32 from vector<1xi32>
      %multiple_of3A_119 = tpu.assume_multiple %squeeze3A_118, 128 : i32
      %dma_start3A_120 = arith.constant 256 : i32
      %dma_start3A_121 = arith.constant 0 : i32
      %dma_start3A_122 = tpu.memref_slice %arg12[%dma_start3A_120, %dma_start3A_121] : memref<512x128xf32, #tpu.memory_space<vmem>> -> memref<32x128xf32, #tpu.memory_space<vmem>>
      %dma_start3A_123 = arith.constant 0 : i32
      %dma_start3A_124 = tpu.memref_slice %arg5[%dma_start3A_123, %multiple_of3A_119] : memref<32x1000064xf32, #tpu.memory_space<hbm>> -> memref<32x128xf32, #tpu.memory_space<hbm>>
      %dma_start3A_125 = arith.constant 256 : i32
      %dma_start3A_126 = arith.constant 0 : i32
      %dma_start3A_127 = tpu.memref_slice %arg12[%dma_start3A_125, %dma_start3A_126] : memref<512x128xf32, #tpu.memory_space<vmem>> -> memref<32x128xf32, #tpu.memory_space<vmem>>
      %dma_start3A_128 = arith.constant 0 : i32
      %dma_start3A_129 = tpu.memref_slice %arg5[%dma_start3A_128, %multiple_of3A_119] : memref<32x1000064xf32, #tpu.memory_space<hbm>> -> memref<32x128xf32, #tpu.memory_space<hbm>>
      tpu.enqueue_dma source(%dma_start3A_129 : memref<32x128xf32, #tpu.memory_space<hbm>>) target(%dma_start3A_127 : memref<32x128xf32, #tpu.memory_space<vmem>>) target_semaphore(%arg18 : memref<!tpu.dma_semaphore, #tpu.memory_space<semaphore_mem>>)
      %slice3A_130 = vector.extract_strided_slice %mul3A_16 {offsets = [9], sizes = [1], strides = [1]} : vector<16xi32> to vector<1xi32>
      %squeeze3A_131 = vector.extract %slice3A_130[0] : i32 from vector<1xi32>
      %multiple_of3A_132 = tpu.assume_multiple %squeeze3A_131, 128 : i32
      %dma_start3A_133 = arith.constant 288 : i32
      %dma_start3A_134 = arith.constant 0 : i32
      %dma_start3A_135 = tpu.memref_slice %arg12[%dma_start3A_133, %dma_start3A_134] : memref<512x128xf32, #tpu.memory_space<vmem>> -> memref<32x128xf32, #tpu.memory_space<vmem>>
      %dma_start3A_136 = arith.constant 0 : i32
      %dma_start3A_137 = tpu.memref_slice %arg5[%dma_start3A_136, %multiple_of3A_132] : memref<32x1000064xf32, #tpu.memory_space<hbm>> -> memref<32x128xf32, #tpu.memory_space<hbm>>
      %dma_start3A_138 = arith.constant 288 : i32
      %dma_start3A_139 = arith.constant 0 : i32
      %dma_start3A_140 = tpu.memref_slice %arg12[%dma_start3A_138, %dma_start3A_139] : memref<512x128xf32, #tpu.memory_space<vmem>> -> memref<32x128xf32, #tpu.memory_space<vmem>>
      %dma_start3A_141 = arith.constant 0 : i32
      %dma_start3A_142 = tpu.memref_slice %arg5[%dma_start3A_141, %multiple_of3A_132] : memref<32x1000064xf32, #tpu.memory_space<hbm>> -> memref<32x128xf32, #tpu.memory_space<hbm>>
      tpu.enqueue_dma source(%dma_start3A_142 : memref<32x128xf32, #tpu.memory_space<hbm>>) target(%dma_start3A_140 : memref<32x128xf32, #tpu.memory_space<vmem>>) target_semaphore(%arg18 : memref<!tpu.dma_semaphore, #tpu.memory_space<semaphore_mem>>)
      %slice3A_143 = vector.extract_strided_slice %mul3A_16 {offsets = [10], sizes = [1], strides = [1]} : vector<16xi32> to vector<1xi32>
      %squeeze3A_144 = vector.extract %slice3A_143[0] : i32 from vector<1xi32>
      %multiple_of3A_145 = tpu.assume_multiple %squeeze3A_144, 128 : i32
      %dma_start3A_146 = arith.constant 320 : i32
      %dma_start3A_147 = arith.constant 0 : i32
      %dma_start3A_148 = tpu.memref_slice %arg12[%dma_start3A_146, %dma_start3A_147] : memref<512x128xf32, #tpu.memory_space<vmem>> -> memref<32x128xf32, #tpu.memory_space<vmem>>
      %dma_start3A_149 = arith.constant 0 : i32
      %dma_start3A_150 = tpu.memref_slice %arg5[%dma_start3A_149, %multiple_of3A_145] : memref<32x1000064xf32, #tpu.memory_space<hbm>> -> memref<32x128xf32, #tpu.memory_space<hbm>>
      %dma_start3A_151 = arith.constant 320 : i32
      %dma_start3A_152 = arith.constant 0 : i32
      %dma_start3A_153 = tpu.memref_slice %arg12[%dma_start3A_151, %dma_start3A_152] : memref<512x128xf32, #tpu.memory_space<vmem>> -> memref<32x128xf32, #tpu.memory_space<vmem>>
      %dma_start3A_154 = arith.constant 0 : i32
      %dma_start3A_155 = tpu.memref_slice %arg5[%dma_start3A_154, %multiple_of3A_145] : memref<32x1000064xf32, #tpu.memory_space<hbm>> -> memref<32x128xf32, #tpu.memory_space<hbm>>
      tpu.enqueue_dma source(%dma_start3A_155 : memref<32x128xf32, #tpu.memory_space<hbm>>) target(%dma_start3A_153 : memref<32x128xf32, #tpu.memory_space<vmem>>) target_semaphore(%arg18 : memref<!tpu.dma_semaphore, #tpu.memory_space<semaphore_mem>>)
      %slice3A_156 = vector.extract_strided_slice %mul3A_16 {offsets = [11], sizes = [1], strides = [1]} : vector<16xi32> to vector<1xi32>
      %squeeze3A_157 = vector.extract %slice3A_156[0] : i32 from vector<1xi32>
      %multiple_of3A_158 = tpu.assume_multiple %squeeze3A_157, 128 : i32
      %dma_start3A_159 = arith.constant 352 : i32
      %dma_start3A_160 = arith.constant 0 : i32
      %dma_start3A_161 = tpu.memref_slice %arg12[%dma_start3A_159, %dma_start3A_160] : memref<512x128xf32, #tpu.memory_space<vmem>> -> memref<32x128xf32, #tpu.memory_space<vmem>>
      %dma_start3A_162 = arith.constant 0 : i32
      %dma_start3A_163 = tpu.memref_slice %arg5[%dma_start3A_162, %multiple_of3A_158] : memref<32x1000064xf32, #tpu.memory_space<hbm>> -> memref<32x128xf32, #tpu.memory_space<hbm>>
      %dma_start3A_164 = arith.constant 352 : i32
      %dma_start3A_165 = arith.constant 0 : i32
      %dma_start3A_166 = tpu.memref_slice %arg12[%dma_start3A_164, %dma_start3A_165] : memref<512x128xf32, #tpu.memory_space<vmem>> -> memref<32x128xf32, #tpu.memory_space<vmem>>
      %dma_start3A_167 = arith.constant 0 : i32
      %dma_start3A_168 = tpu.memref_slice %arg5[%dma_start3A_167, %multiple_of3A_158] : memref<32x1000064xf32, #tpu.memory_space<hbm>> -> memref<32x128xf32, #tpu.memory_space<hbm>>
      tpu.enqueue_dma source(%dma_start3A_168 : memref<32x128xf32, #tpu.memory_space<hbm>>) target(%dma_start3A_166 : memref<32x128xf32, #tpu.memory_space<vmem>>) target_semaphore(%arg18 : memref<!tpu.dma_semaphore, #tpu.memory_space<semaphore_mem>>)
      %slice3A_169 = vector.extract_strided_slice %mul3A_16 {offsets = [12], sizes = [1], strides = [1]} : vector<16xi32> to vector<1xi32>
      %squeeze3A_170 = vector.extract %slice3A_169[0] : i32 from vector<1xi32>
      %multiple_of3A_171 = tpu.assume_multiple %squeeze3A_170, 128 : i32
      %dma_start3A_172 = arith.constant 384 : i32
      %dma_start3A_173 = arith.constant 0 : i32
      %dma_start3A_174 = tpu.memref_slice %arg12[%dma_start3A_172, %dma_start3A_173] : memref<512x128xf32, #tpu.memory_space<vmem>> -> memref<32x128xf32, #tpu.memory_space<vmem>>
      %dma_start3A_175 = arith.constant 0 : i32
      %dma_start3A_176 = tpu.memref_slice %arg5[%dma_start3A_175, %multiple_of3A_171] : memref<32x1000064xf32, #tpu.memory_space<hbm>> -> memref<32x128xf32, #tpu.memory_space<hbm>>
      %dma_start3A_177 = arith.constant 384 : i32
      %dma_start3A_178 = arith.constant 0 : i32
      %dma_start3A_179 = tpu.memref_slice %arg12[%dma_start3A_177, %dma_start3A_178] : memref<512x128xf32, #tpu.memory_space<vmem>> -> memref<32x128xf32, #tpu.memory_space<vmem>>
      %dma_start3A_180 = arith.constant 0 : i32
      %dma_start3A_181 = tpu.memref_slice %arg5[%dma_start3A_180, %multiple_of3A_171] : memref<32x1000064xf32, #tpu.memory_space<hbm>> -> memref<32x128xf32, #tpu.memory_space<hbm>>
      tpu.enqueue_dma source(%dma_start3A_181 : memref<32x128xf32, #tpu.memory_space<hbm>>) target(%dma_start3A_179 : memref<32x128xf32, #tpu.memory_space<vmem>>) target_semaphore(%arg18 : memref<!tpu.dma_semaphore, #tpu.memory_space<semaphore_mem>>)
      %slice3A_182 = vector.extract_strided_slice %mul3A_16 {offsets = [13], sizes = [1], strides = [1]} : vector<16xi32> to vector<1xi32>
      %squeeze3A_183 = vector.extract %slice3A_182[0] : i32 from vector<1xi32>
      %multiple_of3A_184 = tpu.assume_multiple %squeeze3A_183, 128 : i32
      %dma_start3A_185 = arith.constant 416 : i32
      %dma_start3A_186 = arith.constant 0 : i32
      %dma_start3A_187 = tpu.memref_slice %arg12[%dma_start3A_185, %dma_start3A_186] : memref<512x128xf32, #tpu.memory_space<vmem>> -> memref<32x128xf32, #tpu.memory_space<vmem>>
      %dma_start3A_188 = arith.constant 0 : i32
      %dma_start3A_189 = tpu.memref_slice %arg5[%dma_start3A_188, %multiple_of3A_184] : memref<32x1000064xf32, #tpu.memory_space<hbm>> -> memref<32x128xf32, #tpu.memory_space<hbm>>
      %dma_start3A_190 = arith.constant 416 : i32
      %dma_start3A_191 = arith.constant 0 : i32
      %dma_start3A_192 = tpu.memref_slice %arg12[%dma_start3A_190, %dma_start3A_191] : memref<512x128xf32, #tpu.memory_space<vmem>> -> memref<32x128xf32, #tpu.memory_space<vmem>>
      %dma_start3A_193 = arith.constant 0 : i32
      %dma_start3A_194 = tpu.memref_slice %arg5[%dma_start3A_193, %multiple_of3A_184] : memref<32x1000064xf32, #tpu.memory_space<hbm>> -> memref<32x128xf32, #tpu.memory_space<hbm>>
      tpu.enqueue_dma source(%dma_start3A_194 : memref<32x128xf32, #tpu.memory_space<hbm>>) target(%dma_start3A_192 : memref<32x128xf32, #tpu.memory_space<vmem>>) target_semaphore(%arg18 : memref<!tpu.dma_semaphore, #tpu.memory_space<semaphore_mem>>)
      %slice3A_195 = vector.extract_strided_slice %mul3A_16 {offsets = [14], sizes = [1], strides = [1]} : vector<16xi32> to vector<1xi32>
      %squeeze3A_196 = vector.extract %slice3A_195[0] : i32 from vector<1xi32>
      %multiple_of3A_197 = tpu.assume_multiple %squeeze3A_196, 128 : i32
      %dma_start3A_198 = arith.constant 448 : i32
      %dma_start3A_199 = arith.constant 0 : i32
      %dma_start3A_200 = tpu.memref_slice %arg12[%dma_start3A_198, %dma_start3A_199] : memref<512x128xf32, #tpu.memory_space<vmem>> -> memref<32x128xf32, #tpu.memory_space<vmem>>
      %dma_start3A_201 = arith.constant 0 : i32
      %dma_start3A_202 = tpu.memref_slice %arg5[%dma_start3A_201, %multiple_of3A_197] : memref<32x1000064xf32, #tpu.memory_space<hbm>> -> memref<32x128xf32, #tpu.memory_space<hbm>>
      %dma_start3A_203 = arith.constant 448 : i32
      %dma_start3A_204 = arith.constant 0 : i32
      %dma_start3A_205 = tpu.memref_slice %arg12[%dma_start3A_203, %dma_start3A_204] : memref<512x128xf32, #tpu.memory_space<vmem>> -> memref<32x128xf32, #tpu.memory_space<vmem>>
      %dma_start3A_206 = arith.constant 0 : i32
      %dma_start3A_207 = tpu.memref_slice %arg5[%dma_start3A_206, %multiple_of3A_197] : memref<32x1000064xf32, #tpu.memory_space<hbm>> -> memref<32x128xf32, #tpu.memory_space<hbm>>
      tpu.enqueue_dma source(%dma_start3A_207 : memref<32x128xf32, #tpu.memory_space<hbm>>) target(%dma_start3A_205 : memref<32x128xf32, #tpu.memory_space<vmem>>) target_semaphore(%arg18 : memref<!tpu.dma_semaphore, #tpu.memory_space<semaphore_mem>>)
      %slice3A_208 = vector.extract_strided_slice %mul3A_16 {offsets = [15], sizes = [1], strides = [1]} : vector<16xi32> to vector<1xi32>
      %squeeze3A_209 = vector.extract %slice3A_208[0] : i32 from vector<1xi32>
      %multiple_of3A_210 = tpu.assume_multiple %squeeze3A_209, 128 : i32
      %dma_start3A_211 = arith.constant 480 : i32
      %dma_start3A_212 = arith.constant 0 : i32
      %dma_start3A_213 = tpu.memref_slice %arg12[%dma_start3A_211, %dma_start3A_212] : memref<512x128xf32, #tpu.memory_space<vmem>> -> memref<32x128xf32, #tpu.memory_space<vmem>>
      %dma_start3A_214 = arith.constant 0 : i32
      %dma_start3A_215 = tpu.memref_slice %arg5[%dma_start3A_214, %multiple_of3A_210] : memref<32x1000064xf32, #tpu.memory_space<hbm>> -> memref<32x128xf32, #tpu.memory_space<hbm>>
      %dma_start3A_216 = arith.constant 480 : i32
      %dma_start3A_217 = arith.constant 0 : i32
      %dma_start3A_218 = tpu.memref_slice %arg12[%dma_start3A_216, %dma_start3A_217] : memref<512x128xf32, #tpu.memory_space<vmem>> -> memref<32x128xf32, #tpu.memory_space<vmem>>
      %dma_start3A_219 = arith.constant 0 : i32
      %dma_start3A_220 = tpu.memref_slice %arg5[%dma_start3A_219, %multiple_of3A_210] : memref<32x1000064xf32, #tpu.memory_space<hbm>> -> memref<32x128xf32, #tpu.memory_space<hbm>>
      tpu.enqueue_dma source(%dma_start3A_220 : memref<32x128xf32, #tpu.memory_space<hbm>>) target(%dma_start3A_218 : memref<32x128xf32, #tpu.memory_space<vmem>>) target_semaphore(%arg18 : memref<!tpu.dma_semaphore, #tpu.memory_space<semaphore_mem>>)
      %dma_wait3A = arith.constant 0 : i32
      %dma_wait3A_221 = arith.constant 0 : i32
      %dma_wait3A_222 = tpu.memref_slice %arg12[%dma_wait3A, %dma_wait3A_221] : memref<512x128xf32, #tpu.memory_space<vmem>> -> memref<32x128xf32, #tpu.memory_space<vmem>>
      %dma_wait3A_223 = arith.constant 0 : i32
      %dma_wait3A_224 = tpu.memref_slice %arg5[%dma_wait3A_223, %multiple_of3A] : memref<32x1000064xf32, #tpu.memory_space<hbm>> -> memref<32x128xf32, #tpu.memory_space<hbm>>
      %dma_wait3A_225 = arith.constant 0 : i32
      %dma_wait3A_226 = arith.constant 0 : i32
      %dma_wait3A_227 = tpu.memref_slice %arg12[%dma_wait3A_225, %dma_wait3A_226] : memref<512x128xf32, #tpu.memory_space<vmem>> -> memref<32x128xf32, #tpu.memory_space<vmem>>
      %dma_wait3A_228 = arith.constant 0 : i32
      %dma_wait3A_229 = tpu.memref_slice %arg5[%dma_wait3A_228, %multiple_of3A] : memref<32x1000064xf32, #tpu.memory_space<hbm>> -> memref<32x128xf32, #tpu.memory_space<hbm>>
      tpu.wait_dma2 semaphore(%arg18 : memref<!tpu.dma_semaphore, #tpu.memory_space<semaphore_mem>>) src(%dma_wait3A_229 : memref<32x128xf32, #tpu.memory_space<hbm>>) dst(%dma_wait3A_227 : memref<32x128xf32, #tpu.memory_space<vmem>>)
      %dma_wait3A_230 = arith.constant 32 : i32
      %dma_wait3A_231 = arith.constant 0 : i32
      %dma_wait3A_232 = tpu.memref_slice %arg12[%dma_wait3A_230, %dma_wait3A_231] : memref<512x128xf32, #tpu.memory_space<vmem>> -> memref<32x128xf32, #tpu.memory_space<vmem>>
      %dma_wait3A_233 = arith.constant 0 : i32
      %dma_wait3A_234 = tpu.memref_slice %arg5[%dma_wait3A_233, %multiple_of3A_28] : memref<32x1000064xf32, #tpu.memory_space<hbm>> -> memref<32x128xf32, #tpu.memory_space<hbm>>
      %dma_wait3A_235 = arith.constant 32 : i32
      %dma_wait3A_236 = arith.constant 0 : i32
      %dma_wait3A_237 = tpu.memref_slice %arg12[%dma_wait3A_235, %dma_wait3A_236] : memref<512x128xf32, #tpu.memory_space<vmem>> -> memref<32x128xf32, #tpu.memory_space<vmem>>
      %dma_wait3A_238 = arith.constant 0 : i32
      %dma_wait3A_239 = tpu.memref_slice %arg5[%dma_wait3A_238, %multiple_of3A_28] : memref<32x1000064xf32, #tpu.memory_space<hbm>> -> memref<32x128xf32, #tpu.memory_space<hbm>>
      tpu.wait_dma2 semaphore(%arg18 : memref<!tpu.dma_semaphore, #tpu.memory_space<semaphore_mem>>) src(%dma_wait3A_239 : memref<32x128xf32, #tpu.memory_space<hbm>>) dst(%dma_wait3A_237 : memref<32x128xf32, #tpu.memory_space<vmem>>)
      %dma_wait3A_240 = arith.constant 64 : i32
      %dma_wait3A_241 = arith.constant 0 : i32
      %dma_wait3A_242 = tpu.memref_slice %arg12[%dma_wait3A_240, %dma_wait3A_241] : memref<512x128xf32, #tpu.memory_space<vmem>> -> memref<32x128xf32, #tpu.memory_space<vmem>>
      %dma_wait3A_243 = arith.constant 0 : i32
      %dma_wait3A_244 = tpu.memref_slice %arg5[%dma_wait3A_243, %multiple_of3A_41] : memref<32x1000064xf32, #tpu.memory_space<hbm>> -> memref<32x128xf32, #tpu.memory_space<hbm>>
      %dma_wait3A_245 = arith.constant 64 : i32
      %dma_wait3A_246 = arith.constant 0 : i32
      %dma_wait3A_247 = tpu.memref_slice %arg12[%dma_wait3A_245, %dma_wait3A_246] : memref<512x128xf32, #tpu.memory_space<vmem>> -> memref<32x128xf32, #tpu.memory_space<vmem>>
      %dma_wait3A_248 = arith.constant 0 : i32
      %dma_wait3A_249 = tpu.memref_slice %arg5[%dma_wait3A_248, %multiple_of3A_41] : memref<32x1000064xf32, #tpu.memory_space<hbm>> -> memref<32x128xf32, #tpu.memory_space<hbm>>
      tpu.wait_dma2 semaphore(%arg18 : memref<!tpu.dma_semaphore, #tpu.memory_space<semaphore_mem>>) src(%dma_wait3A_249 : memref<32x128xf32, #tpu.memory_space<hbm>>) dst(%dma_wait3A_247 : memref<32x128xf32, #tpu.memory_space<vmem>>)
      %dma_wait3A_250 = arith.constant 96 : i32
      %dma_wait3A_251 = arith.constant 0 : i32
      %dma_wait3A_252 = tpu.memref_slice %arg12[%dma_wait3A_250, %dma_wait3A_251] : memref<512x128xf32, #tpu.memory_space<vmem>> -> memref<32x128xf32, #tpu.memory_space<vmem>>
      %dma_wait3A_253 = arith.constant 0 : i32
      %dma_wait3A_254 = tpu.memref_slice %arg5[%dma_wait3A_253, %multiple_of3A_54] : memref<32x1000064xf32, #tpu.memory_space<hbm>> -> memref<32x128xf32, #tpu.memory_space<hbm>>
      %dma_wait3A_255 = arith.constant 96 : i32
      %dma_wait3A_256 = arith.constant 0 : i32
      %dma_wait3A_257 = tpu.memref_slice %arg12[%dma_wait3A_255, %dma_wait3A_256] : memref<512x128xf32, #tpu.memory_space<vmem>> -> memref<32x128xf32, #tpu.memory_space<vmem>>
      %dma_wait3A_258 = arith.constant 0 : i32
      %dma_wait3A_259 = tpu.memref_slice %arg5[%dma_wait3A_258, %multiple_of3A_54] : memref<32x1000064xf32, #tpu.memory_space<hbm>> -> memref<32x128xf32, #tpu.memory_space<hbm>>
      tpu.wait_dma2 semaphore(%arg18 : memref<!tpu.dma_semaphore, #tpu.memory_space<semaphore_mem>>) src(%dma_wait3A_259 : memref<32x128xf32, #tpu.memory_space<hbm>>) dst(%dma_wait3A_257 : memref<32x128xf32, #tpu.memory_space<vmem>>)
      %dma_wait3A_260 = arith.constant 128 : i32
      %dma_wait3A_261 = arith.constant 0 : i32
      %dma_wait3A_262 = tpu.memref_slice %arg12[%dma_wait3A_260, %dma_wait3A_261] : memref<512x128xf32, #tpu.memory_space<vmem>> -> memref<32x128xf32, #tpu.memory_space<vmem>>
      %dma_wait3A_263 = arith.constant 0 : i32
      %dma_wait3A_264 = tpu.memref_slice %arg5[%dma_wait3A_263, %multiple_of3A_67] : memref<32x1000064xf32, #tpu.memory_space<hbm>> -> memref<32x128xf32, #tpu.memory_space<hbm>>
      %dma_wait3A_265 = arith.constant 128 : i32
      %dma_wait3A_266 = arith.constant 0 : i32
      %dma_wait3A_267 = tpu.memref_slice %arg12[%dma_wait3A_265, %dma_wait3A_266] : memref<512x128xf32, #tpu.memory_space<vmem>> -> memref<32x128xf32, #tpu.memory_space<vmem>>
      %dma_wait3A_268 = arith.constant 0 : i32
      %dma_wait3A_269 = tpu.memref_slice %arg5[%dma_wait3A_268, %multiple_of3A_67] : memref<32x1000064xf32, #tpu.memory_space<hbm>> -> memref<32x128xf32, #tpu.memory_space<hbm>>
      tpu.wait_dma2 semaphore(%arg18 : memref<!tpu.dma_semaphore, #tpu.memory_space<semaphore_mem>>) src(%dma_wait3A_269 : memref<32x128xf32, #tpu.memory_space<hbm>>) dst(%dma_wait3A_267 : memref<32x128xf32, #tpu.memory_space<vmem>>)
      %dma_wait3A_270 = arith.constant 160 : i32
      %dma_wait3A_271 = arith.constant 0 : i32
      %dma_wait3A_272 = tpu.memref_slice %arg12[%dma_wait3A_270, %dma_wait3A_271] : memref<512x128xf32, #tpu.memory_space<vmem>> -> memref<32x128xf32, #tpu.memory_space<vmem>>
      %dma_wait3A_273 = arith.constant 0 : i32
      %dma_wait3A_274 = tpu.memref_slice %arg5[%dma_wait3A_273, %multiple_of3A_80] : memref<32x1000064xf32, #tpu.memory_space<hbm>> -> memref<32x128xf32, #tpu.memory_space<hbm>>
      %dma_wait3A_275 = arith.constant 160 : i32
      %dma_wait3A_276 = arith.constant 0 : i32
      %dma_wait3A_277 = tpu.memref_slice %arg12[%dma_wait3A_275, %dma_wait3A_276] : memref<512x128xf32, #tpu.memory_space<vmem>> -> memref<32x128xf32, #tpu.memory_space<vmem>>
      %dma_wait3A_278 = arith.constant 0 : i32
      %dma_wait3A_279 = tpu.memref_slice %arg5[%dma_wait3A_278, %multiple_of3A_80] : memref<32x1000064xf32, #tpu.memory_space<hbm>> -> memref<32x128xf32, #tpu.memory_space<hbm>>
      tpu.wait_dma2 semaphore(%arg18 : memref<!tpu.dma_semaphore, #tpu.memory_space<semaphore_mem>>) src(%dma_wait3A_279 : memref<32x128xf32, #tpu.memory_space<hbm>>) dst(%dma_wait3A_277 : memref<32x128xf32, #tpu.memory_space<vmem>>)
      %dma_wait3A_280 = arith.constant 192 : i32
      %dma_wait3A_281 = arith.constant 0 : i32
      %dma_wait3A_282 = tpu.memref_slice %arg12[%dma_wait3A_280, %dma_wait3A_281] : memref<512x128xf32, #tpu.memory_space<vmem>> -> memref<32x128xf32, #tpu.memory_space<vmem>>
      %dma_wait3A_283 = arith.constant 0 : i32
      %dma_wait3A_284 = tpu.memref_slice %arg5[%dma_wait3A_283, %multiple_of3A_93] : memref<32x1000064xf32, #tpu.memory_space<hbm>> -> memref<32x128xf32, #tpu.memory_space<hbm>>
      %dma_wait3A_285 = arith.constant 192 : i32
      %dma_wait3A_286 = arith.constant 0 : i32
      %dma_wait3A_287 = tpu.memref_slice %arg12[%dma_wait3A_285, %dma_wait3A_286] : memref<512x128xf32, #tpu.memory_space<vmem>> -> memref<32x128xf32, #tpu.memory_space<vmem>>
      %dma_wait3A_288 = arith.constant 0 : i32
      %dma_wait3A_289 = tpu.memref_slice %arg5[%dma_wait3A_288, %multiple_of3A_93] : memref<32x1000064xf32, #tpu.memory_space<hbm>> -> memref<32x128xf32, #tpu.memory_space<hbm>>
      tpu.wait_dma2 semaphore(%arg18 : memref<!tpu.dma_semaphore, #tpu.memory_space<semaphore_mem>>) src(%dma_wait3A_289 : memref<32x128xf32, #tpu.memory_space<hbm>>) dst(%dma_wait3A_287 : memref<32x128xf32, #tpu.memory_space<vmem>>)
      %dma_wait3A_290 = arith.constant 224 : i32
      %dma_wait3A_291 = arith.constant 0 : i32
      %dma_wait3A_292 = tpu.memref_slice %arg12[%dma_wait3A_290, %dma_wait3A_291] : memref<512x128xf32, #tpu.memory_space<vmem>> -> memref<32x128xf32, #tpu.memory_space<vmem>>
      %dma_wait3A_293 = arith.constant 0 : i32
      %dma_wait3A_294 = tpu.memref_slice %arg5[%dma_wait3A_293, %multiple_of3A_106] : memref<32x1000064xf32, #tpu.memory_space<hbm>> -> memref<32x128xf32, #tpu.memory_space<hbm>>
      %dma_wait3A_295 = arith.constant 224 : i32
      %dma_wait3A_296 = arith.constant 0 : i32
      %dma_wait3A_297 = tpu.memref_slice %arg12[%dma_wait3A_295, %dma_wait3A_296] : memref<512x128xf32, #tpu.memory_space<vmem>> -> memref<32x128xf32, #tpu.memory_space<vmem>>
      %dma_wait3A_298 = arith.constant 0 : i32
      %dma_wait3A_299 = tpu.memref_slice %arg5[%dma_wait3A_298, %multiple_of3A_106] : memref<32x1000064xf32, #tpu.memory_space<hbm>> -> memref<32x128xf32, #tpu.memory_space<hbm>>
      tpu.wait_dma2 semaphore(%arg18 : memref<!tpu.dma_semaphore, #tpu.memory_space<semaphore_mem>>) src(%dma_wait3A_299 : memref<32x128xf32, #tpu.memory_space<hbm>>) dst(%dma_wait3A_297 : memref<32x128xf32, #tpu.memory_space<vmem>>)
      %dma_wait3A_300 = arith.constant 256 : i32
      %dma_wait3A_301 = arith.constant 0 : i32
      %dma_wait3A_302 = tpu.memref_slice %arg12[%dma_wait3A_300, %dma_wait3A_301] : memref<512x128xf32, #tpu.memory_space<vmem>> -> memref<32x128xf32, #tpu.memory_space<vmem>>
      %dma_wait3A_303 = arith.constant 0 : i32
      %dma_wait3A_304 = tpu.memref_slice %arg5[%dma_wait3A_303, %multiple_of3A_119] : memref<32x1000064xf32, #tpu.memory_space<hbm>> -> memref<32x128xf32, #tpu.memory_space<hbm>>
      %dma_wait3A_305 = arith.constant 256 : i32
      %dma_wait3A_306 = arith.constant 0 : i32
      %dma_wait3A_307 = tpu.memref_slice %arg12[%dma_wait3A_305, %dma_wait3A_306] : memref<512x128xf32, #tpu.memory_space<vmem>> -> memref<32x128xf32, #tpu.memory_space<vmem>>
      %dma_wait3A_308 = arith.constant 0 : i32
      %dma_wait3A_309 = tpu.memref_slice %arg5[%dma_wait3A_308, %multiple_of3A_119] : memref<32x1000064xf32, #tpu.memory_space<hbm>> -> memref<32x128xf32, #tpu.memory_space<hbm>>
      tpu.wait_dma2 semaphore(%arg18 : memref<!tpu.dma_semaphore, #tpu.memory_space<semaphore_mem>>) src(%dma_wait3A_309 : memref<32x128xf32, #tpu.memory_space<hbm>>) dst(%dma_wait3A_307 : memref<32x128xf32, #tpu.memory_space<vmem>>)
      %dma_wait3A_310 = arith.constant 288 : i32
      %dma_wait3A_311 = arith.constant 0 : i32
      %dma_wait3A_312 = tpu.memref_slice %arg12[%dma_wait3A_310, %dma_wait3A_311] : memref<512x128xf32, #tpu.memory_space<vmem>> -> memref<32x128xf32, #tpu.memory_space<vmem>>
      %dma_wait3A_313 = arith.constant 0 : i32
      %dma_wait3A_314 = tpu.memref_slice %arg5[%dma_wait3A_313, %multiple_of3A_132] : memref<32x1000064xf32, #tpu.memory_space<hbm>> -> memref<32x128xf32, #tpu.memory_space<hbm>>
      %dma_wait3A_315 = arith.constant 288 : i32
      %dma_wait3A_316 = arith.constant 0 : i32
      %dma_wait3A_317 = tpu.memref_slice %arg12[%dma_wait3A_315, %dma_wait3A_316] : memref<512x128xf32, #tpu.memory_space<vmem>> -> memref<32x128xf32, #tpu.memory_space<vmem>>
      %dma_wait3A_318 = arith.constant 0 : i32
      %dma_wait3A_319 = tpu.memref_slice %arg5[%dma_wait3A_318, %multiple_of3A_132] : memref<32x1000064xf32, #tpu.memory_space<hbm>> -> memref<32x128xf32, #tpu.memory_space<hbm>>
      tpu.wait_dma2 semaphore(%arg18 : memref<!tpu.dma_semaphore, #tpu.memory_space<semaphore_mem>>) src(%dma_wait3A_319 : memref<32x128xf32, #tpu.memory_space<hbm>>) dst(%dma_wait3A_317 : memref<32x128xf32, #tpu.memory_space<vmem>>)
      %dma_wait3A_320 = arith.constant 320 : i32
      %dma_wait3A_321 = arith.constant 0 : i32
      %dma_wait3A_322 = tpu.memref_slice %arg12[%dma_wait3A_320, %dma_wait3A_321] : memref<512x128xf32, #tpu.memory_space<vmem>> -> memref<32x128xf32, #tpu.memory_space<vmem>>
      %dma_wait3A_323 = arith.constant 0 : i32
      %dma_wait3A_324 = tpu.memref_slice %arg5[%dma_wait3A_323, %multiple_of3A_145] : memref<32x1000064xf32, #tpu.memory_space<hbm>> -> memref<32x128xf32, #tpu.memory_space<hbm>>
      %dma_wait3A_325 = arith.constant 320 : i32
      %dma_wait3A_326 = arith.constant 0 : i32
      %dma_wait3A_327 = tpu.memref_slice %arg12[%dma_wait3A_325, %dma_wait3A_326] : memref<512x128xf32, #tpu.memory_space<vmem>> -> memref<32x128xf32, #tpu.memory_space<vmem>>
      %dma_wait3A_328 = arith.constant 0 : i32
      %dma_wait3A_329 = tpu.memref_slice %arg5[%dma_wait3A_328, %multiple_of3A_145] : memref<32x1000064xf32, #tpu.memory_space<hbm>> -> memref<32x128xf32, #tpu.memory_space<hbm>>
      tpu.wait_dma2 semaphore(%arg18 : memref<!tpu.dma_semaphore, #tpu.memory_space<semaphore_mem>>) src(%dma_wait3A_329 : memref<32x128xf32, #tpu.memory_space<hbm>>) dst(%dma_wait3A_327 : memref<32x128xf32, #tpu.memory_space<vmem>>)
      %dma_wait3A_330 = arith.constant 352 : i32
      %dma_wait3A_331 = arith.constant 0 : i32
      %dma_wait3A_332 = tpu.memref_slice %arg12[%dma_wait3A_330, %dma_wait3A_331] : memref<512x128xf32, #tpu.memory_space<vmem>> -> memref<32x128xf32, #tpu.memory_space<vmem>>
      %dma_wait3A_333 = arith.constant 0 : i32
      %dma_wait3A_334 = tpu.memref_slice %arg5[%dma_wait3A_333, %multiple_of3A_158] : memref<32x1000064xf32, #tpu.memory_space<hbm>> -> memref<32x128xf32, #tpu.memory_space<hbm>>
      %dma_wait3A_335 = arith.constant 352 : i32
      %dma_wait3A_336 = arith.constant 0 : i32
      %dma_wait3A_337 = tpu.memref_slice %arg12[%dma_wait3A_335, %dma_wait3A_336] : memref<512x128xf32, #tpu.memory_space<vmem>> -> memref<32x128xf32, #tpu.memory_space<vmem>>
      %dma_wait3A_338 = arith.constant 0 : i32
      %dma_wait3A_339 = tpu.memref_slice %arg5[%dma_wait3A_338, %multiple_of3A_158] : memref<32x1000064xf32, #tpu.memory_space<hbm>> -> memref<32x128xf32, #tpu.memory_space<hbm>>
      tpu.wait_dma2 semaphore(%arg18 : memref<!tpu.dma_semaphore, #tpu.memory_space<semaphore_mem>>) src(%dma_wait3A_339 : memref<32x128xf32, #tpu.memory_space<hbm>>) dst(%dma_wait3A_337 : memref<32x128xf32, #tpu.memory_space<vmem>>)
      %dma_wait3A_340 = arith.constant 384 : i32
      %dma_wait3A_341 = arith.constant 0 : i32
      %dma_wait3A_342 = tpu.memref_slice %arg12[%dma_wait3A_340, %dma_wait3A_341] : memref<512x128xf32, #tpu.memory_space<vmem>> -> memref<32x128xf32, #tpu.memory_space<vmem>>
      %dma_wait3A_343 = arith.constant 0 : i32
      %dma_wait3A_344 = tpu.memref_slice %arg5[%dma_wait3A_343, %multiple_of3A_171] : memref<32x1000064xf32, #tpu.memory_space<hbm>> -> memref<32x128xf32, #tpu.memory_space<hbm>>
      %dma_wait3A_345 = arith.constant 384 : i32
      %dma_wait3A_346 = arith.constant 0 : i32
      %dma_wait3A_347 = tpu.memref_slice %arg12[%dma_wait3A_345, %dma_wait3A_346] : memref<512x128xf32, #tpu.memory_space<vmem>> -> memref<32x128xf32, #tpu.memory_space<vmem>>
      %dma_wait3A_348 = arith.constant 0 : i32
      %dma_wait3A_349 = tpu.memref_slice %arg5[%dma_wait3A_348, %multiple_of3A_171] : memref<32x1000064xf32, #tpu.memory_space<hbm>> -> memref<32x128xf32, #tpu.memory_space<hbm>>
      tpu.wait_dma2 semaphore(%arg18 : memref<!tpu.dma_semaphore, #tpu.memory_space<semaphore_mem>>) src(%dma_wait3A_349 : memref<32x128xf32, #tpu.memory_space<hbm>>) dst(%dma_wait3A_347 : memref<32x128xf32, #tpu.memory_space<vmem>>)
      %dma_wait3A_350 = arith.constant 416 : i32
      %dma_wait3A_351 = arith.constant 0 : i32
      %dma_wait3A_352 = tpu.memref_slice %arg12[%dma_wait3A_350, %dma_wait3A_351] : memref<512x128xf32, #tpu.memory_space<vmem>> -> memref<32x128xf32, #tpu.memory_space<vmem>>
      %dma_wait3A_353 = arith.constant 0 : i32
      %dma_wait3A_354 = tpu.memref_slice %arg5[%dma_wait3A_353, %multiple_of3A_184] : memref<32x1000064xf32, #tpu.memory_space<hbm>> -> memref<32x128xf32, #tpu.memory_space<hbm>>
      %dma_wait3A_355 = arith.constant 416 : i32
      %dma_wait3A_356 = arith.constant 0 : i32
      %dma_wait3A_357 = tpu.memref_slice %arg12[%dma_wait3A_355, %dma_wait3A_356] : memref<512x128xf32, #tpu.memory_space<vmem>> -> memref<32x128xf32, #tpu.memory_space<vmem>>
      %dma_wait3A_358 = arith.constant 0 : i32
      %dma_wait3A_359 = tpu.memref_slice %arg5[%dma_wait3A_358, %multiple_of3A_184] : memref<32x1000064xf32, #tpu.memory_space<hbm>> -> memref<32x128xf32, #tpu.memory_space<hbm>>
      tpu.wait_dma2 semaphore(%arg18 : memref<!tpu.dma_semaphore, #tpu.memory_space<semaphore_mem>>) src(%dma_wait3A_359 : memref<32x128xf32, #tpu.memory_space<hbm>>) dst(%dma_wait3A_357 : memref<32x128xf32, #tpu.memory_space<vmem>>)
      %dma_wait3A_360 = arith.constant 448 : i32
      %dma_wait3A_361 = arith.constant 0 : i32
      %dma_wait3A_362 = tpu.memref_slice %arg12[%dma_wait3A_360, %dma_wait3A_361] : memref<512x128xf32, #tpu.memory_space<vmem>> -> memref<32x128xf32, #tpu.memory_space<vmem>>
      %dma_wait3A_363 = arith.constant 0 : i32
      %dma_wait3A_364 = tpu.memref_slice %arg5[%dma_wait3A_363, %multiple_of3A_197] : memref<32x1000064xf32, #tpu.memory_space<hbm>> -> memref<32x128xf32, #tpu.memory_space<hbm>>
      %dma_wait3A_365 = arith.constant 448 : i32
      %dma_wait3A_366 = arith.constant 0 : i32
      %dma_wait3A_367 = tpu.memref_slice %arg12[%dma_wait3A_365, %dma_wait3A_366] : memref<512x128xf32, #tpu.memory_space<vmem>> -> memref<32x128xf32, #tpu.memory_space<vmem>>
      %dma_wait3A_368 = arith.constant 0 : i32
      %dma_wait3A_369 = tpu.memref_slice %arg5[%dma_wait3A_368, %multiple_of3A_197] : memref<32x1000064xf32, #tpu.memory_space<hbm>> -> memref<32x128xf32, #tpu.memory_space<hbm>>
      tpu.wait_dma2 semaphore(%arg18 : memref<!tpu.dma_semaphore, #tpu.memory_space<semaphore_mem>>) src(%dma_wait3A_369 : memref<32x128xf32, #tpu.memory_space<hbm>>) dst(%dma_wait3A_367 : memref<32x128xf32, #tpu.memory_space<vmem>>)
      %dma_wait3A_370 = arith.constant 480 : i32
      %dma_wait3A_371 = arith.constant 0 : i32
      %dma_wait3A_372 = tpu.memref_slice %arg12[%dma_wait3A_370, %dma_wait3A_371] : memref<512x128xf32, #tpu.memory_space<vmem>> -> memref<32x128xf32, #tpu.memory_space<vmem>>
      %dma_wait3A_373 = arith.constant 0 : i32
      %dma_wait3A_374 = tpu.memref_slice %arg5[%dma_wait3A_373, %multiple_of3A_210] : memref<32x1000064xf32, #tpu.memory_space<hbm>> -> memref<32x128xf32, #tpu.memory_space<hbm>>
      %dma_wait3A_375 = arith.constant 480 : i32
      %dma_wait3A_376 = arith.constant 0 : i32
      %dma_wait3A_377 = tpu.memref_slice %arg12[%dma_wait3A_375, %dma_wait3A_376] : memref<512x128xf32, #tpu.memory_space<vmem>> -> memref<32x128xf32, #tpu.memory_space<vmem>>
      %dma_wait3A_378 = arith.constant 0 : i32
      %dma_wait3A_379 = tpu.memref_slice %arg5[%dma_wait3A_378, %multiple_of3A_210] : memref<32x1000064xf32, #tpu.memory_space<hbm>> -> memref<32x128xf32, #tpu.memory_space<hbm>>
      tpu.wait_dma2 semaphore(%arg18 : memref<!tpu.dma_semaphore, #tpu.memory_space<semaphore_mem>>) src(%dma_wait3A_379 : memref<32x128xf32, #tpu.memory_space<hbm>>) dst(%dma_wait3A_377 : memref<32x128xf32, #tpu.memory_space<vmem>>)
      %mul3A_380 = arith.constant 16 : i32
      %mul3A_381 = arith.muli %scan3A_8, %mul3A_380 : i32
      %get3A_382 = arith.index_cast %mul3A_381 : i32 to index
      %get3A_383 = tpu.vector_load %arg9[%get3A_382] {strides = array<i32>} : memref<512xi32, #tpu.memory_space<vmem>>, vector<16xi32>,
      %broadcast_in_dim3A = arith.constant 127 : i32
      %broadcast_in_dim3A_384 = vector.broadcast %broadcast_in_dim3A : i32 to vector<16xi32>
      %and3A = arith.andi %get3A_383, %broadcast_in_dim3A_384 : vector<16xi32>
      %iota3A = tpu.iota {dimensions = array<i32: 0>} : vector<16xi32>
      %mul3A_385 = arith.constant 32 : i32
      %mul3A_386 = vector.broadcast %mul3A_385 : i32 to vector<16xi32>
      %mul3A_387 = arith.muli %iota3A, %mul3A_386 : vector<16xi32>
      %add3A_388 = arith.constant 0 : i32
      %add3A_389 = vector.broadcast %add3A_388 : i32 to vector<16xi32>
      %add3A_390 = arith.addi %mul3A_387, %add3A_389 : vector<16xi32>
      %gather3A = tpu.vector_load_idx %arg12[%add3A_390, %and3A] : memref<512x128xf32, #tpu.memory_space<vmem>>[vector<16xi32>, vector<16xi32>], vector<16xf32>,
      %swap3A = arith.constant 0 : i32
      %swap3A_391 = arith.index_cast %swap3A : i32 to index
      %swap3A_392 = arith.constant 0 : index
      %swap3A_393 = tpu.vector_load %arg13[%swap3A_391, %swap3A_392] {strides = array<i32>} : memref<32x16xf32, #tpu.memory_space<vmem>>, vector<16xf32>,
      tpu.vector_store %arg13[%swap3A_391, %swap3A_392], %gather3A {strides = array<i32>} : memref<32x16xf32, #tpu.memory_space<vmem>>, vector<16xf32>,
      %iota3A_394 = tpu.iota {dimensions = array<i32: 0>} : vector<16xi32>
      %mul3A_395 = arith.constant 32 : i32
      %mul3A_396 = vector.broadcast %mul3A_395 : i32 to vector<16xi32>
      %mul3A_397 = arith.muli %iota3A_394, %mul3A_396 : vector<16xi32>
      %add3A_398 = arith.constant 1 : i32
      %add3A_399 = vector.broadcast %add3A_398 : i32 to vector<16xi32>
      %add3A_400 = arith.addi %mul3A_397, %add3A_399 : vector<16xi32>
      %gather3A_401 = tpu.vector_load_idx %arg12[%add3A_400, %and3A] : memref<512x128xf32, #tpu.memory_space<vmem>>[vector<16xi32>, vector<16xi32>], vector<16xf32>,
      %swap3A_402 = arith.constant 1 : i32
      %swap3A_403 = arith.index_cast %swap3A_402 : i32 to index
      %swap3A_404 = arith.constant 0 : index
      %swap3A_405 = tpu.vector_load %arg13[%swap3A_403, %swap3A_404] {strides = array<i32>} : memref<32x16xf32, #tpu.memory_space<vmem>>, vector<16xf32>,
      tpu.vector_store %arg13[%swap3A_403, %swap3A_404], %gather3A_401 {strides = array<i32>} : memref<32x16xf32, #tpu.memory_space<vmem>>, vector<16xf32>,
      %iota3A_406 = tpu.iota {dimensions = array<i32: 0>} : vector<16xi32>
      %mul3A_407 = arith.constant 32 : i32
      %mul3A_408 = vector.broadcast %mul3A_407 : i32 to vector<16xi32>
      %mul3A_409 = arith.muli %iota3A_406, %mul3A_408 : vector<16xi32>
      %add3A_410 = arith.constant 2 : i32
      %add3A_411 = vector.broadcast %add3A_410 : i32 to vector<16xi32>
      %add3A_412 = arith.addi %mul3A_409, %add3A_411 : vector<16xi32>
      %gather3A_413 = tpu.vector_load_idx %arg12[%add3A_412, %and3A] : memref<512x128xf32, #tpu.memory_space<vmem>>[vector<16xi32>, vector<16xi32>], vector<16xf32>,
      %swap3A_414 = arith.constant 2 : i32
      %swap3A_415 = arith.index_cast %swap3A_414 : i32 to index
      %swap3A_416 = arith.constant 0 : index
      %swap3A_417 = tpu.vector_load %arg13[%swap3A_415, %swap3A_416] {strides = array<i32>} : memref<32x16xf32, #tpu.memory_space<vmem>>, vector<16xf32>,
      tpu.vector_store %arg13[%swap3A_415, %swap3A_416], %gather3A_413 {strides = array<i32>} : memref<32x16xf32, #tpu.memory_space<vmem>>, vector<16xf32>,
      %iota3A_418 = tpu.iota {dimensions = array<i32: 0>} : vector<16xi32>
      %mul3A_419 = arith.constant 32 : i32
      %mul3A_420 = vector.broadcast %mul3A_419 : i32 to vector<16xi32>
      %mul3A_421 = arith.muli %iota3A_418, %mul3A_420 : vector<16xi32>
      %add3A_422 = arith.constant 3 : i32
      %add3A_423 = vector.broadcast %add3A_422 : i32 to vector<16xi32>
      %add3A_424 = arith.addi %mul3A_421, %add3A_423 : vector<16xi32>
      %gather3A_425 = tpu.vector_load_idx %arg12[%add3A_424, %and3A] : memref<512x128xf32, #tpu.memory_space<vmem>>[vector<16xi32>, vector<16xi32>], vector<16xf32>,
      %swap3A_426 = arith.constant 3 : i32
      %swap3A_427 = arith.index_cast %swap3A_426 : i32 to index
      %swap3A_428 = arith.constant 0 : index
      %swap3A_429 = tpu.vector_load %arg13[%swap3A_427, %swap3A_428] {strides = array<i32>} : memref<32x16xf32, #tpu.memory_space<vmem>>, vector<16xf32>,
      tpu.vector_store %arg13[%swap3A_427, %swap3A_428], %gather3A_425 {strides = array<i32>} : memref<32x16xf32, #tpu.memory_space<vmem>>, vector<16xf32>,
      %iota3A_430 = tpu.iota {dimensions = array<i32: 0>} : vector<16xi32>
      %mul3A_431 = arith.constant 32 : i32
      %mul3A_432 = vector.broadcast %mul3A_431 : i32 to vector<16xi32>
      %mul3A_433 = arith.muli %iota3A_430, %mul3A_432 : vector<16xi32>
      %add3A_434 = arith.constant 4 : i32
      %add3A_435 = vector.broadcast %add3A_434 : i32 to vector<16xi32>
      %add3A_436 = arith.addi %mul3A_433, %add3A_435 : vector<16xi32>
      %gather3A_437 = tpu.vector_load_idx %arg12[%add3A_436, %and3A] : memref<512x128xf32, #tpu.memory_space<vmem>>[vector<16xi32>, vector<16xi32>], vector<16xf32>,
      %swap3A_438 = arith.constant 4 : i32
      %swap3A_439 = arith.index_cast %swap3A_438 : i32 to index
      %swap3A_440 = arith.constant 0 : index
      %swap3A_441 = tpu.vector_load %arg13[%swap3A_439, %swap3A_440] {strides = array<i32>} : memref<32x16xf32, #tpu.memory_space<vmem>>, vector<16xf32>,
      tpu.vector_store %arg13[%swap3A_439, %swap3A_440], %gather3A_437 {strides = array<i32>} : memref<32x16xf32, #tpu.memory_space<vmem>>, vector<16xf32>,
      %iota3A_442 = tpu.iota {dimensions = array<i32: 0>} : vector<16xi32>
      %mul3A_443 = arith.constant 32 : i32
      %mul3A_444 = vector.broadcast %mul3A_443 : i32 to vector<16xi32>
      %mul3A_445 = arith.muli %iota3A_442, %mul3A_444 : vector<16xi32>
      %add3A_446 = arith.constant 5 : i32
      %add3A_447 = vector.broadcast %add3A_446 : i32 to vector<16xi32>
      %add3A_448 = arith.addi %mul3A_445, %add3A_447 : vector<16xi32>
      %gather3A_449 = tpu.vector_load_idx %arg12[%add3A_448, %and3A] : memref<512x128xf32, #tpu.memory_space<vmem>>[vector<16xi32>, vector<16xi32>], vector<16xf32>,
      %swap3A_450 = arith.constant 5 : i32
      %swap3A_451 = arith.index_cast %swap3A_450 : i32 to index
      %swap3A_452 = arith.constant 0 : index
      %swap3A_453 = tpu.vector_load %arg13[%swap3A_451, %swap3A_452] {strides = array<i32>} : memref<32x16xf32, #tpu.memory_space<vmem>>, vector<16xf32>,
      tpu.vector_store %arg13[%swap3A_451, %swap3A_452], %gather3A_449 {strides = array<i32>} : memref<32x16xf32, #tpu.memory_space<vmem>>, vector<16xf32>,
      %iota3A_454 = tpu.iota {dimensions = array<i32: 0>} : vector<16xi32>
      %mul3A_455 = arith.constant 32 : i32
      %mul3A_456 = vector.broadcast %mul3A_455 : i32 to vector<16xi32>
      %mul3A_457 = arith.muli %iota3A_454, %mul3A_456 : vector<16xi32>
      %add3A_458 = arith.constant 6 : i32
      %add3A_459 = vector.broadcast %add3A_458 : i32 to vector<16xi32>
      %add3A_460 = arith.addi %mul3A_457, %add3A_459 : vector<16xi32>
      %gather3A_461 = tpu.vector_load_idx %arg12[%add3A_460, %and3A] : memref<512x128xf32, #tpu.memory_space<vmem>>[vector<16xi32>, vector<16xi32>], vector<16xf32>,
      %swap3A_462 = arith.constant 6 : i32
      %swap3A_463 = arith.index_cast %swap3A_462 : i32 to index
      %swap3A_464 = arith.constant 0 : index
      %swap3A_465 = tpu.vector_load %arg13[%swap3A_463, %swap3A_464] {strides = array<i32>} : memref<32x16xf32, #tpu.memory_space<vmem>>, vector<16xf32>,
      tpu.vector_store %arg13[%swap3A_463, %swap3A_464], %gather3A_461 {strides = array<i32>} : memref<32x16xf32, #tpu.memory_space<vmem>>, vector<16xf32>,
      %iota3A_466 = tpu.iota {dimensions = array<i32: 0>} : vector<16xi32>
      %mul3A_467 = arith.constant 32 : i32
      %mul3A_468 = vector.broadcast %mul3A_467 : i32 to vector<16xi32>
      %mul3A_469 = arith.muli %iota3A_466, %mul3A_468 : vector<16xi32>
      %add3A_470 = arith.constant 7 : i32
      %add3A_471 = vector.broadcast %add3A_470 : i32 to vector<16xi32>
      %add3A_472 = arith.addi %mul3A_469, %add3A_471 : vector<16xi32>
      %gather3A_473 = tpu.vector_load_idx %arg12[%add3A_472, %and3A] : memref<512x128xf32, #tpu.memory_space<vmem>>[vector<16xi32>, vector<16xi32>], vector<16xf32>,
      %swap3A_474 = arith.constant 7 : i32
      %swap3A_475 = arith.index_cast %swap3A_474 : i32 to index
      %swap3A_476 = arith.constant 0 : index
      %swap3A_477 = tpu.vector_load %arg13[%swap3A_475, %swap3A_476] {strides = array<i32>} : memref<32x16xf32, #tpu.memory_space<vmem>>, vector<16xf32>,
      tpu.vector_store %arg13[%swap3A_475, %swap3A_476], %gather3A_473 {strides = array<i32>} : memref<32x16xf32, #tpu.memory_space<vmem>>, vector<16xf32>,
      %iota3A_478 = tpu.iota {dimensions = array<i32: 0>} : vector<16xi32>
      %mul3A_479 = arith.constant 32 : i32
      %mul3A_480 = vector.broadcast %mul3A_479 : i32 to vector<16xi32>
      %mul3A_481 = arith.muli %iota3A_478, %mul3A_480 : vector<16xi32>
      %add3A_482 = arith.constant 8 : i32
      %add3A_483 = vector.broadcast %add3A_482 : i32 to vector<16xi32>
      %add3A_484 = arith.addi %mul3A_481, %add3A_483 : vector<16xi32>
      %gather3A_485 = tpu.vector_load_idx %arg12[%add3A_484, %and3A] : memref<512x128xf32, #tpu.memory_space<vmem>>[vector<16xi32>, vector<16xi32>], vector<16xf32>,
      %swap3A_486 = arith.constant 8 : i32
      %swap3A_487 = arith.index_cast %swap3A_486 : i32 to index
      %swap3A_488 = arith.constant 0 : index
      %swap3A_489 = tpu.vector_load %arg13[%swap3A_487, %swap3A_488] {strides = array<i32>} : memref<32x16xf32, #tpu.memory_space<vmem>>, vector<16xf32>,
      tpu.vector_store %arg13[%swap3A_487, %swap3A_488], %gather3A_485 {strides = array<i32>} : memref<32x16xf32, #tpu.memory_space<vmem>>, vector<16xf32>,
      %iota3A_490 = tpu.iota {dimensions = array<i32: 0>} : vector<16xi32>
      %mul3A_491 = arith.constant 32 : i32
      %mul3A_492 = vector.broadcast %mul3A_491 : i32 to vector<16xi32>
      %mul3A_493 = arith.muli %iota3A_490, %mul3A_492 : vector<16xi32>
      %add3A_494 = arith.constant 9 : i32
      %add3A_495 = vector.broadcast %add3A_494 : i32 to vector<16xi32>
      %add3A_496 = arith.addi %mul3A_493, %add3A_495 : vector<16xi32>
      %gather3A_497 = tpu.vector_load_idx %arg12[%add3A_496, %and3A] : memref<512x128xf32, #tpu.memory_space<vmem>>[vector<16xi32>, vector<16xi32>], vector<16xf32>,
      %swap3A_498 = arith.constant 9 : i32
      %swap3A_499 = arith.index_cast %swap3A_498 : i32 to index
      %swap3A_500 = arith.constant 0 : index
      %swap3A_501 = tpu.vector_load %arg13[%swap3A_499, %swap3A_500] {strides = array<i32>} : memref<32x16xf32, #tpu.memory_space<vmem>>, vector<16xf32>,
      tpu.vector_store %arg13[%swap3A_499, %swap3A_500], %gather3A_497 {strides = array<i32>} : memref<32x16xf32, #tpu.memory_space<vmem>>, vector<16xf32>,
      %iota3A_502 = tpu.iota {dimensions = array<i32: 0>} : vector<16xi32>
      %mul3A_503 = arith.constant 32 : i32
      %mul3A_504 = vector.broadcast %mul3A_503 : i32 to vector<16xi32>
      %mul3A_505 = arith.muli %iota3A_502, %mul3A_504 : vector<16xi32>
      %add3A_506 = arith.constant 10 : i32
      %add3A_507 = vector.broadcast %add3A_506 : i32 to vector<16xi32>
      %add3A_508 = arith.addi %mul3A_505, %add3A_507 : vector<16xi32>
      %gather3A_509 = tpu.vector_load_idx %arg12[%add3A_508, %and3A] : memref<512x128xf32, #tpu.memory_space<vmem>>[vector<16xi32>, vector<16xi32>], vector<16xf32>,
      %swap3A_510 = arith.constant 10 : i32
      %swap3A_511 = arith.index_cast %swap3A_510 : i32 to index
      %swap3A_512 = arith.constant 0 : index
      %swap3A_513 = tpu.vector_load %arg13[%swap3A_511, %swap3A_512] {strides = array<i32>} : memref<32x16xf32, #tpu.memory_space<vmem>>, vector<16xf32>,
      tpu.vector_store %arg13[%swap3A_511, %swap3A_512], %gather3A_509 {strides = array<i32>} : memref<32x16xf32, #tpu.memory_space<vmem>>, vector<16xf32>,
      %iota3A_514 = tpu.iota {dimensions = array<i32: 0>} : vector<16xi32>
      %mul3A_515 = arith.constant 32 : i32
      %mul3A_516 = vector.broadcast %mul3A_515 : i32 to vector<16xi32>
      %mul3A_517 = arith.muli %iota3A_514, %mul3A_516 : vector<16xi32>
      %add3A_518 = arith.constant 11 : i32
      %add3A_519 = vector.broadcast %add3A_518 : i32 to vector<16xi32>
      %add3A_520 = arith.addi %mul3A_517, %add3A_519 : vector<16xi32>
      %gather3A_521 = tpu.vector_load_idx %arg12[%add3A_520, %and3A] : memref<512x128xf32, #tpu.memory_space<vmem>>[vector<16xi32>, vector<16xi32>], vector<16xf32>,
      %swap3A_522 = arith.constant 11 : i32
      %swap3A_523 = arith.index_cast %swap3A_522 : i32 to index
      %swap3A_524 = arith.constant 0 : index
      %swap3A_525 = tpu.vector_load %arg13[%swap3A_523, %swap3A_524] {strides = array<i32>} : memref<32x16xf32, #tpu.memory_space<vmem>>, vector<16xf32>,
      tpu.vector_store %arg13[%swap3A_523, %swap3A_524], %gather3A_521 {strides = array<i32>} : memref<32x16xf32, #tpu.memory_space<vmem>>, vector<16xf32>,
      %iota3A_526 = tpu.iota {dimensions = array<i32: 0>} : vector<16xi32>
      %mul3A_527 = arith.constant 32 : i32
      %mul3A_528 = vector.broadcast %mul3A_527 : i32 to vector<16xi32>
      %mul3A_529 = arith.muli %iota3A_526, %mul3A_528 : vector<16xi32>
      %add3A_530 = arith.constant 12 : i32
      %add3A_531 = vector.broadcast %add3A_530 : i32 to vector<16xi32>
      %add3A_532 = arith.addi %mul3A_529, %add3A_531 : vector<16xi32>
      %gather3A_533 = tpu.vector_load_idx %arg12[%add3A_532, %and3A] : memref<512x128xf32, #tpu.memory_space<vmem>>[vector<16xi32>, vector<16xi32>], vector<16xf32>,
      %swap3A_534 = arith.constant 12 : i32
      %swap3A_535 = arith.index_cast %swap3A_534 : i32 to index
      %swap3A_536 = arith.constant 0 : index
      %swap3A_537 = tpu.vector_load %arg13[%swap3A_535, %swap3A_536] {strides = array<i32>} : memref<32x16xf32, #tpu.memory_space<vmem>>, vector<16xf32>,
      tpu.vector_store %arg13[%swap3A_535, %swap3A_536], %gather3A_533 {strides = array<i32>} : memref<32x16xf32, #tpu.memory_space<vmem>>, vector<16xf32>,
      %iota3A_538 = tpu.iota {dimensions = array<i32: 0>} : vector<16xi32>
      %mul3A_539 = arith.constant 32 : i32
      %mul3A_540 = vector.broadcast %mul3A_539 : i32 to vector<16xi32>
      %mul3A_541 = arith.muli %iota3A_538, %mul3A_540 : vector<16xi32>
      %add3A_542 = arith.constant 13 : i32
      %add3A_543 = vector.broadcast %add3A_542 : i32 to vector<16xi32>
      %add3A_544 = arith.addi %mul3A_541, %add3A_543 : vector<16xi32>
      %gather3A_545 = tpu.vector_load_idx %arg12[%add3A_544, %and3A] : memref<512x128xf32, #tpu.memory_space<vmem>>[vector<16xi32>, vector<16xi32>], vector<16xf32>,
      %swap3A_546 = arith.constant 13 : i32
      %swap3A_547 = arith.index_cast %swap3A_546 : i32 to index
      %swap3A_548 = arith.constant 0 : index
      %swap3A_549 = tpu.vector_load %arg13[%swap3A_547, %swap3A_548] {strides = array<i32>} : memref<32x16xf32, #tpu.memory_space<vmem>>, vector<16xf32>,
      tpu.vector_store %arg13[%swap3A_547, %swap3A_548], %gather3A_545 {strides = array<i32>} : memref<32x16xf32, #tpu.memory_space<vmem>>, vector<16xf32>,
      %iota3A_550 = tpu.iota {dimensions = array<i32: 0>} : vector<16xi32>
      %mul3A_551 = arith.constant 32 : i32
      %mul3A_552 = vector.broadcast %mul3A_551 : i32 to vector<16xi32>
      %mul3A_553 = arith.muli %iota3A_550, %mul3A_552 : vector<16xi32>
      %add3A_554 = arith.constant 14 : i32
      %add3A_555 = vector.broadcast %add3A_554 : i32 to vector<16xi32>
      %add3A_556 = arith.addi %mul3A_553, %add3A_555 : vector<16xi32>
      %gather3A_557 = tpu.vector_load_idx %arg12[%add3A_556, %and3A] : memref<512x128xf32, #tpu.memory_space<vmem>>[vector<16xi32>, vector<16xi32>], vector<16xf32>,
      %swap3A_558 = arith.constant 14 : i32
      %swap3A_559 = arith.index_cast %swap3A_558 : i32 to index
      %swap3A_560 = arith.constant 0 : index
      %swap3A_561 = tpu.vector_load %arg13[%swap3A_559, %swap3A_560] {strides = array<i32>} : memref<32x16xf32, #tpu.memory_space<vmem>>, vector<16xf32>,
      tpu.vector_store %arg13[%swap3A_559, %swap3A_560], %gather3A_557 {strides = array<i32>} : memref<32x16xf32, #tpu.memory_space<vmem>>, vector<16xf32>,
      %iota3A_562 = tpu.iota {dimensions = array<i32: 0>} : vector<16xi32>
      %mul3A_563 = arith.constant 32 : i32
      %mul3A_564 = vector.broadcast %mul3A_563 : i32 to vector<16xi32>
      %mul3A_565 = arith.muli %iota3A_562, %mul3A_564 : vector<16xi32>
      %add3A_566 = arith.constant 15 : i32
      %add3A_567 = vector.broadcast %add3A_566 : i32 to vector<16xi32>
      %add3A_568 = arith.addi %mul3A_565, %add3A_567 : vector<16xi32>
      %gather3A_569 = tpu.vector_load_idx %arg12[%add3A_568, %and3A] : memref<512x128xf32, #tpu.memory_space<vmem>>[vector<16xi32>, vector<16xi32>], vector<16xf32>,
      %swap3A_570 = arith.constant 15 : i32
      %swap3A_571 = arith.index_cast %swap3A_570 : i32 to index
      %swap3A_572 = arith.constant 0 : index
      %swap3A_573 = tpu.vector_load %arg13[%swap3A_571, %swap3A_572] {strides = array<i32>} : memref<32x16xf32, #tpu.memory_space<vmem>>, vector<16xf32>,
      tpu.vector_store %arg13[%swap3A_571, %swap3A_572], %gather3A_569 {strides = array<i32>} : memref<32x16xf32, #tpu.memory_space<vmem>>, vector<16xf32>,
      %iota3A_574 = tpu.iota {dimensions = array<i32: 0>} : vector<16xi32>
      %mul3A_575 = arith.constant 32 : i32
      %mul3A_576 = vector.broadcast %mul3A_575 : i32 to vector<16xi32>
      %mul3A_577 = arith.muli %iota3A_574, %mul3A_576 : vector<16xi32>
      %add3A_578 = arith.constant 16 : i32
      %add3A_579 = vector.broadcast %add3A_578 : i32 to vector<16xi32>
      %add3A_580 = arith.addi %mul3A_577, %add3A_579 : vector<16xi32>
      %gather3A_581 = tpu.vector_load_idx %arg12[%add3A_580, %and3A] : memref<512x128xf32, #tpu.memory_space<vmem>>[vector<16xi32>, vector<16xi32>], vector<16xf32>,
      %swap3A_582 = arith.constant 16 : i32
      %swap3A_583 = arith.index_cast %swap3A_582 : i32 to index
      %swap3A_584 = arith.constant 0 : index
      %swap3A_585 = tpu.vector_load %arg13[%swap3A_583, %swap3A_584] {strides = array<i32>} : memref<32x16xf32, #tpu.memory_space<vmem>>, vector<16xf32>,
      tpu.vector_store %arg13[%swap3A_583, %swap3A_584], %gather3A_581 {strides = array<i32>} : memref<32x16xf32, #tpu.memory_space<vmem>>, vector<16xf32>,
      %iota3A_586 = tpu.iota {dimensions = array<i32: 0>} : vector<16xi32>
      %mul3A_587 = arith.constant 32 : i32
      %mul3A_588 = vector.broadcast %mul3A_587 : i32 to vector<16xi32>
      %mul3A_589 = arith.muli %iota3A_586, %mul3A_588 : vector<16xi32>
      %add3A_590 = arith.constant 17 : i32
      %add3A_591 = vector.broadcast %add3A_590 : i32 to vector<16xi32>
      %add3A_592 = arith.addi %mul3A_589, %add3A_591 : vector<16xi32>
      %gather3A_593 = tpu.vector_load_idx %arg12[%add3A_592, %and3A] : memref<512x128xf32, #tpu.memory_space<vmem>>[vector<16xi32>, vector<16xi32>], vector<16xf32>,
      %swap3A_594 = arith.constant 17 : i32
      %swap3A_595 = arith.index_cast %swap3A_594 : i32 to index
      %swap3A_596 = arith.constant 0 : index
      %swap3A_597 = tpu.vector_load %arg13[%swap3A_595, %swap3A_596] {strides = array<i32>} : memref<32x16xf32, #tpu.memory_space<vmem>>, vector<16xf32>,
      tpu.vector_store %arg13[%swap3A_595, %swap3A_596], %gather3A_593 {strides = array<i32>} : memref<32x16xf32, #tpu.memory_space<vmem>>, vector<16xf32>,
      %iota3A_598 = tpu.iota {dimensions = array<i32: 0>} : vector<16xi32>
      %mul3A_599 = arith.constant 32 : i32
      %mul3A_600 = vector.broadcast %mul3A_599 : i32 to vector<16xi32>
      %mul3A_601 = arith.muli %iota3A_598, %mul3A_600 : vector<16xi32>
      %add3A_602 = arith.constant 18 : i32
      %add3A_603 = vector.broadcast %add3A_602 : i32 to vector<16xi32>
      %add3A_604 = arith.addi %mul3A_601, %add3A_603 : vector<16xi32>
      %gather3A_605 = tpu.vector_load_idx %arg12[%add3A_604, %and3A] : memref<512x128xf32, #tpu.memory_space<vmem>>[vector<16xi32>, vector<16xi32>], vector<16xf32>,
      %swap3A_606 = arith.constant 18 : i32
      %swap3A_607 = arith.index_cast %swap3A_606 : i32 to index
      %swap3A_608 = arith.constant 0 : index
      %swap3A_609 = tpu.vector_load %arg13[%swap3A_607, %swap3A_608] {strides = array<i32>} : memref<32x16xf32, #tpu.memory_space<vmem>>, vector<16xf32>,
      tpu.vector_store %arg13[%swap3A_607, %swap3A_608], %gather3A_605 {strides = array<i32>} : memref<32x16xf32, #tpu.memory_space<vmem>>, vector<16xf32>,
      %iota3A_610 = tpu.iota {dimensions = array<i32: 0>} : vector<16xi32>
      %mul3A_611 = arith.constant 32 : i32
      %mul3A_612 = vector.broadcast %mul3A_611 : i32 to vector<16xi32>
      %mul3A_613 = arith.muli %iota3A_610, %mul3A_612 : vector<16xi32>
      %add3A_614 = arith.constant 19 : i32
      %add3A_615 = vector.broadcast %add3A_614 : i32 to vector<16xi32>
      %add3A_616 = arith.addi %mul3A_613, %add3A_615 : vector<16xi32>
      %gather3A_617 = tpu.vector_load_idx %arg12[%add3A_616, %and3A] : memref<512x128xf32, #tpu.memory_space<vmem>>[vector<16xi32>, vector<16xi32>], vector<16xf32>,
      %swap3A_618 = arith.constant 19 : i32
      %swap3A_619 = arith.index_cast %swap3A_618 : i32 to index
      %swap3A_620 = arith.constant 0 : index
      %swap3A_621 = tpu.vector_load %arg13[%swap3A_619, %swap3A_620] {strides = array<i32>} : memref<32x16xf32, #tpu.memory_space<vmem>>, vector<16xf32>,
      tpu.vector_store %arg13[%swap3A_619, %swap3A_620], %gather3A_617 {strides = array<i32>} : memref<32x16xf32, #tpu.memory_space<vmem>>, vector<16xf32>,
      %iota3A_622 = tpu.iota {dimensions = array<i32: 0>} : vector<16xi32>
      %mul3A_623 = arith.constant 32 : i32
      %mul3A_624 = vector.broadcast %mul3A_623 : i32 to vector<16xi32>
      %mul3A_625 = arith.muli %iota3A_622, %mul3A_624 : vector<16xi32>
      %add3A_626 = arith.constant 20 : i32
      %add3A_627 = vector.broadcast %add3A_626 : i32 to vector<16xi32>
      %add3A_628 = arith.addi %mul3A_625, %add3A_627 : vector<16xi32>
      %gather3A_629 = tpu.vector_load_idx %arg12[%add3A_628, %and3A] : memref<512x128xf32, #tpu.memory_space<vmem>>[vector<16xi32>, vector<16xi32>], vector<16xf32>,
      %swap3A_630 = arith.constant 20 : i32
      %swap3A_631 = arith.index_cast %swap3A_630 : i32 to index
      %swap3A_632 = arith.constant 0 : index
      %swap3A_633 = tpu.vector_load %arg13[%swap3A_631, %swap3A_632] {strides = array<i32>} : memref<32x16xf32, #tpu.memory_space<vmem>>, vector<16xf32>,
      tpu.vector_store %arg13[%swap3A_631, %swap3A_632], %gather3A_629 {strides = array<i32>} : memref<32x16xf32, #tpu.memory_space<vmem>>, vector<16xf32>,
      %iota3A_634 = tpu.iota {dimensions = array<i32: 0>} : vector<16xi32>
      %mul3A_635 = arith.constant 32 : i32
      %mul3A_636 = vector.broadcast %mul3A_635 : i32 to vector<16xi32>
      %mul3A_637 = arith.muli %iota3A_634, %mul3A_636 : vector<16xi32>
      %add3A_638 = arith.constant 21 : i32
      %add3A_639 = vector.broadcast %add3A_638 : i32 to vector<16xi32>
      %add3A_640 = arith.addi %mul3A_637, %add3A_639 : vector<16xi32>
      %gather3A_641 = tpu.vector_load_idx %arg12[%add3A_640, %and3A] : memref<512x128xf32, #tpu.memory_space<vmem>>[vector<16xi32>, vector<16xi32>], vector<16xf32>,
      %swap3A_642 = arith.constant 21 : i32
      %swap3A_643 = arith.index_cast %swap3A_642 : i32 to index
      %swap3A_644 = arith.constant 0 : index
      %swap3A_645 = tpu.vector_load %arg13[%swap3A_643, %swap3A_644] {strides = array<i32>} : memref<32x16xf32, #tpu.memory_space<vmem>>, vector<16xf32>,
      tpu.vector_store %arg13[%swap3A_643, %swap3A_644], %gather3A_641 {strides = array<i32>} : memref<32x16xf32, #tpu.memory_space<vmem>>, vector<16xf32>,
      %iota3A_646 = tpu.iota {dimensions = array<i32: 0>} : vector<16xi32>
      %mul3A_647 = arith.constant 32 : i32
      %mul3A_648 = vector.broadcast %mul3A_647 : i32 to vector<16xi32>
      %mul3A_649 = arith.muli %iota3A_646, %mul3A_648 : vector<16xi32>
      %add3A_650 = arith.constant 22 : i32
      %add3A_651 = vector.broadcast %add3A_650 : i32 to vector<16xi32>
      %add3A_652 = arith.addi %mul3A_649, %add3A_651 : vector<16xi32>
      %gather3A_653 = tpu.vector_load_idx %arg12[%add3A_652, %and3A] : memref<512x128xf32, #tpu.memory_space<vmem>>[vector<16xi32>, vector<16xi32>], vector<16xf32>,
      %swap3A_654 = arith.constant 22 : i32
      %swap3A_655 = arith.index_cast %swap3A_654 : i32 to index
      %swap3A_656 = arith.constant 0 : index
      %swap3A_657 = tpu.vector_load %arg13[%swap3A_655, %swap3A_656] {strides = array<i32>} : memref<32x16xf32, #tpu.memory_space<vmem>>, vector<16xf32>,
      tpu.vector_store %arg13[%swap3A_655, %swap3A_656], %gather3A_653 {strides = array<i32>} : memref<32x16xf32, #tpu.memory_space<vmem>>, vector<16xf32>,
      %iota3A_658 = tpu.iota {dimensions = array<i32: 0>} : vector<16xi32>
      %mul3A_659 = arith.constant 32 : i32
      %mul3A_660 = vector.broadcast %mul3A_659 : i32 to vector<16xi32>
      %mul3A_661 = arith.muli %iota3A_658, %mul3A_660 : vector<16xi32>
      %add3A_662 = arith.constant 23 : i32
      %add3A_663 = vector.broadcast %add3A_662 : i32 to vector<16xi32>
      %add3A_664 = arith.addi %mul3A_661, %add3A_663 : vector<16xi32>
      %gather3A_665 = tpu.vector_load_idx %arg12[%add3A_664, %and3A] : memref<512x128xf32, #tpu.memory_space<vmem>>[vector<16xi32>, vector<16xi32>], vector<16xf32>,
      %swap3A_666 = arith.constant 23 : i32
      %swap3A_667 = arith.index_cast %swap3A_666 : i32 to index
      %swap3A_668 = arith.constant 0 : index
      %swap3A_669 = tpu.vector_load %arg13[%swap3A_667, %swap3A_668] {strides = array<i32>} : memref<32x16xf32, #tpu.memory_space<vmem>>, vector<16xf32>,
      tpu.vector_store %arg13[%swap3A_667, %swap3A_668], %gather3A_665 {strides = array<i32>} : memref<32x16xf32, #tpu.memory_space<vmem>>, vector<16xf32>,
      %iota3A_670 = tpu.iota {dimensions = array<i32: 0>} : vector<16xi32>
      %mul3A_671 = arith.constant 32 : i32
      %mul3A_672 = vector.broadcast %mul3A_671 : i32 to vector<16xi32>
      %mul3A_673 = arith.muli %iota3A_670, %mul3A_672 : vector<16xi32>
      %add3A_674 = arith.constant 24 : i32
      %add3A_675 = vector.broadcast %add3A_674 : i32 to vector<16xi32>
      %add3A_676 = arith.addi %mul3A_673, %add3A_675 : vector<16xi32>
      %gather3A_677 = tpu.vector_load_idx %arg12[%add3A_676, %and3A] : memref<512x128xf32, #tpu.memory_space<vmem>>[vector<16xi32>, vector<16xi32>], vector<16xf32>,
      %swap3A_678 = arith.constant 24 : i32
      %swap3A_679 = arith.index_cast %swap3A_678 : i32 to index
      %swap3A_680 = arith.constant 0 : index
      %swap3A_681 = tpu.vector_load %arg13[%swap3A_679, %swap3A_680] {strides = array<i32>} : memref<32x16xf32, #tpu.memory_space<vmem>>, vector<16xf32>,
      tpu.vector_store %arg13[%swap3A_679, %swap3A_680], %gather3A_677 {strides = array<i32>} : memref<32x16xf32, #tpu.memory_space<vmem>>, vector<16xf32>,
      %iota3A_682 = tpu.iota {dimensions = array<i32: 0>} : vector<16xi32>
      %mul3A_683 = arith.constant 32 : i32
      %mul3A_684 = vector.broadcast %mul3A_683 : i32 to vector<16xi32>
      %mul3A_685 = arith.muli %iota3A_682, %mul3A_684 : vector<16xi32>
      %add3A_686 = arith.constant 25 : i32
      %add3A_687 = vector.broadcast %add3A_686 : i32 to vector<16xi32>
      %add3A_688 = arith.addi %mul3A_685, %add3A_687 : vector<16xi32>
      %gather3A_689 = tpu.vector_load_idx %arg12[%add3A_688, %and3A] : memref<512x128xf32, #tpu.memory_space<vmem>>[vector<16xi32>, vector<16xi32>], vector<16xf32>,
      %swap3A_690 = arith.constant 25 : i32
      %swap3A_691 = arith.index_cast %swap3A_690 : i32 to index
      %swap3A_692 = arith.constant 0 : index
      %swap3A_693 = tpu.vector_load %arg13[%swap3A_691, %swap3A_692] {strides = array<i32>} : memref<32x16xf32, #tpu.memory_space<vmem>>, vector<16xf32>,
      tpu.vector_store %arg13[%swap3A_691, %swap3A_692], %gather3A_689 {strides = array<i32>} : memref<32x16xf32, #tpu.memory_space<vmem>>, vector<16xf32>,
      %iota3A_694 = tpu.iota {dimensions = array<i32: 0>} : vector<16xi32>
      %mul3A_695 = arith.constant 32 : i32
      %mul3A_696 = vector.broadcast %mul3A_695 : i32 to vector<16xi32>
      %mul3A_697 = arith.muli %iota3A_694, %mul3A_696 : vector<16xi32>
      %add3A_698 = arith.constant 26 : i32
      %add3A_699 = vector.broadcast %add3A_698 : i32 to vector<16xi32>
      %add3A_700 = arith.addi %mul3A_697, %add3A_699 : vector<16xi32>
      %gather3A_701 = tpu.vector_load_idx %arg12[%add3A_700, %and3A] : memref<512x128xf32, #tpu.memory_space<vmem>>[vector<16xi32>, vector<16xi32>], vector<16xf32>,
      %swap3A_702 = arith.constant 26 : i32
      %swap3A_703 = arith.index_cast %swap3A_702 : i32 to index
      %swap3A_704 = arith.constant 0 : index
      %swap3A_705 = tpu.vector_load %arg13[%swap3A_703, %swap3A_704] {strides = array<i32>} : memref<32x16xf32, #tpu.memory_space<vmem>>, vector<16xf32>,
      tpu.vector_store %arg13[%swap3A_703, %swap3A_704], %gather3A_701 {strides = array<i32>} : memref<32x16xf32, #tpu.memory_space<vmem>>, vector<16xf32>,
      %iota3A_706 = tpu.iota {dimensions = array<i32: 0>} : vector<16xi32>
      %mul3A_707 = arith.constant 32 : i32
      %mul3A_708 = vector.broadcast %mul3A_707 : i32 to vector<16xi32>
      %mul3A_709 = arith.muli %iota3A_706, %mul3A_708 : vector<16xi32>
      %add3A_710 = arith.constant 27 : i32
      %add3A_711 = vector.broadcast %add3A_710 : i32 to vector<16xi32>
      %add3A_712 = arith.addi %mul3A_709, %add3A_711 : vector<16xi32>
      %gather3A_713 = tpu.vector_load_idx %arg12[%add3A_712, %and3A] : memref<512x128xf32, #tpu.memory_space<vmem>>[vector<16xi32>, vector<16xi32>], vector<16xf32>,
      %swap3A_714 = arith.constant 27 : i32
      %swap3A_715 = arith.index_cast %swap3A_714 : i32 to index
      %swap3A_716 = arith.constant 0 : index
      %swap3A_717 = tpu.vector_load %arg13[%swap3A_715, %swap3A_716] {strides = array<i32>} : memref<32x16xf32, #tpu.memory_space<vmem>>, vector<16xf32>,
      tpu.vector_store %arg13[%swap3A_715, %swap3A_716], %gather3A_713 {strides = array<i32>} : memref<32x16xf32, #tpu.memory_space<vmem>>, vector<16xf32>,
      %iota3A_718 = tpu.iota {dimensions = array<i32: 0>} : vector<16xi32>
      %mul3A_719 = arith.constant 32 : i32
      %mul3A_720 = vector.broadcast %mul3A_719 : i32 to vector<16xi32>
      %mul3A_721 = arith.muli %iota3A_718, %mul3A_720 : vector<16xi32>
      %add3A_722 = arith.constant 28 : i32
      %add3A_723 = vector.broadcast %add3A_722 : i32 to vector<16xi32>
      %add3A_724 = arith.addi %mul3A_721, %add3A_723 : vector<16xi32>
      %gather3A_725 = tpu.vector_load_idx %arg12[%add3A_724, %and3A] : memref<512x128xf32, #tpu.memory_space<vmem>>[vector<16xi32>, vector<16xi32>], vector<16xf32>,
      %swap3A_726 = arith.constant 28 : i32
      %swap3A_727 = arith.index_cast %swap3A_726 : i32 to index
      %swap3A_728 = arith.constant 0 : index
      %swap3A_729 = tpu.vector_load %arg13[%swap3A_727, %swap3A_728] {strides = array<i32>} : memref<32x16xf32, #tpu.memory_space<vmem>>, vector<16xf32>,
      tpu.vector_store %arg13[%swap3A_727, %swap3A_728], %gather3A_725 {strides = array<i32>} : memref<32x16xf32, #tpu.memory_space<vmem>>, vector<16xf32>,
      %iota3A_730 = tpu.iota {dimensions = array<i32: 0>} : vector<16xi32>
      %mul3A_731 = arith.constant 32 : i32
      %mul3A_732 = vector.broadcast %mul3A_731 : i32 to vector<16xi32>
      %mul3A_733 = arith.muli %iota3A_730, %mul3A_732 : vector<16xi32>
      %add3A_734 = arith.constant 29 : i32
      %add3A_735 = vector.broadcast %add3A_734 : i32 to vector<16xi32>
      %add3A_736 = arith.addi %mul3A_733, %add3A_735 : vector<16xi32>
      %gather3A_737 = tpu.vector_load_idx %arg12[%add3A_736, %and3A] : memref<512x128xf32, #tpu.memory_space<vmem>>[vector<16xi32>, vector<16xi32>], vector<16xf32>,
      %swap3A_738 = arith.constant 29 : i32
      %swap3A_739 = arith.index_cast %swap3A_738 : i32 to index
      %swap3A_740 = arith.constant 0 : index
      %swap3A_741 = tpu.vector_load %arg13[%swap3A_739, %swap3A_740] {strides = array<i32>} : memref<32x16xf32, #tpu.memory_space<vmem>>, vector<16xf32>,
      tpu.vector_store %arg13[%swap3A_739, %swap3A_740], %gather3A_737 {strides = array<i32>} : memref<32x16xf32, #tpu.memory_space<vmem>>, vector<16xf32>,
      %iota3A_742 = tpu.iota {dimensions = array<i32: 0>} : vector<16xi32>
      %mul3A_743 = arith.constant 32 : i32
      %mul3A_744 = vector.broadcast %mul3A_743 : i32 to vector<16xi32>
      %mul3A_745 = arith.muli %iota3A_742, %mul3A_744 : vector<16xi32>
      %add3A_746 = arith.constant 30 : i32
      %add3A_747 = vector.broadcast %add3A_746 : i32 to vector<16xi32>
      %add3A_748 = arith.addi %mul3A_745, %add3A_747 : vector<16xi32>
      %gather3A_749 = tpu.vector_load_idx %arg12[%add3A_748, %and3A] : memref<512x128xf32, #tpu.memory_space<vmem>>[vector<16xi32>, vector<16xi32>], vector<16xf32>,
      %swap3A_750 = arith.constant 30 : i32
      %swap3A_751 = arith.index_cast %swap3A_750 : i32 to index
      %swap3A_752 = arith.constant 0 : index
      %swap3A_753 = tpu.vector_load %arg13[%swap3A_751, %swap3A_752] {strides = array<i32>} : memref<32x16xf32, #tpu.memory_space<vmem>>, vector<16xf32>,
      tpu.vector_store %arg13[%swap3A_751, %swap3A_752], %gather3A_749 {strides = array<i32>} : memref<32x16xf32, #tpu.memory_space<vmem>>, vector<16xf32>,
      %iota3A_754 = tpu.iota {dimensions = array<i32: 0>} : vector<16xi32>
      %mul3A_755 = arith.constant 32 : i32
      %mul3A_756 = vector.broadcast %mul3A_755 : i32 to vector<16xi32>
      %mul3A_757 = arith.muli %iota3A_754, %mul3A_756 : vector<16xi32>
      %add3A_758 = arith.constant 31 : i32
      %add3A_759 = vector.broadcast %add3A_758 : i32 to vector<16xi32>
      %add3A_760 = arith.addi %mul3A_757, %add3A_759 : vector<16xi32>
      %gather3A_761 = tpu.vector_load_idx %arg12[%add3A_760, %and3A] : memref<512x128xf32, #tpu.memory_space<vmem>>[vector<16xi32>, vector<16xi32>], vector<16xf32>,
      %swap3A_762 = arith.constant 31 : i32
      %swap3A_763 = arith.index_cast %swap3A_762 : i32 to index
      %swap3A_764 = arith.constant 0 : index
      %swap3A_765 = tpu.vector_load %arg13[%swap3A_763, %swap3A_764] {strides = array<i32>} : memref<32x16xf32, #tpu.memory_space<vmem>>, vector<16xf32>,
      tpu.vector_store %arg13[%swap3A_763, %swap3A_764], %gather3A_761 {strides = array<i32>} : memref<32x16xf32, #tpu.memory_space<vmem>>, vector<16xf32>,
      %mul3A_766 = arith.constant 16 : i32
      %mul3A_767 = arith.muli %scan3A_8, %mul3A_766 : i32
      %get3A_768 = arith.index_cast %mul3A_767 : i32 to index
      %get3A_769 = tpu.vector_load %arg10[%get3A_768] {strides = array<i32>} : memref<512xi32, #tpu.memory_space<vmem>>, vector<16xi32>,
      %shift_right_arithmetic3A_770 = arith.constant 7 : i32
      %shift_right_arithmetic3A_771 = vector.broadcast %shift_right_arithmetic3A_770 : i32 to vector<16xi32>
      %shift_right_arithmetic3A_772 = arith.shrsi %get3A_769, %shift_right_arithmetic3A_771 : vector<16xi32>
      %mul3A_773 = arith.constant 128 : i32
      %mul3A_774 = vector.broadcast %mul3A_773 : i32 to vector<16xi32>
      %mul3A_775 = arith.muli %shift_right_arithmetic3A_772, %mul3A_774 : vector<16xi32>
      %slice3A_776 = vector.extract_strided_slice %mul3A_775 {offsets = [0], sizes = [1], strides = [1]} : vector<16xi32> to vector<1xi32>
      %squeeze3A_777 = vector.extract %slice3A_776[0] : i32 from vector<1xi32>
      %multiple_of3A_778 = tpu.assume_multiple %squeeze3A_777, 128 : i32
      %dma_start3A_779 = arith.constant 0 : i32
      %dma_start3A_780 = arith.constant 0 : i32
      %dma_start3A_781 = tpu.memref_slice %arg12[%dma_start3A_779, %dma_start3A_780] : memref<512x128xf32, #tpu.memory_space<vmem>> -> memref<32x128xf32, #tpu.memory_space<vmem>>
      %dma_start3A_782 = arith.constant 0 : i32
      %dma_start3A_783 = tpu.memref_slice %arg6[%dma_start3A_782, %multiple_of3A_778] : memref<32x1000064xf32, #tpu.memory_space<hbm>> -> memref<32x128xf32, #tpu.memory_space<hbm>>
      %dma_start3A_784 = arith.constant 0 : i32
      %dma_start3A_785 = arith.constant 0 : i32
      %dma_start3A_786 = tpu.memref_slice %arg12[%dma_start3A_784, %dma_start3A_785] : memref<512x128xf32, #tpu.memory_space<vmem>> -> memref<32x128xf32, #tpu.memory_space<vmem>>
      %dma_start3A_787 = arith.constant 0 : i32
      %dma_start3A_788 = tpu.memref_slice %arg6[%dma_start3A_787, %multiple_of3A_778] : memref<32x1000064xf32, #tpu.memory_space<hbm>> -> memref<32x128xf32, #tpu.memory_space<hbm>>
      tpu.enqueue_dma source(%dma_start3A_788 : memref<32x128xf32, #tpu.memory_space<hbm>>) target(%dma_start3A_786 : memref<32x128xf32, #tpu.memory_space<vmem>>) target_semaphore(%arg18 : memref<!tpu.dma_semaphore, #tpu.memory_space<semaphore_mem>>)
      %slice3A_789 = vector.extract_strided_slice %mul3A_775 {offsets = [1], sizes = [1], strides = [1]} : vector<16xi32> to vector<1xi32>
      %squeeze3A_790 = vector.extract %slice3A_789[0] : i32 from vector<1xi32>
      %multiple_of3A_791 = tpu.assume_multiple %squeeze3A_790, 128 : i32
      %dma_start3A_792 = arith.constant 32 : i32
      %dma_start3A_793 = arith.constant 0 : i32
      %dma_start3A_794 = tpu.memref_slice %arg12[%dma_start3A_792, %dma_start3A_793] : memref<512x128xf32, #tpu.memory_space<vmem>> -> memref<32x128xf32, #tpu.memory_space<vmem>>
      %dma_start3A_795 = arith.constant 0 : i32
      %dma_start3A_796 = tpu.memref_slice %arg6[%dma_start3A_795, %multiple_of3A_791] : memref<32x1000064xf32, #tpu.memory_space<hbm>> -> memref<32x128xf32, #tpu.memory_space<hbm>>
      %dma_start3A_797 = arith.constant 32 : i32
      %dma_start3A_798 = arith.constant 0 : i32
      %dma_start3A_799 = tpu.memref_slice %arg12[%dma_start3A_797, %dma_start3A_798] : memref<512x128xf32, #tpu.memory_space<vmem>> -> memref<32x128xf32, #tpu.memory_space<vmem>>
      %dma_start3A_800 = arith.constant 0 : i32
      %dma_start3A_801 = tpu.memref_slice %arg6[%dma_start3A_800, %multiple_of3A_791] : memref<32x1000064xf32, #tpu.memory_space<hbm>> -> memref<32x128xf32, #tpu.memory_space<hbm>>
      tpu.enqueue_dma source(%dma_start3A_801 : memref<32x128xf32, #tpu.memory_space<hbm>>) target(%dma_start3A_799 : memref<32x128xf32, #tpu.memory_space<vmem>>) target_semaphore(%arg18 : memref<!tpu.dma_semaphore, #tpu.memory_space<semaphore_mem>>)
      %slice3A_802 = vector.extract_strided_slice %mul3A_775 {offsets = [2], sizes = [1], strides = [1]} : vector<16xi32> to vector<1xi32>
      %squeeze3A_803 = vector.extract %slice3A_802[0] : i32 from vector<1xi32>
      %multiple_of3A_804 = tpu.assume_multiple %squeeze3A_803, 128 : i32
      %dma_start3A_805 = arith.constant 64 : i32
      %dma_start3A_806 = arith.constant 0 : i32
      %dma_start3A_807 = tpu.memref_slice %arg12[%dma_start3A_805, %dma_start3A_806] : memref<512x128xf32, #tpu.memory_space<vmem>> -> memref<32x128xf32, #tpu.memory_space<vmem>>
      %dma_start3A_808 = arith.constant 0 : i32
      %dma_start3A_809 = tpu.memref_slice %arg6[%dma_start3A_808, %multiple_of3A_804] : memref<32x1000064xf32, #tpu.memory_space<hbm>> -> memref<32x128xf32, #tpu.memory_space<hbm>>
      %dma_start3A_810 = arith.constant 64 : i32
      %dma_start3A_811 = arith.constant 0 : i32
      %dma_start3A_812 = tpu.memref_slice %arg12[%dma_start3A_810, %dma_start3A_811] : memref<512x128xf32, #tpu.memory_space<vmem>> -> memref<32x128xf32, #tpu.memory_space<vmem>>
      %dma_start3A_813 = arith.constant 0 : i32
      %dma_start3A_814 = tpu.memref_slice %arg6[%dma_start3A_813, %multiple_of3A_804] : memref<32x1000064xf32, #tpu.memory_space<hbm>> -> memref<32x128xf32, #tpu.memory_space<hbm>>
      tpu.enqueue_dma source(%dma_start3A_814 : memref<32x128xf32, #tpu.memory_space<hbm>>) target(%dma_start3A_812 : memref<32x128xf32, #tpu.memory_space<vmem>>) target_semaphore(%arg18 : memref<!tpu.dma_semaphore, #tpu.memory_space<semaphore_mem>>)
      %slice3A_815 = vector.extract_strided_slice %mul3A_775 {offsets = [3], sizes = [1], strides = [1]} : vector<16xi32> to vector<1xi32>
      %squeeze3A_816 = vector.extract %slice3A_815[0] : i32 from vector<1xi32>
      %multiple_of3A_817 = tpu.assume_multiple %squeeze3A_816, 128 : i32
      %dma_start3A_818 = arith.constant 96 : i32
      %dma_start3A_819 = arith.constant 0 : i32
      %dma_start3A_820 = tpu.memref_slice %arg12[%dma_start3A_818, %dma_start3A_819] : memref<512x128xf32, #tpu.memory_space<vmem>> -> memref<32x128xf32, #tpu.memory_space<vmem>>
      %dma_start3A_821 = arith.constant 0 : i32
      %dma_start3A_822 = tpu.memref_slice %arg6[%dma_start3A_821, %multiple_of3A_817] : memref<32x1000064xf32, #tpu.memory_space<hbm>> -> memref<32x128xf32, #tpu.memory_space<hbm>>
      %dma_start3A_823 = arith.constant 96 : i32
      %dma_start3A_824 = arith.constant 0 : i32
      %dma_start3A_825 = tpu.memref_slice %arg12[%dma_start3A_823, %dma_start3A_824] : memref<512x128xf32, #tpu.memory_space<vmem>> -> memref<32x128xf32, #tpu.memory_space<vmem>>
      %dma_start3A_826 = arith.constant 0 : i32
      %dma_start3A_827 = tpu.memref_slice %arg6[%dma_start3A_826, %multiple_of3A_817] : memref<32x1000064xf32, #tpu.memory_space<hbm>> -> memref<32x128xf32, #tpu.memory_space<hbm>>
      tpu.enqueue_dma source(%dma_start3A_827 : memref<32x128xf32, #tpu.memory_space<hbm>>) target(%dma_start3A_825 : memref<32x128xf32, #tpu.memory_space<vmem>>) target_semaphore(%arg18 : memref<!tpu.dma_semaphore, #tpu.memory_space<semaphore_mem>>)
      %slice3A_828 = vector.extract_strided_slice %mul3A_775 {offsets = [4], sizes = [1], strides = [1]} : vector<16xi32> to vector<1xi32>
      %squeeze3A_829 = vector.extract %slice3A_828[0] : i32 from vector<1xi32>
      %multiple_of3A_830 = tpu.assume_multiple %squeeze3A_829, 128 : i32
      %dma_start3A_831 = arith.constant 128 : i32
      %dma_start3A_832 = arith.constant 0 : i32
      %dma_start3A_833 = tpu.memref_slice %arg12[%dma_start3A_831, %dma_start3A_832] : memref<512x128xf32, #tpu.memory_space<vmem>> -> memref<32x128xf32, #tpu.memory_space<vmem>>
      %dma_start3A_834 = arith.constant 0 : i32
      %dma_start3A_835 = tpu.memref_slice %arg6[%dma_start3A_834, %multiple_of3A_830] : memref<32x1000064xf32, #tpu.memory_space<hbm>> -> memref<32x128xf32, #tpu.memory_space<hbm>>
      %dma_start3A_836 = arith.constant 128 : i32
      %dma_start3A_837 = arith.constant 0 : i32
      %dma_start3A_838 = tpu.memref_slice %arg12[%dma_start3A_836, %dma_start3A_837] : memref<512x128xf32, #tpu.memory_space<vmem>> -> memref<32x128xf32, #tpu.memory_space<vmem>>
      %dma_start3A_839 = arith.constant 0 : i32
      %dma_start3A_840 = tpu.memref_slice %arg6[%dma_start3A_839, %multiple_of3A_830] : memref<32x1000064xf32, #tpu.memory_space<hbm>> -> memref<32x128xf32, #tpu.memory_space<hbm>>
      tpu.enqueue_dma source(%dma_start3A_840 : memref<32x128xf32, #tpu.memory_space<hbm>>) target(%dma_start3A_838 : memref<32x128xf32, #tpu.memory_space<vmem>>) target_semaphore(%arg18 : memref<!tpu.dma_semaphore, #tpu.memory_space<semaphore_mem>>)
      %slice3A_841 = vector.extract_strided_slice %mul3A_775 {offsets = [5], sizes = [1], strides = [1]} : vector<16xi32> to vector<1xi32>
      %squeeze3A_842 = vector.extract %slice3A_841[0] : i32 from vector<1xi32>
      %multiple_of3A_843 = tpu.assume_multiple %squeeze3A_842, 128 : i32
      %dma_start3A_844 = arith.constant 160 : i32
      %dma_start3A_845 = arith.constant 0 : i32
      %dma_start3A_846 = tpu.memref_slice %arg12[%dma_start3A_844, %dma_start3A_845] : memref<512x128xf32, #tpu.memory_space<vmem>> -> memref<32x128xf32, #tpu.memory_space<vmem>>
      %dma_start3A_847 = arith.constant 0 : i32
      %dma_start3A_848 = tpu.memref_slice %arg6[%dma_start3A_847, %multiple_of3A_843] : memref<32x1000064xf32, #tpu.memory_space<hbm>> -> memref<32x128xf32, #tpu.memory_space<hbm>>
      %dma_start3A_849 = arith.constant 160 : i32
      %dma_start3A_850 = arith.constant 0 : i32
      %dma_start3A_851 = tpu.memref_slice %arg12[%dma_start3A_849, %dma_start3A_850] : memref<512x128xf32, #tpu.memory_space<vmem>> -> memref<32x128xf32, #tpu.memory_space<vmem>>
      %dma_start3A_852 = arith.constant 0 : i32
      %dma_start3A_853 = tpu.memref_slice %arg6[%dma_start3A_852, %multiple_of3A_843] : memref<32x1000064xf32, #tpu.memory_space<hbm>> -> memref<32x128xf32, #tpu.memory_space<hbm>>
      tpu.enqueue_dma source(%dma_start3A_853 : memref<32x128xf32, #tpu.memory_space<hbm>>) target(%dma_start3A_851 : memref<32x128xf32, #tpu.memory_space<vmem>>) target_semaphore(%arg18 : memref<!tpu.dma_semaphore, #tpu.memory_space<semaphore_mem>>)
      %slice3A_854 = vector.extract_strided_slice %mul3A_775 {offsets = [6], sizes = [1], strides = [1]} : vector<16xi32> to vector<1xi32>
      %squeeze3A_855 = vector.extract %slice3A_854[0] : i32 from vector<1xi32>
      %multiple_of3A_856 = tpu.assume_multiple %squeeze3A_855, 128 : i32
      %dma_start3A_857 = arith.constant 192 : i32
      %dma_start3A_858 = arith.constant 0 : i32
      %dma_start3A_859 = tpu.memref_slice %arg12[%dma_start3A_857, %dma_start3A_858] : memref<512x128xf32, #tpu.memory_space<vmem>> -> memref<32x128xf32, #tpu.memory_space<vmem>>
      %dma_start3A_860 = arith.constant 0 : i32
      %dma_start3A_861 = tpu.memref_slice %arg6[%dma_start3A_860, %multiple_of3A_856] : memref<32x1000064xf32, #tpu.memory_space<hbm>> -> memref<32x128xf32, #tpu.memory_space<hbm>>
      %dma_start3A_862 = arith.constant 192 : i32
      %dma_start3A_863 = arith.constant 0 : i32
      %dma_start3A_864 = tpu.memref_slice %arg12[%dma_start3A_862, %dma_start3A_863] : memref<512x128xf32, #tpu.memory_space<vmem>> -> memref<32x128xf32, #tpu.memory_space<vmem>>
      %dma_start3A_865 = arith.constant 0 : i32
      %dma_start3A_866 = tpu.memref_slice %arg6[%dma_start3A_865, %multiple_of3A_856] : memref<32x1000064xf32, #tpu.memory_space<hbm>> -> memref<32x128xf32, #tpu.memory_space<hbm>>
      tpu.enqueue_dma source(%dma_start3A_866 : memref<32x128xf32, #tpu.memory_space<hbm>>) target(%dma_start3A_864 : memref<32x128xf32, #tpu.memory_space<vmem>>) target_semaphore(%arg18 : memref<!tpu.dma_semaphore, #tpu.memory_space<semaphore_mem>>)
      %slice3A_867 = vector.extract_strided_slice %mul3A_775 {offsets = [7], sizes = [1], strides = [1]} : vector<16xi32> to vector<1xi32>
      %squeeze3A_868 = vector.extract %slice3A_867[0] : i32 from vector<1xi32>
      %multiple_of3A_869 = tpu.assume_multiple %squeeze3A_868, 128 : i32
      %dma_start3A_870 = arith.constant 224 : i32
      %dma_start3A_871 = arith.constant 0 : i32
      %dma_start3A_872 = tpu.memref_slice %arg12[%dma_start3A_870, %dma_start3A_871] : memref<512x128xf32, #tpu.memory_space<vmem>> -> memref<32x128xf32, #tpu.memory_space<vmem>>
      %dma_start3A_873 = arith.constant 0 : i32
      %dma_start3A_874 = tpu.memref_slice %arg6[%dma_start3A_873, %multiple_of3A_869] : memref<32x1000064xf32, #tpu.memory_space<hbm>> -> memref<32x128xf32, #tpu.memory_space<hbm>>
      %dma_start3A_875 = arith.constant 224 : i32
      %dma_start3A_876 = arith.constant 0 : i32
      %dma_start3A_877 = tpu.memref_slice %arg12[%dma_start3A_875, %dma_start3A_876] : memref<512x128xf32, #tpu.memory_space<vmem>> -> memref<32x128xf32, #tpu.memory_space<vmem>>
      %dma_start3A_878 = arith.constant 0 : i32
      %dma_start3A_879 = tpu.memref_slice %arg6[%dma_start3A_878, %multiple_of3A_869] : memref<32x1000064xf32, #tpu.memory_space<hbm>> -> memref<32x128xf32, #tpu.memory_space<hbm>>
      tpu.enqueue_dma source(%dma_start3A_879 : memref<32x128xf32, #tpu.memory_space<hbm>>) target(%dma_start3A_877 : memref<32x128xf32, #tpu.memory_space<vmem>>) target_semaphore(%arg18 : memref<!tpu.dma_semaphore, #tpu.memory_space<semaphore_mem>>)
      %slice3A_880 = vector.extract_strided_slice %mul3A_775 {offsets = [8], sizes = [1], strides = [1]} : vector<16xi32> to vector<1xi32>
      %squeeze3A_881 = vector.extract %slice3A_880[0] : i32 from vector<1xi32>
      %multiple_of3A_882 = tpu.assume_multiple %squeeze3A_881, 128 : i32
      %dma_start3A_883 = arith.constant 256 : i32
      %dma_start3A_884 = arith.constant 0 : i32
      %dma_start3A_885 = tpu.memref_slice %arg12[%dma_start3A_883, %dma_start3A_884] : memref<512x128xf32, #tpu.memory_space<vmem>> -> memref<32x128xf32, #tpu.memory_space<vmem>>
      %dma_start3A_886 = arith.constant 0 : i32
      %dma_start3A_887 = tpu.memref_slice %arg6[%dma_start3A_886, %multiple_of3A_882] : memref<32x1000064xf32, #tpu.memory_space<hbm>> -> memref<32x128xf32, #tpu.memory_space<hbm>>
      %dma_start3A_888 = arith.constant 256 : i32
      %dma_start3A_889 = arith.constant 0 : i32
      %dma_start3A_890 = tpu.memref_slice %arg12[%dma_start3A_888, %dma_start3A_889] : memref<512x128xf32, #tpu.memory_space<vmem>> -> memref<32x128xf32, #tpu.memory_space<vmem>>
      %dma_start3A_891 = arith.constant 0 : i32
      %dma_start3A_892 = tpu.memref_slice %arg6[%dma_start3A_891, %multiple_of3A_882] : memref<32x1000064xf32, #tpu.memory_space<hbm>> -> memref<32x128xf32, #tpu.memory_space<hbm>>
      tpu.enqueue_dma source(%dma_start3A_892 : memref<32x128xf32, #tpu.memory_space<hbm>>) target(%dma_start3A_890 : memref<32x128xf32, #tpu.memory_space<vmem>>) target_semaphore(%arg18 : memref<!tpu.dma_semaphore, #tpu.memory_space<semaphore_mem>>)
      %slice3A_893 = vector.extract_strided_slice %mul3A_775 {offsets = [9], sizes = [1], strides = [1]} : vector<16xi32> to vector<1xi32>
      %squeeze3A_894 = vector.extract %slice3A_893[0] : i32 from vector<1xi32>
      %multiple_of3A_895 = tpu.assume_multiple %squeeze3A_894, 128 : i32
      %dma_start3A_896 = arith.constant 288 : i32
      %dma_start3A_897 = arith.constant 0 : i32
      %dma_start3A_898 = tpu.memref_slice %arg12[%dma_start3A_896, %dma_start3A_897] : memref<512x128xf32, #tpu.memory_space<vmem>> -> memref<32x128xf32, #tpu.memory_space<vmem>>
      %dma_start3A_899 = arith.constant 0 : i32
      %dma_start3A_900 = tpu.memref_slice %arg6[%dma_start3A_899, %multiple_of3A_895] : memref<32x1000064xf32, #tpu.memory_space<hbm>> -> memref<32x128xf32, #tpu.memory_space<hbm>>
      %dma_start3A_901 = arith.constant 288 : i32
      %dma_start3A_902 = arith.constant 0 : i32
      %dma_start3A_903 = tpu.memref_slice %arg12[%dma_start3A_901, %dma_start3A_902] : memref<512x128xf32, #tpu.memory_space<vmem>> -> memref<32x128xf32, #tpu.memory_space<vmem>>
      %dma_start3A_904 = arith.constant 0 : i32
      %dma_start3A_905 = tpu.memref_slice %arg6[%dma_start3A_904, %multiple_of3A_895] : memref<32x1000064xf32, #tpu.memory_space<hbm>> -> memref<32x128xf32, #tpu.memory_space<hbm>>
      tpu.enqueue_dma source(%dma_start3A_905 : memref<32x128xf32, #tpu.memory_space<hbm>>) target(%dma_start3A_903 : memref<32x128xf32, #tpu.memory_space<vmem>>) target_semaphore(%arg18 : memref<!tpu.dma_semaphore, #tpu.memory_space<semaphore_mem>>)
      %slice3A_906 = vector.extract_strided_slice %mul3A_775 {offsets = [10], sizes = [1], strides = [1]} : vector<16xi32> to vector<1xi32>
      %squeeze3A_907 = vector.extract %slice3A_906[0] : i32 from vector<1xi32>
      %multiple_of3A_908 = tpu.assume_multiple %squeeze3A_907, 128 : i32
      %dma_start3A_909 = arith.constant 320 : i32
      %dma_start3A_910 = arith.constant 0 : i32
      %dma_start3A_911 = tpu.memref_slice %arg12[%dma_start3A_909, %dma_start3A_910] : memref<512x128xf32, #tpu.memory_space<vmem>> -> memref<32x128xf32, #tpu.memory_space<vmem>>
      %dma_start3A_912 = arith.constant 0 : i32
      %dma_start3A_913 = tpu.memref_slice %arg6[%dma_start3A_912, %multiple_of3A_908] : memref<32x1000064xf32, #tpu.memory_space<hbm>> -> memref<32x128xf32, #tpu.memory_space<hbm>>
      %dma_start3A_914 = arith.constant 320 : i32
      %dma_start3A_915 = arith.constant 0 : i32
      %dma_start3A_916 = tpu.memref_slice %arg12[%dma_start3A_914, %dma_start3A_915] : memref<512x128xf32, #tpu.memory_space<vmem>> -> memref<32x128xf32, #tpu.memory_space<vmem>>
      %dma_start3A_917 = arith.constant 0 : i32
      %dma_start3A_918 = tpu.memref_slice %arg6[%dma_start3A_917, %multiple_of3A_908] : memref<32x1000064xf32, #tpu.memory_space<hbm>> -> memref<32x128xf32, #tpu.memory_space<hbm>>
      tpu.enqueue_dma source(%dma_start3A_918 : memref<32x128xf32, #tpu.memory_space<hbm>>) target(%dma_start3A_916 : memref<32x128xf32, #tpu.memory_space<vmem>>) target_semaphore(%arg18 : memref<!tpu.dma_semaphore, #tpu.memory_space<semaphore_mem>>)
      %slice3A_919 = vector.extract_strided_slice %mul3A_775 {offsets = [11], sizes = [1], strides = [1]} : vector<16xi32> to vector<1xi32>
      %squeeze3A_920 = vector.extract %slice3A_919[0] : i32 from vector<1xi32>
      %multiple_of3A_921 = tpu.assume_multiple %squeeze3A_920, 128 : i32
      %dma_start3A_922 = arith.constant 352 : i32
      %dma_start3A_923 = arith.constant 0 : i32
      %dma_start3A_924 = tpu.memref_slice %arg12[%dma_start3A_922, %dma_start3A_923] : memref<512x128xf32, #tpu.memory_space<vmem>> -> memref<32x128xf32, #tpu.memory_space<vmem>>
      %dma_start3A_925 = arith.constant 0 : i32
      %dma_start3A_926 = tpu.memref_slice %arg6[%dma_start3A_925, %multiple_of3A_921] : memref<32x1000064xf32, #tpu.memory_space<hbm>> -> memref<32x128xf32, #tpu.memory_space<hbm>>
      %dma_start3A_927 = arith.constant 352 : i32
      %dma_start3A_928 = arith.constant 0 : i32
      %dma_start3A_929 = tpu.memref_slice %arg12[%dma_start3A_927, %dma_start3A_928] : memref<512x128xf32, #tpu.memory_space<vmem>> -> memref<32x128xf32, #tpu.memory_space<vmem>>
      %dma_start3A_930 = arith.constant 0 : i32
      %dma_start3A_931 = tpu.memref_slice %arg6[%dma_start3A_930, %multiple_of3A_921] : memref<32x1000064xf32, #tpu.memory_space<hbm>> -> memref<32x128xf32, #tpu.memory_space<hbm>>
      tpu.enqueue_dma source(%dma_start3A_931 : memref<32x128xf32, #tpu.memory_space<hbm>>) target(%dma_start3A_929 : memref<32x128xf32, #tpu.memory_space<vmem>>) target_semaphore(%arg18 : memref<!tpu.dma_semaphore, #tpu.memory_space<semaphore_mem>>)
      %slice3A_932 = vector.extract_strided_slice %mul3A_775 {offsets = [12], sizes = [1], strides = [1]} : vector<16xi32> to vector<1xi32>
      %squeeze3A_933 = vector.extract %slice3A_932[0] : i32 from vector<1xi32>
      %multiple_of3A_934 = tpu.assume_multiple %squeeze3A_933, 128 : i32
      %dma_start3A_935 = arith.constant 384 : i32
      %dma_start3A_936 = arith.constant 0 : i32
      %dma_start3A_937 = tpu.memref_slice %arg12[%dma_start3A_935, %dma_start3A_936] : memref<512x128xf32, #tpu.memory_space<vmem>> -> memref<32x128xf32, #tpu.memory_space<vmem>>
      %dma_start3A_938 = arith.constant 0 : i32
      %dma_start3A_939 = tpu.memref_slice %arg6[%dma_start3A_938, %multiple_of3A_934] : memref<32x1000064xf32, #tpu.memory_space<hbm>> -> memref<32x128xf32, #tpu.memory_space<hbm>>
      %dma_start3A_940 = arith.constant 384 : i32
      %dma_start3A_941 = arith.constant 0 : i32
      %dma_start3A_942 = tpu.memref_slice %arg12[%dma_start3A_940, %dma_start3A_941] : memref<512x128xf32, #tpu.memory_space<vmem>> -> memref<32x128xf32, #tpu.memory_space<vmem>>
      %dma_start3A_943 = arith.constant 0 : i32
      %dma_start3A_944 = tpu.memref_slice %arg6[%dma_start3A_943, %multiple_of3A_934] : memref<32x1000064xf32, #tpu.memory_space<hbm>> -> memref<32x128xf32, #tpu.memory_space<hbm>>
      tpu.enqueue_dma source(%dma_start3A_944 : memref<32x128xf32, #tpu.memory_space<hbm>>) target(%dma_start3A_942 : memref<32x128xf32, #tpu.memory_space<vmem>>) target_semaphore(%arg18 : memref<!tpu.dma_semaphore, #tpu.memory_space<semaphore_mem>>)
      %slice3A_945 = vector.extract_strided_slice %mul3A_775 {offsets = [13], sizes = [1], strides = [1]} : vector<16xi32> to vector<1xi32>
      %squeeze3A_946 = vector.extract %slice3A_945[0] : i32 from vector<1xi32>
      %multiple_of3A_947 = tpu.assume_multiple %squeeze3A_946, 128 : i32
      %dma_start3A_948 = arith.constant 416 : i32
      %dma_start3A_949 = arith.constant 0 : i32
      %dma_start3A_950 = tpu.memref_slice %arg12[%dma_start3A_948, %dma_start3A_949] : memref<512x128xf32, #tpu.memory_space<vmem>> -> memref<32x128xf32, #tpu.memory_space<vmem>>
      %dma_start3A_951 = arith.constant 0 : i32
      %dma_start3A_952 = tpu.memref_slice %arg6[%dma_start3A_951, %multiple_of3A_947] : memref<32x1000064xf32, #tpu.memory_space<hbm>> -> memref<32x128xf32, #tpu.memory_space<hbm>>
      %dma_start3A_953 = arith.constant 416 : i32
      %dma_start3A_954 = arith.constant 0 : i32
      %dma_start3A_955 = tpu.memref_slice %arg12[%dma_start3A_953, %dma_start3A_954] : memref<512x128xf32, #tpu.memory_space<vmem>> -> memref<32x128xf32, #tpu.memory_space<vmem>>
      %dma_start3A_956 = arith.constant 0 : i32
      %dma_start3A_957 = tpu.memref_slice %arg6[%dma_start3A_956, %multiple_of3A_947] : memref<32x1000064xf32, #tpu.memory_space<hbm>> -> memref<32x128xf32, #tpu.memory_space<hbm>>
      tpu.enqueue_dma source(%dma_start3A_957 : memref<32x128xf32, #tpu.memory_space<hbm>>) target(%dma_start3A_955 : memref<32x128xf32, #tpu.memory_space<vmem>>) target_semaphore(%arg18 : memref<!tpu.dma_semaphore, #tpu.memory_space<semaphore_mem>>)
      %slice3A_958 = vector.extract_strided_slice %mul3A_775 {offsets = [14], sizes = [1], strides = [1]} : vector<16xi32> to vector<1xi32>
      %squeeze3A_959 = vector.extract %slice3A_958[0] : i32 from vector<1xi32>
      %multiple_of3A_960 = tpu.assume_multiple %squeeze3A_959, 128 : i32
      %dma_start3A_961 = arith.constant 448 : i32
      %dma_start3A_962 = arith.constant 0 : i32
      %dma_start3A_963 = tpu.memref_slice %arg12[%dma_start3A_961, %dma_start3A_962] : memref<512x128xf32, #tpu.memory_space<vmem>> -> memref<32x128xf32, #tpu.memory_space<vmem>>
      %dma_start3A_964 = arith.constant 0 : i32
      %dma_start3A_965 = tpu.memref_slice %arg6[%dma_start3A_964, %multiple_of3A_960] : memref<32x1000064xf32, #tpu.memory_space<hbm>> -> memref<32x128xf32, #tpu.memory_space<hbm>>
      %dma_start3A_966 = arith.constant 448 : i32
      %dma_start3A_967 = arith.constant 0 : i32
      %dma_start3A_968 = tpu.memref_slice %arg12[%dma_start3A_966, %dma_start3A_967] : memref<512x128xf32, #tpu.memory_space<vmem>> -> memref<32x128xf32, #tpu.memory_space<vmem>>
      %dma_start3A_969 = arith.constant 0 : i32
      %dma_start3A_970 = tpu.memref_slice %arg6[%dma_start3A_969, %multiple_of3A_960] : memref<32x1000064xf32, #tpu.memory_space<hbm>> -> memref<32x128xf32, #tpu.memory_space<hbm>>
      tpu.enqueue_dma source(%dma_start3A_970 : memref<32x128xf32, #tpu.memory_space<hbm>>) target(%dma_start3A_968 : memref<32x128xf32, #tpu.memory_space<vmem>>) target_semaphore(%arg18 : memref<!tpu.dma_semaphore, #tpu.memory_space<semaphore_mem>>)
      %slice3A_971 = vector.extract_strided_slice %mul3A_775 {offsets = [15], sizes = [1], strides = [1]} : vector<16xi32> to vector<1xi32>
      %squeeze3A_972 = vector.extract %slice3A_971[0] : i32 from vector<1xi32>
      %multiple_of3A_973 = tpu.assume_multiple %squeeze3A_972, 128 : i32
      %dma_start3A_974 = arith.constant 480 : i32
      %dma_start3A_975 = arith.constant 0 : i32
      %dma_start3A_976 = tpu.memref_slice %arg12[%dma_start3A_974, %dma_start3A_975] : memref<512x128xf32, #tpu.memory_space<vmem>> -> memref<32x128xf32, #tpu.memory_space<vmem>>
      %dma_start3A_977 = arith.constant 0 : i32
      %dma_start3A_978 = tpu.memref_slice %arg6[%dma_start3A_977, %multiple_of3A_973] : memref<32x1000064xf32, #tpu.memory_space<hbm>> -> memref<32x128xf32, #tpu.memory_space<hbm>>
      %dma_start3A_979 = arith.constant 480 : i32
      %dma_start3A_980 = arith.constant 0 : i32
      %dma_start3A_981 = tpu.memref_slice %arg12[%dma_start3A_979, %dma_start3A_980] : memref<512x128xf32, #tpu.memory_space<vmem>> -> memref<32x128xf32, #tpu.memory_space<vmem>>
      %dma_start3A_982 = arith.constant 0 : i32
      %dma_start3A_983 = tpu.memref_slice %arg6[%dma_start3A_982, %multiple_of3A_973] : memref<32x1000064xf32, #tpu.memory_space<hbm>> -> memref<32x128xf32, #tpu.memory_space<hbm>>
      tpu.enqueue_dma source(%dma_start3A_983 : memref<32x128xf32, #tpu.memory_space<hbm>>) target(%dma_start3A_981 : memref<32x128xf32, #tpu.memory_space<vmem>>) target_semaphore(%arg18 : memref<!tpu.dma_semaphore, #tpu.memory_space<semaphore_mem>>)
      %dma_wait3A_984 = arith.constant 0 : i32
      %dma_wait3A_985 = arith.constant 0 : i32
      %dma_wait3A_986 = tpu.memref_slice %arg12[%dma_wait3A_984, %dma_wait3A_985] : memref<512x128xf32, #tpu.memory_space<vmem>> -> memref<32x128xf32, #tpu.memory_space<vmem>>
      %dma_wait3A_987 = arith.constant 0 : i32
      %dma_wait3A_988 = tpu.memref_slice %arg6[%dma_wait3A_987, %multiple_of3A_778] : memref<32x1000064xf32, #tpu.memory_space<hbm>> -> memref<32x128xf32, #tpu.memory_space<hbm>>
      %dma_wait3A_989 = arith.constant 0 : i32
      %dma_wait3A_990 = arith.constant 0 : i32
      %dma_wait3A_991 = tpu.memref_slice %arg12[%dma_wait3A_989, %dma_wait3A_990] : memref<512x128xf32, #tpu.memory_space<vmem>> -> memref<32x128xf32, #tpu.memory_space<vmem>>
      %dma_wait3A_992 = arith.constant 0 : i32
      %dma_wait3A_993 = tpu.memref_slice %arg6[%dma_wait3A_992, %multiple_of3A_778] : memref<32x1000064xf32, #tpu.memory_space<hbm>> -> memref<32x128xf32, #tpu.memory_space<hbm>>
      tpu.wait_dma2 semaphore(%arg18 : memref<!tpu.dma_semaphore, #tpu.memory_space<semaphore_mem>>) src(%dma_wait3A_993 : memref<32x128xf32, #tpu.memory_space<hbm>>) dst(%dma_wait3A_991 : memref<32x128xf32, #tpu.memory_space<vmem>>)
      %dma_wait3A_994 = arith.constant 32 : i32
      %dma_wait3A_995 = arith.constant 0 : i32
      %dma_wait3A_996 = tpu.memref_slice %arg12[%dma_wait3A_994, %dma_wait3A_995] : memref<512x128xf32, #tpu.memory_space<vmem>> -> memref<32x128xf32, #tpu.memory_space<vmem>>
      %dma_wait3A_997 = arith.constant 0 : i32
      %dma_wait3A_998 = tpu.memref_slice %arg6[%dma_wait3A_997, %multiple_of3A_791] : memref<32x1000064xf32, #tpu.memory_space<hbm>> -> memref<32x128xf32, #tpu.memory_space<hbm>>
      %dma_wait3A_999 = arith.constant 32 : i32
      %dma_wait3A_1000 = arith.constant 0 : i32
      %dma_wait3A_1001 = tpu.memref_slice %arg12[%dma_wait3A_999, %dma_wait3A_1000] : memref<512x128xf32, #tpu.memory_space<vmem>> -> memref<32x128xf32, #tpu.memory_space<vmem>>
      %dma_wait3A_1002 = arith.constant 0 : i32
      %dma_wait3A_1003 = tpu.memref_slice %arg6[%dma_wait3A_1002, %multiple_of3A_791] : memref<32x1000064xf32, #tpu.memory_space<hbm>> -> memref<32x128xf32, #tpu.memory_space<hbm>>
      tpu.wait_dma2 semaphore(%arg18 : memref<!tpu.dma_semaphore, #tpu.memory_space<semaphore_mem>>) src(%dma_wait3A_1003 : memref<32x128xf32, #tpu.memory_space<hbm>>) dst(%dma_wait3A_1001 : memref<32x128xf32, #tpu.memory_space<vmem>>)
      %dma_wait3A_1004 = arith.constant 64 : i32
      %dma_wait3A_1005 = arith.constant 0 : i32
      %dma_wait3A_1006 = tpu.memref_slice %arg12[%dma_wait3A_1004, %dma_wait3A_1005] : memref<512x128xf32, #tpu.memory_space<vmem>> -> memref<32x128xf32, #tpu.memory_space<vmem>>
      %dma_wait3A_1007 = arith.constant 0 : i32
      %dma_wait3A_1008 = tpu.memref_slice %arg6[%dma_wait3A_1007, %multiple_of3A_804] : memref<32x1000064xf32, #tpu.memory_space<hbm>> -> memref<32x128xf32, #tpu.memory_space<hbm>>
      %dma_wait3A_1009 = arith.constant 64 : i32
      %dma_wait3A_1010 = arith.constant 0 : i32
      %dma_wait3A_1011 = tpu.memref_slice %arg12[%dma_wait3A_1009, %dma_wait3A_1010] : memref<512x128xf32, #tpu.memory_space<vmem>> -> memref<32x128xf32, #tpu.memory_space<vmem>>
      %dma_wait3A_1012 = arith.constant 0 : i32
      %dma_wait3A_1013 = tpu.memref_slice %arg6[%dma_wait3A_1012, %multiple_of3A_804] : memref<32x1000064xf32, #tpu.memory_space<hbm>> -> memref<32x128xf32, #tpu.memory_space<hbm>>
      tpu.wait_dma2 semaphore(%arg18 : memref<!tpu.dma_semaphore, #tpu.memory_space<semaphore_mem>>) src(%dma_wait3A_1013 : memref<32x128xf32, #tpu.memory_space<hbm>>) dst(%dma_wait3A_1011 : memref<32x128xf32, #tpu.memory_space<vmem>>)
      %dma_wait3A_1014 = arith.constant 96 : i32
      %dma_wait3A_1015 = arith.constant 0 : i32
      %dma_wait3A_1016 = tpu.memref_slice %arg12[%dma_wait3A_1014, %dma_wait3A_1015] : memref<512x128xf32, #tpu.memory_space<vmem>> -> memref<32x128xf32, #tpu.memory_space<vmem>>
      %dma_wait3A_1017 = arith.constant 0 : i32
      %dma_wait3A_1018 = tpu.memref_slice %arg6[%dma_wait3A_1017, %multiple_of3A_817] : memref<32x1000064xf32, #tpu.memory_space<hbm>> -> memref<32x128xf32, #tpu.memory_space<hbm>>
      %dma_wait3A_1019 = arith.constant 96 : i32
      %dma_wait3A_1020 = arith.constant 0 : i32
      %dma_wait3A_1021 = tpu.memref_slice %arg12[%dma_wait3A_1019, %dma_wait3A_1020] : memref<512x128xf32, #tpu.memory_space<vmem>> -> memref<32x128xf32, #tpu.memory_space<vmem>>
      %dma_wait3A_1022 = arith.constant 0 : i32
      %dma_wait3A_1023 = tpu.memref_slice %arg6[%dma_wait3A_1022, %multiple_of3A_817] : memref<32x1000064xf32, #tpu.memory_space<hbm>> -> memref<32x128xf32, #tpu.memory_space<hbm>>
      tpu.wait_dma2 semaphore(%arg18 : memref<!tpu.dma_semaphore, #tpu.memory_space<semaphore_mem>>) src(%dma_wait3A_1023 : memref<32x128xf32, #tpu.memory_space<hbm>>) dst(%dma_wait3A_1021 : memref<32x128xf32, #tpu.memory_space<vmem>>)
      %dma_wait3A_1024 = arith.constant 128 : i32
      %dma_wait3A_1025 = arith.constant 0 : i32
      %dma_wait3A_1026 = tpu.memref_slice %arg12[%dma_wait3A_1024, %dma_wait3A_1025] : memref<512x128xf32, #tpu.memory_space<vmem>> -> memref<32x128xf32, #tpu.memory_space<vmem>>
      %dma_wait3A_1027 = arith.constant 0 : i32
      %dma_wait3A_1028 = tpu.memref_slice %arg6[%dma_wait3A_1027, %multiple_of3A_830] : memref<32x1000064xf32, #tpu.memory_space<hbm>> -> memref<32x128xf32, #tpu.memory_space<hbm>>
      %dma_wait3A_1029 = arith.constant 128 : i32
      %dma_wait3A_1030 = arith.constant 0 : i32
      %dma_wait3A_1031 = tpu.memref_slice %arg12[%dma_wait3A_1029, %dma_wait3A_1030] : memref<512x128xf32, #tpu.memory_space<vmem>> -> memref<32x128xf32, #tpu.memory_space<vmem>>
      %dma_wait3A_1032 = arith.constant 0 : i32
      %dma_wait3A_1033 = tpu.memref_slice %arg6[%dma_wait3A_1032, %multiple_of3A_830] : memref<32x1000064xf32, #tpu.memory_space<hbm>> -> memref<32x128xf32, #tpu.memory_space<hbm>>
      tpu.wait_dma2 semaphore(%arg18 : memref<!tpu.dma_semaphore, #tpu.memory_space<semaphore_mem>>) src(%dma_wait3A_1033 : memref<32x128xf32, #tpu.memory_space<hbm>>) dst(%dma_wait3A_1031 : memref<32x128xf32, #tpu.memory_space<vmem>>)
      %dma_wait3A_1034 = arith.constant 160 : i32
      %dma_wait3A_1035 = arith.constant 0 : i32
      %dma_wait3A_1036 = tpu.memref_slice %arg12[%dma_wait3A_1034, %dma_wait3A_1035] : memref<512x128xf32, #tpu.memory_space<vmem>> -> memref<32x128xf32, #tpu.memory_space<vmem>>
      %dma_wait3A_1037 = arith.constant 0 : i32
      %dma_wait3A_1038 = tpu.memref_slice %arg6[%dma_wait3A_1037, %multiple_of3A_843] : memref<32x1000064xf32, #tpu.memory_space<hbm>> -> memref<32x128xf32, #tpu.memory_space<hbm>>
      %dma_wait3A_1039 = arith.constant 160 : i32
      %dma_wait3A_1040 = arith.constant 0 : i32
      %dma_wait3A_1041 = tpu.memref_slice %arg12[%dma_wait3A_1039, %dma_wait3A_1040] : memref<512x128xf32, #tpu.memory_space<vmem>> -> memref<32x128xf32, #tpu.memory_space<vmem>>
      %dma_wait3A_1042 = arith.constant 0 : i32
      %dma_wait3A_1043 = tpu.memref_slice %arg6[%dma_wait3A_1042, %multiple_of3A_843] : memref<32x1000064xf32, #tpu.memory_space<hbm>> -> memref<32x128xf32, #tpu.memory_space<hbm>>
      tpu.wait_dma2 semaphore(%arg18 : memref<!tpu.dma_semaphore, #tpu.memory_space<semaphore_mem>>) src(%dma_wait3A_1043 : memref<32x128xf32, #tpu.memory_space<hbm>>) dst(%dma_wait3A_1041 : memref<32x128xf32, #tpu.memory_space<vmem>>)
      %dma_wait3A_1044 = arith.constant 192 : i32
      %dma_wait3A_1045 = arith.constant 0 : i32
      %dma_wait3A_1046 = tpu.memref_slice %arg12[%dma_wait3A_1044, %dma_wait3A_1045] : memref<512x128xf32, #tpu.memory_space<vmem>> -> memref<32x128xf32, #tpu.memory_space<vmem>>
      %dma_wait3A_1047 = arith.constant 0 : i32
      %dma_wait3A_1048 = tpu.memref_slice %arg6[%dma_wait3A_1047, %multiple_of3A_856] : memref<32x1000064xf32, #tpu.memory_space<hbm>> -> memref<32x128xf32, #tpu.memory_space<hbm>>
      %dma_wait3A_1049 = arith.constant 192 : i32
      %dma_wait3A_1050 = arith.constant 0 : i32
      %dma_wait3A_1051 = tpu.memref_slice %arg12[%dma_wait3A_1049, %dma_wait3A_1050] : memref<512x128xf32, #tpu.memory_space<vmem>> -> memref<32x128xf32, #tpu.memory_space<vmem>>
      %dma_wait3A_1052 = arith.constant 0 : i32
      %dma_wait3A_1053 = tpu.memref_slice %arg6[%dma_wait3A_1052, %multiple_of3A_856] : memref<32x1000064xf32, #tpu.memory_space<hbm>> -> memref<32x128xf32, #tpu.memory_space<hbm>>
      tpu.wait_dma2 semaphore(%arg18 : memref<!tpu.dma_semaphore, #tpu.memory_space<semaphore_mem>>) src(%dma_wait3A_1053 : memref<32x128xf32, #tpu.memory_space<hbm>>) dst(%dma_wait3A_1051 : memref<32x128xf32, #tpu.memory_space<vmem>>)
      %dma_wait3A_1054 = arith.constant 224 : i32
      %dma_wait3A_1055 = arith.constant 0 : i32
      %dma_wait3A_1056 = tpu.memref_slice %arg12[%dma_wait3A_1054, %dma_wait3A_1055] : memref<512x128xf32, #tpu.memory_space<vmem>> -> memref<32x128xf32, #tpu.memory_space<vmem>>
      %dma_wait3A_1057 = arith.constant 0 : i32
      %dma_wait3A_1058 = tpu.memref_slice %arg6[%dma_wait3A_1057, %multiple_of3A_869] : memref<32x1000064xf32, #tpu.memory_space<hbm>> -> memref<32x128xf32, #tpu.memory_space<hbm>>
      %dma_wait3A_1059 = arith.constant 224 : i32
      %dma_wait3A_1060 = arith.constant 0 : i32
      %dma_wait3A_1061 = tpu.memref_slice %arg12[%dma_wait3A_1059, %dma_wait3A_1060] : memref<512x128xf32, #tpu.memory_space<vmem>> -> memref<32x128xf32, #tpu.memory_space<vmem>>
      %dma_wait3A_1062 = arith.constant 0 : i32
      %dma_wait3A_1063 = tpu.memref_slice %arg6[%dma_wait3A_1062, %multiple_of3A_869] : memref<32x1000064xf32, #tpu.memory_space<hbm>> -> memref<32x128xf32, #tpu.memory_space<hbm>>
      tpu.wait_dma2 semaphore(%arg18 : memref<!tpu.dma_semaphore, #tpu.memory_space<semaphore_mem>>) src(%dma_wait3A_1063 : memref<32x128xf32, #tpu.memory_space<hbm>>) dst(%dma_wait3A_1061 : memref<32x128xf32, #tpu.memory_space<vmem>>)
      %dma_wait3A_1064 = arith.constant 256 : i32
      %dma_wait3A_1065 = arith.constant 0 : i32
      %dma_wait3A_1066 = tpu.memref_slice %arg12[%dma_wait3A_1064, %dma_wait3A_1065] : memref<512x128xf32, #tpu.memory_space<vmem>> -> memref<32x128xf32, #tpu.memory_space<vmem>>
      %dma_wait3A_1067 = arith.constant 0 : i32
      %dma_wait3A_1068 = tpu.memref_slice %arg6[%dma_wait3A_1067, %multiple_of3A_882] : memref<32x1000064xf32, #tpu.memory_space<hbm>> -> memref<32x128xf32, #tpu.memory_space<hbm>>
      %dma_wait3A_1069 = arith.constant 256 : i32
      %dma_wait3A_1070 = arith.constant 0 : i32
      %dma_wait3A_1071 = tpu.memref_slice %arg12[%dma_wait3A_1069, %dma_wait3A_1070] : memref<512x128xf32, #tpu.memory_space<vmem>> -> memref<32x128xf32, #tpu.memory_space<vmem>>
      %dma_wait3A_1072 = arith.constant 0 : i32
      %dma_wait3A_1073 = tpu.memref_slice %arg6[%dma_wait3A_1072, %multiple_of3A_882] : memref<32x1000064xf32, #tpu.memory_space<hbm>> -> memref<32x128xf32, #tpu.memory_space<hbm>>
      tpu.wait_dma2 semaphore(%arg18 : memref<!tpu.dma_semaphore, #tpu.memory_space<semaphore_mem>>) src(%dma_wait3A_1073 : memref<32x128xf32, #tpu.memory_space<hbm>>) dst(%dma_wait3A_1071 : memref<32x128xf32, #tpu.memory_space<vmem>>)
      %dma_wait3A_1074 = arith.constant 288 : i32
      %dma_wait3A_1075 = arith.constant 0 : i32
      %dma_wait3A_1076 = tpu.memref_slice %arg12[%dma_wait3A_1074, %dma_wait3A_1075] : memref<512x128xf32, #tpu.memory_space<vmem>> -> memref<32x128xf32, #tpu.memory_space<vmem>>
      %dma_wait3A_1077 = arith.constant 0 : i32
      %dma_wait3A_1078 = tpu.memref_slice %arg6[%dma_wait3A_1077, %multiple_of3A_895] : memref<32x1000064xf32, #tpu.memory_space<hbm>> -> memref<32x128xf32, #tpu.memory_space<hbm>>
      %dma_wait3A_1079 = arith.constant 288 : i32
      %dma_wait3A_1080 = arith.constant 0 : i32
      %dma_wait3A_1081 = tpu.memref_slice %arg12[%dma_wait3A_1079, %dma_wait3A_1080] : memref<512x128xf32, #tpu.memory_space<vmem>> -> memref<32x128xf32, #tpu.memory_space<vmem>>
      %dma_wait3A_1082 = arith.constant 0 : i32
      %dma_wait3A_1083 = tpu.memref_slice %arg6[%dma_wait3A_1082, %multiple_of3A_895] : memref<32x1000064xf32, #tpu.memory_space<hbm>> -> memref<32x128xf32, #tpu.memory_space<hbm>>
      tpu.wait_dma2 semaphore(%arg18 : memref<!tpu.dma_semaphore, #tpu.memory_space<semaphore_mem>>) src(%dma_wait3A_1083 : memref<32x128xf32, #tpu.memory_space<hbm>>) dst(%dma_wait3A_1081 : memref<32x128xf32, #tpu.memory_space<vmem>>)
      %dma_wait3A_1084 = arith.constant 320 : i32
      %dma_wait3A_1085 = arith.constant 0 : i32
      %dma_wait3A_1086 = tpu.memref_slice %arg12[%dma_wait3A_1084, %dma_wait3A_1085] : memref<512x128xf32, #tpu.memory_space<vmem>> -> memref<32x128xf32, #tpu.memory_space<vmem>>
      %dma_wait3A_1087 = arith.constant 0 : i32
      %dma_wait3A_1088 = tpu.memref_slice %arg6[%dma_wait3A_1087, %multiple_of3A_908] : memref<32x1000064xf32, #tpu.memory_space<hbm>> -> memref<32x128xf32, #tpu.memory_space<hbm>>
      %dma_wait3A_1089 = arith.constant 320 : i32
      %dma_wait3A_1090 = arith.constant 0 : i32
      %dma_wait3A_1091 = tpu.memref_slice %arg12[%dma_wait3A_1089, %dma_wait3A_1090] : memref<512x128xf32, #tpu.memory_space<vmem>> -> memref<32x128xf32, #tpu.memory_space<vmem>>
      %dma_wait3A_1092 = arith.constant 0 : i32
      %dma_wait3A_1093 = tpu.memref_slice %arg6[%dma_wait3A_1092, %multiple_of3A_908] : memref<32x1000064xf32, #tpu.memory_space<hbm>> -> memref<32x128xf32, #tpu.memory_space<hbm>>
      tpu.wait_dma2 semaphore(%arg18 : memref<!tpu.dma_semaphore, #tpu.memory_space<semaphore_mem>>) src(%dma_wait3A_1093 : memref<32x128xf32, #tpu.memory_space<hbm>>) dst(%dma_wait3A_1091 : memref<32x128xf32, #tpu.memory_space<vmem>>)
      %dma_wait3A_1094 = arith.constant 352 : i32
      %dma_wait3A_1095 = arith.constant 0 : i32
      %dma_wait3A_1096 = tpu.memref_slice %arg12[%dma_wait3A_1094, %dma_wait3A_1095] : memref<512x128xf32, #tpu.memory_space<vmem>> -> memref<32x128xf32, #tpu.memory_space<vmem>>
      %dma_wait3A_1097 = arith.constant 0 : i32
      %dma_wait3A_1098 = tpu.memref_slice %arg6[%dma_wait3A_1097, %multiple_of3A_921] : memref<32x1000064xf32, #tpu.memory_space<hbm>> -> memref<32x128xf32, #tpu.memory_space<hbm>>
      %dma_wait3A_1099 = arith.constant 352 : i32
      %dma_wait3A_1100 = arith.constant 0 : i32
      %dma_wait3A_1101 = tpu.memref_slice %arg12[%dma_wait3A_1099, %dma_wait3A_1100] : memref<512x128xf32, #tpu.memory_space<vmem>> -> memref<32x128xf32, #tpu.memory_space<vmem>>
      %dma_wait3A_1102 = arith.constant 0 : i32
      %dma_wait3A_1103 = tpu.memref_slice %arg6[%dma_wait3A_1102, %multiple_of3A_921] : memref<32x1000064xf32, #tpu.memory_space<hbm>> -> memref<32x128xf32, #tpu.memory_space<hbm>>
      tpu.wait_dma2 semaphore(%arg18 : memref<!tpu.dma_semaphore, #tpu.memory_space<semaphore_mem>>) src(%dma_wait3A_1103 : memref<32x128xf32, #tpu.memory_space<hbm>>) dst(%dma_wait3A_1101 : memref<32x128xf32, #tpu.memory_space<vmem>>)
      %dma_wait3A_1104 = arith.constant 384 : i32
      %dma_wait3A_1105 = arith.constant 0 : i32
      %dma_wait3A_1106 = tpu.memref_slice %arg12[%dma_wait3A_1104, %dma_wait3A_1105] : memref<512x128xf32, #tpu.memory_space<vmem>> -> memref<32x128xf32, #tpu.memory_space<vmem>>
      %dma_wait3A_1107 = arith.constant 0 : i32
      %dma_wait3A_1108 = tpu.memref_slice %arg6[%dma_wait3A_1107, %multiple_of3A_934] : memref<32x1000064xf32, #tpu.memory_space<hbm>> -> memref<32x128xf32, #tpu.memory_space<hbm>>
      %dma_wait3A_1109 = arith.constant 384 : i32
      %dma_wait3A_1110 = arith.constant 0 : i32
      %dma_wait3A_1111 = tpu.memref_slice %arg12[%dma_wait3A_1109, %dma_wait3A_1110] : memref<512x128xf32, #tpu.memory_space<vmem>> -> memref<32x128xf32, #tpu.memory_space<vmem>>
      %dma_wait3A_1112 = arith.constant 0 : i32
      %dma_wait3A_1113 = tpu.memref_slice %arg6[%dma_wait3A_1112, %multiple_of3A_934] : memref<32x1000064xf32, #tpu.memory_space<hbm>> -> memref<32x128xf32, #tpu.memory_space<hbm>>
      tpu.wait_dma2 semaphore(%arg18 : memref<!tpu.dma_semaphore, #tpu.memory_space<semaphore_mem>>) src(%dma_wait3A_1113 : memref<32x128xf32, #tpu.memory_space<hbm>>) dst(%dma_wait3A_1111 : memref<32x128xf32, #tpu.memory_space<vmem>>)
      %dma_wait3A_1114 = arith.constant 416 : i32
      %dma_wait3A_1115 = arith.constant 0 : i32
      %dma_wait3A_1116 = tpu.memref_slice %arg12[%dma_wait3A_1114, %dma_wait3A_1115] : memref<512x128xf32, #tpu.memory_space<vmem>> -> memref<32x128xf32, #tpu.memory_space<vmem>>
      %dma_wait3A_1117 = arith.constant 0 : i32
      %dma_wait3A_1118 = tpu.memref_slice %arg6[%dma_wait3A_1117, %multiple_of3A_947] : memref<32x1000064xf32, #tpu.memory_space<hbm>> -> memref<32x128xf32, #tpu.memory_space<hbm>>
      %dma_wait3A_1119 = arith.constant 416 : i32
      %dma_wait3A_1120 = arith.constant 0 : i32
      %dma_wait3A_1121 = tpu.memref_slice %arg12[%dma_wait3A_1119, %dma_wait3A_1120] : memref<512x128xf32, #tpu.memory_space<vmem>> -> memref<32x128xf32, #tpu.memory_space<vmem>>
      %dma_wait3A_1122 = arith.constant 0 : i32
      %dma_wait3A_1123 = tpu.memref_slice %arg6[%dma_wait3A_1122, %multiple_of3A_947] : memref<32x1000064xf32, #tpu.memory_space<hbm>> -> memref<32x128xf32, #tpu.memory_space<hbm>>
      tpu.wait_dma2 semaphore(%arg18 : memref<!tpu.dma_semaphore, #tpu.memory_space<semaphore_mem>>) src(%dma_wait3A_1123 : memref<32x128xf32, #tpu.memory_space<hbm>>) dst(%dma_wait3A_1121 : memref<32x128xf32, #tpu.memory_space<vmem>>)
      %dma_wait3A_1124 = arith.constant 448 : i32
      %dma_wait3A_1125 = arith.constant 0 : i32
      %dma_wait3A_1126 = tpu.memref_slice %arg12[%dma_wait3A_1124, %dma_wait3A_1125] : memref<512x128xf32, #tpu.memory_space<vmem>> -> memref<32x128xf32, #tpu.memory_space<vmem>>
      %dma_wait3A_1127 = arith.constant 0 : i32
      %dma_wait3A_1128 = tpu.memref_slice %arg6[%dma_wait3A_1127, %multiple_of3A_960] : memref<32x1000064xf32, #tpu.memory_space<hbm>> -> memref<32x128xf32, #tpu.memory_space<hbm>>
      %dma_wait3A_1129 = arith.constant 448 : i32
      %dma_wait3A_1130 = arith.constant 0 : i32
      %dma_wait3A_1131 = tpu.memref_slice %arg12[%dma_wait3A_1129, %dma_wait3A_1130] : memref<512x128xf32, #tpu.memory_space<vmem>> -> memref<32x128xf32, #tpu.memory_space<vmem>>
      %dma_wait3A_1132 = arith.constant 0 : i32
      %dma_wait3A_1133 = tpu.memref_slice %arg6[%dma_wait3A_1132, %multiple_of3A_960] : memref<32x1000064xf32, #tpu.memory_space<hbm>> -> memref<32x128xf32, #tpu.memory_space<hbm>>
      tpu.wait_dma2 semaphore(%arg18 : memref<!tpu.dma_semaphore, #tpu.memory_space<semaphore_mem>>) src(%dma_wait3A_1133 : memref<32x128xf32, #tpu.memory_space<hbm>>) dst(%dma_wait3A_1131 : memref<32x128xf32, #tpu.memory_space<vmem>>)
      %dma_wait3A_1134 = arith.constant 480 : i32
      %dma_wait3A_1135 = arith.constant 0 : i32
      %dma_wait3A_1136 = tpu.memref_slice %arg12[%dma_wait3A_1134, %dma_wait3A_1135] : memref<512x128xf32, #tpu.memory_space<vmem>> -> memref<32x128xf32, #tpu.memory_space<vmem>>
      %dma_wait3A_1137 = arith.constant 0 : i32
      %dma_wait3A_1138 = tpu.memref_slice %arg6[%dma_wait3A_1137, %multiple_of3A_973] : memref<32x1000064xf32, #tpu.memory_space<hbm>> -> memref<32x128xf32, #tpu.memory_space<hbm>>
      %dma_wait3A_1139 = arith.constant 480 : i32
      %dma_wait3A_1140 = arith.constant 0 : i32
      %dma_wait3A_1141 = tpu.memref_slice %arg12[%dma_wait3A_1139, %dma_wait3A_1140] : memref<512x128xf32, #tpu.memory_space<vmem>> -> memref<32x128xf32, #tpu.memory_space<vmem>>
      %dma_wait3A_1142 = arith.constant 0 : i32
      %dma_wait3A_1143 = tpu.memref_slice %arg6[%dma_wait3A_1142, %multiple_of3A_973] : memref<32x1000064xf32, #tpu.memory_space<hbm>> -> memref<32x128xf32, #tpu.memory_space<hbm>>
      tpu.wait_dma2 semaphore(%arg18 : memref<!tpu.dma_semaphore, #tpu.memory_space<semaphore_mem>>) src(%dma_wait3A_1143 : memref<32x128xf32, #tpu.memory_space<hbm>>) dst(%dma_wait3A_1141 : memref<32x128xf32, #tpu.memory_space<vmem>>)
      %mul3A_1144 = arith.constant 16 : i32
      %mul3A_1145 = arith.muli %scan3A_8, %mul3A_1144 : i32
      %get3A_1146 = arith.index_cast %mul3A_1145 : i32 to index
      %get3A_1147 = tpu.vector_load %arg10[%get3A_1146] {strides = array<i32>} : memref<512xi32, #tpu.memory_space<vmem>>, vector<16xi32>,
      %broadcast_in_dim3A_1148 = arith.constant 127 : i32
      %broadcast_in_dim3A_1149 = vector.broadcast %broadcast_in_dim3A_1148 : i32 to vector<16xi32>
      %and3A_1150 = arith.andi %get3A_1147, %broadcast_in_dim3A_1149 : vector<16xi32>
      %iota3A_1151 = tpu.iota {dimensions = array<i32: 0>} : vector<16xi32>
      %mul3A_1152 = arith.constant 32 : i32
      %mul3A_1153 = vector.broadcast %mul3A_1152 : i32 to vector<16xi32>
      %mul3A_1154 = arith.muli %iota3A_1151, %mul3A_1153 : vector<16xi32>
      %add3A_1155 = arith.constant 0 : i32
      %add3A_1156 = vector.broadcast %add3A_1155 : i32 to vector<16xi32>
      %add3A_1157 = arith.addi %mul3A_1154, %add3A_1156 : vector<16xi32>
      %gather3A_1158 = tpu.vector_load_idx %arg12[%add3A_1157, %and3A_1150] : memref<512x128xf32, #tpu.memory_space<vmem>>[vector<16xi32>, vector<16xi32>], vector<16xf32>,
      %swap3A_1159 = arith.constant 0 : i32
      %swap3A_1160 = arith.index_cast %swap3A_1159 : i32 to index
      %swap3A_1161 = arith.constant 0 : index
      %swap3A_1162 = tpu.vector_load %arg14[%swap3A_1160, %swap3A_1161] {strides = array<i32>} : memref<32x16xf32, #tpu.memory_space<vmem>>, vector<16xf32>,
      tpu.vector_store %arg14[%swap3A_1160, %swap3A_1161], %gather3A_1158 {strides = array<i32>} : memref<32x16xf32, #tpu.memory_space<vmem>>, vector<16xf32>,
      %iota3A_1163 = tpu.iota {dimensions = array<i32: 0>} : vector<16xi32>
      %mul3A_1164 = arith.constant 32 : i32
      %mul3A_1165 = vector.broadcast %mul3A_1164 : i32 to vector<16xi32>
      %mul3A_1166 = arith.muli %iota3A_1163, %mul3A_1165 : vector<16xi32>
      %add3A_1167 = arith.constant 1 : i32
      %add3A_1168 = vector.broadcast %add3A_1167 : i32 to vector<16xi32>
      %add3A_1169 = arith.addi %mul3A_1166, %add3A_1168 : vector<16xi32>
      %gather3A_1170 = tpu.vector_load_idx %arg12[%add3A_1169, %and3A_1150] : memref<512x128xf32, #tpu.memory_space<vmem>>[vector<16xi32>, vector<16xi32>], vector<16xf32>,
      %swap3A_1171 = arith.constant 1 : i32
      %swap3A_1172 = arith.index_cast %swap3A_1171 : i32 to index
      %swap3A_1173 = arith.constant 0 : index
      %swap3A_1174 = tpu.vector_load %arg14[%swap3A_1172, %swap3A_1173] {strides = array<i32>} : memref<32x16xf32, #tpu.memory_space<vmem>>, vector<16xf32>,
      tpu.vector_store %arg14[%swap3A_1172, %swap3A_1173], %gather3A_1170 {strides = array<i32>} : memref<32x16xf32, #tpu.memory_space<vmem>>, vector<16xf32>,
      %iota3A_1175 = tpu.iota {dimensions = array<i32: 0>} : vector<16xi32>
      %mul3A_1176 = arith.constant 32 : i32
      %mul3A_1177 = vector.broadcast %mul3A_1176 : i32 to vector<16xi32>
      %mul3A_1178 = arith.muli %iota3A_1175, %mul3A_1177 : vector<16xi32>
      %add3A_1179 = arith.constant 2 : i32
      %add3A_1180 = vector.broadcast %add3A_1179 : i32 to vector<16xi32>
      %add3A_1181 = arith.addi %mul3A_1178, %add3A_1180 : vector<16xi32>
      %gather3A_1182 = tpu.vector_load_idx %arg12[%add3A_1181, %and3A_1150] : memref<512x128xf32, #tpu.memory_space<vmem>>[vector<16xi32>, vector<16xi32>], vector<16xf32>,
      %swap3A_1183 = arith.constant 2 : i32
      %swap3A_1184 = arith.index_cast %swap3A_1183 : i32 to index
      %swap3A_1185 = arith.constant 0 : index
      %swap3A_1186 = tpu.vector_load %arg14[%swap3A_1184, %swap3A_1185] {strides = array<i32>} : memref<32x16xf32, #tpu.memory_space<vmem>>, vector<16xf32>,
      tpu.vector_store %arg14[%swap3A_1184, %swap3A_1185], %gather3A_1182 {strides = array<i32>} : memref<32x16xf32, #tpu.memory_space<vmem>>, vector<16xf32>,
      %iota3A_1187 = tpu.iota {dimensions = array<i32: 0>} : vector<16xi32>
      %mul3A_1188 = arith.constant 32 : i32
      %mul3A_1189 = vector.broadcast %mul3A_1188 : i32 to vector<16xi32>
      %mul3A_1190 = arith.muli %iota3A_1187, %mul3A_1189 : vector<16xi32>
      %add3A_1191 = arith.constant 3 : i32
      %add3A_1192 = vector.broadcast %add3A_1191 : i32 to vector<16xi32>
      %add3A_1193 = arith.addi %mul3A_1190, %add3A_1192 : vector<16xi32>
      %gather3A_1194 = tpu.vector_load_idx %arg12[%add3A_1193, %and3A_1150] : memref<512x128xf32, #tpu.memory_space<vmem>>[vector<16xi32>, vector<16xi32>], vector<16xf32>,
      %swap3A_1195 = arith.constant 3 : i32
      %swap3A_1196 = arith.index_cast %swap3A_1195 : i32 to index
      %swap3A_1197 = arith.constant 0 : index
      %swap3A_1198 = tpu.vector_load %arg14[%swap3A_1196, %swap3A_1197] {strides = array<i32>} : memref<32x16xf32, #tpu.memory_space<vmem>>, vector<16xf32>,
      tpu.vector_store %arg14[%swap3A_1196, %swap3A_1197], %gather3A_1194 {strides = array<i32>} : memref<32x16xf32, #tpu.memory_space<vmem>>, vector<16xf32>,
      %iota3A_1199 = tpu.iota {dimensions = array<i32: 0>} : vector<16xi32>
      %mul3A_1200 = arith.constant 32 : i32
      %mul3A_1201 = vector.broadcast %mul3A_1200 : i32 to vector<16xi32>
      %mul3A_1202 = arith.muli %iota3A_1199, %mul3A_1201 : vector<16xi32>
      %add3A_1203 = arith.constant 4 : i32
      %add3A_1204 = vector.broadcast %add3A_1203 : i32 to vector<16xi32>
      %add3A_1205 = arith.addi %mul3A_1202, %add3A_1204 : vector<16xi32>
      %gather3A_1206 = tpu.vector_load_idx %arg12[%add3A_1205, %and3A_1150] : memref<512x128xf32, #tpu.memory_space<vmem>>[vector<16xi32>, vector<16xi32>], vector<16xf32>,
      %swap3A_1207 = arith.constant 4 : i32
      %swap3A_1208 = arith.index_cast %swap3A_1207 : i32 to index
      %swap3A_1209 = arith.constant 0 : index
      %swap3A_1210 = tpu.vector_load %arg14[%swap3A_1208, %swap3A_1209] {strides = array<i32>} : memref<32x16xf32, #tpu.memory_space<vmem>>, vector<16xf32>,
      tpu.vector_store %arg14[%swap3A_1208, %swap3A_1209], %gather3A_1206 {strides = array<i32>} : memref<32x16xf32, #tpu.memory_space<vmem>>, vector<16xf32>,
      %iota3A_1211 = tpu.iota {dimensions = array<i32: 0>} : vector<16xi32>
      %mul3A_1212 = arith.constant 32 : i32
      %mul3A_1213 = vector.broadcast %mul3A_1212 : i32 to vector<16xi32>
      %mul3A_1214 = arith.muli %iota3A_1211, %mul3A_1213 : vector<16xi32>
      %add3A_1215 = arith.constant 5 : i32
      %add3A_1216 = vector.broadcast %add3A_1215 : i32 to vector<16xi32>
      %add3A_1217 = arith.addi %mul3A_1214, %add3A_1216 : vector<16xi32>
      %gather3A_1218 = tpu.vector_load_idx %arg12[%add3A_1217, %and3A_1150] : memref<512x128xf32, #tpu.memory_space<vmem>>[vector<16xi32>, vector<16xi32>], vector<16xf32>,
      %swap3A_1219 = arith.constant 5 : i32
      %swap3A_1220 = arith.index_cast %swap3A_1219 : i32 to index
      %swap3A_1221 = arith.constant 0 : index
      %swap3A_1222 = tpu.vector_load %arg14[%swap3A_1220, %swap3A_1221] {strides = array<i32>} : memref<32x16xf32, #tpu.memory_space<vmem>>, vector<16xf32>,
      tpu.vector_store %arg14[%swap3A_1220, %swap3A_1221], %gather3A_1218 {strides = array<i32>} : memref<32x16xf32, #tpu.memory_space<vmem>>, vector<16xf32>,
      %iota3A_1223 = tpu.iota {dimensions = array<i32: 0>} : vector<16xi32>
      %mul3A_1224 = arith.constant 32 : i32
      %mul3A_1225 = vector.broadcast %mul3A_1224 : i32 to vector<16xi32>
      %mul3A_1226 = arith.muli %iota3A_1223, %mul3A_1225 : vector<16xi32>
      %add3A_1227 = arith.constant 6 : i32
      %add3A_1228 = vector.broadcast %add3A_1227 : i32 to vector<16xi32>
      %add3A_1229 = arith.addi %mul3A_1226, %add3A_1228 : vector<16xi32>
      %gather3A_1230 = tpu.vector_load_idx %arg12[%add3A_1229, %and3A_1150] : memref<512x128xf32, #tpu.memory_space<vmem>>[vector<16xi32>, vector<16xi32>], vector<16xf32>,
      %swap3A_1231 = arith.constant 6 : i32
      %swap3A_1232 = arith.index_cast %swap3A_1231 : i32 to index
      %swap3A_1233 = arith.constant 0 : index
      %swap3A_1234 = tpu.vector_load %arg14[%swap3A_1232, %swap3A_1233] {strides = array<i32>} : memref<32x16xf32, #tpu.memory_space<vmem>>, vector<16xf32>,
      tpu.vector_store %arg14[%swap3A_1232, %swap3A_1233], %gather3A_1230 {strides = array<i32>} : memref<32x16xf32, #tpu.memory_space<vmem>>, vector<16xf32>,
      %iota3A_1235 = tpu.iota {dimensions = array<i32: 0>} : vector<16xi32>
      %mul3A_1236 = arith.constant 32 : i32
      %mul3A_1237 = vector.broadcast %mul3A_1236 : i32 to vector<16xi32>
      %mul3A_1238 = arith.muli %iota3A_1235, %mul3A_1237 : vector<16xi32>
      %add3A_1239 = arith.constant 7 : i32
      %add3A_1240 = vector.broadcast %add3A_1239 : i32 to vector<16xi32>
      %add3A_1241 = arith.addi %mul3A_1238, %add3A_1240 : vector<16xi32>
      %gather3A_1242 = tpu.vector_load_idx %arg12[%add3A_1241, %and3A_1150] : memref<512x128xf32, #tpu.memory_space<vmem>>[vector<16xi32>, vector<16xi32>], vector<16xf32>,
      %swap3A_1243 = arith.constant 7 : i32
      %swap3A_1244 = arith.index_cast %swap3A_1243 : i32 to index
      %swap3A_1245 = arith.constant 0 : index
      %swap3A_1246 = tpu.vector_load %arg14[%swap3A_1244, %swap3A_1245] {strides = array<i32>} : memref<32x16xf32, #tpu.memory_space<vmem>>, vector<16xf32>,
      tpu.vector_store %arg14[%swap3A_1244, %swap3A_1245], %gather3A_1242 {strides = array<i32>} : memref<32x16xf32, #tpu.memory_space<vmem>>, vector<16xf32>,
      %iota3A_1247 = tpu.iota {dimensions = array<i32: 0>} : vector<16xi32>
      %mul3A_1248 = arith.constant 32 : i32
      %mul3A_1249 = vector.broadcast %mul3A_1248 : i32 to vector<16xi32>
      %mul3A_1250 = arith.muli %iota3A_1247, %mul3A_1249 : vector<16xi32>
      %add3A_1251 = arith.constant 8 : i32
      %add3A_1252 = vector.broadcast %add3A_1251 : i32 to vector<16xi32>
      %add3A_1253 = arith.addi %mul3A_1250, %add3A_1252 : vector<16xi32>
      %gather3A_1254 = tpu.vector_load_idx %arg12[%add3A_1253, %and3A_1150] : memref<512x128xf32, #tpu.memory_space<vmem>>[vector<16xi32>, vector<16xi32>], vector<16xf32>,
      %swap3A_1255 = arith.constant 8 : i32
      %swap3A_1256 = arith.index_cast %swap3A_1255 : i32 to index
      %swap3A_1257 = arith.constant 0 : index
      %swap3A_1258 = tpu.vector_load %arg14[%swap3A_1256, %swap3A_1257] {strides = array<i32>} : memref<32x16xf32, #tpu.memory_space<vmem>>, vector<16xf32>,
      tpu.vector_store %arg14[%swap3A_1256, %swap3A_1257], %gather3A_1254 {strides = array<i32>} : memref<32x16xf32, #tpu.memory_space<vmem>>, vector<16xf32>,
      %iota3A_1259 = tpu.iota {dimensions = array<i32: 0>} : vector<16xi32>
      %mul3A_1260 = arith.constant 32 : i32
      %mul3A_1261 = vector.broadcast %mul3A_1260 : i32 to vector<16xi32>
      %mul3A_1262 = arith.muli %iota3A_1259, %mul3A_1261 : vector<16xi32>
      %add3A_1263 = arith.constant 9 : i32
      %add3A_1264 = vector.broadcast %add3A_1263 : i32 to vector<16xi32>
      %add3A_1265 = arith.addi %mul3A_1262, %add3A_1264 : vector<16xi32>
      %gather3A_1266 = tpu.vector_load_idx %arg12[%add3A_1265, %and3A_1150] : memref<512x128xf32, #tpu.memory_space<vmem>>[vector<16xi32>, vector<16xi32>], vector<16xf32>,
      %swap3A_1267 = arith.constant 9 : i32
      %swap3A_1268 = arith.index_cast %swap3A_1267 : i32 to index
      %swap3A_1269 = arith.constant 0 : index
      %swap3A_1270 = tpu.vector_load %arg14[%swap3A_1268, %swap3A_1269] {strides = array<i32>} : memref<32x16xf32, #tpu.memory_space<vmem>>, vector<16xf32>,
      tpu.vector_store %arg14[%swap3A_1268, %swap3A_1269], %gather3A_1266 {strides = array<i32>} : memref<32x16xf32, #tpu.memory_space<vmem>>, vector<16xf32>,
      %iota3A_1271 = tpu.iota {dimensions = array<i32: 0>} : vector<16xi32>
      %mul3A_1272 = arith.constant 32 : i32
      %mul3A_1273 = vector.broadcast %mul3A_1272 : i32 to vector<16xi32>
      %mul3A_1274 = arith.muli %iota3A_1271, %mul3A_1273 : vector<16xi32>
      %add3A_1275 = arith.constant 10 : i32
      %add3A_1276 = vector.broadcast %add3A_1275 : i32 to vector<16xi32>
      %add3A_1277 = arith.addi %mul3A_1274, %add3A_1276 : vector<16xi32>
      %gather3A_1278 = tpu.vector_load_idx %arg12[%add3A_1277, %and3A_1150] : memref<512x128xf32, #tpu.memory_space<vmem>>[vector<16xi32>, vector<16xi32>], vector<16xf32>,
      %swap3A_1279 = arith.constant 10 : i32
      %swap3A_1280 = arith.index_cast %swap3A_1279 : i32 to index
      %swap3A_1281 = arith.constant 0 : index
      %swap3A_1282 = tpu.vector_load %arg14[%swap3A_1280, %swap3A_1281] {strides = array<i32>} : memref<32x16xf32, #tpu.memory_space<vmem>>, vector<16xf32>,
      tpu.vector_store %arg14[%swap3A_1280, %swap3A_1281], %gather3A_1278 {strides = array<i32>} : memref<32x16xf32, #tpu.memory_space<vmem>>, vector<16xf32>,
      %iota3A_1283 = tpu.iota {dimensions = array<i32: 0>} : vector<16xi32>
      %mul3A_1284 = arith.constant 32 : i32
      %mul3A_1285 = vector.broadcast %mul3A_1284 : i32 to vector<16xi32>
      %mul3A_1286 = arith.muli %iota3A_1283, %mul3A_1285 : vector<16xi32>
      %add3A_1287 = arith.constant 11 : i32
      %add3A_1288 = vector.broadcast %add3A_1287 : i32 to vector<16xi32>
      %add3A_1289 = arith.addi %mul3A_1286, %add3A_1288 : vector<16xi32>
      %gather3A_1290 = tpu.vector_load_idx %arg12[%add3A_1289, %and3A_1150] : memref<512x128xf32, #tpu.memory_space<vmem>>[vector<16xi32>, vector<16xi32>], vector<16xf32>,
      %swap3A_1291 = arith.constant 11 : i32
      %swap3A_1292 = arith.index_cast %swap3A_1291 : i32 to index
      %swap3A_1293 = arith.constant 0 : index
      %swap3A_1294 = tpu.vector_load %arg14[%swap3A_1292, %swap3A_1293] {strides = array<i32>} : memref<32x16xf32, #tpu.memory_space<vmem>>, vector<16xf32>,
      tpu.vector_store %arg14[%swap3A_1292, %swap3A_1293], %gather3A_1290 {strides = array<i32>} : memref<32x16xf32, #tpu.memory_space<vmem>>, vector<16xf32>,
      %iota3A_1295 = tpu.iota {dimensions = array<i32: 0>} : vector<16xi32>
      %mul3A_1296 = arith.constant 32 : i32
      %mul3A_1297 = vector.broadcast %mul3A_1296 : i32 to vector<16xi32>
      %mul3A_1298 = arith.muli %iota3A_1295, %mul3A_1297 : vector<16xi32>
      %add3A_1299 = arith.constant 12 : i32
      %add3A_1300 = vector.broadcast %add3A_1299 : i32 to vector<16xi32>
      %add3A_1301 = arith.addi %mul3A_1298, %add3A_1300 : vector<16xi32>
      %gather3A_1302 = tpu.vector_load_idx %arg12[%add3A_1301, %and3A_1150] : memref<512x128xf32, #tpu.memory_space<vmem>>[vector<16xi32>, vector<16xi32>], vector<16xf32>,
      %swap3A_1303 = arith.constant 12 : i32
      %swap3A_1304 = arith.index_cast %swap3A_1303 : i32 to index
      %swap3A_1305 = arith.constant 0 : index
      %swap3A_1306 = tpu.vector_load %arg14[%swap3A_1304, %swap3A_1305] {strides = array<i32>} : memref<32x16xf32, #tpu.memory_space<vmem>>, vector<16xf32>,
      tpu.vector_store %arg14[%swap3A_1304, %swap3A_1305], %gather3A_1302 {strides = array<i32>} : memref<32x16xf32, #tpu.memory_space<vmem>>, vector<16xf32>,
      %iota3A_1307 = tpu.iota {dimensions = array<i32: 0>} : vector<16xi32>
      %mul3A_1308 = arith.constant 32 : i32
      %mul3A_1309 = vector.broadcast %mul3A_1308 : i32 to vector<16xi32>
      %mul3A_1310 = arith.muli %iota3A_1307, %mul3A_1309 : vector<16xi32>
      %add3A_1311 = arith.constant 13 : i32
      %add3A_1312 = vector.broadcast %add3A_1311 : i32 to vector<16xi32>
      %add3A_1313 = arith.addi %mul3A_1310, %add3A_1312 : vector<16xi32>
      %gather3A_1314 = tpu.vector_load_idx %arg12[%add3A_1313, %and3A_1150] : memref<512x128xf32, #tpu.memory_space<vmem>>[vector<16xi32>, vector<16xi32>], vector<16xf32>,
      %swap3A_1315 = arith.constant 13 : i32
      %swap3A_1316 = arith.index_cast %swap3A_1315 : i32 to index
      %swap3A_1317 = arith.constant 0 : index
      %swap3A_1318 = tpu.vector_load %arg14[%swap3A_1316, %swap3A_1317] {strides = array<i32>} : memref<32x16xf32, #tpu.memory_space<vmem>>, vector<16xf32>,
      tpu.vector_store %arg14[%swap3A_1316, %swap3A_1317], %gather3A_1314 {strides = array<i32>} : memref<32x16xf32, #tpu.memory_space<vmem>>, vector<16xf32>,
      %iota3A_1319 = tpu.iota {dimensions = array<i32: 0>} : vector<16xi32>
      %mul3A_1320 = arith.constant 32 : i32
      %mul3A_1321 = vector.broadcast %mul3A_1320 : i32 to vector<16xi32>
      %mul3A_1322 = arith.muli %iota3A_1319, %mul3A_1321 : vector<16xi32>
      %add3A_1323 = arith.constant 14 : i32
      %add3A_1324 = vector.broadcast %add3A_1323 : i32 to vector<16xi32>
      %add3A_1325 = arith.addi %mul3A_1322, %add3A_1324 : vector<16xi32>
      %gather3A_1326 = tpu.vector_load_idx %arg12[%add3A_1325, %and3A_1150] : memref<512x128xf32, #tpu.memory_space<vmem>>[vector<16xi32>, vector<16xi32>], vector<16xf32>,
      %swap3A_1327 = arith.constant 14 : i32
      %swap3A_1328 = arith.index_cast %swap3A_1327 : i32 to index
      %swap3A_1329 = arith.constant 0 : index
      %swap3A_1330 = tpu.vector_load %arg14[%swap3A_1328, %swap3A_1329] {strides = array<i32>} : memref<32x16xf32, #tpu.memory_space<vmem>>, vector<16xf32>,
      tpu.vector_store %arg14[%swap3A_1328, %swap3A_1329], %gather3A_1326 {strides = array<i32>} : memref<32x16xf32, #tpu.memory_space<vmem>>, vector<16xf32>,
      %iota3A_1331 = tpu.iota {dimensions = array<i32: 0>} : vector<16xi32>
      %mul3A_1332 = arith.constant 32 : i32
      %mul3A_1333 = vector.broadcast %mul3A_1332 : i32 to vector<16xi32>
      %mul3A_1334 = arith.muli %iota3A_1331, %mul3A_1333 : vector<16xi32>
      %add3A_1335 = arith.constant 15 : i32
      %add3A_1336 = vector.broadcast %add3A_1335 : i32 to vector<16xi32>
      %add3A_1337 = arith.addi %mul3A_1334, %add3A_1336 : vector<16xi32>
      %gather3A_1338 = tpu.vector_load_idx %arg12[%add3A_1337, %and3A_1150] : memref<512x128xf32, #tpu.memory_space<vmem>>[vector<16xi32>, vector<16xi32>], vector<16xf32>,
      %swap3A_1339 = arith.constant 15 : i32
      %swap3A_1340 = arith.index_cast %swap3A_1339 : i32 to index
      %swap3A_1341 = arith.constant 0 : index
      %swap3A_1342 = tpu.vector_load %arg14[%swap3A_1340, %swap3A_1341] {strides = array<i32>} : memref<32x16xf32, #tpu.memory_space<vmem>>, vector<16xf32>,
      tpu.vector_store %arg14[%swap3A_1340, %swap3A_1341], %gather3A_1338 {strides = array<i32>} : memref<32x16xf32, #tpu.memory_space<vmem>>, vector<16xf32>,
      %iota3A_1343 = tpu.iota {dimensions = array<i32: 0>} : vector<16xi32>
      %mul3A_1344 = arith.constant 32 : i32
      %mul3A_1345 = vector.broadcast %mul3A_1344 : i32 to vector<16xi32>
      %mul3A_1346 = arith.muli %iota3A_1343, %mul3A_1345 : vector<16xi32>
      %add3A_1347 = arith.constant 16 : i32
      %add3A_1348 = vector.broadcast %add3A_1347 : i32 to vector<16xi32>
      %add3A_1349 = arith.addi %mul3A_1346, %add3A_1348 : vector<16xi32>
      %gather3A_1350 = tpu.vector_load_idx %arg12[%add3A_1349, %and3A_1150] : memref<512x128xf32, #tpu.memory_space<vmem>>[vector<16xi32>, vector<16xi32>], vector<16xf32>,
      %swap3A_1351 = arith.constant 16 : i32
      %swap3A_1352 = arith.index_cast %swap3A_1351 : i32 to index
      %swap3A_1353 = arith.constant 0 : index
      %swap3A_1354 = tpu.vector_load %arg14[%swap3A_1352, %swap3A_1353] {strides = array<i32>} : memref<32x16xf32, #tpu.memory_space<vmem>>, vector<16xf32>,
      tpu.vector_store %arg14[%swap3A_1352, %swap3A_1353], %gather3A_1350 {strides = array<i32>} : memref<32x16xf32, #tpu.memory_space<vmem>>, vector<16xf32>,
      %iota3A_1355 = tpu.iota {dimensions = array<i32: 0>} : vector<16xi32>
      %mul3A_1356 = arith.constant 32 : i32
      %mul3A_1357 = vector.broadcast %mul3A_1356 : i32 to vector<16xi32>
      %mul3A_1358 = arith.muli %iota3A_1355, %mul3A_1357 : vector<16xi32>
      %add3A_1359 = arith.constant 17 : i32
      %add3A_1360 = vector.broadcast %add3A_1359 : i32 to vector<16xi32>
      %add3A_1361 = arith.addi %mul3A_1358, %add3A_1360 : vector<16xi32>
      %gather3A_1362 = tpu.vector_load_idx %arg12[%add3A_1361, %and3A_1150] : memref<512x128xf32, #tpu.memory_space<vmem>>[vector<16xi32>, vector<16xi32>], vector<16xf32>,
      %swap3A_1363 = arith.constant 17 : i32
      %swap3A_1364 = arith.index_cast %swap3A_1363 : i32 to index
      %swap3A_1365 = arith.constant 0 : index
      %swap3A_1366 = tpu.vector_load %arg14[%swap3A_1364, %swap3A_1365] {strides = array<i32>} : memref<32x16xf32, #tpu.memory_space<vmem>>, vector<16xf32>,
      tpu.vector_store %arg14[%swap3A_1364, %swap3A_1365], %gather3A_1362 {strides = array<i32>} : memref<32x16xf32, #tpu.memory_space<vmem>>, vector<16xf32>,
      %iota3A_1367 = tpu.iota {dimensions = array<i32: 0>} : vector<16xi32>
      %mul3A_1368 = arith.constant 32 : i32
      %mul3A_1369 = vector.broadcast %mul3A_1368 : i32 to vector<16xi32>
      %mul3A_1370 = arith.muli %iota3A_1367, %mul3A_1369 : vector<16xi32>
      %add3A_1371 = arith.constant 18 : i32
      %add3A_1372 = vector.broadcast %add3A_1371 : i32 to vector<16xi32>
      %add3A_1373 = arith.addi %mul3A_1370, %add3A_1372 : vector<16xi32>
      %gather3A_1374 = tpu.vector_load_idx %arg12[%add3A_1373, %and3A_1150] : memref<512x128xf32, #tpu.memory_space<vmem>>[vector<16xi32>, vector<16xi32>], vector<16xf32>,
      %swap3A_1375 = arith.constant 18 : i32
      %swap3A_1376 = arith.index_cast %swap3A_1375 : i32 to index
      %swap3A_1377 = arith.constant 0 : index
      %swap3A_1378 = tpu.vector_load %arg14[%swap3A_1376, %swap3A_1377] {strides = array<i32>} : memref<32x16xf32, #tpu.memory_space<vmem>>, vector<16xf32>,
      tpu.vector_store %arg14[%swap3A_1376, %swap3A_1377], %gather3A_1374 {strides = array<i32>} : memref<32x16xf32, #tpu.memory_space<vmem>>, vector<16xf32>,
      %iota3A_1379 = tpu.iota {dimensions = array<i32: 0>} : vector<16xi32>
      %mul3A_1380 = arith.constant 32 : i32
      %mul3A_1381 = vector.broadcast %mul3A_1380 : i32 to vector<16xi32>
      %mul3A_1382 = arith.muli %iota3A_1379, %mul3A_1381 : vector<16xi32>
      %add3A_1383 = arith.constant 19 : i32
      %add3A_1384 = vector.broadcast %add3A_1383 : i32 to vector<16xi32>
      %add3A_1385 = arith.addi %mul3A_1382, %add3A_1384 : vector<16xi32>
      %gather3A_1386 = tpu.vector_load_idx %arg12[%add3A_1385, %and3A_1150] : memref<512x128xf32, #tpu.memory_space<vmem>>[vector<16xi32>, vector<16xi32>], vector<16xf32>,
      %swap3A_1387 = arith.constant 19 : i32
      %swap3A_1388 = arith.index_cast %swap3A_1387 : i32 to index
      %swap3A_1389 = arith.constant 0 : index
      %swap3A_1390 = tpu.vector_load %arg14[%swap3A_1388, %swap3A_1389] {strides = array<i32>} : memref<32x16xf32, #tpu.memory_space<vmem>>, vector<16xf32>,
      tpu.vector_store %arg14[%swap3A_1388, %swap3A_1389], %gather3A_1386 {strides = array<i32>} : memref<32x16xf32, #tpu.memory_space<vmem>>, vector<16xf32>,
      %iota3A_1391 = tpu.iota {dimensions = array<i32: 0>} : vector<16xi32>
      %mul3A_1392 = arith.constant 32 : i32
      %mul3A_1393 = vector.broadcast %mul3A_1392 : i32 to vector<16xi32>
      %mul3A_1394 = arith.muli %iota3A_1391, %mul3A_1393 : vector<16xi32>
      %add3A_1395 = arith.constant 20 : i32
      %add3A_1396 = vector.broadcast %add3A_1395 : i32 to vector<16xi32>
      %add3A_1397 = arith.addi %mul3A_1394, %add3A_1396 : vector<16xi32>
      %gather3A_1398 = tpu.vector_load_idx %arg12[%add3A_1397, %and3A_1150] : memref<512x128xf32, #tpu.memory_space<vmem>>[vector<16xi32>, vector<16xi32>], vector<16xf32>,
      %swap3A_1399 = arith.constant 20 : i32
      %swap3A_1400 = arith.index_cast %swap3A_1399 : i32 to index
      %swap3A_1401 = arith.constant 0 : index
      %swap3A_1402 = tpu.vector_load %arg14[%swap3A_1400, %swap3A_1401] {strides = array<i32>} : memref<32x16xf32, #tpu.memory_space<vmem>>, vector<16xf32>,
      tpu.vector_store %arg14[%swap3A_1400, %swap3A_1401], %gather3A_1398 {strides = array<i32>} : memref<32x16xf32, #tpu.memory_space<vmem>>, vector<16xf32>,
      %iota3A_1403 = tpu.iota {dimensions = array<i32: 0>} : vector<16xi32>
      %mul3A_1404 = arith.constant 32 : i32
      %mul3A_1405 = vector.broadcast %mul3A_1404 : i32 to vector<16xi32>
      %mul3A_1406 = arith.muli %iota3A_1403, %mul3A_1405 : vector<16xi32>
      %add3A_1407 = arith.constant 21 : i32
      %add3A_1408 = vector.broadcast %add3A_1407 : i32 to vector<16xi32>
      %add3A_1409 = arith.addi %mul3A_1406, %add3A_1408 : vector<16xi32>
      %gather3A_1410 = tpu.vector_load_idx %arg12[%add3A_1409, %and3A_1150] : memref<512x128xf32, #tpu.memory_space<vmem>>[vector<16xi32>, vector<16xi32>], vector<16xf32>,
      %swap3A_1411 = arith.constant 21 : i32
      %swap3A_1412 = arith.index_cast %swap3A_1411 : i32 to index
      %swap3A_1413 = arith.constant 0 : index
      %swap3A_1414 = tpu.vector_load %arg14[%swap3A_1412, %swap3A_1413] {strides = array<i32>} : memref<32x16xf32, #tpu.memory_space<vmem>>, vector<16xf32>,
      tpu.vector_store %arg14[%swap3A_1412, %swap3A_1413], %gather3A_1410 {strides = array<i32>} : memref<32x16xf32, #tpu.memory_space<vmem>>, vector<16xf32>,
      %iota3A_1415 = tpu.iota {dimensions = array<i32: 0>} : vector<16xi32>
      %mul3A_1416 = arith.constant 32 : i32
      %mul3A_1417 = vector.broadcast %mul3A_1416 : i32 to vector<16xi32>
      %mul3A_1418 = arith.muli %iota3A_1415, %mul3A_1417 : vector<16xi32>
      %add3A_1419 = arith.constant 22 : i32
      %add3A_1420 = vector.broadcast %add3A_1419 : i32 to vector<16xi32>
      %add3A_1421 = arith.addi %mul3A_1418, %add3A_1420 : vector<16xi32>
      %gather3A_1422 = tpu.vector_load_idx %arg12[%add3A_1421, %and3A_1150] : memref<512x128xf32, #tpu.memory_space<vmem>>[vector<16xi32>, vector<16xi32>], vector<16xf32>,
      %swap3A_1423 = arith.constant 22 : i32
      %swap3A_1424 = arith.index_cast %swap3A_1423 : i32 to index
      %swap3A_1425 = arith.constant 0 : index
      %swap3A_1426 = tpu.vector_load %arg14[%swap3A_1424, %swap3A_1425] {strides = array<i32>} : memref<32x16xf32, #tpu.memory_space<vmem>>, vector<16xf32>,
      tpu.vector_store %arg14[%swap3A_1424, %swap3A_1425], %gather3A_1422 {strides = array<i32>} : memref<32x16xf32, #tpu.memory_space<vmem>>, vector<16xf32>,
      %iota3A_1427 = tpu.iota {dimensions = array<i32: 0>} : vector<16xi32>
      %mul3A_1428 = arith.constant 32 : i32
      %mul3A_1429 = vector.broadcast %mul3A_1428 : i32 to vector<16xi32>
      %mul3A_1430 = arith.muli %iota3A_1427, %mul3A_1429 : vector<16xi32>
      %add3A_1431 = arith.constant 23 : i32
      %add3A_1432 = vector.broadcast %add3A_1431 : i32 to vector<16xi32>
      %add3A_1433 = arith.addi %mul3A_1430, %add3A_1432 : vector<16xi32>
      %gather3A_1434 = tpu.vector_load_idx %arg12[%add3A_1433, %and3A_1150] : memref<512x128xf32, #tpu.memory_space<vmem>>[vector<16xi32>, vector<16xi32>], vector<16xf32>,
      %swap3A_1435 = arith.constant 23 : i32
      %swap3A_1436 = arith.index_cast %swap3A_1435 : i32 to index
      %swap3A_1437 = arith.constant 0 : index
      %swap3A_1438 = tpu.vector_load %arg14[%swap3A_1436, %swap3A_1437] {strides = array<i32>} : memref<32x16xf32, #tpu.memory_space<vmem>>, vector<16xf32>,
      tpu.vector_store %arg14[%swap3A_1436, %swap3A_1437], %gather3A_1434 {strides = array<i32>} : memref<32x16xf32, #tpu.memory_space<vmem>>, vector<16xf32>,
      %iota3A_1439 = tpu.iota {dimensions = array<i32: 0>} : vector<16xi32>
      %mul3A_1440 = arith.constant 32 : i32
      %mul3A_1441 = vector.broadcast %mul3A_1440 : i32 to vector<16xi32>
      %mul3A_1442 = arith.muli %iota3A_1439, %mul3A_1441 : vector<16xi32>
      %add3A_1443 = arith.constant 24 : i32
      %add3A_1444 = vector.broadcast %add3A_1443 : i32 to vector<16xi32>
      %add3A_1445 = arith.addi %mul3A_1442, %add3A_1444 : vector<16xi32>
      %gather3A_1446 = tpu.vector_load_idx %arg12[%add3A_1445, %and3A_1150] : memref<512x128xf32, #tpu.memory_space<vmem>>[vector<16xi32>, vector<16xi32>], vector<16xf32>,
      %swap3A_1447 = arith.constant 24 : i32
      %swap3A_1448 = arith.index_cast %swap3A_1447 : i32 to index
      %swap3A_1449 = arith.constant 0 : index
      %swap3A_1450 = tpu.vector_load %arg14[%swap3A_1448, %swap3A_1449] {strides = array<i32>} : memref<32x16xf32, #tpu.memory_space<vmem>>, vector<16xf32>,
      tpu.vector_store %arg14[%swap3A_1448, %swap3A_1449], %gather3A_1446 {strides = array<i32>} : memref<32x16xf32, #tpu.memory_space<vmem>>, vector<16xf32>,
      %iota3A_1451 = tpu.iota {dimensions = array<i32: 0>} : vector<16xi32>
      %mul3A_1452 = arith.constant 32 : i32
      %mul3A_1453 = vector.broadcast %mul3A_1452 : i32 to vector<16xi32>
      %mul3A_1454 = arith.muli %iota3A_1451, %mul3A_1453 : vector<16xi32>
      %add3A_1455 = arith.constant 25 : i32
      %add3A_1456 = vector.broadcast %add3A_1455 : i32 to vector<16xi32>
      %add3A_1457 = arith.addi %mul3A_1454, %add3A_1456 : vector<16xi32>
      %gather3A_1458 = tpu.vector_load_idx %arg12[%add3A_1457, %and3A_1150] : memref<512x128xf32, #tpu.memory_space<vmem>>[vector<16xi32>, vector<16xi32>], vector<16xf32>,
      %swap3A_1459 = arith.constant 25 : i32
      %swap3A_1460 = arith.index_cast %swap3A_1459 : i32 to index
      %swap3A_1461 = arith.constant 0 : index
      %swap3A_1462 = tpu.vector_load %arg14[%swap3A_1460, %swap3A_1461] {strides = array<i32>} : memref<32x16xf32, #tpu.memory_space<vmem>>, vector<16xf32>,
      tpu.vector_store %arg14[%swap3A_1460, %swap3A_1461], %gather3A_1458 {strides = array<i32>} : memref<32x16xf32, #tpu.memory_space<vmem>>, vector<16xf32>,
      %iota3A_1463 = tpu.iota {dimensions = array<i32: 0>} : vector<16xi32>
      %mul3A_1464 = arith.constant 32 : i32
      %mul3A_1465 = vector.broadcast %mul3A_1464 : i32 to vector<16xi32>
      %mul3A_1466 = arith.muli %iota3A_1463, %mul3A_1465 : vector<16xi32>
      %add3A_1467 = arith.constant 26 : i32
      %add3A_1468 = vector.broadcast %add3A_1467 : i32 to vector<16xi32>
      %add3A_1469 = arith.addi %mul3A_1466, %add3A_1468 : vector<16xi32>
      %gather3A_1470 = tpu.vector_load_idx %arg12[%add3A_1469, %and3A_1150] : memref<512x128xf32, #tpu.memory_space<vmem>>[vector<16xi32>, vector<16xi32>], vector<16xf32>,
      %swap3A_1471 = arith.constant 26 : i32
      %swap3A_1472 = arith.index_cast %swap3A_1471 : i32 to index
      %swap3A_1473 = arith.constant 0 : index
      %swap3A_1474 = tpu.vector_load %arg14[%swap3A_1472, %swap3A_1473] {strides = array<i32>} : memref<32x16xf32, #tpu.memory_space<vmem>>, vector<16xf32>,
      tpu.vector_store %arg14[%swap3A_1472, %swap3A_1473], %gather3A_1470 {strides = array<i32>} : memref<32x16xf32, #tpu.memory_space<vmem>>, vector<16xf32>,
      %iota3A_1475 = tpu.iota {dimensions = array<i32: 0>} : vector<16xi32>
      %mul3A_1476 = arith.constant 32 : i32
      %mul3A_1477 = vector.broadcast %mul3A_1476 : i32 to vector<16xi32>
      %mul3A_1478 = arith.muli %iota3A_1475, %mul3A_1477 : vector<16xi32>
      %add3A_1479 = arith.constant 27 : i32
      %add3A_1480 = vector.broadcast %add3A_1479 : i32 to vector<16xi32>
      %add3A_1481 = arith.addi %mul3A_1478, %add3A_1480 : vector<16xi32>
      %gather3A_1482 = tpu.vector_load_idx %arg12[%add3A_1481, %and3A_1150] : memref<512x128xf32, #tpu.memory_space<vmem>>[vector<16xi32>, vector<16xi32>], vector<16xf32>,
      %swap3A_1483 = arith.constant 27 : i32
      %swap3A_1484 = arith.index_cast %swap3A_1483 : i32 to index
      %swap3A_1485 = arith.constant 0 : index
      %swap3A_1486 = tpu.vector_load %arg14[%swap3A_1484, %swap3A_1485] {strides = array<i32>} : memref<32x16xf32, #tpu.memory_space<vmem>>, vector<16xf32>,
      tpu.vector_store %arg14[%swap3A_1484, %swap3A_1485], %gather3A_1482 {strides = array<i32>} : memref<32x16xf32, #tpu.memory_space<vmem>>, vector<16xf32>,
      %iota3A_1487 = tpu.iota {dimensions = array<i32: 0>} : vector<16xi32>
      %mul3A_1488 = arith.constant 32 : i32
      %mul3A_1489 = vector.broadcast %mul3A_1488 : i32 to vector<16xi32>
      %mul3A_1490 = arith.muli %iota3A_1487, %mul3A_1489 : vector<16xi32>
      %add3A_1491 = arith.constant 28 : i32
      %add3A_1492 = vector.broadcast %add3A_1491 : i32 to vector<16xi32>
      %add3A_1493 = arith.addi %mul3A_1490, %add3A_1492 : vector<16xi32>
      %gather3A_1494 = tpu.vector_load_idx %arg12[%add3A_1493, %and3A_1150] : memref<512x128xf32, #tpu.memory_space<vmem>>[vector<16xi32>, vector<16xi32>], vector<16xf32>,
      %swap3A_1495 = arith.constant 28 : i32
      %swap3A_1496 = arith.index_cast %swap3A_1495 : i32 to index
      %swap3A_1497 = arith.constant 0 : index
      %swap3A_1498 = tpu.vector_load %arg14[%swap3A_1496, %swap3A_1497] {strides = array<i32>} : memref<32x16xf32, #tpu.memory_space<vmem>>, vector<16xf32>,
      tpu.vector_store %arg14[%swap3A_1496, %swap3A_1497], %gather3A_1494 {strides = array<i32>} : memref<32x16xf32, #tpu.memory_space<vmem>>, vector<16xf32>,
      %iota3A_1499 = tpu.iota {dimensions = array<i32: 0>} : vector<16xi32>
      %mul3A_1500 = arith.constant 32 : i32
      %mul3A_1501 = vector.broadcast %mul3A_1500 : i32 to vector<16xi32>
      %mul3A_1502 = arith.muli %iota3A_1499, %mul3A_1501 : vector<16xi32>
      %add3A_1503 = arith.constant 29 : i32
      %add3A_1504 = vector.broadcast %add3A_1503 : i32 to vector<16xi32>
      %add3A_1505 = arith.addi %mul3A_1502, %add3A_1504 : vector<16xi32>
      %gather3A_1506 = tpu.vector_load_idx %arg12[%add3A_1505, %and3A_1150] : memref<512x128xf32, #tpu.memory_space<vmem>>[vector<16xi32>, vector<16xi32>], vector<16xf32>,
      %swap3A_1507 = arith.constant 29 : i32
      %swap3A_1508 = arith.index_cast %swap3A_1507 : i32 to index
      %swap3A_1509 = arith.constant 0 : index
      %swap3A_1510 = tpu.vector_load %arg14[%swap3A_1508, %swap3A_1509] {strides = array<i32>} : memref<32x16xf32, #tpu.memory_space<vmem>>, vector<16xf32>,
      tpu.vector_store %arg14[%swap3A_1508, %swap3A_1509], %gather3A_1506 {strides = array<i32>} : memref<32x16xf32, #tpu.memory_space<vmem>>, vector<16xf32>,
      %iota3A_1511 = tpu.iota {dimensions = array<i32: 0>} : vector<16xi32>
      %mul3A_1512 = arith.constant 32 : i32
      %mul3A_1513 = vector.broadcast %mul3A_1512 : i32 to vector<16xi32>
      %mul3A_1514 = arith.muli %iota3A_1511, %mul3A_1513 : vector<16xi32>
      %add3A_1515 = arith.constant 30 : i32
      %add3A_1516 = vector.broadcast %add3A_1515 : i32 to vector<16xi32>
      %add3A_1517 = arith.addi %mul3A_1514, %add3A_1516 : vector<16xi32>
      %gather3A_1518 = tpu.vector_load_idx %arg12[%add3A_1517, %and3A_1150] : memref<512x128xf32, #tpu.memory_space<vmem>>[vector<16xi32>, vector<16xi32>], vector<16xf32>,
      %swap3A_1519 = arith.constant 30 : i32
      %swap3A_1520 = arith.index_cast %swap3A_1519 : i32 to index
      %swap3A_1521 = arith.constant 0 : index
      %swap3A_1522 = tpu.vector_load %arg14[%swap3A_1520, %swap3A_1521] {strides = array<i32>} : memref<32x16xf32, #tpu.memory_space<vmem>>, vector<16xf32>,
      tpu.vector_store %arg14[%swap3A_1520, %swap3A_1521], %gather3A_1518 {strides = array<i32>} : memref<32x16xf32, #tpu.memory_space<vmem>>, vector<16xf32>,
      %iota3A_1523 = tpu.iota {dimensions = array<i32: 0>} : vector<16xi32>
      %mul3A_1524 = arith.constant 32 : i32
      %mul3A_1525 = vector.broadcast %mul3A_1524 : i32 to vector<16xi32>
      %mul3A_1526 = arith.muli %iota3A_1523, %mul3A_1525 : vector<16xi32>
      %add3A_1527 = arith.constant 31 : i32
      %add3A_1528 = vector.broadcast %add3A_1527 : i32 to vector<16xi32>
      %add3A_1529 = arith.addi %mul3A_1526, %add3A_1528 : vector<16xi32>
      %gather3A_1530 = tpu.vector_load_idx %arg12[%add3A_1529, %and3A_1150] : memref<512x128xf32, #tpu.memory_space<vmem>>[vector<16xi32>, vector<16xi32>], vector<16xf32>,
      %swap3A_1531 = arith.constant 31 : i32
      %swap3A_1532 = arith.index_cast %swap3A_1531 : i32 to index
      %swap3A_1533 = arith.constant 0 : index
      %swap3A_1534 = tpu.vector_load %arg14[%swap3A_1532, %swap3A_1533] {strides = array<i32>} : memref<32x16xf32, #tpu.memory_space<vmem>>, vector<16xf32>,
      tpu.vector_store %arg14[%swap3A_1532, %swap3A_1533], %gather3A_1530 {strides = array<i32>} : memref<32x16xf32, #tpu.memory_space<vmem>>, vector<16xf32>,
      %mul3A_1535 = arith.constant 16 : i32
      %mul3A_1536 = arith.muli %scan3A_8, %mul3A_1535 : i32
      %get3A_1537 = arith.index_cast %mul3A_1536 : i32 to index
      %get3A_1538 = tpu.vector_load %arg11[%get3A_1537] {strides = array<i32>} : memref<512xi32, #tpu.memory_space<vmem>>, vector<16xi32>,
      %shift_right_arithmetic3A_1539 = arith.constant 7 : i32
      %shift_right_arithmetic3A_1540 = vector.broadcast %shift_right_arithmetic3A_1539 : i32 to vector<16xi32>
      %shift_right_arithmetic3A_1541 = arith.shrsi %get3A_1538, %shift_right_arithmetic3A_1540 : vector<16xi32>
      %mul3A_1542 = arith.constant 128 : i32
      %mul3A_1543 = vector.broadcast %mul3A_1542 : i32 to vector<16xi32>
      %mul3A_1544 = arith.muli %shift_right_arithmetic3A_1541, %mul3A_1543 : vector<16xi32>
      %slice3A_1545 = vector.extract_strided_slice %mul3A_1544 {offsets = [0], sizes = [1], strides = [1]} : vector<16xi32> to vector<1xi32>
      %squeeze3A_1546 = vector.extract %slice3A_1545[0] : i32 from vector<1xi32>
      %multiple_of3A_1547 = tpu.assume_multiple %squeeze3A_1546, 128 : i32
      %dma_start3A_1548 = arith.constant 0 : i32
      %dma_start3A_1549 = arith.constant 0 : i32
      %dma_start3A_1550 = tpu.memref_slice %arg12[%dma_start3A_1548, %dma_start3A_1549] : memref<512x128xf32, #tpu.memory_space<vmem>> -> memref<32x128xf32, #tpu.memory_space<vmem>>
      %dma_start3A_1551 = arith.constant 0 : i32
      %dma_start3A_1552 = tpu.memref_slice %arg6[%dma_start3A_1551, %multiple_of3A_1547] : memref<32x1000064xf32, #tpu.memory_space<hbm>> -> memref<32x128xf32, #tpu.memory_space<hbm>>
      %dma_start3A_1553 = arith.constant 0 : i32
      %dma_start3A_1554 = arith.constant 0 : i32
      %dma_start3A_1555 = tpu.memref_slice %arg12[%dma_start3A_1553, %dma_start3A_1554] : memref<512x128xf32, #tpu.memory_space<vmem>> -> memref<32x128xf32, #tpu.memory_space<vmem>>
      %dma_start3A_1556 = arith.constant 0 : i32
      %dma_start3A_1557 = tpu.memref_slice %arg6[%dma_start3A_1556, %multiple_of3A_1547] : memref<32x1000064xf32, #tpu.memory_space<hbm>> -> memref<32x128xf32, #tpu.memory_space<hbm>>
      tpu.enqueue_dma source(%dma_start3A_1557 : memref<32x128xf32, #tpu.memory_space<hbm>>) target(%dma_start3A_1555 : memref<32x128xf32, #tpu.memory_space<vmem>>) target_semaphore(%arg18 : memref<!tpu.dma_semaphore, #tpu.memory_space<semaphore_mem>>)
      %slice3A_1558 = vector.extract_strided_slice %mul3A_1544 {offsets = [1], sizes = [1], strides = [1]} : vector<16xi32> to vector<1xi32>
      %squeeze3A_1559 = vector.extract %slice3A_1558[0] : i32 from vector<1xi32>
      %multiple_of3A_1560 = tpu.assume_multiple %squeeze3A_1559, 128 : i32
      %dma_start3A_1561 = arith.constant 32 : i32
      %dma_start3A_1562 = arith.constant 0 : i32
      %dma_start3A_1563 = tpu.memref_slice %arg12[%dma_start3A_1561, %dma_start3A_1562] : memref<512x128xf32, #tpu.memory_space<vmem>> -> memref<32x128xf32, #tpu.memory_space<vmem>>
      %dma_start3A_1564 = arith.constant 0 : i32
      %dma_start3A_1565 = tpu.memref_slice %arg6[%dma_start3A_1564, %multiple_of3A_1560] : memref<32x1000064xf32, #tpu.memory_space<hbm>> -> memref<32x128xf32, #tpu.memory_space<hbm>>
      %dma_start3A_1566 = arith.constant 32 : i32
      %dma_start3A_1567 = arith.constant 0 : i32
      %dma_start3A_1568 = tpu.memref_slice %arg12[%dma_start3A_1566, %dma_start3A_1567] : memref<512x128xf32, #tpu.memory_space<vmem>> -> memref<32x128xf32, #tpu.memory_space<vmem>>
      %dma_start3A_1569 = arith.constant 0 : i32
      %dma_start3A_1570 = tpu.memref_slice %arg6[%dma_start3A_1569, %multiple_of3A_1560] : memref<32x1000064xf32, #tpu.memory_space<hbm>> -> memref<32x128xf32, #tpu.memory_space<hbm>>
      tpu.enqueue_dma source(%dma_start3A_1570 : memref<32x128xf32, #tpu.memory_space<hbm>>) target(%dma_start3A_1568 : memref<32x128xf32, #tpu.memory_space<vmem>>) target_semaphore(%arg18 : memref<!tpu.dma_semaphore, #tpu.memory_space<semaphore_mem>>)
      %slice3A_1571 = vector.extract_strided_slice %mul3A_1544 {offsets = [2], sizes = [1], strides = [1]} : vector<16xi32> to vector<1xi32>
      %squeeze3A_1572 = vector.extract %slice3A_1571[0] : i32 from vector<1xi32>
      %multiple_of3A_1573 = tpu.assume_multiple %squeeze3A_1572, 128 : i32
      %dma_start3A_1574 = arith.constant 64 : i32
      %dma_start3A_1575 = arith.constant 0 : i32
      %dma_start3A_1576 = tpu.memref_slice %arg12[%dma_start3A_1574, %dma_start3A_1575] : memref<512x128xf32, #tpu.memory_space<vmem>> -> memref<32x128xf32, #tpu.memory_space<vmem>>
      %dma_start3A_1577 = arith.constant 0 : i32
      %dma_start3A_1578 = tpu.memref_slice %arg6[%dma_start3A_1577, %multiple_of3A_1573] : memref<32x1000064xf32, #tpu.memory_space<hbm>> -> memref<32x128xf32, #tpu.memory_space<hbm>>
      %dma_start3A_1579 = arith.constant 64 : i32
      %dma_start3A_1580 = arith.constant 0 : i32
      %dma_start3A_1581 = tpu.memref_slice %arg12[%dma_start3A_1579, %dma_start3A_1580] : memref<512x128xf32, #tpu.memory_space<vmem>> -> memref<32x128xf32, #tpu.memory_space<vmem>>
      %dma_start3A_1582 = arith.constant 0 : i32
      %dma_start3A_1583 = tpu.memref_slice %arg6[%dma_start3A_1582, %multiple_of3A_1573] : memref<32x1000064xf32, #tpu.memory_space<hbm>> -> memref<32x128xf32, #tpu.memory_space<hbm>>
      tpu.enqueue_dma source(%dma_start3A_1583 : memref<32x128xf32, #tpu.memory_space<hbm>>) target(%dma_start3A_1581 : memref<32x128xf32, #tpu.memory_space<vmem>>) target_semaphore(%arg18 : memref<!tpu.dma_semaphore, #tpu.memory_space<semaphore_mem>>)
      %slice3A_1584 = vector.extract_strided_slice %mul3A_1544 {offsets = [3], sizes = [1], strides = [1]} : vector<16xi32> to vector<1xi32>
      %squeeze3A_1585 = vector.extract %slice3A_1584[0] : i32 from vector<1xi32>
      %multiple_of3A_1586 = tpu.assume_multiple %squeeze3A_1585, 128 : i32
      %dma_start3A_1587 = arith.constant 96 : i32
      %dma_start3A_1588 = arith.constant 0 : i32
      %dma_start3A_1589 = tpu.memref_slice %arg12[%dma_start3A_1587, %dma_start3A_1588] : memref<512x128xf32, #tpu.memory_space<vmem>> -> memref<32x128xf32, #tpu.memory_space<vmem>>
      %dma_start3A_1590 = arith.constant 0 : i32
      %dma_start3A_1591 = tpu.memref_slice %arg6[%dma_start3A_1590, %multiple_of3A_1586] : memref<32x1000064xf32, #tpu.memory_space<hbm>> -> memref<32x128xf32, #tpu.memory_space<hbm>>
      %dma_start3A_1592 = arith.constant 96 : i32
      %dma_start3A_1593 = arith.constant 0 : i32
      %dma_start3A_1594 = tpu.memref_slice %arg12[%dma_start3A_1592, %dma_start3A_1593] : memref<512x128xf32, #tpu.memory_space<vmem>> -> memref<32x128xf32, #tpu.memory_space<vmem>>
      %dma_start3A_1595 = arith.constant 0 : i32
      %dma_start3A_1596 = tpu.memref_slice %arg6[%dma_start3A_1595, %multiple_of3A_1586] : memref<32x1000064xf32, #tpu.memory_space<hbm>> -> memref<32x128xf32, #tpu.memory_space<hbm>>
      tpu.enqueue_dma source(%dma_start3A_1596 : memref<32x128xf32, #tpu.memory_space<hbm>>) target(%dma_start3A_1594 : memref<32x128xf32, #tpu.memory_space<vmem>>) target_semaphore(%arg18 : memref<!tpu.dma_semaphore, #tpu.memory_space<semaphore_mem>>)
      %slice3A_1597 = vector.extract_strided_slice %mul3A_1544 {offsets = [4], sizes = [1], strides = [1]} : vector<16xi32> to vector<1xi32>
      %squeeze3A_1598 = vector.extract %slice3A_1597[0] : i32 from vector<1xi32>
      %multiple_of3A_1599 = tpu.assume_multiple %squeeze3A_1598, 128 : i32
      %dma_start3A_1600 = arith.constant 128 : i32
      %dma_start3A_1601 = arith.constant 0 : i32
      %dma_start3A_1602 = tpu.memref_slice %arg12[%dma_start3A_1600, %dma_start3A_1601] : memref<512x128xf32, #tpu.memory_space<vmem>> -> memref<32x128xf32, #tpu.memory_space<vmem>>
      %dma_start3A_1603 = arith.constant 0 : i32
      %dma_start3A_1604 = tpu.memref_slice %arg6[%dma_start3A_1603, %multiple_of3A_1599] : memref<32x1000064xf32, #tpu.memory_space<hbm>> -> memref<32x128xf32, #tpu.memory_space<hbm>>
      %dma_start3A_1605 = arith.constant 128 : i32
      %dma_start3A_1606 = arith.constant 0 : i32
      %dma_start3A_1607 = tpu.memref_slice %arg12[%dma_start3A_1605, %dma_start3A_1606] : memref<512x128xf32, #tpu.memory_space<vmem>> -> memref<32x128xf32, #tpu.memory_space<vmem>>
      %dma_start3A_1608 = arith.constant 0 : i32
      %dma_start3A_1609 = tpu.memref_slice %arg6[%dma_start3A_1608, %multiple_of3A_1599] : memref<32x1000064xf32, #tpu.memory_space<hbm>> -> memref<32x128xf32, #tpu.memory_space<hbm>>
      tpu.enqueue_dma source(%dma_start3A_1609 : memref<32x128xf32, #tpu.memory_space<hbm>>) target(%dma_start3A_1607 : memref<32x128xf32, #tpu.memory_space<vmem>>) target_semaphore(%arg18 : memref<!tpu.dma_semaphore, #tpu.memory_space<semaphore_mem>>)
      %slice3A_1610 = vector.extract_strided_slice %mul3A_1544 {offsets = [5], sizes = [1], strides = [1]} : vector<16xi32> to vector<1xi32>
      %squeeze3A_1611 = vector.extract %slice3A_1610[0] : i32 from vector<1xi32>
      %multiple_of3A_1612 = tpu.assume_multiple %squeeze3A_1611, 128 : i32
      %dma_start3A_1613 = arith.constant 160 : i32
      %dma_start3A_1614 = arith.constant 0 : i32
      %dma_start3A_1615 = tpu.memref_slice %arg12[%dma_start3A_1613, %dma_start3A_1614] : memref<512x128xf32, #tpu.memory_space<vmem>> -> memref<32x128xf32, #tpu.memory_space<vmem>>
      %dma_start3A_1616 = arith.constant 0 : i32
      %dma_start3A_1617 = tpu.memref_slice %arg6[%dma_start3A_1616, %multiple_of3A_1612] : memref<32x1000064xf32, #tpu.memory_space<hbm>> -> memref<32x128xf32, #tpu.memory_space<hbm>>
      %dma_start3A_1618 = arith.constant 160 : i32
      %dma_start3A_1619 = arith.constant 0 : i32
      %dma_start3A_1620 = tpu.memref_slice %arg12[%dma_start3A_1618, %dma_start3A_1619] : memref<512x128xf32, #tpu.memory_space<vmem>> -> memref<32x128xf32, #tpu.memory_space<vmem>>
      %dma_start3A_1621 = arith.constant 0 : i32
      %dma_start3A_1622 = tpu.memref_slice %arg6[%dma_start3A_1621, %multiple_of3A_1612] : memref<32x1000064xf32, #tpu.memory_space<hbm>> -> memref<32x128xf32, #tpu.memory_space<hbm>>
      tpu.enqueue_dma source(%dma_start3A_1622 : memref<32x128xf32, #tpu.memory_space<hbm>>) target(%dma_start3A_1620 : memref<32x128xf32, #tpu.memory_space<vmem>>) target_semaphore(%arg18 : memref<!tpu.dma_semaphore, #tpu.memory_space<semaphore_mem>>)
      %slice3A_1623 = vector.extract_strided_slice %mul3A_1544 {offsets = [6], sizes = [1], strides = [1]} : vector<16xi32> to vector<1xi32>
      %squeeze3A_1624 = vector.extract %slice3A_1623[0] : i32 from vector<1xi32>
      %multiple_of3A_1625 = tpu.assume_multiple %squeeze3A_1624, 128 : i32
      %dma_start3A_1626 = arith.constant 192 : i32
      %dma_start3A_1627 = arith.constant 0 : i32
      %dma_start3A_1628 = tpu.memref_slice %arg12[%dma_start3A_1626, %dma_start3A_1627] : memref<512x128xf32, #tpu.memory_space<vmem>> -> memref<32x128xf32, #tpu.memory_space<vmem>>
      %dma_start3A_1629 = arith.constant 0 : i32
      %dma_start3A_1630 = tpu.memref_slice %arg6[%dma_start3A_1629, %multiple_of3A_1625] : memref<32x1000064xf32, #tpu.memory_space<hbm>> -> memref<32x128xf32, #tpu.memory_space<hbm>>
      %dma_start3A_1631 = arith.constant 192 : i32
      %dma_start3A_1632 = arith.constant 0 : i32
      %dma_start3A_1633 = tpu.memref_slice %arg12[%dma_start3A_1631, %dma_start3A_1632] : memref<512x128xf32, #tpu.memory_space<vmem>> -> memref<32x128xf32, #tpu.memory_space<vmem>>
      %dma_start3A_1634 = arith.constant 0 : i32
      %dma_start3A_1635 = tpu.memref_slice %arg6[%dma_start3A_1634, %multiple_of3A_1625] : memref<32x1000064xf32, #tpu.memory_space<hbm>> -> memref<32x128xf32, #tpu.memory_space<hbm>>
      tpu.enqueue_dma source(%dma_start3A_1635 : memref<32x128xf32, #tpu.memory_space<hbm>>) target(%dma_start3A_1633 : memref<32x128xf32, #tpu.memory_space<vmem>>) target_semaphore(%arg18 : memref<!tpu.dma_semaphore, #tpu.memory_space<semaphore_mem>>)
      %slice3A_1636 = vector.extract_strided_slice %mul3A_1544 {offsets = [7], sizes = [1], strides = [1]} : vector<16xi32> to vector<1xi32>
      %squeeze3A_1637 = vector.extract %slice3A_1636[0] : i32 from vector<1xi32>
      %multiple_of3A_1638 = tpu.assume_multiple %squeeze3A_1637, 128 : i32
      %dma_start3A_1639 = arith.constant 224 : i32
      %dma_start3A_1640 = arith.constant 0 : i32
      %dma_start3A_1641 = tpu.memref_slice %arg12[%dma_start3A_1639, %dma_start3A_1640] : memref<512x128xf32, #tpu.memory_space<vmem>> -> memref<32x128xf32, #tpu.memory_space<vmem>>
      %dma_start3A_1642 = arith.constant 0 : i32
      %dma_start3A_1643 = tpu.memref_slice %arg6[%dma_start3A_1642, %multiple_of3A_1638] : memref<32x1000064xf32, #tpu.memory_space<hbm>> -> memref<32x128xf32, #tpu.memory_space<hbm>>
      %dma_start3A_1644 = arith.constant 224 : i32
      %dma_start3A_1645 = arith.constant 0 : i32
      %dma_start3A_1646 = tpu.memref_slice %arg12[%dma_start3A_1644, %dma_start3A_1645] : memref<512x128xf32, #tpu.memory_space<vmem>> -> memref<32x128xf32, #tpu.memory_space<vmem>>
      %dma_start3A_1647 = arith.constant 0 : i32
      %dma_start3A_1648 = tpu.memref_slice %arg6[%dma_start3A_1647, %multiple_of3A_1638] : memref<32x1000064xf32, #tpu.memory_space<hbm>> -> memref<32x128xf32, #tpu.memory_space<hbm>>
      tpu.enqueue_dma source(%dma_start3A_1648 : memref<32x128xf32, #tpu.memory_space<hbm>>) target(%dma_start3A_1646 : memref<32x128xf32, #tpu.memory_space<vmem>>) target_semaphore(%arg18 : memref<!tpu.dma_semaphore, #tpu.memory_space<semaphore_mem>>)
      %slice3A_1649 = vector.extract_strided_slice %mul3A_1544 {offsets = [8], sizes = [1], strides = [1]} : vector<16xi32> to vector<1xi32>
      %squeeze3A_1650 = vector.extract %slice3A_1649[0] : i32 from vector<1xi32>
      %multiple_of3A_1651 = tpu.assume_multiple %squeeze3A_1650, 128 : i32
      %dma_start3A_1652 = arith.constant 256 : i32
      %dma_start3A_1653 = arith.constant 0 : i32
      %dma_start3A_1654 = tpu.memref_slice %arg12[%dma_start3A_1652, %dma_start3A_1653] : memref<512x128xf32, #tpu.memory_space<vmem>> -> memref<32x128xf32, #tpu.memory_space<vmem>>
      %dma_start3A_1655 = arith.constant 0 : i32
      %dma_start3A_1656 = tpu.memref_slice %arg6[%dma_start3A_1655, %multiple_of3A_1651] : memref<32x1000064xf32, #tpu.memory_space<hbm>> -> memref<32x128xf32, #tpu.memory_space<hbm>>
      %dma_start3A_1657 = arith.constant 256 : i32
      %dma_start3A_1658 = arith.constant 0 : i32
      %dma_start3A_1659 = tpu.memref_slice %arg12[%dma_start3A_1657, %dma_start3A_1658] : memref<512x128xf32, #tpu.memory_space<vmem>> -> memref<32x128xf32, #tpu.memory_space<vmem>>
      %dma_start3A_1660 = arith.constant 0 : i32
      %dma_start3A_1661 = tpu.memref_slice %arg6[%dma_start3A_1660, %multiple_of3A_1651] : memref<32x1000064xf32, #tpu.memory_space<hbm>> -> memref<32x128xf32, #tpu.memory_space<hbm>>
      tpu.enqueue_dma source(%dma_start3A_1661 : memref<32x128xf32, #tpu.memory_space<hbm>>) target(%dma_start3A_1659 : memref<32x128xf32, #tpu.memory_space<vmem>>) target_semaphore(%arg18 : memref<!tpu.dma_semaphore, #tpu.memory_space<semaphore_mem>>)
      %slice3A_1662 = vector.extract_strided_slice %mul3A_1544 {offsets = [9], sizes = [1], strides = [1]} : vector<16xi32> to vector<1xi32>
      %squeeze3A_1663 = vector.extract %slice3A_1662[0] : i32 from vector<1xi32>
      %multiple_of3A_1664 = tpu.assume_multiple %squeeze3A_1663, 128 : i32
      %dma_start3A_1665 = arith.constant 288 : i32
      %dma_start3A_1666 = arith.constant 0 : i32
      %dma_start3A_1667 = tpu.memref_slice %arg12[%dma_start3A_1665, %dma_start3A_1666] : memref<512x128xf32, #tpu.memory_space<vmem>> -> memref<32x128xf32, #tpu.memory_space<vmem>>
      %dma_start3A_1668 = arith.constant 0 : i32
      %dma_start3A_1669 = tpu.memref_slice %arg6[%dma_start3A_1668, %multiple_of3A_1664] : memref<32x1000064xf32, #tpu.memory_space<hbm>> -> memref<32x128xf32, #tpu.memory_space<hbm>>
      %dma_start3A_1670 = arith.constant 288 : i32
      %dma_start3A_1671 = arith.constant 0 : i32
      %dma_start3A_1672 = tpu.memref_slice %arg12[%dma_start3A_1670, %dma_start3A_1671] : memref<512x128xf32, #tpu.memory_space<vmem>> -> memref<32x128xf32, #tpu.memory_space<vmem>>
      %dma_start3A_1673 = arith.constant 0 : i32
      %dma_start3A_1674 = tpu.memref_slice %arg6[%dma_start3A_1673, %multiple_of3A_1664] : memref<32x1000064xf32, #tpu.memory_space<hbm>> -> memref<32x128xf32, #tpu.memory_space<hbm>>
      tpu.enqueue_dma source(%dma_start3A_1674 : memref<32x128xf32, #tpu.memory_space<hbm>>) target(%dma_start3A_1672 : memref<32x128xf32, #tpu.memory_space<vmem>>) target_semaphore(%arg18 : memref<!tpu.dma_semaphore, #tpu.memory_space<semaphore_mem>>)
      %slice3A_1675 = vector.extract_strided_slice %mul3A_1544 {offsets = [10], sizes = [1], strides = [1]} : vector<16xi32> to vector<1xi32>
      %squeeze3A_1676 = vector.extract %slice3A_1675[0] : i32 from vector<1xi32>
      %multiple_of3A_1677 = tpu.assume_multiple %squeeze3A_1676, 128 : i32
      %dma_start3A_1678 = arith.constant 320 : i32
      %dma_start3A_1679 = arith.constant 0 : i32
      %dma_start3A_1680 = tpu.memref_slice %arg12[%dma_start3A_1678, %dma_start3A_1679] : memref<512x128xf32, #tpu.memory_space<vmem>> -> memref<32x128xf32, #tpu.memory_space<vmem>>
      %dma_start3A_1681 = arith.constant 0 : i32
      %dma_start3A_1682 = tpu.memref_slice %arg6[%dma_start3A_1681, %multiple_of3A_1677] : memref<32x1000064xf32, #tpu.memory_space<hbm>> -> memref<32x128xf32, #tpu.memory_space<hbm>>
      %dma_start3A_1683 = arith.constant 320 : i32
      %dma_start3A_1684 = arith.constant 0 : i32
      %dma_start3A_1685 = tpu.memref_slice %arg12[%dma_start3A_1683, %dma_start3A_1684] : memref<512x128xf32, #tpu.memory_space<vmem>> -> memref<32x128xf32, #tpu.memory_space<vmem>>
      %dma_start3A_1686 = arith.constant 0 : i32
      %dma_start3A_1687 = tpu.memref_slice %arg6[%dma_start3A_1686, %multiple_of3A_1677] : memref<32x1000064xf32, #tpu.memory_space<hbm>> -> memref<32x128xf32, #tpu.memory_space<hbm>>
      tpu.enqueue_dma source(%dma_start3A_1687 : memref<32x128xf32, #tpu.memory_space<hbm>>) target(%dma_start3A_1685 : memref<32x128xf32, #tpu.memory_space<vmem>>) target_semaphore(%arg18 : memref<!tpu.dma_semaphore, #tpu.memory_space<semaphore_mem>>)
      %slice3A_1688 = vector.extract_strided_slice %mul3A_1544 {offsets = [11], sizes = [1], strides = [1]} : vector<16xi32> to vector<1xi32>
      %squeeze3A_1689 = vector.extract %slice3A_1688[0] : i32 from vector<1xi32>
      %multiple_of3A_1690 = tpu.assume_multiple %squeeze3A_1689, 128 : i32
      %dma_start3A_1691 = arith.constant 352 : i32
      %dma_start3A_1692 = arith.constant 0 : i32
      %dma_start3A_1693 = tpu.memref_slice %arg12[%dma_start3A_1691, %dma_start3A_1692] : memref<512x128xf32, #tpu.memory_space<vmem>> -> memref<32x128xf32, #tpu.memory_space<vmem>>
      %dma_start3A_1694 = arith.constant 0 : i32
      %dma_start3A_1695 = tpu.memref_slice %arg6[%dma_start3A_1694, %multiple_of3A_1690] : memref<32x1000064xf32, #tpu.memory_space<hbm>> -> memref<32x128xf32, #tpu.memory_space<hbm>>
      %dma_start3A_1696 = arith.constant 352 : i32
      %dma_start3A_1697 = arith.constant 0 : i32
      %dma_start3A_1698 = tpu.memref_slice %arg12[%dma_start3A_1696, %dma_start3A_1697] : memref<512x128xf32, #tpu.memory_space<vmem>> -> memref<32x128xf32, #tpu.memory_space<vmem>>
      %dma_start3A_1699 = arith.constant 0 : i32
      %dma_start3A_1700 = tpu.memref_slice %arg6[%dma_start3A_1699, %multiple_of3A_1690] : memref<32x1000064xf32, #tpu.memory_space<hbm>> -> memref<32x128xf32, #tpu.memory_space<hbm>>
      tpu.enqueue_dma source(%dma_start3A_1700 : memref<32x128xf32, #tpu.memory_space<hbm>>) target(%dma_start3A_1698 : memref<32x128xf32, #tpu.memory_space<vmem>>) target_semaphore(%arg18 : memref<!tpu.dma_semaphore, #tpu.memory_space<semaphore_mem>>)
      %slice3A_1701 = vector.extract_strided_slice %mul3A_1544 {offsets = [12], sizes = [1], strides = [1]} : vector<16xi32> to vector<1xi32>
      %squeeze3A_1702 = vector.extract %slice3A_1701[0] : i32 from vector<1xi32>
      %multiple_of3A_1703 = tpu.assume_multiple %squeeze3A_1702, 128 : i32
      %dma_start3A_1704 = arith.constant 384 : i32
      %dma_start3A_1705 = arith.constant 0 : i32
      %dma_start3A_1706 = tpu.memref_slice %arg12[%dma_start3A_1704, %dma_start3A_1705] : memref<512x128xf32, #tpu.memory_space<vmem>> -> memref<32x128xf32, #tpu.memory_space<vmem>>
      %dma_start3A_1707 = arith.constant 0 : i32
      %dma_start3A_1708 = tpu.memref_slice %arg6[%dma_start3A_1707, %multiple_of3A_1703] : memref<32x1000064xf32, #tpu.memory_space<hbm>> -> memref<32x128xf32, #tpu.memory_space<hbm>>
      %dma_start3A_1709 = arith.constant 384 : i32
      %dma_start3A_1710 = arith.constant 0 : i32
      %dma_start3A_1711 = tpu.memref_slice %arg12[%dma_start3A_1709, %dma_start3A_1710] : memref<512x128xf32, #tpu.memory_space<vmem>> -> memref<32x128xf32, #tpu.memory_space<vmem>>
      %dma_start3A_1712 = arith.constant 0 : i32
      %dma_start3A_1713 = tpu.memref_slice %arg6[%dma_start3A_1712, %multiple_of3A_1703] : memref<32x1000064xf32, #tpu.memory_space<hbm>> -> memref<32x128xf32, #tpu.memory_space<hbm>>
      tpu.enqueue_dma source(%dma_start3A_1713 : memref<32x128xf32, #tpu.memory_space<hbm>>) target(%dma_start3A_1711 : memref<32x128xf32, #tpu.memory_space<vmem>>) target_semaphore(%arg18 : memref<!tpu.dma_semaphore, #tpu.memory_space<semaphore_mem>>)
      %slice3A_1714 = vector.extract_strided_slice %mul3A_1544 {offsets = [13], sizes = [1], strides = [1]} : vector<16xi32> to vector<1xi32>
      %squeeze3A_1715 = vector.extract %slice3A_1714[0] : i32 from vector<1xi32>
      %multiple_of3A_1716 = tpu.assume_multiple %squeeze3A_1715, 128 : i32
      %dma_start3A_1717 = arith.constant 416 : i32
      %dma_start3A_1718 = arith.constant 0 : i32
      %dma_start3A_1719 = tpu.memref_slice %arg12[%dma_start3A_1717, %dma_start3A_1718] : memref<512x128xf32, #tpu.memory_space<vmem>> -> memref<32x128xf32, #tpu.memory_space<vmem>>
      %dma_start3A_1720 = arith.constant 0 : i32
      %dma_start3A_1721 = tpu.memref_slice %arg6[%dma_start3A_1720, %multiple_of3A_1716] : memref<32x1000064xf32, #tpu.memory_space<hbm>> -> memref<32x128xf32, #tpu.memory_space<hbm>>
      %dma_start3A_1722 = arith.constant 416 : i32
      %dma_start3A_1723 = arith.constant 0 : i32
      %dma_start3A_1724 = tpu.memref_slice %arg12[%dma_start3A_1722, %dma_start3A_1723] : memref<512x128xf32, #tpu.memory_space<vmem>> -> memref<32x128xf32, #tpu.memory_space<vmem>>
      %dma_start3A_1725 = arith.constant 0 : i32
      %dma_start3A_1726 = tpu.memref_slice %arg6[%dma_start3A_1725, %multiple_of3A_1716] : memref<32x1000064xf32, #tpu.memory_space<hbm>> -> memref<32x128xf32, #tpu.memory_space<hbm>>
      tpu.enqueue_dma source(%dma_start3A_1726 : memref<32x128xf32, #tpu.memory_space<hbm>>) target(%dma_start3A_1724 : memref<32x128xf32, #tpu.memory_space<vmem>>) target_semaphore(%arg18 : memref<!tpu.dma_semaphore, #tpu.memory_space<semaphore_mem>>)
      %slice3A_1727 = vector.extract_strided_slice %mul3A_1544 {offsets = [14], sizes = [1], strides = [1]} : vector<16xi32> to vector<1xi32>
      %squeeze3A_1728 = vector.extract %slice3A_1727[0] : i32 from vector<1xi32>
      %multiple_of3A_1729 = tpu.assume_multiple %squeeze3A_1728, 128 : i32
      %dma_start3A_1730 = arith.constant 448 : i32
      %dma_start3A_1731 = arith.constant 0 : i32
      %dma_start3A_1732 = tpu.memref_slice %arg12[%dma_start3A_1730, %dma_start3A_1731] : memref<512x128xf32, #tpu.memory_space<vmem>> -> memref<32x128xf32, #tpu.memory_space<vmem>>
      %dma_start3A_1733 = arith.constant 0 : i32
      %dma_start3A_1734 = tpu.memref_slice %arg6[%dma_start3A_1733, %multiple_of3A_1729] : memref<32x1000064xf32, #tpu.memory_space<hbm>> -> memref<32x128xf32, #tpu.memory_space<hbm>>
      %dma_start3A_1735 = arith.constant 448 : i32
      %dma_start3A_1736 = arith.constant 0 : i32
      %dma_start3A_1737 = tpu.memref_slice %arg12[%dma_start3A_1735, %dma_start3A_1736] : memref<512x128xf32, #tpu.memory_space<vmem>> -> memref<32x128xf32, #tpu.memory_space<vmem>>
      %dma_start3A_1738 = arith.constant 0 : i32
      %dma_start3A_1739 = tpu.memref_slice %arg6[%dma_start3A_1738, %multiple_of3A_1729] : memref<32x1000064xf32, #tpu.memory_space<hbm>> -> memref<32x128xf32, #tpu.memory_space<hbm>>
      tpu.enqueue_dma source(%dma_start3A_1739 : memref<32x128xf32, #tpu.memory_space<hbm>>) target(%dma_start3A_1737 : memref<32x128xf32, #tpu.memory_space<vmem>>) target_semaphore(%arg18 : memref<!tpu.dma_semaphore, #tpu.memory_space<semaphore_mem>>)
      %slice3A_1740 = vector.extract_strided_slice %mul3A_1544 {offsets = [15], sizes = [1], strides = [1]} : vector<16xi32> to vector<1xi32>
      %squeeze3A_1741 = vector.extract %slice3A_1740[0] : i32 from vector<1xi32>
      %multiple_of3A_1742 = tpu.assume_multiple %squeeze3A_1741, 128 : i32
      %dma_start3A_1743 = arith.constant 480 : i32
      %dma_start3A_1744 = arith.constant 0 : i32
      %dma_start3A_1745 = tpu.memref_slice %arg12[%dma_start3A_1743, %dma_start3A_1744] : memref<512x128xf32, #tpu.memory_space<vmem>> -> memref<32x128xf32, #tpu.memory_space<vmem>>
      %dma_start3A_1746 = arith.constant 0 : i32
      %dma_start3A_1747 = tpu.memref_slice %arg6[%dma_start3A_1746, %multiple_of3A_1742] : memref<32x1000064xf32, #tpu.memory_space<hbm>> -> memref<32x128xf32, #tpu.memory_space<hbm>>
      %dma_start3A_1748 = arith.constant 480 : i32
      %dma_start3A_1749 = arith.constant 0 : i32
      %dma_start3A_1750 = tpu.memref_slice %arg12[%dma_start3A_1748, %dma_start3A_1749] : memref<512x128xf32, #tpu.memory_space<vmem>> -> memref<32x128xf32, #tpu.memory_space<vmem>>
      %dma_start3A_1751 = arith.constant 0 : i32
      %dma_start3A_1752 = tpu.memref_slice %arg6[%dma_start3A_1751, %multiple_of3A_1742] : memref<32x1000064xf32, #tpu.memory_space<hbm>> -> memref<32x128xf32, #tpu.memory_space<hbm>>
      tpu.enqueue_dma source(%dma_start3A_1752 : memref<32x128xf32, #tpu.memory_space<hbm>>) target(%dma_start3A_1750 : memref<32x128xf32, #tpu.memory_space<vmem>>) target_semaphore(%arg18 : memref<!tpu.dma_semaphore, #tpu.memory_space<semaphore_mem>>)
      %dma_wait3A_1753 = arith.constant 0 : i32
      %dma_wait3A_1754 = arith.constant 0 : i32
      %dma_wait3A_1755 = tpu.memref_slice %arg12[%dma_wait3A_1753, %dma_wait3A_1754] : memref<512x128xf32, #tpu.memory_space<vmem>> -> memref<32x128xf32, #tpu.memory_space<vmem>>
      %dma_wait3A_1756 = arith.constant 0 : i32
      %dma_wait3A_1757 = tpu.memref_slice %arg6[%dma_wait3A_1756, %multiple_of3A_1547] : memref<32x1000064xf32, #tpu.memory_space<hbm>> -> memref<32x128xf32, #tpu.memory_space<hbm>>
      %dma_wait3A_1758 = arith.constant 0 : i32
      %dma_wait3A_1759 = arith.constant 0 : i32
      %dma_wait3A_1760 = tpu.memref_slice %arg12[%dma_wait3A_1758, %dma_wait3A_1759] : memref<512x128xf32, #tpu.memory_space<vmem>> -> memref<32x128xf32, #tpu.memory_space<vmem>>
      %dma_wait3A_1761 = arith.constant 0 : i32
      %dma_wait3A_1762 = tpu.memref_slice %arg6[%dma_wait3A_1761, %multiple_of3A_1547] : memref<32x1000064xf32, #tpu.memory_space<hbm>> -> memref<32x128xf32, #tpu.memory_space<hbm>>
      tpu.wait_dma2 semaphore(%arg18 : memref<!tpu.dma_semaphore, #tpu.memory_space<semaphore_mem>>) src(%dma_wait3A_1762 : memref<32x128xf32, #tpu.memory_space<hbm>>) dst(%dma_wait3A_1760 : memref<32x128xf32, #tpu.memory_space<vmem>>)
      %dma_wait3A_1763 = arith.constant 32 : i32
      %dma_wait3A_1764 = arith.constant 0 : i32
      %dma_wait3A_1765 = tpu.memref_slice %arg12[%dma_wait3A_1763, %dma_wait3A_1764] : memref<512x128xf32, #tpu.memory_space<vmem>> -> memref<32x128xf32, #tpu.memory_space<vmem>>
      %dma_wait3A_1766 = arith.constant 0 : i32
      %dma_wait3A_1767 = tpu.memref_slice %arg6[%dma_wait3A_1766, %multiple_of3A_1560] : memref<32x1000064xf32, #tpu.memory_space<hbm>> -> memref<32x128xf32, #tpu.memory_space<hbm>>
      %dma_wait3A_1768 = arith.constant 32 : i32
      %dma_wait3A_1769 = arith.constant 0 : i32
      %dma_wait3A_1770 = tpu.memref_slice %arg12[%dma_wait3A_1768, %dma_wait3A_1769] : memref<512x128xf32, #tpu.memory_space<vmem>> -> memref<32x128xf32, #tpu.memory_space<vmem>>
      %dma_wait3A_1771 = arith.constant 0 : i32
      %dma_wait3A_1772 = tpu.memref_slice %arg6[%dma_wait3A_1771, %multiple_of3A_1560] : memref<32x1000064xf32, #tpu.memory_space<hbm>> -> memref<32x128xf32, #tpu.memory_space<hbm>>
      tpu.wait_dma2 semaphore(%arg18 : memref<!tpu.dma_semaphore, #tpu.memory_space<semaphore_mem>>) src(%dma_wait3A_1772 : memref<32x128xf32, #tpu.memory_space<hbm>>) dst(%dma_wait3A_1770 : memref<32x128xf32, #tpu.memory_space<vmem>>)
      %dma_wait3A_1773 = arith.constant 64 : i32
      %dma_wait3A_1774 = arith.constant 0 : i32
      %dma_wait3A_1775 = tpu.memref_slice %arg12[%dma_wait3A_1773, %dma_wait3A_1774] : memref<512x128xf32, #tpu.memory_space<vmem>> -> memref<32x128xf32, #tpu.memory_space<vmem>>
      %dma_wait3A_1776 = arith.constant 0 : i32
      %dma_wait3A_1777 = tpu.memref_slice %arg6[%dma_wait3A_1776, %multiple_of3A_1573] : memref<32x1000064xf32, #tpu.memory_space<hbm>> -> memref<32x128xf32, #tpu.memory_space<hbm>>
      %dma_wait3A_1778 = arith.constant 64 : i32
      %dma_wait3A_1779 = arith.constant 0 : i32
      %dma_wait3A_1780 = tpu.memref_slice %arg12[%dma_wait3A_1778, %dma_wait3A_1779] : memref<512x128xf32, #tpu.memory_space<vmem>> -> memref<32x128xf32, #tpu.memory_space<vmem>>
      %dma_wait3A_1781 = arith.constant 0 : i32
      %dma_wait3A_1782 = tpu.memref_slice %arg6[%dma_wait3A_1781, %multiple_of3A_1573] : memref<32x1000064xf32, #tpu.memory_space<hbm>> -> memref<32x128xf32, #tpu.memory_space<hbm>>
      tpu.wait_dma2 semaphore(%arg18 : memref<!tpu.dma_semaphore, #tpu.memory_space<semaphore_mem>>) src(%dma_wait3A_1782 : memref<32x128xf32, #tpu.memory_space<hbm>>) dst(%dma_wait3A_1780 : memref<32x128xf32, #tpu.memory_space<vmem>>)
      %dma_wait3A_1783 = arith.constant 96 : i32
      %dma_wait3A_1784 = arith.constant 0 : i32
      %dma_wait3A_1785 = tpu.memref_slice %arg12[%dma_wait3A_1783, %dma_wait3A_1784] : memref<512x128xf32, #tpu.memory_space<vmem>> -> memref<32x128xf32, #tpu.memory_space<vmem>>
      %dma_wait3A_1786 = arith.constant 0 : i32
      %dma_wait3A_1787 = tpu.memref_slice %arg6[%dma_wait3A_1786, %multiple_of3A_1586] : memref<32x1000064xf32, #tpu.memory_space<hbm>> -> memref<32x128xf32, #tpu.memory_space<hbm>>
      %dma_wait3A_1788 = arith.constant 96 : i32
      %dma_wait3A_1789 = arith.constant 0 : i32
      %dma_wait3A_1790 = tpu.memref_slice %arg12[%dma_wait3A_1788, %dma_wait3A_1789] : memref<512x128xf32, #tpu.memory_space<vmem>> -> memref<32x128xf32, #tpu.memory_space<vmem>>
      %dma_wait3A_1791 = arith.constant 0 : i32
      %dma_wait3A_1792 = tpu.memref_slice %arg6[%dma_wait3A_1791, %multiple_of3A_1586] : memref<32x1000064xf32, #tpu.memory_space<hbm>> -> memref<32x128xf32, #tpu.memory_space<hbm>>
      tpu.wait_dma2 semaphore(%arg18 : memref<!tpu.dma_semaphore, #tpu.memory_space<semaphore_mem>>) src(%dma_wait3A_1792 : memref<32x128xf32, #tpu.memory_space<hbm>>) dst(%dma_wait3A_1790 : memref<32x128xf32, #tpu.memory_space<vmem>>)
      %dma_wait3A_1793 = arith.constant 128 : i32
      %dma_wait3A_1794 = arith.constant 0 : i32
      %dma_wait3A_1795 = tpu.memref_slice %arg12[%dma_wait3A_1793, %dma_wait3A_1794] : memref<512x128xf32, #tpu.memory_space<vmem>> -> memref<32x128xf32, #tpu.memory_space<vmem>>
      %dma_wait3A_1796 = arith.constant 0 : i32
      %dma_wait3A_1797 = tpu.memref_slice %arg6[%dma_wait3A_1796, %multiple_of3A_1599] : memref<32x1000064xf32, #tpu.memory_space<hbm>> -> memref<32x128xf32, #tpu.memory_space<hbm>>
      %dma_wait3A_1798 = arith.constant 128 : i32
      %dma_wait3A_1799 = arith.constant 0 : i32
      %dma_wait3A_1800 = tpu.memref_slice %arg12[%dma_wait3A_1798, %dma_wait3A_1799] : memref<512x128xf32, #tpu.memory_space<vmem>> -> memref<32x128xf32, #tpu.memory_space<vmem>>
      %dma_wait3A_1801 = arith.constant 0 : i32
      %dma_wait3A_1802 = tpu.memref_slice %arg6[%dma_wait3A_1801, %multiple_of3A_1599] : memref<32x1000064xf32, #tpu.memory_space<hbm>> -> memref<32x128xf32, #tpu.memory_space<hbm>>
      tpu.wait_dma2 semaphore(%arg18 : memref<!tpu.dma_semaphore, #tpu.memory_space<semaphore_mem>>) src(%dma_wait3A_1802 : memref<32x128xf32, #tpu.memory_space<hbm>>) dst(%dma_wait3A_1800 : memref<32x128xf32, #tpu.memory_space<vmem>>)
      %dma_wait3A_1803 = arith.constant 160 : i32
      %dma_wait3A_1804 = arith.constant 0 : i32
      %dma_wait3A_1805 = tpu.memref_slice %arg12[%dma_wait3A_1803, %dma_wait3A_1804] : memref<512x128xf32, #tpu.memory_space<vmem>> -> memref<32x128xf32, #tpu.memory_space<vmem>>
      %dma_wait3A_1806 = arith.constant 0 : i32
      %dma_wait3A_1807 = tpu.memref_slice %arg6[%dma_wait3A_1806, %multiple_of3A_1612] : memref<32x1000064xf32, #tpu.memory_space<hbm>> -> memref<32x128xf32, #tpu.memory_space<hbm>>
      %dma_wait3A_1808 = arith.constant 160 : i32
      %dma_wait3A_1809 = arith.constant 0 : i32
      %dma_wait3A_1810 = tpu.memref_slice %arg12[%dma_wait3A_1808, %dma_wait3A_1809] : memref<512x128xf32, #tpu.memory_space<vmem>> -> memref<32x128xf32, #tpu.memory_space<vmem>>
      %dma_wait3A_1811 = arith.constant 0 : i32
      %dma_wait3A_1812 = tpu.memref_slice %arg6[%dma_wait3A_1811, %multiple_of3A_1612] : memref<32x1000064xf32, #tpu.memory_space<hbm>> -> memref<32x128xf32, #tpu.memory_space<hbm>>
      tpu.wait_dma2 semaphore(%arg18 : memref<!tpu.dma_semaphore, #tpu.memory_space<semaphore_mem>>) src(%dma_wait3A_1812 : memref<32x128xf32, #tpu.memory_space<hbm>>) dst(%dma_wait3A_1810 : memref<32x128xf32, #tpu.memory_space<vmem>>)
      %dma_wait3A_1813 = arith.constant 192 : i32
      %dma_wait3A_1814 = arith.constant 0 : i32
      %dma_wait3A_1815 = tpu.memref_slice %arg12[%dma_wait3A_1813, %dma_wait3A_1814] : memref<512x128xf32, #tpu.memory_space<vmem>> -> memref<32x128xf32, #tpu.memory_space<vmem>>
      %dma_wait3A_1816 = arith.constant 0 : i32
      %dma_wait3A_1817 = tpu.memref_slice %arg6[%dma_wait3A_1816, %multiple_of3A_1625] : memref<32x1000064xf32, #tpu.memory_space<hbm>> -> memref<32x128xf32, #tpu.memory_space<hbm>>
      %dma_wait3A_1818 = arith.constant 192 : i32
      %dma_wait3A_1819 = arith.constant 0 : i32
      %dma_wait3A_1820 = tpu.memref_slice %arg12[%dma_wait3A_1818, %dma_wait3A_1819] : memref<512x128xf32, #tpu.memory_space<vmem>> -> memref<32x128xf32, #tpu.memory_space<vmem>>
      %dma_wait3A_1821 = arith.constant 0 : i32
      %dma_wait3A_1822 = tpu.memref_slice %arg6[%dma_wait3A_1821, %multiple_of3A_1625] : memref<32x1000064xf32, #tpu.memory_space<hbm>> -> memref<32x128xf32, #tpu.memory_space<hbm>>
      tpu.wait_dma2 semaphore(%arg18 : memref<!tpu.dma_semaphore, #tpu.memory_space<semaphore_mem>>) src(%dma_wait3A_1822 : memref<32x128xf32, #tpu.memory_space<hbm>>) dst(%dma_wait3A_1820 : memref<32x128xf32, #tpu.memory_space<vmem>>)
      %dma_wait3A_1823 = arith.constant 224 : i32
      %dma_wait3A_1824 = arith.constant 0 : i32
      %dma_wait3A_1825 = tpu.memref_slice %arg12[%dma_wait3A_1823, %dma_wait3A_1824] : memref<512x128xf32, #tpu.memory_space<vmem>> -> memref<32x128xf32, #tpu.memory_space<vmem>>
      %dma_wait3A_1826 = arith.constant 0 : i32
      %dma_wait3A_1827 = tpu.memref_slice %arg6[%dma_wait3A_1826, %multiple_of3A_1638] : memref<32x1000064xf32, #tpu.memory_space<hbm>> -> memref<32x128xf32, #tpu.memory_space<hbm>>
      %dma_wait3A_1828 = arith.constant 224 : i32
      %dma_wait3A_1829 = arith.constant 0 : i32
      %dma_wait3A_1830 = tpu.memref_slice %arg12[%dma_wait3A_1828, %dma_wait3A_1829] : memref<512x128xf32, #tpu.memory_space<vmem>> -> memref<32x128xf32, #tpu.memory_space<vmem>>
      %dma_wait3A_1831 = arith.constant 0 : i32
      %dma_wait3A_1832 = tpu.memref_slice %arg6[%dma_wait3A_1831, %multiple_of3A_1638] : memref<32x1000064xf32, #tpu.memory_space<hbm>> -> memref<32x128xf32, #tpu.memory_space<hbm>>
      tpu.wait_dma2 semaphore(%arg18 : memref<!tpu.dma_semaphore, #tpu.memory_space<semaphore_mem>>) src(%dma_wait3A_1832 : memref<32x128xf32, #tpu.memory_space<hbm>>) dst(%dma_wait3A_1830 : memref<32x128xf32, #tpu.memory_space<vmem>>)
      %dma_wait3A_1833 = arith.constant 256 : i32
      %dma_wait3A_1834 = arith.constant 0 : i32
      %dma_wait3A_1835 = tpu.memref_slice %arg12[%dma_wait3A_1833, %dma_wait3A_1834] : memref<512x128xf32, #tpu.memory_space<vmem>> -> memref<32x128xf32, #tpu.memory_space<vmem>>
      %dma_wait3A_1836 = arith.constant 0 : i32
      %dma_wait3A_1837 = tpu.memref_slice %arg6[%dma_wait3A_1836, %multiple_of3A_1651] : memref<32x1000064xf32, #tpu.memory_space<hbm>> -> memref<32x128xf32, #tpu.memory_space<hbm>>
      %dma_wait3A_1838 = arith.constant 256 : i32
      %dma_wait3A_1839 = arith.constant 0 : i32
      %dma_wait3A_1840 = tpu.memref_slice %arg12[%dma_wait3A_1838, %dma_wait3A_1839] : memref<512x128xf32, #tpu.memory_space<vmem>> -> memref<32x128xf32, #tpu.memory_space<vmem>>
      %dma_wait3A_1841 = arith.constant 0 : i32
      %dma_wait3A_1842 = tpu.memref_slice %arg6[%dma_wait3A_1841, %multiple_of3A_1651] : memref<32x1000064xf32, #tpu.memory_space<hbm>> -> memref<32x128xf32, #tpu.memory_space<hbm>>
      tpu.wait_dma2 semaphore(%arg18 : memref<!tpu.dma_semaphore, #tpu.memory_space<semaphore_mem>>) src(%dma_wait3A_1842 : memref<32x128xf32, #tpu.memory_space<hbm>>) dst(%dma_wait3A_1840 : memref<32x128xf32, #tpu.memory_space<vmem>>)
      %dma_wait3A_1843 = arith.constant 288 : i32
      %dma_wait3A_1844 = arith.constant 0 : i32
      %dma_wait3A_1845 = tpu.memref_slice %arg12[%dma_wait3A_1843, %dma_wait3A_1844] : memref<512x128xf32, #tpu.memory_space<vmem>> -> memref<32x128xf32, #tpu.memory_space<vmem>>
      %dma_wait3A_1846 = arith.constant 0 : i32
      %dma_wait3A_1847 = tpu.memref_slice %arg6[%dma_wait3A_1846, %multiple_of3A_1664] : memref<32x1000064xf32, #tpu.memory_space<hbm>> -> memref<32x128xf32, #tpu.memory_space<hbm>>
      %dma_wait3A_1848 = arith.constant 288 : i32
      %dma_wait3A_1849 = arith.constant 0 : i32
      %dma_wait3A_1850 = tpu.memref_slice %arg12[%dma_wait3A_1848, %dma_wait3A_1849] : memref<512x128xf32, #tpu.memory_space<vmem>> -> memref<32x128xf32, #tpu.memory_space<vmem>>
      %dma_wait3A_1851 = arith.constant 0 : i32
      %dma_wait3A_1852 = tpu.memref_slice %arg6[%dma_wait3A_1851, %multiple_of3A_1664] : memref<32x1000064xf32, #tpu.memory_space<hbm>> -> memref<32x128xf32, #tpu.memory_space<hbm>>
      tpu.wait_dma2 semaphore(%arg18 : memref<!tpu.dma_semaphore, #tpu.memory_space<semaphore_mem>>) src(%dma_wait3A_1852 : memref<32x128xf32, #tpu.memory_space<hbm>>) dst(%dma_wait3A_1850 : memref<32x128xf32, #tpu.memory_space<vmem>>)
      %dma_wait3A_1853 = arith.constant 320 : i32
      %dma_wait3A_1854 = arith.constant 0 : i32
      %dma_wait3A_1855 = tpu.memref_slice %arg12[%dma_wait3A_1853, %dma_wait3A_1854] : memref<512x128xf32, #tpu.memory_space<vmem>> -> memref<32x128xf32, #tpu.memory_space<vmem>>
      %dma_wait3A_1856 = arith.constant 0 : i32
      %dma_wait3A_1857 = tpu.memref_slice %arg6[%dma_wait3A_1856, %multiple_of3A_1677] : memref<32x1000064xf32, #tpu.memory_space<hbm>> -> memref<32x128xf32, #tpu.memory_space<hbm>>
      %dma_wait3A_1858 = arith.constant 320 : i32
      %dma_wait3A_1859 = arith.constant 0 : i32
      %dma_wait3A_1860 = tpu.memref_slice %arg12[%dma_wait3A_1858, %dma_wait3A_1859] : memref<512x128xf32, #tpu.memory_space<vmem>> -> memref<32x128xf32, #tpu.memory_space<vmem>>
      %dma_wait3A_1861 = arith.constant 0 : i32
      %dma_wait3A_1862 = tpu.memref_slice %arg6[%dma_wait3A_1861, %multiple_of3A_1677] : memref<32x1000064xf32, #tpu.memory_space<hbm>> -> memref<32x128xf32, #tpu.memory_space<hbm>>
      tpu.wait_dma2 semaphore(%arg18 : memref<!tpu.dma_semaphore, #tpu.memory_space<semaphore_mem>>) src(%dma_wait3A_1862 : memref<32x128xf32, #tpu.memory_space<hbm>>) dst(%dma_wait3A_1860 : memref<32x128xf32, #tpu.memory_space<vmem>>)
      %dma_wait3A_1863 = arith.constant 352 : i32
      %dma_wait3A_1864 = arith.constant 0 : i32
      %dma_wait3A_1865 = tpu.memref_slice %arg12[%dma_wait3A_1863, %dma_wait3A_1864] : memref<512x128xf32, #tpu.memory_space<vmem>> -> memref<32x128xf32, #tpu.memory_space<vmem>>
      %dma_wait3A_1866 = arith.constant 0 : i32
      %dma_wait3A_1867 = tpu.memref_slice %arg6[%dma_wait3A_1866, %multiple_of3A_1690] : memref<32x1000064xf32, #tpu.memory_space<hbm>> -> memref<32x128xf32, #tpu.memory_space<hbm>>
      %dma_wait3A_1868 = arith.constant 352 : i32
      %dma_wait3A_1869 = arith.constant 0 : i32
      %dma_wait3A_1870 = tpu.memref_slice %arg12[%dma_wait3A_1868, %dma_wait3A_1869] : memref<512x128xf32, #tpu.memory_space<vmem>> -> memref<32x128xf32, #tpu.memory_space<vmem>>
      %dma_wait3A_1871 = arith.constant 0 : i32
      %dma_wait3A_1872 = tpu.memref_slice %arg6[%dma_wait3A_1871, %multiple_of3A_1690] : memref<32x1000064xf32, #tpu.memory_space<hbm>> -> memref<32x128xf32, #tpu.memory_space<hbm>>
      tpu.wait_dma2 semaphore(%arg18 : memref<!tpu.dma_semaphore, #tpu.memory_space<semaphore_mem>>) src(%dma_wait3A_1872 : memref<32x128xf32, #tpu.memory_space<hbm>>) dst(%dma_wait3A_1870 : memref<32x128xf32, #tpu.memory_space<vmem>>)
      %dma_wait3A_1873 = arith.constant 384 : i32
      %dma_wait3A_1874 = arith.constant 0 : i32
      %dma_wait3A_1875 = tpu.memref_slice %arg12[%dma_wait3A_1873, %dma_wait3A_1874] : memref<512x128xf32, #tpu.memory_space<vmem>> -> memref<32x128xf32, #tpu.memory_space<vmem>>
      %dma_wait3A_1876 = arith.constant 0 : i32
      %dma_wait3A_1877 = tpu.memref_slice %arg6[%dma_wait3A_1876, %multiple_of3A_1703] : memref<32x1000064xf32, #tpu.memory_space<hbm>> -> memref<32x128xf32, #tpu.memory_space<hbm>>
      %dma_wait3A_1878 = arith.constant 384 : i32
      %dma_wait3A_1879 = arith.constant 0 : i32
      %dma_wait3A_1880 = tpu.memref_slice %arg12[%dma_wait3A_1878, %dma_wait3A_1879] : memref<512x128xf32, #tpu.memory_space<vmem>> -> memref<32x128xf32, #tpu.memory_space<vmem>>
      %dma_wait3A_1881 = arith.constant 0 : i32
      %dma_wait3A_1882 = tpu.memref_slice %arg6[%dma_wait3A_1881, %multiple_of3A_1703] : memref<32x1000064xf32, #tpu.memory_space<hbm>> -> memref<32x128xf32, #tpu.memory_space<hbm>>
      tpu.wait_dma2 semaphore(%arg18 : memref<!tpu.dma_semaphore, #tpu.memory_space<semaphore_mem>>) src(%dma_wait3A_1882 : memref<32x128xf32, #tpu.memory_space<hbm>>) dst(%dma_wait3A_1880 : memref<32x128xf32, #tpu.memory_space<vmem>>)
      %dma_wait3A_1883 = arith.constant 416 : i32
      %dma_wait3A_1884 = arith.constant 0 : i32
      %dma_wait3A_1885 = tpu.memref_slice %arg12[%dma_wait3A_1883, %dma_wait3A_1884] : memref<512x128xf32, #tpu.memory_space<vmem>> -> memref<32x128xf32, #tpu.memory_space<vmem>>
      %dma_wait3A_1886 = arith.constant 0 : i32
      %dma_wait3A_1887 = tpu.memref_slice %arg6[%dma_wait3A_1886, %multiple_of3A_1716] : memref<32x1000064xf32, #tpu.memory_space<hbm>> -> memref<32x128xf32, #tpu.memory_space<hbm>>
      %dma_wait3A_1888 = arith.constant 416 : i32
      %dma_wait3A_1889 = arith.constant 0 : i32
      %dma_wait3A_1890 = tpu.memref_slice %arg12[%dma_wait3A_1888, %dma_wait3A_1889] : memref<512x128xf32, #tpu.memory_space<vmem>> -> memref<32x128xf32, #tpu.memory_space<vmem>>
      %dma_wait3A_1891 = arith.constant 0 : i32
      %dma_wait3A_1892 = tpu.memref_slice %arg6[%dma_wait3A_1891, %multiple_of3A_1716] : memref<32x1000064xf32, #tpu.memory_space<hbm>> -> memref<32x128xf32, #tpu.memory_space<hbm>>
      tpu.wait_dma2 semaphore(%arg18 : memref<!tpu.dma_semaphore, #tpu.memory_space<semaphore_mem>>) src(%dma_wait3A_1892 : memref<32x128xf32, #tpu.memory_space<hbm>>) dst(%dma_wait3A_1890 : memref<32x128xf32, #tpu.memory_space<vmem>>)
      %dma_wait3A_1893 = arith.constant 448 : i32
      %dma_wait3A_1894 = arith.constant 0 : i32
      %dma_wait3A_1895 = tpu.memref_slice %arg12[%dma_wait3A_1893, %dma_wait3A_1894] : memref<512x128xf32, #tpu.memory_space<vmem>> -> memref<32x128xf32, #tpu.memory_space<vmem>>
      %dma_wait3A_1896 = arith.constant 0 : i32
      %dma_wait3A_1897 = tpu.memref_slice %arg6[%dma_wait3A_1896, %multiple_of3A_1729] : memref<32x1000064xf32, #tpu.memory_space<hbm>> -> memref<32x128xf32, #tpu.memory_space<hbm>>
      %dma_wait3A_1898 = arith.constant 448 : i32
      %dma_wait3A_1899 = arith.constant 0 : i32
      %dma_wait3A_1900 = tpu.memref_slice %arg12[%dma_wait3A_1898, %dma_wait3A_1899] : memref<512x128xf32, #tpu.memory_space<vmem>> -> memref<32x128xf32, #tpu.memory_space<vmem>>
      %dma_wait3A_1901 = arith.constant 0 : i32
      %dma_wait3A_1902 = tpu.memref_slice %arg6[%dma_wait3A_1901, %multiple_of3A_1729] : memref<32x1000064xf32, #tpu.memory_space<hbm>> -> memref<32x128xf32, #tpu.memory_space<hbm>>
      tpu.wait_dma2 semaphore(%arg18 : memref<!tpu.dma_semaphore, #tpu.memory_space<semaphore_mem>>) src(%dma_wait3A_1902 : memref<32x128xf32, #tpu.memory_space<hbm>>) dst(%dma_wait3A_1900 : memref<32x128xf32, #tpu.memory_space<vmem>>)
      %dma_wait3A_1903 = arith.constant 480 : i32
      %dma_wait3A_1904 = arith.constant 0 : i32
      %dma_wait3A_1905 = tpu.memref_slice %arg12[%dma_wait3A_1903, %dma_wait3A_1904] : memref<512x128xf32, #tpu.memory_space<vmem>> -> memref<32x128xf32, #tpu.memory_space<vmem>>
      %dma_wait3A_1906 = arith.constant 0 : i32
      %dma_wait3A_1907 = tpu.memref_slice %arg6[%dma_wait3A_1906, %multiple_of3A_1742] : memref<32x1000064xf32, #tpu.memory_space<hbm>> -> memref<32x128xf32, #tpu.memory_space<hbm>>
      %dma_wait3A_1908 = arith.constant 480 : i32
      %dma_wait3A_1909 = arith.constant 0 : i32
      %dma_wait3A_1910 = tpu.memref_slice %arg12[%dma_wait3A_1908, %dma_wait3A_1909] : memref<512x128xf32, #tpu.memory_space<vmem>> -> memref<32x128xf32, #tpu.memory_space<vmem>>
      %dma_wait3A_1911 = arith.constant 0 : i32
      %dma_wait3A_1912 = tpu.memref_slice %arg6[%dma_wait3A_1911, %multiple_of3A_1742] : memref<32x1000064xf32, #tpu.memory_space<hbm>> -> memref<32x128xf32, #tpu.memory_space<hbm>>
      tpu.wait_dma2 semaphore(%arg18 : memref<!tpu.dma_semaphore, #tpu.memory_space<semaphore_mem>>) src(%dma_wait3A_1912 : memref<32x128xf32, #tpu.memory_space<hbm>>) dst(%dma_wait3A_1910 : memref<32x128xf32, #tpu.memory_space<vmem>>)
      %mul3A_1913 = arith.constant 16 : i32
      %mul3A_1914 = arith.muli %scan3A_8, %mul3A_1913 : i32
      %get3A_1915 = arith.index_cast %mul3A_1914 : i32 to index
      %get3A_1916 = tpu.vector_load %arg11[%get3A_1915] {strides = array<i32>} : memref<512xi32, #tpu.memory_space<vmem>>, vector<16xi32>,
      %broadcast_in_dim3A_1917 = arith.constant 127 : i32
      %broadcast_in_dim3A_1918 = vector.broadcast %broadcast_in_dim3A_1917 : i32 to vector<16xi32>
      %and3A_1919 = arith.andi %get3A_1916, %broadcast_in_dim3A_1918 : vector<16xi32>
      %iota3A_1920 = tpu.iota {dimensions = array<i32: 0>} : vector<16xi32>
      %mul3A_1921 = arith.constant 32 : i32
      %mul3A_1922 = vector.broadcast %mul3A_1921 : i32 to vector<16xi32>
      %mul3A_1923 = arith.muli %iota3A_1920, %mul3A_1922 : vector<16xi32>
      %add3A_1924 = arith.constant 0 : i32
      %add3A_1925 = vector.broadcast %add3A_1924 : i32 to vector<16xi32>
      %add3A_1926 = arith.addi %mul3A_1923, %add3A_1925 : vector<16xi32>
      %gather3A_1927 = tpu.vector_load_idx %arg12[%add3A_1926, %and3A_1919] : memref<512x128xf32, #tpu.memory_space<vmem>>[vector<16xi32>, vector<16xi32>], vector<16xf32>,
      %swap3A_1928 = arith.constant 0 : i32
      %swap3A_1929 = arith.index_cast %swap3A_1928 : i32 to index
      %swap3A_1930 = arith.constant 0 : index
      %swap3A_1931 = tpu.vector_load %arg15[%swap3A_1929, %swap3A_1930] {strides = array<i32>} : memref<32x16xf32, #tpu.memory_space<vmem>>, vector<16xf32>,
      tpu.vector_store %arg15[%swap3A_1929, %swap3A_1930], %gather3A_1927 {strides = array<i32>} : memref<32x16xf32, #tpu.memory_space<vmem>>, vector<16xf32>,
      %iota3A_1932 = tpu.iota {dimensions = array<i32: 0>} : vector<16xi32>
      %mul3A_1933 = arith.constant 32 : i32
      %mul3A_1934 = vector.broadcast %mul3A_1933 : i32 to vector<16xi32>
      %mul3A_1935 = arith.muli %iota3A_1932, %mul3A_1934 : vector<16xi32>
      %add3A_1936 = arith.constant 1 : i32
      %add3A_1937 = vector.broadcast %add3A_1936 : i32 to vector<16xi32>
      %add3A_1938 = arith.addi %mul3A_1935, %add3A_1937 : vector<16xi32>
      %gather3A_1939 = tpu.vector_load_idx %arg12[%add3A_1938, %and3A_1919] : memref<512x128xf32, #tpu.memory_space<vmem>>[vector<16xi32>, vector<16xi32>], vector<16xf32>,
      %swap3A_1940 = arith.constant 1 : i32
      %swap3A_1941 = arith.index_cast %swap3A_1940 : i32 to index
      %swap3A_1942 = arith.constant 0 : index
      %swap3A_1943 = tpu.vector_load %arg15[%swap3A_1941, %swap3A_1942] {strides = array<i32>} : memref<32x16xf32, #tpu.memory_space<vmem>>, vector<16xf32>,
      tpu.vector_store %arg15[%swap3A_1941, %swap3A_1942], %gather3A_1939 {strides = array<i32>} : memref<32x16xf32, #tpu.memory_space<vmem>>, vector<16xf32>,
      %iota3A_1944 = tpu.iota {dimensions = array<i32: 0>} : vector<16xi32>
      %mul3A_1945 = arith.constant 32 : i32
      %mul3A_1946 = vector.broadcast %mul3A_1945 : i32 to vector<16xi32>
      %mul3A_1947 = arith.muli %iota3A_1944, %mul3A_1946 : vector<16xi32>
      %add3A_1948 = arith.constant 2 : i32
      %add3A_1949 = vector.broadcast %add3A_1948 : i32 to vector<16xi32>
      %add3A_1950 = arith.addi %mul3A_1947, %add3A_1949 : vector<16xi32>
      %gather3A_1951 = tpu.vector_load_idx %arg12[%add3A_1950, %and3A_1919] : memref<512x128xf32, #tpu.memory_space<vmem>>[vector<16xi32>, vector<16xi32>], vector<16xf32>,
      %swap3A_1952 = arith.constant 2 : i32
      %swap3A_1953 = arith.index_cast %swap3A_1952 : i32 to index
      %swap3A_1954 = arith.constant 0 : index
      %swap3A_1955 = tpu.vector_load %arg15[%swap3A_1953, %swap3A_1954] {strides = array<i32>} : memref<32x16xf32, #tpu.memory_space<vmem>>, vector<16xf32>,
      tpu.vector_store %arg15[%swap3A_1953, %swap3A_1954], %gather3A_1951 {strides = array<i32>} : memref<32x16xf32, #tpu.memory_space<vmem>>, vector<16xf32>,
      %iota3A_1956 = tpu.iota {dimensions = array<i32: 0>} : vector<16xi32>
      %mul3A_1957 = arith.constant 32 : i32
      %mul3A_1958 = vector.broadcast %mul3A_1957 : i32 to vector<16xi32>
      %mul3A_1959 = arith.muli %iota3A_1956, %mul3A_1958 : vector<16xi32>
      %add3A_1960 = arith.constant 3 : i32
      %add3A_1961 = vector.broadcast %add3A_1960 : i32 to vector<16xi32>
      %add3A_1962 = arith.addi %mul3A_1959, %add3A_1961 : vector<16xi32>
      %gather3A_1963 = tpu.vector_load_idx %arg12[%add3A_1962, %and3A_1919] : memref<512x128xf32, #tpu.memory_space<vmem>>[vector<16xi32>, vector<16xi32>], vector<16xf32>,
      %swap3A_1964 = arith.constant 3 : i32
      %swap3A_1965 = arith.index_cast %swap3A_1964 : i32 to index
      %swap3A_1966 = arith.constant 0 : index
      %swap3A_1967 = tpu.vector_load %arg15[%swap3A_1965, %swap3A_1966] {strides = array<i32>} : memref<32x16xf32, #tpu.memory_space<vmem>>, vector<16xf32>,
      tpu.vector_store %arg15[%swap3A_1965, %swap3A_1966], %gather3A_1963 {strides = array<i32>} : memref<32x16xf32, #tpu.memory_space<vmem>>, vector<16xf32>,
      %iota3A_1968 = tpu.iota {dimensions = array<i32: 0>} : vector<16xi32>
      %mul3A_1969 = arith.constant 32 : i32
      %mul3A_1970 = vector.broadcast %mul3A_1969 : i32 to vector<16xi32>
      %mul3A_1971 = arith.muli %iota3A_1968, %mul3A_1970 : vector<16xi32>
      %add3A_1972 = arith.constant 4 : i32
      %add3A_1973 = vector.broadcast %add3A_1972 : i32 to vector<16xi32>
      %add3A_1974 = arith.addi %mul3A_1971, %add3A_1973 : vector<16xi32>
      %gather3A_1975 = tpu.vector_load_idx %arg12[%add3A_1974, %and3A_1919] : memref<512x128xf32, #tpu.memory_space<vmem>>[vector<16xi32>, vector<16xi32>], vector<16xf32>,
      %swap3A_1976 = arith.constant 4 : i32
      %swap3A_1977 = arith.index_cast %swap3A_1976 : i32 to index
      %swap3A_1978 = arith.constant 0 : index
      %swap3A_1979 = tpu.vector_load %arg15[%swap3A_1977, %swap3A_1978] {strides = array<i32>} : memref<32x16xf32, #tpu.memory_space<vmem>>, vector<16xf32>,
      tpu.vector_store %arg15[%swap3A_1977, %swap3A_1978], %gather3A_1975 {strides = array<i32>} : memref<32x16xf32, #tpu.memory_space<vmem>>, vector<16xf32>,
      %iota3A_1980 = tpu.iota {dimensions = array<i32: 0>} : vector<16xi32>
      %mul3A_1981 = arith.constant 32 : i32
      %mul3A_1982 = vector.broadcast %mul3A_1981 : i32 to vector<16xi32>
      %mul3A_1983 = arith.muli %iota3A_1980, %mul3A_1982 : vector<16xi32>
      %add3A_1984 = arith.constant 5 : i32
      %add3A_1985 = vector.broadcast %add3A_1984 : i32 to vector<16xi32>
      %add3A_1986 = arith.addi %mul3A_1983, %add3A_1985 : vector<16xi32>
      %gather3A_1987 = tpu.vector_load_idx %arg12[%add3A_1986, %and3A_1919] : memref<512x128xf32, #tpu.memory_space<vmem>>[vector<16xi32>, vector<16xi32>], vector<16xf32>,
      %swap3A_1988 = arith.constant 5 : i32
      %swap3A_1989 = arith.index_cast %swap3A_1988 : i32 to index
      %swap3A_1990 = arith.constant 0 : index
      %swap3A_1991 = tpu.vector_load %arg15[%swap3A_1989, %swap3A_1990] {strides = array<i32>} : memref<32x16xf32, #tpu.memory_space<vmem>>, vector<16xf32>,
      tpu.vector_store %arg15[%swap3A_1989, %swap3A_1990], %gather3A_1987 {strides = array<i32>} : memref<32x16xf32, #tpu.memory_space<vmem>>, vector<16xf32>,
      %iota3A_1992 = tpu.iota {dimensions = array<i32: 0>} : vector<16xi32>
      %mul3A_1993 = arith.constant 32 : i32
      %mul3A_1994 = vector.broadcast %mul3A_1993 : i32 to vector<16xi32>
      %mul3A_1995 = arith.muli %iota3A_1992, %mul3A_1994 : vector<16xi32>
      %add3A_1996 = arith.constant 6 : i32
      %add3A_1997 = vector.broadcast %add3A_1996 : i32 to vector<16xi32>
      %add3A_1998 = arith.addi %mul3A_1995, %add3A_1997 : vector<16xi32>
      %gather3A_1999 = tpu.vector_load_idx %arg12[%add3A_1998, %and3A_1919] : memref<512x128xf32, #tpu.memory_space<vmem>>[vector<16xi32>, vector<16xi32>], vector<16xf32>,
      %swap3A_2000 = arith.constant 6 : i32
      %swap3A_2001 = arith.index_cast %swap3A_2000 : i32 to index
      %swap3A_2002 = arith.constant 0 : index
      %swap3A_2003 = tpu.vector_load %arg15[%swap3A_2001, %swap3A_2002] {strides = array<i32>} : memref<32x16xf32, #tpu.memory_space<vmem>>, vector<16xf32>,
      tpu.vector_store %arg15[%swap3A_2001, %swap3A_2002], %gather3A_1999 {strides = array<i32>} : memref<32x16xf32, #tpu.memory_space<vmem>>, vector<16xf32>,
      %iota3A_2004 = tpu.iota {dimensions = array<i32: 0>} : vector<16xi32>
      %mul3A_2005 = arith.constant 32 : i32
      %mul3A_2006 = vector.broadcast %mul3A_2005 : i32 to vector<16xi32>
      %mul3A_2007 = arith.muli %iota3A_2004, %mul3A_2006 : vector<16xi32>
      %add3A_2008 = arith.constant 7 : i32
      %add3A_2009 = vector.broadcast %add3A_2008 : i32 to vector<16xi32>
      %add3A_2010 = arith.addi %mul3A_2007, %add3A_2009 : vector<16xi32>
      %gather3A_2011 = tpu.vector_load_idx %arg12[%add3A_2010, %and3A_1919] : memref<512x128xf32, #tpu.memory_space<vmem>>[vector<16xi32>, vector<16xi32>], vector<16xf32>,
      %swap3A_2012 = arith.constant 7 : i32
      %swap3A_2013 = arith.index_cast %swap3A_2012 : i32 to index
      %swap3A_2014 = arith.constant 0 : index
      %swap3A_2015 = tpu.vector_load %arg15[%swap3A_2013, %swap3A_2014] {strides = array<i32>} : memref<32x16xf32, #tpu.memory_space<vmem>>, vector<16xf32>,
      tpu.vector_store %arg15[%swap3A_2013, %swap3A_2014], %gather3A_2011 {strides = array<i32>} : memref<32x16xf32, #tpu.memory_space<vmem>>, vector<16xf32>,
      %iota3A_2016 = tpu.iota {dimensions = array<i32: 0>} : vector<16xi32>
      %mul3A_2017 = arith.constant 32 : i32
      %mul3A_2018 = vector.broadcast %mul3A_2017 : i32 to vector<16xi32>
      %mul3A_2019 = arith.muli %iota3A_2016, %mul3A_2018 : vector<16xi32>
      %add3A_2020 = arith.constant 8 : i32
      %add3A_2021 = vector.broadcast %add3A_2020 : i32 to vector<16xi32>
      %add3A_2022 = arith.addi %mul3A_2019, %add3A_2021 : vector<16xi32>
      %gather3A_2023 = tpu.vector_load_idx %arg12[%add3A_2022, %and3A_1919] : memref<512x128xf32, #tpu.memory_space<vmem>>[vector<16xi32>, vector<16xi32>], vector<16xf32>,
      %swap3A_2024 = arith.constant 8 : i32
      %swap3A_2025 = arith.index_cast %swap3A_2024 : i32 to index
      %swap3A_2026 = arith.constant 0 : index
      %swap3A_2027 = tpu.vector_load %arg15[%swap3A_2025, %swap3A_2026] {strides = array<i32>} : memref<32x16xf32, #tpu.memory_space<vmem>>, vector<16xf32>,
      tpu.vector_store %arg15[%swap3A_2025, %swap3A_2026], %gather3A_2023 {strides = array<i32>} : memref<32x16xf32, #tpu.memory_space<vmem>>, vector<16xf32>,
      %iota3A_2028 = tpu.iota {dimensions = array<i32: 0>} : vector<16xi32>
      %mul3A_2029 = arith.constant 32 : i32
      %mul3A_2030 = vector.broadcast %mul3A_2029 : i32 to vector<16xi32>
      %mul3A_2031 = arith.muli %iota3A_2028, %mul3A_2030 : vector<16xi32>
      %add3A_2032 = arith.constant 9 : i32
      %add3A_2033 = vector.broadcast %add3A_2032 : i32 to vector<16xi32>
      %add3A_2034 = arith.addi %mul3A_2031, %add3A_2033 : vector<16xi32>
      %gather3A_2035 = tpu.vector_load_idx %arg12[%add3A_2034, %and3A_1919] : memref<512x128xf32, #tpu.memory_space<vmem>>[vector<16xi32>, vector<16xi32>], vector<16xf32>,
      %swap3A_2036 = arith.constant 9 : i32
      %swap3A_2037 = arith.index_cast %swap3A_2036 : i32 to index
      %swap3A_2038 = arith.constant 0 : index
      %swap3A_2039 = tpu.vector_load %arg15[%swap3A_2037, %swap3A_2038] {strides = array<i32>} : memref<32x16xf32, #tpu.memory_space<vmem>>, vector<16xf32>,
      tpu.vector_store %arg15[%swap3A_2037, %swap3A_2038], %gather3A_2035 {strides = array<i32>} : memref<32x16xf32, #tpu.memory_space<vmem>>, vector<16xf32>,
      %iota3A_2040 = tpu.iota {dimensions = array<i32: 0>} : vector<16xi32>
      %mul3A_2041 = arith.constant 32 : i32
      %mul3A_2042 = vector.broadcast %mul3A_2041 : i32 to vector<16xi32>
      %mul3A_2043 = arith.muli %iota3A_2040, %mul3A_2042 : vector<16xi32>
      %add3A_2044 = arith.constant 10 : i32
      %add3A_2045 = vector.broadcast %add3A_2044 : i32 to vector<16xi32>
      %add3A_2046 = arith.addi %mul3A_2043, %add3A_2045 : vector<16xi32>
      %gather3A_2047 = tpu.vector_load_idx %arg12[%add3A_2046, %and3A_1919] : memref<512x128xf32, #tpu.memory_space<vmem>>[vector<16xi32>, vector<16xi32>], vector<16xf32>,
      %swap3A_2048 = arith.constant 10 : i32
      %swap3A_2049 = arith.index_cast %swap3A_2048 : i32 to index
      %swap3A_2050 = arith.constant 0 : index
      %swap3A_2051 = tpu.vector_load %arg15[%swap3A_2049, %swap3A_2050] {strides = array<i32>} : memref<32x16xf32, #tpu.memory_space<vmem>>, vector<16xf32>,
      tpu.vector_store %arg15[%swap3A_2049, %swap3A_2050], %gather3A_2047 {strides = array<i32>} : memref<32x16xf32, #tpu.memory_space<vmem>>, vector<16xf32>,
      %iota3A_2052 = tpu.iota {dimensions = array<i32: 0>} : vector<16xi32>
      %mul3A_2053 = arith.constant 32 : i32
      %mul3A_2054 = vector.broadcast %mul3A_2053 : i32 to vector<16xi32>
      %mul3A_2055 = arith.muli %iota3A_2052, %mul3A_2054 : vector<16xi32>
      %add3A_2056 = arith.constant 11 : i32
      %add3A_2057 = vector.broadcast %add3A_2056 : i32 to vector<16xi32>
      %add3A_2058 = arith.addi %mul3A_2055, %add3A_2057 : vector<16xi32>
      %gather3A_2059 = tpu.vector_load_idx %arg12[%add3A_2058, %and3A_1919] : memref<512x128xf32, #tpu.memory_space<vmem>>[vector<16xi32>, vector<16xi32>], vector<16xf32>,
      %swap3A_2060 = arith.constant 11 : i32
      %swap3A_2061 = arith.index_cast %swap3A_2060 : i32 to index
      %swap3A_2062 = arith.constant 0 : index
      %swap3A_2063 = tpu.vector_load %arg15[%swap3A_2061, %swap3A_2062] {strides = array<i32>} : memref<32x16xf32, #tpu.memory_space<vmem>>, vector<16xf32>,
      tpu.vector_store %arg15[%swap3A_2061, %swap3A_2062], %gather3A_2059 {strides = array<i32>} : memref<32x16xf32, #tpu.memory_space<vmem>>, vector<16xf32>,
      %iota3A_2064 = tpu.iota {dimensions = array<i32: 0>} : vector<16xi32>
      %mul3A_2065 = arith.constant 32 : i32
      %mul3A_2066 = vector.broadcast %mul3A_2065 : i32 to vector<16xi32>
      %mul3A_2067 = arith.muli %iota3A_2064, %mul3A_2066 : vector<16xi32>
      %add3A_2068 = arith.constant 12 : i32
      %add3A_2069 = vector.broadcast %add3A_2068 : i32 to vector<16xi32>
      %add3A_2070 = arith.addi %mul3A_2067, %add3A_2069 : vector<16xi32>
      %gather3A_2071 = tpu.vector_load_idx %arg12[%add3A_2070, %and3A_1919] : memref<512x128xf32, #tpu.memory_space<vmem>>[vector<16xi32>, vector<16xi32>], vector<16xf32>,
      %swap3A_2072 = arith.constant 12 : i32
      %swap3A_2073 = arith.index_cast %swap3A_2072 : i32 to index
      %swap3A_2074 = arith.constant 0 : index
      %swap3A_2075 = tpu.vector_load %arg15[%swap3A_2073, %swap3A_2074] {strides = array<i32>} : memref<32x16xf32, #tpu.memory_space<vmem>>, vector<16xf32>,
      tpu.vector_store %arg15[%swap3A_2073, %swap3A_2074], %gather3A_2071 {strides = array<i32>} : memref<32x16xf32, #tpu.memory_space<vmem>>, vector<16xf32>,
      %iota3A_2076 = tpu.iota {dimensions = array<i32: 0>} : vector<16xi32>
      %mul3A_2077 = arith.constant 32 : i32
      %mul3A_2078 = vector.broadcast %mul3A_2077 : i32 to vector<16xi32>
      %mul3A_2079 = arith.muli %iota3A_2076, %mul3A_2078 : vector<16xi32>
      %add3A_2080 = arith.constant 13 : i32
      %add3A_2081 = vector.broadcast %add3A_2080 : i32 to vector<16xi32>
      %add3A_2082 = arith.addi %mul3A_2079, %add3A_2081 : vector<16xi32>
      %gather3A_2083 = tpu.vector_load_idx %arg12[%add3A_2082, %and3A_1919] : memref<512x128xf32, #tpu.memory_space<vmem>>[vector<16xi32>, vector<16xi32>], vector<16xf32>,
      %swap3A_2084 = arith.constant 13 : i32
      %swap3A_2085 = arith.index_cast %swap3A_2084 : i32 to index
      %swap3A_2086 = arith.constant 0 : index
      %swap3A_2087 = tpu.vector_load %arg15[%swap3A_2085, %swap3A_2086] {strides = array<i32>} : memref<32x16xf32, #tpu.memory_space<vmem>>, vector<16xf32>,
      tpu.vector_store %arg15[%swap3A_2085, %swap3A_2086], %gather3A_2083 {strides = array<i32>} : memref<32x16xf32, #tpu.memory_space<vmem>>, vector<16xf32>,
      %iota3A_2088 = tpu.iota {dimensions = array<i32: 0>} : vector<16xi32>
      %mul3A_2089 = arith.constant 32 : i32
      %mul3A_2090 = vector.broadcast %mul3A_2089 : i32 to vector<16xi32>
      %mul3A_2091 = arith.muli %iota3A_2088, %mul3A_2090 : vector<16xi32>
      %add3A_2092 = arith.constant 14 : i32
      %add3A_2093 = vector.broadcast %add3A_2092 : i32 to vector<16xi32>
      %add3A_2094 = arith.addi %mul3A_2091, %add3A_2093 : vector<16xi32>
      %gather3A_2095 = tpu.vector_load_idx %arg12[%add3A_2094, %and3A_1919] : memref<512x128xf32, #tpu.memory_space<vmem>>[vector<16xi32>, vector<16xi32>], vector<16xf32>,
      %swap3A_2096 = arith.constant 14 : i32
      %swap3A_2097 = arith.index_cast %swap3A_2096 : i32 to index
      %swap3A_2098 = arith.constant 0 : index
      %swap3A_2099 = tpu.vector_load %arg15[%swap3A_2097, %swap3A_2098] {strides = array<i32>} : memref<32x16xf32, #tpu.memory_space<vmem>>, vector<16xf32>,
      tpu.vector_store %arg15[%swap3A_2097, %swap3A_2098], %gather3A_2095 {strides = array<i32>} : memref<32x16xf32, #tpu.memory_space<vmem>>, vector<16xf32>,
      %iota3A_2100 = tpu.iota {dimensions = array<i32: 0>} : vector<16xi32>
      %mul3A_2101 = arith.constant 32 : i32
      %mul3A_2102 = vector.broadcast %mul3A_2101 : i32 to vector<16xi32>
      %mul3A_2103 = arith.muli %iota3A_2100, %mul3A_2102 : vector<16xi32>
      %add3A_2104 = arith.constant 15 : i32
      %add3A_2105 = vector.broadcast %add3A_2104 : i32 to vector<16xi32>
      %add3A_2106 = arith.addi %mul3A_2103, %add3A_2105 : vector<16xi32>
      %gather3A_2107 = tpu.vector_load_idx %arg12[%add3A_2106, %and3A_1919] : memref<512x128xf32, #tpu.memory_space<vmem>>[vector<16xi32>, vector<16xi32>], vector<16xf32>,
      %swap3A_2108 = arith.constant 15 : i32
      %swap3A_2109 = arith.index_cast %swap3A_2108 : i32 to index
      %swap3A_2110 = arith.constant 0 : index
      %swap3A_2111 = tpu.vector_load %arg15[%swap3A_2109, %swap3A_2110] {strides = array<i32>} : memref<32x16xf32, #tpu.memory_space<vmem>>, vector<16xf32>,
      tpu.vector_store %arg15[%swap3A_2109, %swap3A_2110], %gather3A_2107 {strides = array<i32>} : memref<32x16xf32, #tpu.memory_space<vmem>>, vector<16xf32>,
      %iota3A_2112 = tpu.iota {dimensions = array<i32: 0>} : vector<16xi32>
      %mul3A_2113 = arith.constant 32 : i32
      %mul3A_2114 = vector.broadcast %mul3A_2113 : i32 to vector<16xi32>
      %mul3A_2115 = arith.muli %iota3A_2112, %mul3A_2114 : vector<16xi32>
      %add3A_2116 = arith.constant 16 : i32
      %add3A_2117 = vector.broadcast %add3A_2116 : i32 to vector<16xi32>
      %add3A_2118 = arith.addi %mul3A_2115, %add3A_2117 : vector<16xi32>
      %gather3A_2119 = tpu.vector_load_idx %arg12[%add3A_2118, %and3A_1919] : memref<512x128xf32, #tpu.memory_space<vmem>>[vector<16xi32>, vector<16xi32>], vector<16xf32>,
      %swap3A_2120 = arith.constant 16 : i32
      %swap3A_2121 = arith.index_cast %swap3A_2120 : i32 to index
      %swap3A_2122 = arith.constant 0 : index
      %swap3A_2123 = tpu.vector_load %arg15[%swap3A_2121, %swap3A_2122] {strides = array<i32>} : memref<32x16xf32, #tpu.memory_space<vmem>>, vector<16xf32>,
      tpu.vector_store %arg15[%swap3A_2121, %swap3A_2122], %gather3A_2119 {strides = array<i32>} : memref<32x16xf32, #tpu.memory_space<vmem>>, vector<16xf32>,
      %iota3A_2124 = tpu.iota {dimensions = array<i32: 0>} : vector<16xi32>
      %mul3A_2125 = arith.constant 32 : i32
      %mul3A_2126 = vector.broadcast %mul3A_2125 : i32 to vector<16xi32>
      %mul3A_2127 = arith.muli %iota3A_2124, %mul3A_2126 : vector<16xi32>
      %add3A_2128 = arith.constant 17 : i32
      %add3A_2129 = vector.broadcast %add3A_2128 : i32 to vector<16xi32>
      %add3A_2130 = arith.addi %mul3A_2127, %add3A_2129 : vector<16xi32>
      %gather3A_2131 = tpu.vector_load_idx %arg12[%add3A_2130, %and3A_1919] : memref<512x128xf32, #tpu.memory_space<vmem>>[vector<16xi32>, vector<16xi32>], vector<16xf32>,
      %swap3A_2132 = arith.constant 17 : i32
      %swap3A_2133 = arith.index_cast %swap3A_2132 : i32 to index
      %swap3A_2134 = arith.constant 0 : index
      %swap3A_2135 = tpu.vector_load %arg15[%swap3A_2133, %swap3A_2134] {strides = array<i32>} : memref<32x16xf32, #tpu.memory_space<vmem>>, vector<16xf32>,
      tpu.vector_store %arg15[%swap3A_2133, %swap3A_2134], %gather3A_2131 {strides = array<i32>} : memref<32x16xf32, #tpu.memory_space<vmem>>, vector<16xf32>,
      %iota3A_2136 = tpu.iota {dimensions = array<i32: 0>} : vector<16xi32>
      %mul3A_2137 = arith.constant 32 : i32
      %mul3A_2138 = vector.broadcast %mul3A_2137 : i32 to vector<16xi32>
      %mul3A_2139 = arith.muli %iota3A_2136, %mul3A_2138 : vector<16xi32>
      %add3A_2140 = arith.constant 18 : i32
      %add3A_2141 = vector.broadcast %add3A_2140 : i32 to vector<16xi32>
      %add3A_2142 = arith.addi %mul3A_2139, %add3A_2141 : vector<16xi32>
      %gather3A_2143 = tpu.vector_load_idx %arg12[%add3A_2142, %and3A_1919] : memref<512x128xf32, #tpu.memory_space<vmem>>[vector<16xi32>, vector<16xi32>], vector<16xf32>,
      %swap3A_2144 = arith.constant 18 : i32
      %swap3A_2145 = arith.index_cast %swap3A_2144 : i32 to index
      %swap3A_2146 = arith.constant 0 : index
      %swap3A_2147 = tpu.vector_load %arg15[%swap3A_2145, %swap3A_2146] {strides = array<i32>} : memref<32x16xf32, #tpu.memory_space<vmem>>, vector<16xf32>,
      tpu.vector_store %arg15[%swap3A_2145, %swap3A_2146], %gather3A_2143 {strides = array<i32>} : memref<32x16xf32, #tpu.memory_space<vmem>>, vector<16xf32>,
      %iota3A_2148 = tpu.iota {dimensions = array<i32: 0>} : vector<16xi32>
      %mul3A_2149 = arith.constant 32 : i32
      %mul3A_2150 = vector.broadcast %mul3A_2149 : i32 to vector<16xi32>
      %mul3A_2151 = arith.muli %iota3A_2148, %mul3A_2150 : vector<16xi32>
      %add3A_2152 = arith.constant 19 : i32
      %add3A_2153 = vector.broadcast %add3A_2152 : i32 to vector<16xi32>
      %add3A_2154 = arith.addi %mul3A_2151, %add3A_2153 : vector<16xi32>
      %gather3A_2155 = tpu.vector_load_idx %arg12[%add3A_2154, %and3A_1919] : memref<512x128xf32, #tpu.memory_space<vmem>>[vector<16xi32>, vector<16xi32>], vector<16xf32>,
      %swap3A_2156 = arith.constant 19 : i32
      %swap3A_2157 = arith.index_cast %swap3A_2156 : i32 to index
      %swap3A_2158 = arith.constant 0 : index
      %swap3A_2159 = tpu.vector_load %arg15[%swap3A_2157, %swap3A_2158] {strides = array<i32>} : memref<32x16xf32, #tpu.memory_space<vmem>>, vector<16xf32>,
      tpu.vector_store %arg15[%swap3A_2157, %swap3A_2158], %gather3A_2155 {strides = array<i32>} : memref<32x16xf32, #tpu.memory_space<vmem>>, vector<16xf32>,
      %iota3A_2160 = tpu.iota {dimensions = array<i32: 0>} : vector<16xi32>
      %mul3A_2161 = arith.constant 32 : i32
      %mul3A_2162 = vector.broadcast %mul3A_2161 : i32 to vector<16xi32>
      %mul3A_2163 = arith.muli %iota3A_2160, %mul3A_2162 : vector<16xi32>
      %add3A_2164 = arith.constant 20 : i32
      %add3A_2165 = vector.broadcast %add3A_2164 : i32 to vector<16xi32>
      %add3A_2166 = arith.addi %mul3A_2163, %add3A_2165 : vector<16xi32>
      %gather3A_2167 = tpu.vector_load_idx %arg12[%add3A_2166, %and3A_1919] : memref<512x128xf32, #tpu.memory_space<vmem>>[vector<16xi32>, vector<16xi32>], vector<16xf32>,
      %swap3A_2168 = arith.constant 20 : i32
      %swap3A_2169 = arith.index_cast %swap3A_2168 : i32 to index
      %swap3A_2170 = arith.constant 0 : index
      %swap3A_2171 = tpu.vector_load %arg15[%swap3A_2169, %swap3A_2170] {strides = array<i32>} : memref<32x16xf32, #tpu.memory_space<vmem>>, vector<16xf32>,
      tpu.vector_store %arg15[%swap3A_2169, %swap3A_2170], %gather3A_2167 {strides = array<i32>} : memref<32x16xf32, #tpu.memory_space<vmem>>, vector<16xf32>,
      %iota3A_2172 = tpu.iota {dimensions = array<i32: 0>} : vector<16xi32>
      %mul3A_2173 = arith.constant 32 : i32
      %mul3A_2174 = vector.broadcast %mul3A_2173 : i32 to vector<16xi32>
      %mul3A_2175 = arith.muli %iota3A_2172, %mul3A_2174 : vector<16xi32>
      %add3A_2176 = arith.constant 21 : i32
      %add3A_2177 = vector.broadcast %add3A_2176 : i32 to vector<16xi32>
      %add3A_2178 = arith.addi %mul3A_2175, %add3A_2177 : vector<16xi32>
      %gather3A_2179 = tpu.vector_load_idx %arg12[%add3A_2178, %and3A_1919] : memref<512x128xf32, #tpu.memory_space<vmem>>[vector<16xi32>, vector<16xi32>], vector<16xf32>,
      %swap3A_2180 = arith.constant 21 : i32
      %swap3A_2181 = arith.index_cast %swap3A_2180 : i32 to index
      %swap3A_2182 = arith.constant 0 : index
      %swap3A_2183 = tpu.vector_load %arg15[%swap3A_2181, %swap3A_2182] {strides = array<i32>} : memref<32x16xf32, #tpu.memory_space<vmem>>, vector<16xf32>,
      tpu.vector_store %arg15[%swap3A_2181, %swap3A_2182], %gather3A_2179 {strides = array<i32>} : memref<32x16xf32, #tpu.memory_space<vmem>>, vector<16xf32>,
      %iota3A_2184 = tpu.iota {dimensions = array<i32: 0>} : vector<16xi32>
      %mul3A_2185 = arith.constant 32 : i32
      %mul3A_2186 = vector.broadcast %mul3A_2185 : i32 to vector<16xi32>
      %mul3A_2187 = arith.muli %iota3A_2184, %mul3A_2186 : vector<16xi32>
      %add3A_2188 = arith.constant 22 : i32
      %add3A_2189 = vector.broadcast %add3A_2188 : i32 to vector<16xi32>
      %add3A_2190 = arith.addi %mul3A_2187, %add3A_2189 : vector<16xi32>
      %gather3A_2191 = tpu.vector_load_idx %arg12[%add3A_2190, %and3A_1919] : memref<512x128xf32, #tpu.memory_space<vmem>>[vector<16xi32>, vector<16xi32>], vector<16xf32>,
      %swap3A_2192 = arith.constant 22 : i32
      %swap3A_2193 = arith.index_cast %swap3A_2192 : i32 to index
      %swap3A_2194 = arith.constant 0 : index
      %swap3A_2195 = tpu.vector_load %arg15[%swap3A_2193, %swap3A_2194] {strides = array<i32>} : memref<32x16xf32, #tpu.memory_space<vmem>>, vector<16xf32>,
      tpu.vector_store %arg15[%swap3A_2193, %swap3A_2194], %gather3A_2191 {strides = array<i32>} : memref<32x16xf32, #tpu.memory_space<vmem>>, vector<16xf32>,
      %iota3A_2196 = tpu.iota {dimensions = array<i32: 0>} : vector<16xi32>
      %mul3A_2197 = arith.constant 32 : i32
      %mul3A_2198 = vector.broadcast %mul3A_2197 : i32 to vector<16xi32>
      %mul3A_2199 = arith.muli %iota3A_2196, %mul3A_2198 : vector<16xi32>
      %add3A_2200 = arith.constant 23 : i32
      %add3A_2201 = vector.broadcast %add3A_2200 : i32 to vector<16xi32>
      %add3A_2202 = arith.addi %mul3A_2199, %add3A_2201 : vector<16xi32>
      %gather3A_2203 = tpu.vector_load_idx %arg12[%add3A_2202, %and3A_1919] : memref<512x128xf32, #tpu.memory_space<vmem>>[vector<16xi32>, vector<16xi32>], vector<16xf32>,
      %swap3A_2204 = arith.constant 23 : i32
      %swap3A_2205 = arith.index_cast %swap3A_2204 : i32 to index
      %swap3A_2206 = arith.constant 0 : index
      %swap3A_2207 = tpu.vector_load %arg15[%swap3A_2205, %swap3A_2206] {strides = array<i32>} : memref<32x16xf32, #tpu.memory_space<vmem>>, vector<16xf32>,
      tpu.vector_store %arg15[%swap3A_2205, %swap3A_2206], %gather3A_2203 {strides = array<i32>} : memref<32x16xf32, #tpu.memory_space<vmem>>, vector<16xf32>,
      %iota3A_2208 = tpu.iota {dimensions = array<i32: 0>} : vector<16xi32>
      %mul3A_2209 = arith.constant 32 : i32
      %mul3A_2210 = vector.broadcast %mul3A_2209 : i32 to vector<16xi32>
      %mul3A_2211 = arith.muli %iota3A_2208, %mul3A_2210 : vector<16xi32>
      %add3A_2212 = arith.constant 24 : i32
      %add3A_2213 = vector.broadcast %add3A_2212 : i32 to vector<16xi32>
      %add3A_2214 = arith.addi %mul3A_2211, %add3A_2213 : vector<16xi32>
      %gather3A_2215 = tpu.vector_load_idx %arg12[%add3A_2214, %and3A_1919] : memref<512x128xf32, #tpu.memory_space<vmem>>[vector<16xi32>, vector<16xi32>], vector<16xf32>,
      %swap3A_2216 = arith.constant 24 : i32
      %swap3A_2217 = arith.index_cast %swap3A_2216 : i32 to index
      %swap3A_2218 = arith.constant 0 : index
      %swap3A_2219 = tpu.vector_load %arg15[%swap3A_2217, %swap3A_2218] {strides = array<i32>} : memref<32x16xf32, #tpu.memory_space<vmem>>, vector<16xf32>,
      tpu.vector_store %arg15[%swap3A_2217, %swap3A_2218], %gather3A_2215 {strides = array<i32>} : memref<32x16xf32, #tpu.memory_space<vmem>>, vector<16xf32>,
      %iota3A_2220 = tpu.iota {dimensions = array<i32: 0>} : vector<16xi32>
      %mul3A_2221 = arith.constant 32 : i32
      %mul3A_2222 = vector.broadcast %mul3A_2221 : i32 to vector<16xi32>
      %mul3A_2223 = arith.muli %iota3A_2220, %mul3A_2222 : vector<16xi32>
      %add3A_2224 = arith.constant 25 : i32
      %add3A_2225 = vector.broadcast %add3A_2224 : i32 to vector<16xi32>
      %add3A_2226 = arith.addi %mul3A_2223, %add3A_2225 : vector<16xi32>
      %gather3A_2227 = tpu.vector_load_idx %arg12[%add3A_2226, %and3A_1919] : memref<512x128xf32, #tpu.memory_space<vmem>>[vector<16xi32>, vector<16xi32>], vector<16xf32>,
      %swap3A_2228 = arith.constant 25 : i32
      %swap3A_2229 = arith.index_cast %swap3A_2228 : i32 to index
      %swap3A_2230 = arith.constant 0 : index
      %swap3A_2231 = tpu.vector_load %arg15[%swap3A_2229, %swap3A_2230] {strides = array<i32>} : memref<32x16xf32, #tpu.memory_space<vmem>>, vector<16xf32>,
      tpu.vector_store %arg15[%swap3A_2229, %swap3A_2230], %gather3A_2227 {strides = array<i32>} : memref<32x16xf32, #tpu.memory_space<vmem>>, vector<16xf32>,
      %iota3A_2232 = tpu.iota {dimensions = array<i32: 0>} : vector<16xi32>
      %mul3A_2233 = arith.constant 32 : i32
      %mul3A_2234 = vector.broadcast %mul3A_2233 : i32 to vector<16xi32>
      %mul3A_2235 = arith.muli %iota3A_2232, %mul3A_2234 : vector<16xi32>
      %add3A_2236 = arith.constant 26 : i32
      %add3A_2237 = vector.broadcast %add3A_2236 : i32 to vector<16xi32>
      %add3A_2238 = arith.addi %mul3A_2235, %add3A_2237 : vector<16xi32>
      %gather3A_2239 = tpu.vector_load_idx %arg12[%add3A_2238, %and3A_1919] : memref<512x128xf32, #tpu.memory_space<vmem>>[vector<16xi32>, vector<16xi32>], vector<16xf32>,
      %swap3A_2240 = arith.constant 26 : i32
      %swap3A_2241 = arith.index_cast %swap3A_2240 : i32 to index
      %swap3A_2242 = arith.constant 0 : index
      %swap3A_2243 = tpu.vector_load %arg15[%swap3A_2241, %swap3A_2242] {strides = array<i32>} : memref<32x16xf32, #tpu.memory_space<vmem>>, vector<16xf32>,
      tpu.vector_store %arg15[%swap3A_2241, %swap3A_2242], %gather3A_2239 {strides = array<i32>} : memref<32x16xf32, #tpu.memory_space<vmem>>, vector<16xf32>,
      %iota3A_2244 = tpu.iota {dimensions = array<i32: 0>} : vector<16xi32>
      %mul3A_2245 = arith.constant 32 : i32
      %mul3A_2246 = vector.broadcast %mul3A_2245 : i32 to vector<16xi32>
      %mul3A_2247 = arith.muli %iota3A_2244, %mul3A_2246 : vector<16xi32>
      %add3A_2248 = arith.constant 27 : i32
      %add3A_2249 = vector.broadcast %add3A_2248 : i32 to vector<16xi32>
      %add3A_2250 = arith.addi %mul3A_2247, %add3A_2249 : vector<16xi32>
      %gather3A_2251 = tpu.vector_load_idx %arg12[%add3A_2250, %and3A_1919] : memref<512x128xf32, #tpu.memory_space<vmem>>[vector<16xi32>, vector<16xi32>], vector<16xf32>,
      %swap3A_2252 = arith.constant 27 : i32
      %swap3A_2253 = arith.index_cast %swap3A_2252 : i32 to index
      %swap3A_2254 = arith.constant 0 : index
      %swap3A_2255 = tpu.vector_load %arg15[%swap3A_2253, %swap3A_2254] {strides = array<i32>} : memref<32x16xf32, #tpu.memory_space<vmem>>, vector<16xf32>,
      tpu.vector_store %arg15[%swap3A_2253, %swap3A_2254], %gather3A_2251 {strides = array<i32>} : memref<32x16xf32, #tpu.memory_space<vmem>>, vector<16xf32>,
      %iota3A_2256 = tpu.iota {dimensions = array<i32: 0>} : vector<16xi32>
      %mul3A_2257 = arith.constant 32 : i32
      %mul3A_2258 = vector.broadcast %mul3A_2257 : i32 to vector<16xi32>
      %mul3A_2259 = arith.muli %iota3A_2256, %mul3A_2258 : vector<16xi32>
      %add3A_2260 = arith.constant 28 : i32
      %add3A_2261 = vector.broadcast %add3A_2260 : i32 to vector<16xi32>
      %add3A_2262 = arith.addi %mul3A_2259, %add3A_2261 : vector<16xi32>
      %gather3A_2263 = tpu.vector_load_idx %arg12[%add3A_2262, %and3A_1919] : memref<512x128xf32, #tpu.memory_space<vmem>>[vector<16xi32>, vector<16xi32>], vector<16xf32>,
      %swap3A_2264 = arith.constant 28 : i32
      %swap3A_2265 = arith.index_cast %swap3A_2264 : i32 to index
      %swap3A_2266 = arith.constant 0 : index
      %swap3A_2267 = tpu.vector_load %arg15[%swap3A_2265, %swap3A_2266] {strides = array<i32>} : memref<32x16xf32, #tpu.memory_space<vmem>>, vector<16xf32>,
      tpu.vector_store %arg15[%swap3A_2265, %swap3A_2266], %gather3A_2263 {strides = array<i32>} : memref<32x16xf32, #tpu.memory_space<vmem>>, vector<16xf32>,
      %iota3A_2268 = tpu.iota {dimensions = array<i32: 0>} : vector<16xi32>
      %mul3A_2269 = arith.constant 32 : i32
      %mul3A_2270 = vector.broadcast %mul3A_2269 : i32 to vector<16xi32>
      %mul3A_2271 = arith.muli %iota3A_2268, %mul3A_2270 : vector<16xi32>
      %add3A_2272 = arith.constant 29 : i32
      %add3A_2273 = vector.broadcast %add3A_2272 : i32 to vector<16xi32>
      %add3A_2274 = arith.addi %mul3A_2271, %add3A_2273 : vector<16xi32>
      %gather3A_2275 = tpu.vector_load_idx %arg12[%add3A_2274, %and3A_1919] : memref<512x128xf32, #tpu.memory_space<vmem>>[vector<16xi32>, vector<16xi32>], vector<16xf32>,
      %swap3A_2276 = arith.constant 29 : i32
      %swap3A_2277 = arith.index_cast %swap3A_2276 : i32 to index
      %swap3A_2278 = arith.constant 0 : index
      %swap3A_2279 = tpu.vector_load %arg15[%swap3A_2277, %swap3A_2278] {strides = array<i32>} : memref<32x16xf32, #tpu.memory_space<vmem>>, vector<16xf32>,
      tpu.vector_store %arg15[%swap3A_2277, %swap3A_2278], %gather3A_2275 {strides = array<i32>} : memref<32x16xf32, #tpu.memory_space<vmem>>, vector<16xf32>,
      %iota3A_2280 = tpu.iota {dimensions = array<i32: 0>} : vector<16xi32>
      %mul3A_2281 = arith.constant 32 : i32
      %mul3A_2282 = vector.broadcast %mul3A_2281 : i32 to vector<16xi32>
      %mul3A_2283 = arith.muli %iota3A_2280, %mul3A_2282 : vector<16xi32>
      %add3A_2284 = arith.constant 30 : i32
      %add3A_2285 = vector.broadcast %add3A_2284 : i32 to vector<16xi32>
      %add3A_2286 = arith.addi %mul3A_2283, %add3A_2285 : vector<16xi32>
      %gather3A_2287 = tpu.vector_load_idx %arg12[%add3A_2286, %and3A_1919] : memref<512x128xf32, #tpu.memory_space<vmem>>[vector<16xi32>, vector<16xi32>], vector<16xf32>,
      %swap3A_2288 = arith.constant 30 : i32
      %swap3A_2289 = arith.index_cast %swap3A_2288 : i32 to index
      %swap3A_2290 = arith.constant 0 : index
      %swap3A_2291 = tpu.vector_load %arg15[%swap3A_2289, %swap3A_2290] {strides = array<i32>} : memref<32x16xf32, #tpu.memory_space<vmem>>, vector<16xf32>,
      tpu.vector_store %arg15[%swap3A_2289, %swap3A_2290], %gather3A_2287 {strides = array<i32>} : memref<32x16xf32, #tpu.memory_space<vmem>>, vector<16xf32>,
      %iota3A_2292 = tpu.iota {dimensions = array<i32: 0>} : vector<16xi32>
      %mul3A_2293 = arith.constant 32 : i32
      %mul3A_2294 = vector.broadcast %mul3A_2293 : i32 to vector<16xi32>
      %mul3A_2295 = arith.muli %iota3A_2292, %mul3A_2294 : vector<16xi32>
      %add3A_2296 = arith.constant 31 : i32
      %add3A_2297 = vector.broadcast %add3A_2296 : i32 to vector<16xi32>
      %add3A_2298 = arith.addi %mul3A_2295, %add3A_2297 : vector<16xi32>
      %gather3A_2299 = tpu.vector_load_idx %arg12[%add3A_2298, %and3A_1919] : memref<512x128xf32, #tpu.memory_space<vmem>>[vector<16xi32>, vector<16xi32>], vector<16xf32>,
      %swap3A_2300 = arith.constant 31 : i32
      %swap3A_2301 = arith.index_cast %swap3A_2300 : i32 to index
      %swap3A_2302 = arith.constant 0 : index
      %swap3A_2303 = tpu.vector_load %arg15[%swap3A_2301, %swap3A_2302] {strides = array<i32>} : memref<32x16xf32, #tpu.memory_space<vmem>>, vector<16xf32>,
      tpu.vector_store %arg15[%swap3A_2301, %swap3A_2302], %gather3A_2299 {strides = array<i32>} : memref<32x16xf32, #tpu.memory_space<vmem>>, vector<16xf32>,
      %broadcast_in_dim3A_2304 = arith.constant 0.000000e+00 : f32
      %broadcast_in_dim3A_2305 = vector.broadcast %broadcast_in_dim3A_2304 : f32 to vector<16xf32>
      %broadcast_in_dim3A_2306 = arith.constant 0.000000e+00 : f32
      %broadcast_in_dim3A_2307 = vector.broadcast %broadcast_in_dim3A_2306 : f32 to vector<16xf32>
      %get3A_2308 = arith.constant 0 : i32
      %get3A_2309 = arith.index_cast %get3A_2308 : i32 to index
      %get3A_2310 = arith.constant 0 : index
      %get3A_2311 = tpu.vector_load %arg13[%get3A_2309, %get3A_2310] {strides = array<i32>} : memref<32x16xf32, #tpu.memory_space<vmem>>, vector<16xf32>,
      %get3A_2312 = arith.constant 0 : i32
      %get3A_2313 = arith.index_cast %get3A_2312 : i32 to index
      %get3A_2314 = arith.constant 0 : index
      %get3A_2315 = tpu.vector_load %arg14[%get3A_2313, %get3A_2314] {strides = array<i32>} : memref<32x16xf32, #tpu.memory_space<vmem>>, vector<16xf32>,
      %mul3A_2316 = arith.mulf %get3A_2311, %get3A_2315 : vector<16xf32>
      %add3A_2317 = arith.addf %broadcast_in_dim3A_2305, %mul3A_2316 : vector<16xf32>
      %get3A_2318 = arith.constant 0 : i32
      %get3A_2319 = arith.index_cast %get3A_2318 : i32 to index
      %get3A_2320 = arith.constant 0 : index
      %get3A_2321 = tpu.vector_load %arg15[%get3A_2319, %get3A_2320] {strides = array<i32>} : memref<32x16xf32, #tpu.memory_space<vmem>>, vector<16xf32>,
      %mul3A_2322 = arith.mulf %get3A_2311, %get3A_2321 : vector<16xf32>
      %add3A_2323 = arith.addf %broadcast_in_dim3A_2307, %mul3A_2322 : vector<16xf32>
      %get3A_2324 = arith.constant 1 : i32
      %get3A_2325 = arith.index_cast %get3A_2324 : i32 to index
      %get3A_2326 = arith.constant 0 : index
      %get3A_2327 = tpu.vector_load %arg13[%get3A_2325, %get3A_2326] {strides = array<i32>} : memref<32x16xf32, #tpu.memory_space<vmem>>, vector<16xf32>,
      %get3A_2328 = arith.constant 1 : i32
      %get3A_2329 = arith.index_cast %get3A_2328 : i32 to index
      %get3A_2330 = arith.constant 0 : index
      %get3A_2331 = tpu.vector_load %arg14[%get3A_2329, %get3A_2330] {strides = array<i32>} : memref<32x16xf32, #tpu.memory_space<vmem>>, vector<16xf32>,
      %mul3A_2332 = arith.mulf %get3A_2327, %get3A_2331 : vector<16xf32>
      %add3A_2333 = arith.addf %add3A_2317, %mul3A_2332 : vector<16xf32>
      %get3A_2334 = arith.constant 1 : i32
      %get3A_2335 = arith.index_cast %get3A_2334 : i32 to index
      %get3A_2336 = arith.constant 0 : index
      %get3A_2337 = tpu.vector_load %arg15[%get3A_2335, %get3A_2336] {strides = array<i32>} : memref<32x16xf32, #tpu.memory_space<vmem>>, vector<16xf32>,
      %mul3A_2338 = arith.mulf %get3A_2327, %get3A_2337 : vector<16xf32>
      %add3A_2339 = arith.addf %add3A_2323, %mul3A_2338 : vector<16xf32>
      %get3A_2340 = arith.constant 2 : i32
      %get3A_2341 = arith.index_cast %get3A_2340 : i32 to index
      %get3A_2342 = arith.constant 0 : index
      %get3A_2343 = tpu.vector_load %arg13[%get3A_2341, %get3A_2342] {strides = array<i32>} : memref<32x16xf32, #tpu.memory_space<vmem>>, vector<16xf32>,
      %get3A_2344 = arith.constant 2 : i32
      %get3A_2345 = arith.index_cast %get3A_2344 : i32 to index
      %get3A_2346 = arith.constant 0 : index
      %get3A_2347 = tpu.vector_load %arg14[%get3A_2345, %get3A_2346] {strides = array<i32>} : memref<32x16xf32, #tpu.memory_space<vmem>>, vector<16xf32>,
      %mul3A_2348 = arith.mulf %get3A_2343, %get3A_2347 : vector<16xf32>
      %add3A_2349 = arith.addf %add3A_2333, %mul3A_2348 : vector<16xf32>
      %get3A_2350 = arith.constant 2 : i32
      %get3A_2351 = arith.index_cast %get3A_2350 : i32 to index
      %get3A_2352 = arith.constant 0 : index
      %get3A_2353 = tpu.vector_load %arg15[%get3A_2351, %get3A_2352] {strides = array<i32>} : memref<32x16xf32, #tpu.memory_space<vmem>>, vector<16xf32>,
      %mul3A_2354 = arith.mulf %get3A_2343, %get3A_2353 : vector<16xf32>
      %add3A_2355 = arith.addf %add3A_2339, %mul3A_2354 : vector<16xf32>
      %get3A_2356 = arith.constant 3 : i32
      %get3A_2357 = arith.index_cast %get3A_2356 : i32 to index
      %get3A_2358 = arith.constant 0 : index
      %get3A_2359 = tpu.vector_load %arg13[%get3A_2357, %get3A_2358] {strides = array<i32>} : memref<32x16xf32, #tpu.memory_space<vmem>>, vector<16xf32>,
      %get3A_2360 = arith.constant 3 : i32
      %get3A_2361 = arith.index_cast %get3A_2360 : i32 to index
      %get3A_2362 = arith.constant 0 : index
      %get3A_2363 = tpu.vector_load %arg14[%get3A_2361, %get3A_2362] {strides = array<i32>} : memref<32x16xf32, #tpu.memory_space<vmem>>, vector<16xf32>,
      %mul3A_2364 = arith.mulf %get3A_2359, %get3A_2363 : vector<16xf32>
      %add3A_2365 = arith.addf %add3A_2349, %mul3A_2364 : vector<16xf32>
      %get3A_2366 = arith.constant 3 : i32
      %get3A_2367 = arith.index_cast %get3A_2366 : i32 to index
      %get3A_2368 = arith.constant 0 : index
      %get3A_2369 = tpu.vector_load %arg15[%get3A_2367, %get3A_2368] {strides = array<i32>} : memref<32x16xf32, #tpu.memory_space<vmem>>, vector<16xf32>,
      %mul3A_2370 = arith.mulf %get3A_2359, %get3A_2369 : vector<16xf32>
      %add3A_2371 = arith.addf %add3A_2355, %mul3A_2370 : vector<16xf32>
      %get3A_2372 = arith.constant 4 : i32
      %get3A_2373 = arith.index_cast %get3A_2372 : i32 to index
      %get3A_2374 = arith.constant 0 : index
      %get3A_2375 = tpu.vector_load %arg13[%get3A_2373, %get3A_2374] {strides = array<i32>} : memref<32x16xf32, #tpu.memory_space<vmem>>, vector<16xf32>,
      %get3A_2376 = arith.constant 4 : i32
      %get3A_2377 = arith.index_cast %get3A_2376 : i32 to index
      %get3A_2378 = arith.constant 0 : index
      %get3A_2379 = tpu.vector_load %arg14[%get3A_2377, %get3A_2378] {strides = array<i32>} : memref<32x16xf32, #tpu.memory_space<vmem>>, vector<16xf32>,
      %mul3A_2380 = arith.mulf %get3A_2375, %get3A_2379 : vector<16xf32>
      %add3A_2381 = arith.addf %add3A_2365, %mul3A_2380 : vector<16xf32>
      %get3A_2382 = arith.constant 4 : i32
      %get3A_2383 = arith.index_cast %get3A_2382 : i32 to index
      %get3A_2384 = arith.constant 0 : index
      %get3A_2385 = tpu.vector_load %arg15[%get3A_2383, %get3A_2384] {strides = array<i32>} : memref<32x16xf32, #tpu.memory_space<vmem>>, vector<16xf32>,
      %mul3A_2386 = arith.mulf %get3A_2375, %get3A_2385 : vector<16xf32>
      %add3A_2387 = arith.addf %add3A_2371, %mul3A_2386 : vector<16xf32>
      %get3A_2388 = arith.constant 5 : i32
      %get3A_2389 = arith.index_cast %get3A_2388 : i32 to index
      %get3A_2390 = arith.constant 0 : index
      %get3A_2391 = tpu.vector_load %arg13[%get3A_2389, %get3A_2390] {strides = array<i32>} : memref<32x16xf32, #tpu.memory_space<vmem>>, vector<16xf32>,
      %get3A_2392 = arith.constant 5 : i32
      %get3A_2393 = arith.index_cast %get3A_2392 : i32 to index
      %get3A_2394 = arith.constant 0 : index
      %get3A_2395 = tpu.vector_load %arg14[%get3A_2393, %get3A_2394] {strides = array<i32>} : memref<32x16xf32, #tpu.memory_space<vmem>>, vector<16xf32>,
      %mul3A_2396 = arith.mulf %get3A_2391, %get3A_2395 : vector<16xf32>
      %add3A_2397 = arith.addf %add3A_2381, %mul3A_2396 : vector<16xf32>
      %get3A_2398 = arith.constant 5 : i32
      %get3A_2399 = arith.index_cast %get3A_2398 : i32 to index
      %get3A_2400 = arith.constant 0 : index
      %get3A_2401 = tpu.vector_load %arg15[%get3A_2399, %get3A_2400] {strides = array<i32>} : memref<32x16xf32, #tpu.memory_space<vmem>>, vector<16xf32>,
      %mul3A_2402 = arith.mulf %get3A_2391, %get3A_2401 : vector<16xf32>
      %add3A_2403 = arith.addf %add3A_2387, %mul3A_2402 : vector<16xf32>
      %get3A_2404 = arith.constant 6 : i32
      %get3A_2405 = arith.index_cast %get3A_2404 : i32 to index
      %get3A_2406 = arith.constant 0 : index
      %get3A_2407 = tpu.vector_load %arg13[%get3A_2405, %get3A_2406] {strides = array<i32>} : memref<32x16xf32, #tpu.memory_space<vmem>>, vector<16xf32>,
      %get3A_2408 = arith.constant 6 : i32
      %get3A_2409 = arith.index_cast %get3A_2408 : i32 to index
      %get3A_2410 = arith.constant 0 : index
      %get3A_2411 = tpu.vector_load %arg14[%get3A_2409, %get3A_2410] {strides = array<i32>} : memref<32x16xf32, #tpu.memory_space<vmem>>, vector<16xf32>,
      %mul3A_2412 = arith.mulf %get3A_2407, %get3A_2411 : vector<16xf32>
      %add3A_2413 = arith.addf %add3A_2397, %mul3A_2412 : vector<16xf32>
      %get3A_2414 = arith.constant 6 : i32
      %get3A_2415 = arith.index_cast %get3A_2414 : i32 to index
      %get3A_2416 = arith.constant 0 : index
      %get3A_2417 = tpu.vector_load %arg15[%get3A_2415, %get3A_2416] {strides = array<i32>} : memref<32x16xf32, #tpu.memory_space<vmem>>, vector<16xf32>,
      %mul3A_2418 = arith.mulf %get3A_2407, %get3A_2417 : vector<16xf32>
      %add3A_2419 = arith.addf %add3A_2403, %mul3A_2418 : vector<16xf32>
      %get3A_2420 = arith.constant 7 : i32
      %get3A_2421 = arith.index_cast %get3A_2420 : i32 to index
      %get3A_2422 = arith.constant 0 : index
      %get3A_2423 = tpu.vector_load %arg13[%get3A_2421, %get3A_2422] {strides = array<i32>} : memref<32x16xf32, #tpu.memory_space<vmem>>, vector<16xf32>,
      %get3A_2424 = arith.constant 7 : i32
      %get3A_2425 = arith.index_cast %get3A_2424 : i32 to index
      %get3A_2426 = arith.constant 0 : index
      %get3A_2427 = tpu.vector_load %arg14[%get3A_2425, %get3A_2426] {strides = array<i32>} : memref<32x16xf32, #tpu.memory_space<vmem>>, vector<16xf32>,
      %mul3A_2428 = arith.mulf %get3A_2423, %get3A_2427 : vector<16xf32>
      %add3A_2429 = arith.addf %add3A_2413, %mul3A_2428 : vector<16xf32>
      %get3A_2430 = arith.constant 7 : i32
      %get3A_2431 = arith.index_cast %get3A_2430 : i32 to index
      %get3A_2432 = arith.constant 0 : index
      %get3A_2433 = tpu.vector_load %arg15[%get3A_2431, %get3A_2432] {strides = array<i32>} : memref<32x16xf32, #tpu.memory_space<vmem>>, vector<16xf32>,
      %mul3A_2434 = arith.mulf %get3A_2423, %get3A_2433 : vector<16xf32>
      %add3A_2435 = arith.addf %add3A_2419, %mul3A_2434 : vector<16xf32>
      %get3A_2436 = arith.constant 8 : i32
      %get3A_2437 = arith.index_cast %get3A_2436 : i32 to index
      %get3A_2438 = arith.constant 0 : index
      %get3A_2439 = tpu.vector_load %arg13[%get3A_2437, %get3A_2438] {strides = array<i32>} : memref<32x16xf32, #tpu.memory_space<vmem>>, vector<16xf32>,
      %get3A_2440 = arith.constant 8 : i32
      %get3A_2441 = arith.index_cast %get3A_2440 : i32 to index
      %get3A_2442 = arith.constant 0 : index
      %get3A_2443 = tpu.vector_load %arg14[%get3A_2441, %get3A_2442] {strides = array<i32>} : memref<32x16xf32, #tpu.memory_space<vmem>>, vector<16xf32>,
      %mul3A_2444 = arith.mulf %get3A_2439, %get3A_2443 : vector<16xf32>
      %add3A_2445 = arith.addf %add3A_2429, %mul3A_2444 : vector<16xf32>
      %get3A_2446 = arith.constant 8 : i32
      %get3A_2447 = arith.index_cast %get3A_2446 : i32 to index
      %get3A_2448 = arith.constant 0 : index
      %get3A_2449 = tpu.vector_load %arg15[%get3A_2447, %get3A_2448] {strides = array<i32>} : memref<32x16xf32, #tpu.memory_space<vmem>>, vector<16xf32>,
      %mul3A_2450 = arith.mulf %get3A_2439, %get3A_2449 : vector<16xf32>
      %add3A_2451 = arith.addf %add3A_2435, %mul3A_2450 : vector<16xf32>
      %get3A_2452 = arith.constant 9 : i32
      %get3A_2453 = arith.index_cast %get3A_2452 : i32 to index
      %get3A_2454 = arith.constant 0 : index
      %get3A_2455 = tpu.vector_load %arg13[%get3A_2453, %get3A_2454] {strides = array<i32>} : memref<32x16xf32, #tpu.memory_space<vmem>>, vector<16xf32>,
      %get3A_2456 = arith.constant 9 : i32
      %get3A_2457 = arith.index_cast %get3A_2456 : i32 to index
      %get3A_2458 = arith.constant 0 : index
      %get3A_2459 = tpu.vector_load %arg14[%get3A_2457, %get3A_2458] {strides = array<i32>} : memref<32x16xf32, #tpu.memory_space<vmem>>, vector<16xf32>,
      %mul3A_2460 = arith.mulf %get3A_2455, %get3A_2459 : vector<16xf32>
      %add3A_2461 = arith.addf %add3A_2445, %mul3A_2460 : vector<16xf32>
      %get3A_2462 = arith.constant 9 : i32
      %get3A_2463 = arith.index_cast %get3A_2462 : i32 to index
      %get3A_2464 = arith.constant 0 : index
      %get3A_2465 = tpu.vector_load %arg15[%get3A_2463, %get3A_2464] {strides = array<i32>} : memref<32x16xf32, #tpu.memory_space<vmem>>, vector<16xf32>,
      %mul3A_2466 = arith.mulf %get3A_2455, %get3A_2465 : vector<16xf32>
      %add3A_2467 = arith.addf %add3A_2451, %mul3A_2466 : vector<16xf32>
      %get3A_2468 = arith.constant 10 : i32
      %get3A_2469 = arith.index_cast %get3A_2468 : i32 to index
      %get3A_2470 = arith.constant 0 : index
      %get3A_2471 = tpu.vector_load %arg13[%get3A_2469, %get3A_2470] {strides = array<i32>} : memref<32x16xf32, #tpu.memory_space<vmem>>, vector<16xf32>,
      %get3A_2472 = arith.constant 10 : i32
      %get3A_2473 = arith.index_cast %get3A_2472 : i32 to index
      %get3A_2474 = arith.constant 0 : index
      %get3A_2475 = tpu.vector_load %arg14[%get3A_2473, %get3A_2474] {strides = array<i32>} : memref<32x16xf32, #tpu.memory_space<vmem>>, vector<16xf32>,
      %mul3A_2476 = arith.mulf %get3A_2471, %get3A_2475 : vector<16xf32>
      %add3A_2477 = arith.addf %add3A_2461, %mul3A_2476 : vector<16xf32>
      %get3A_2478 = arith.constant 10 : i32
      %get3A_2479 = arith.index_cast %get3A_2478 : i32 to index
      %get3A_2480 = arith.constant 0 : index
      %get3A_2481 = tpu.vector_load %arg15[%get3A_2479, %get3A_2480] {strides = array<i32>} : memref<32x16xf32, #tpu.memory_space<vmem>>, vector<16xf32>,
      %mul3A_2482 = arith.mulf %get3A_2471, %get3A_2481 : vector<16xf32>
      %add3A_2483 = arith.addf %add3A_2467, %mul3A_2482 : vector<16xf32>
      %get3A_2484 = arith.constant 11 : i32
      %get3A_2485 = arith.index_cast %get3A_2484 : i32 to index
      %get3A_2486 = arith.constant 0 : index
      %get3A_2487 = tpu.vector_load %arg13[%get3A_2485, %get3A_2486] {strides = array<i32>} : memref<32x16xf32, #tpu.memory_space<vmem>>, vector<16xf32>,
      %get3A_2488 = arith.constant 11 : i32
      %get3A_2489 = arith.index_cast %get3A_2488 : i32 to index
      %get3A_2490 = arith.constant 0 : index
      %get3A_2491 = tpu.vector_load %arg14[%get3A_2489, %get3A_2490] {strides = array<i32>} : memref<32x16xf32, #tpu.memory_space<vmem>>, vector<16xf32>,
      %mul3A_2492 = arith.mulf %get3A_2487, %get3A_2491 : vector<16xf32>
      %add3A_2493 = arith.addf %add3A_2477, %mul3A_2492 : vector<16xf32>
      %get3A_2494 = arith.constant 11 : i32
      %get3A_2495 = arith.index_cast %get3A_2494 : i32 to index
      %get3A_2496 = arith.constant 0 : index
      %get3A_2497 = tpu.vector_load %arg15[%get3A_2495, %get3A_2496] {strides = array<i32>} : memref<32x16xf32, #tpu.memory_space<vmem>>, vector<16xf32>,
      %mul3A_2498 = arith.mulf %get3A_2487, %get3A_2497 : vector<16xf32>
      %add3A_2499 = arith.addf %add3A_2483, %mul3A_2498 : vector<16xf32>
      %get3A_2500 = arith.constant 12 : i32
      %get3A_2501 = arith.index_cast %get3A_2500 : i32 to index
      %get3A_2502 = arith.constant 0 : index
      %get3A_2503 = tpu.vector_load %arg13[%get3A_2501, %get3A_2502] {strides = array<i32>} : memref<32x16xf32, #tpu.memory_space<vmem>>, vector<16xf32>,
      %get3A_2504 = arith.constant 12 : i32
      %get3A_2505 = arith.index_cast %get3A_2504 : i32 to index
      %get3A_2506 = arith.constant 0 : index
      %get3A_2507 = tpu.vector_load %arg14[%get3A_2505, %get3A_2506] {strides = array<i32>} : memref<32x16xf32, #tpu.memory_space<vmem>>, vector<16xf32>,
      %mul3A_2508 = arith.mulf %get3A_2503, %get3A_2507 : vector<16xf32>
      %add3A_2509 = arith.addf %add3A_2493, %mul3A_2508 : vector<16xf32>
      %get3A_2510 = arith.constant 12 : i32
      %get3A_2511 = arith.index_cast %get3A_2510 : i32 to index
      %get3A_2512 = arith.constant 0 : index
      %get3A_2513 = tpu.vector_load %arg15[%get3A_2511, %get3A_2512] {strides = array<i32>} : memref<32x16xf32, #tpu.memory_space<vmem>>, vector<16xf32>,
      %mul3A_2514 = arith.mulf %get3A_2503, %get3A_2513 : vector<16xf32>
      %add3A_2515 = arith.addf %add3A_2499, %mul3A_2514 : vector<16xf32>
      %get3A_2516 = arith.constant 13 : i32
      %get3A_2517 = arith.index_cast %get3A_2516 : i32 to index
      %get3A_2518 = arith.constant 0 : index
      %get3A_2519 = tpu.vector_load %arg13[%get3A_2517, %get3A_2518] {strides = array<i32>} : memref<32x16xf32, #tpu.memory_space<vmem>>, vector<16xf32>,
      %get3A_2520 = arith.constant 13 : i32
      %get3A_2521 = arith.index_cast %get3A_2520 : i32 to index
      %get3A_2522 = arith.constant 0 : index
      %get3A_2523 = tpu.vector_load %arg14[%get3A_2521, %get3A_2522] {strides = array<i32>} : memref<32x16xf32, #tpu.memory_space<vmem>>, vector<16xf32>,
      %mul3A_2524 = arith.mulf %get3A_2519, %get3A_2523 : vector<16xf32>
      %add3A_2525 = arith.addf %add3A_2509, %mul3A_2524 : vector<16xf32>
      %get3A_2526 = arith.constant 13 : i32
      %get3A_2527 = arith.index_cast %get3A_2526 : i32 to index
      %get3A_2528 = arith.constant 0 : index
      %get3A_2529 = tpu.vector_load %arg15[%get3A_2527, %get3A_2528] {strides = array<i32>} : memref<32x16xf32, #tpu.memory_space<vmem>>, vector<16xf32>,
      %mul3A_2530 = arith.mulf %get3A_2519, %get3A_2529 : vector<16xf32>
      %add3A_2531 = arith.addf %add3A_2515, %mul3A_2530 : vector<16xf32>
      %get3A_2532 = arith.constant 14 : i32
      %get3A_2533 = arith.index_cast %get3A_2532 : i32 to index
      %get3A_2534 = arith.constant 0 : index
      %get3A_2535 = tpu.vector_load %arg13[%get3A_2533, %get3A_2534] {strides = array<i32>} : memref<32x16xf32, #tpu.memory_space<vmem>>, vector<16xf32>,
      %get3A_2536 = arith.constant 14 : i32
      %get3A_2537 = arith.index_cast %get3A_2536 : i32 to index
      %get3A_2538 = arith.constant 0 : index
      %get3A_2539 = tpu.vector_load %arg14[%get3A_2537, %get3A_2538] {strides = array<i32>} : memref<32x16xf32, #tpu.memory_space<vmem>>, vector<16xf32>,
      %mul3A_2540 = arith.mulf %get3A_2535, %get3A_2539 : vector<16xf32>
      %add3A_2541 = arith.addf %add3A_2525, %mul3A_2540 : vector<16xf32>
      %get3A_2542 = arith.constant 14 : i32
      %get3A_2543 = arith.index_cast %get3A_2542 : i32 to index
      %get3A_2544 = arith.constant 0 : index
      %get3A_2545 = tpu.vector_load %arg15[%get3A_2543, %get3A_2544] {strides = array<i32>} : memref<32x16xf32, #tpu.memory_space<vmem>>, vector<16xf32>,
      %mul3A_2546 = arith.mulf %get3A_2535, %get3A_2545 : vector<16xf32>
      %add3A_2547 = arith.addf %add3A_2531, %mul3A_2546 : vector<16xf32>
      %get3A_2548 = arith.constant 15 : i32
      %get3A_2549 = arith.index_cast %get3A_2548 : i32 to index
      %get3A_2550 = arith.constant 0 : index
      %get3A_2551 = tpu.vector_load %arg13[%get3A_2549, %get3A_2550] {strides = array<i32>} : memref<32x16xf32, #tpu.memory_space<vmem>>, vector<16xf32>,
      %get3A_2552 = arith.constant 15 : i32
      %get3A_2553 = arith.index_cast %get3A_2552 : i32 to index
      %get3A_2554 = arith.constant 0 : index
      %get3A_2555 = tpu.vector_load %arg14[%get3A_2553, %get3A_2554] {strides = array<i32>} : memref<32x16xf32, #tpu.memory_space<vmem>>, vector<16xf32>,
      %mul3A_2556 = arith.mulf %get3A_2551, %get3A_2555 : vector<16xf32>
      %add3A_2557 = arith.addf %add3A_2541, %mul3A_2556 : vector<16xf32>
      %get3A_2558 = arith.constant 15 : i32
      %get3A_2559 = arith.index_cast %get3A_2558 : i32 to index
      %get3A_2560 = arith.constant 0 : index
      %get3A_2561 = tpu.vector_load %arg15[%get3A_2559, %get3A_2560] {strides = array<i32>} : memref<32x16xf32, #tpu.memory_space<vmem>>, vector<16xf32>,
      %mul3A_2562 = arith.mulf %get3A_2551, %get3A_2561 : vector<16xf32>
      %add3A_2563 = arith.addf %add3A_2547, %mul3A_2562 : vector<16xf32>
      %get3A_2564 = arith.constant 16 : i32
      %get3A_2565 = arith.index_cast %get3A_2564 : i32 to index
      %get3A_2566 = arith.constant 0 : index
      %get3A_2567 = tpu.vector_load %arg13[%get3A_2565, %get3A_2566] {strides = array<i32>} : memref<32x16xf32, #tpu.memory_space<vmem>>, vector<16xf32>,
      %get3A_2568 = arith.constant 16 : i32
      %get3A_2569 = arith.index_cast %get3A_2568 : i32 to index
      %get3A_2570 = arith.constant 0 : index
      %get3A_2571 = tpu.vector_load %arg14[%get3A_2569, %get3A_2570] {strides = array<i32>} : memref<32x16xf32, #tpu.memory_space<vmem>>, vector<16xf32>,
      %mul3A_2572 = arith.mulf %get3A_2567, %get3A_2571 : vector<16xf32>
      %add3A_2573 = arith.addf %add3A_2557, %mul3A_2572 : vector<16xf32>
      %get3A_2574 = arith.constant 16 : i32
      %get3A_2575 = arith.index_cast %get3A_2574 : i32 to index
      %get3A_2576 = arith.constant 0 : index
      %get3A_2577 = tpu.vector_load %arg15[%get3A_2575, %get3A_2576] {strides = array<i32>} : memref<32x16xf32, #tpu.memory_space<vmem>>, vector<16xf32>,
      %mul3A_2578 = arith.mulf %get3A_2567, %get3A_2577 : vector<16xf32>
      %add3A_2579 = arith.addf %add3A_2563, %mul3A_2578 : vector<16xf32>
      %get3A_2580 = arith.constant 17 : i32
      %get3A_2581 = arith.index_cast %get3A_2580 : i32 to index
      %get3A_2582 = arith.constant 0 : index
      %get3A_2583 = tpu.vector_load %arg13[%get3A_2581, %get3A_2582] {strides = array<i32>} : memref<32x16xf32, #tpu.memory_space<vmem>>, vector<16xf32>,
      %get3A_2584 = arith.constant 17 : i32
      %get3A_2585 = arith.index_cast %get3A_2584 : i32 to index
      %get3A_2586 = arith.constant 0 : index
      %get3A_2587 = tpu.vector_load %arg14[%get3A_2585, %get3A_2586] {strides = array<i32>} : memref<32x16xf32, #tpu.memory_space<vmem>>, vector<16xf32>,
      %mul3A_2588 = arith.mulf %get3A_2583, %get3A_2587 : vector<16xf32>
      %add3A_2589 = arith.addf %add3A_2573, %mul3A_2588 : vector<16xf32>
      %get3A_2590 = arith.constant 17 : i32
      %get3A_2591 = arith.index_cast %get3A_2590 : i32 to index
      %get3A_2592 = arith.constant 0 : index
      %get3A_2593 = tpu.vector_load %arg15[%get3A_2591, %get3A_2592] {strides = array<i32>} : memref<32x16xf32, #tpu.memory_space<vmem>>, vector<16xf32>,
      %mul3A_2594 = arith.mulf %get3A_2583, %get3A_2593 : vector<16xf32>
      %add3A_2595 = arith.addf %add3A_2579, %mul3A_2594 : vector<16xf32>
      %get3A_2596 = arith.constant 18 : i32
      %get3A_2597 = arith.index_cast %get3A_2596 : i32 to index
      %get3A_2598 = arith.constant 0 : index
      %get3A_2599 = tpu.vector_load %arg13[%get3A_2597, %get3A_2598] {strides = array<i32>} : memref<32x16xf32, #tpu.memory_space<vmem>>, vector<16xf32>,
      %get3A_2600 = arith.constant 18 : i32
      %get3A_2601 = arith.index_cast %get3A_2600 : i32 to index
      %get3A_2602 = arith.constant 0 : index
      %get3A_2603 = tpu.vector_load %arg14[%get3A_2601, %get3A_2602] {strides = array<i32>} : memref<32x16xf32, #tpu.memory_space<vmem>>, vector<16xf32>,
      %mul3A_2604 = arith.mulf %get3A_2599, %get3A_2603 : vector<16xf32>
      %add3A_2605 = arith.addf %add3A_2589, %mul3A_2604 : vector<16xf32>
      %get3A_2606 = arith.constant 18 : i32
      %get3A_2607 = arith.index_cast %get3A_2606 : i32 to index
      %get3A_2608 = arith.constant 0 : index
      %get3A_2609 = tpu.vector_load %arg15[%get3A_2607, %get3A_2608] {strides = array<i32>} : memref<32x16xf32, #tpu.memory_space<vmem>>, vector<16xf32>,
      %mul3A_2610 = arith.mulf %get3A_2599, %get3A_2609 : vector<16xf32>
      %add3A_2611 = arith.addf %add3A_2595, %mul3A_2610 : vector<16xf32>
      %get3A_2612 = arith.constant 19 : i32
      %get3A_2613 = arith.index_cast %get3A_2612 : i32 to index
      %get3A_2614 = arith.constant 0 : index
      %get3A_2615 = tpu.vector_load %arg13[%get3A_2613, %get3A_2614] {strides = array<i32>} : memref<32x16xf32, #tpu.memory_space<vmem>>, vector<16xf32>,
      %get3A_2616 = arith.constant 19 : i32
      %get3A_2617 = arith.index_cast %get3A_2616 : i32 to index
      %get3A_2618 = arith.constant 0 : index
      %get3A_2619 = tpu.vector_load %arg14[%get3A_2617, %get3A_2618] {strides = array<i32>} : memref<32x16xf32, #tpu.memory_space<vmem>>, vector<16xf32>,
      %mul3A_2620 = arith.mulf %get3A_2615, %get3A_2619 : vector<16xf32>
      %add3A_2621 = arith.addf %add3A_2605, %mul3A_2620 : vector<16xf32>
      %get3A_2622 = arith.constant 19 : i32
      %get3A_2623 = arith.index_cast %get3A_2622 : i32 to index
      %get3A_2624 = arith.constant 0 : index
      %get3A_2625 = tpu.vector_load %arg15[%get3A_2623, %get3A_2624] {strides = array<i32>} : memref<32x16xf32, #tpu.memory_space<vmem>>, vector<16xf32>,
      %mul3A_2626 = arith.mulf %get3A_2615, %get3A_2625 : vector<16xf32>
      %add3A_2627 = arith.addf %add3A_2611, %mul3A_2626 : vector<16xf32>
      %get3A_2628 = arith.constant 20 : i32
      %get3A_2629 = arith.index_cast %get3A_2628 : i32 to index
      %get3A_2630 = arith.constant 0 : index
      %get3A_2631 = tpu.vector_load %arg13[%get3A_2629, %get3A_2630] {strides = array<i32>} : memref<32x16xf32, #tpu.memory_space<vmem>>, vector<16xf32>,
      %get3A_2632 = arith.constant 20 : i32
      %get3A_2633 = arith.index_cast %get3A_2632 : i32 to index
      %get3A_2634 = arith.constant 0 : index
      %get3A_2635 = tpu.vector_load %arg14[%get3A_2633, %get3A_2634] {strides = array<i32>} : memref<32x16xf32, #tpu.memory_space<vmem>>, vector<16xf32>,
      %mul3A_2636 = arith.mulf %get3A_2631, %get3A_2635 : vector<16xf32>
      %add3A_2637 = arith.addf %add3A_2621, %mul3A_2636 : vector<16xf32>
      %get3A_2638 = arith.constant 20 : i32
      %get3A_2639 = arith.index_cast %get3A_2638 : i32 to index
      %get3A_2640 = arith.constant 0 : index
      %get3A_2641 = tpu.vector_load %arg15[%get3A_2639, %get3A_2640] {strides = array<i32>} : memref<32x16xf32, #tpu.memory_space<vmem>>, vector<16xf32>,
      %mul3A_2642 = arith.mulf %get3A_2631, %get3A_2641 : vector<16xf32>
      %add3A_2643 = arith.addf %add3A_2627, %mul3A_2642 : vector<16xf32>
      %get3A_2644 = arith.constant 21 : i32
      %get3A_2645 = arith.index_cast %get3A_2644 : i32 to index
      %get3A_2646 = arith.constant 0 : index
      %get3A_2647 = tpu.vector_load %arg13[%get3A_2645, %get3A_2646] {strides = array<i32>} : memref<32x16xf32, #tpu.memory_space<vmem>>, vector<16xf32>,
      %get3A_2648 = arith.constant 21 : i32
      %get3A_2649 = arith.index_cast %get3A_2648 : i32 to index
      %get3A_2650 = arith.constant 0 : index
      %get3A_2651 = tpu.vector_load %arg14[%get3A_2649, %get3A_2650] {strides = array<i32>} : memref<32x16xf32, #tpu.memory_space<vmem>>, vector<16xf32>,
      %mul3A_2652 = arith.mulf %get3A_2647, %get3A_2651 : vector<16xf32>
      %add3A_2653 = arith.addf %add3A_2637, %mul3A_2652 : vector<16xf32>
      %get3A_2654 = arith.constant 21 : i32
      %get3A_2655 = arith.index_cast %get3A_2654 : i32 to index
      %get3A_2656 = arith.constant 0 : index
      %get3A_2657 = tpu.vector_load %arg15[%get3A_2655, %get3A_2656] {strides = array<i32>} : memref<32x16xf32, #tpu.memory_space<vmem>>, vector<16xf32>,
      %mul3A_2658 = arith.mulf %get3A_2647, %get3A_2657 : vector<16xf32>
      %add3A_2659 = arith.addf %add3A_2643, %mul3A_2658 : vector<16xf32>
      %get3A_2660 = arith.constant 22 : i32
      %get3A_2661 = arith.index_cast %get3A_2660 : i32 to index
      %get3A_2662 = arith.constant 0 : index
      %get3A_2663 = tpu.vector_load %arg13[%get3A_2661, %get3A_2662] {strides = array<i32>} : memref<32x16xf32, #tpu.memory_space<vmem>>, vector<16xf32>,
      %get3A_2664 = arith.constant 22 : i32
      %get3A_2665 = arith.index_cast %get3A_2664 : i32 to index
      %get3A_2666 = arith.constant 0 : index
      %get3A_2667 = tpu.vector_load %arg14[%get3A_2665, %get3A_2666] {strides = array<i32>} : memref<32x16xf32, #tpu.memory_space<vmem>>, vector<16xf32>,
      %mul3A_2668 = arith.mulf %get3A_2663, %get3A_2667 : vector<16xf32>
      %add3A_2669 = arith.addf %add3A_2653, %mul3A_2668 : vector<16xf32>
      %get3A_2670 = arith.constant 22 : i32
      %get3A_2671 = arith.index_cast %get3A_2670 : i32 to index
      %get3A_2672 = arith.constant 0 : index
      %get3A_2673 = tpu.vector_load %arg15[%get3A_2671, %get3A_2672] {strides = array<i32>} : memref<32x16xf32, #tpu.memory_space<vmem>>, vector<16xf32>,
      %mul3A_2674 = arith.mulf %get3A_2663, %get3A_2673 : vector<16xf32>
      %add3A_2675 = arith.addf %add3A_2659, %mul3A_2674 : vector<16xf32>
      %get3A_2676 = arith.constant 23 : i32
      %get3A_2677 = arith.index_cast %get3A_2676 : i32 to index
      %get3A_2678 = arith.constant 0 : index
      %get3A_2679 = tpu.vector_load %arg13[%get3A_2677, %get3A_2678] {strides = array<i32>} : memref<32x16xf32, #tpu.memory_space<vmem>>, vector<16xf32>,
      %get3A_2680 = arith.constant 23 : i32
      %get3A_2681 = arith.index_cast %get3A_2680 : i32 to index
      %get3A_2682 = arith.constant 0 : index
      %get3A_2683 = tpu.vector_load %arg14[%get3A_2681, %get3A_2682] {strides = array<i32>} : memref<32x16xf32, #tpu.memory_space<vmem>>, vector<16xf32>,
      %mul3A_2684 = arith.mulf %get3A_2679, %get3A_2683 : vector<16xf32>
      %add3A_2685 = arith.addf %add3A_2669, %mul3A_2684 : vector<16xf32>
      %get3A_2686 = arith.constant 23 : i32
      %get3A_2687 = arith.index_cast %get3A_2686 : i32 to index
      %get3A_2688 = arith.constant 0 : index
      %get3A_2689 = tpu.vector_load %arg15[%get3A_2687, %get3A_2688] {strides = array<i32>} : memref<32x16xf32, #tpu.memory_space<vmem>>, vector<16xf32>,
      %mul3A_2690 = arith.mulf %get3A_2679, %get3A_2689 : vector<16xf32>
      %add3A_2691 = arith.addf %add3A_2675, %mul3A_2690 : vector<16xf32>
      %get3A_2692 = arith.constant 24 : i32
      %get3A_2693 = arith.index_cast %get3A_2692 : i32 to index
      %get3A_2694 = arith.constant 0 : index
      %get3A_2695 = tpu.vector_load %arg13[%get3A_2693, %get3A_2694] {strides = array<i32>} : memref<32x16xf32, #tpu.memory_space<vmem>>, vector<16xf32>,
      %get3A_2696 = arith.constant 24 : i32
      %get3A_2697 = arith.index_cast %get3A_2696 : i32 to index
      %get3A_2698 = arith.constant 0 : index
      %get3A_2699 = tpu.vector_load %arg14[%get3A_2697, %get3A_2698] {strides = array<i32>} : memref<32x16xf32, #tpu.memory_space<vmem>>, vector<16xf32>,
      %mul3A_2700 = arith.mulf %get3A_2695, %get3A_2699 : vector<16xf32>
      %add3A_2701 = arith.addf %add3A_2685, %mul3A_2700 : vector<16xf32>
      %get3A_2702 = arith.constant 24 : i32
      %get3A_2703 = arith.index_cast %get3A_2702 : i32 to index
      %get3A_2704 = arith.constant 0 : index
      %get3A_2705 = tpu.vector_load %arg15[%get3A_2703, %get3A_2704] {strides = array<i32>} : memref<32x16xf32, #tpu.memory_space<vmem>>, vector<16xf32>,
      %mul3A_2706 = arith.mulf %get3A_2695, %get3A_2705 : vector<16xf32>
      %add3A_2707 = arith.addf %add3A_2691, %mul3A_2706 : vector<16xf32>
      %get3A_2708 = arith.constant 25 : i32
      %get3A_2709 = arith.index_cast %get3A_2708 : i32 to index
      %get3A_2710 = arith.constant 0 : index
      %get3A_2711 = tpu.vector_load %arg13[%get3A_2709, %get3A_2710] {strides = array<i32>} : memref<32x16xf32, #tpu.memory_space<vmem>>, vector<16xf32>,
      %get3A_2712 = arith.constant 25 : i32
      %get3A_2713 = arith.index_cast %get3A_2712 : i32 to index
      %get3A_2714 = arith.constant 0 : index
      %get3A_2715 = tpu.vector_load %arg14[%get3A_2713, %get3A_2714] {strides = array<i32>} : memref<32x16xf32, #tpu.memory_space<vmem>>, vector<16xf32>,
      %mul3A_2716 = arith.mulf %get3A_2711, %get3A_2715 : vector<16xf32>
      %add3A_2717 = arith.addf %add3A_2701, %mul3A_2716 : vector<16xf32>
      %get3A_2718 = arith.constant 25 : i32
      %get3A_2719 = arith.index_cast %get3A_2718 : i32 to index
      %get3A_2720 = arith.constant 0 : index
      %get3A_2721 = tpu.vector_load %arg15[%get3A_2719, %get3A_2720] {strides = array<i32>} : memref<32x16xf32, #tpu.memory_space<vmem>>, vector<16xf32>,
      %mul3A_2722 = arith.mulf %get3A_2711, %get3A_2721 : vector<16xf32>
      %add3A_2723 = arith.addf %add3A_2707, %mul3A_2722 : vector<16xf32>
      %get3A_2724 = arith.constant 26 : i32
      %get3A_2725 = arith.index_cast %get3A_2724 : i32 to index
      %get3A_2726 = arith.constant 0 : index
      %get3A_2727 = tpu.vector_load %arg13[%get3A_2725, %get3A_2726] {strides = array<i32>} : memref<32x16xf32, #tpu.memory_space<vmem>>, vector<16xf32>,
      %get3A_2728 = arith.constant 26 : i32
      %get3A_2729 = arith.index_cast %get3A_2728 : i32 to index
      %get3A_2730 = arith.constant 0 : index
      %get3A_2731 = tpu.vector_load %arg14[%get3A_2729, %get3A_2730] {strides = array<i32>} : memref<32x16xf32, #tpu.memory_space<vmem>>, vector<16xf32>,
      %mul3A_2732 = arith.mulf %get3A_2727, %get3A_2731 : vector<16xf32>
      %add3A_2733 = arith.addf %add3A_2717, %mul3A_2732 : vector<16xf32>
      %get3A_2734 = arith.constant 26 : i32
      %get3A_2735 = arith.index_cast %get3A_2734 : i32 to index
      %get3A_2736 = arith.constant 0 : index
      %get3A_2737 = tpu.vector_load %arg15[%get3A_2735, %get3A_2736] {strides = array<i32>} : memref<32x16xf32, #tpu.memory_space<vmem>>, vector<16xf32>,
      %mul3A_2738 = arith.mulf %get3A_2727, %get3A_2737 : vector<16xf32>
      %add3A_2739 = arith.addf %add3A_2723, %mul3A_2738 : vector<16xf32>
      %get3A_2740 = arith.constant 27 : i32
      %get3A_2741 = arith.index_cast %get3A_2740 : i32 to index
      %get3A_2742 = arith.constant 0 : index
      %get3A_2743 = tpu.vector_load %arg13[%get3A_2741, %get3A_2742] {strides = array<i32>} : memref<32x16xf32, #tpu.memory_space<vmem>>, vector<16xf32>,
      %get3A_2744 = arith.constant 27 : i32
      %get3A_2745 = arith.index_cast %get3A_2744 : i32 to index
      %get3A_2746 = arith.constant 0 : index
      %get3A_2747 = tpu.vector_load %arg14[%get3A_2745, %get3A_2746] {strides = array<i32>} : memref<32x16xf32, #tpu.memory_space<vmem>>, vector<16xf32>,
      %mul3A_2748 = arith.mulf %get3A_2743, %get3A_2747 : vector<16xf32>
      %add3A_2749 = arith.addf %add3A_2733, %mul3A_2748 : vector<16xf32>
      %get3A_2750 = arith.constant 27 : i32
      %get3A_2751 = arith.index_cast %get3A_2750 : i32 to index
      %get3A_2752 = arith.constant 0 : index
      %get3A_2753 = tpu.vector_load %arg15[%get3A_2751, %get3A_2752] {strides = array<i32>} : memref<32x16xf32, #tpu.memory_space<vmem>>, vector<16xf32>,
      %mul3A_2754 = arith.mulf %get3A_2743, %get3A_2753 : vector<16xf32>
      %add3A_2755 = arith.addf %add3A_2739, %mul3A_2754 : vector<16xf32>
      %get3A_2756 = arith.constant 28 : i32
      %get3A_2757 = arith.index_cast %get3A_2756 : i32 to index
      %get3A_2758 = arith.constant 0 : index
      %get3A_2759 = tpu.vector_load %arg13[%get3A_2757, %get3A_2758] {strides = array<i32>} : memref<32x16xf32, #tpu.memory_space<vmem>>, vector<16xf32>,
      %get3A_2760 = arith.constant 28 : i32
      %get3A_2761 = arith.index_cast %get3A_2760 : i32 to index
      %get3A_2762 = arith.constant 0 : index
      %get3A_2763 = tpu.vector_load %arg14[%get3A_2761, %get3A_2762] {strides = array<i32>} : memref<32x16xf32, #tpu.memory_space<vmem>>, vector<16xf32>,
      %mul3A_2764 = arith.mulf %get3A_2759, %get3A_2763 : vector<16xf32>
      %add3A_2765 = arith.addf %add3A_2749, %mul3A_2764 : vector<16xf32>
      %get3A_2766 = arith.constant 28 : i32
      %get3A_2767 = arith.index_cast %get3A_2766 : i32 to index
      %get3A_2768 = arith.constant 0 : index
      %get3A_2769 = tpu.vector_load %arg15[%get3A_2767, %get3A_2768] {strides = array<i32>} : memref<32x16xf32, #tpu.memory_space<vmem>>, vector<16xf32>,
      %mul3A_2770 = arith.mulf %get3A_2759, %get3A_2769 : vector<16xf32>
      %add3A_2771 = arith.addf %add3A_2755, %mul3A_2770 : vector<16xf32>
      %get3A_2772 = arith.constant 29 : i32
      %get3A_2773 = arith.index_cast %get3A_2772 : i32 to index
      %get3A_2774 = arith.constant 0 : index
      %get3A_2775 = tpu.vector_load %arg13[%get3A_2773, %get3A_2774] {strides = array<i32>} : memref<32x16xf32, #tpu.memory_space<vmem>>, vector<16xf32>,
      %get3A_2776 = arith.constant 29 : i32
      %get3A_2777 = arith.index_cast %get3A_2776 : i32 to index
      %get3A_2778 = arith.constant 0 : index
      %get3A_2779 = tpu.vector_load %arg14[%get3A_2777, %get3A_2778] {strides = array<i32>} : memref<32x16xf32, #tpu.memory_space<vmem>>, vector<16xf32>,
      %mul3A_2780 = arith.mulf %get3A_2775, %get3A_2779 : vector<16xf32>
      %add3A_2781 = arith.addf %add3A_2765, %mul3A_2780 : vector<16xf32>
      %get3A_2782 = arith.constant 29 : i32
      %get3A_2783 = arith.index_cast %get3A_2782 : i32 to index
      %get3A_2784 = arith.constant 0 : index
      %get3A_2785 = tpu.vector_load %arg15[%get3A_2783, %get3A_2784] {strides = array<i32>} : memref<32x16xf32, #tpu.memory_space<vmem>>, vector<16xf32>,
      %mul3A_2786 = arith.mulf %get3A_2775, %get3A_2785 : vector<16xf32>
      %add3A_2787 = arith.addf %add3A_2771, %mul3A_2786 : vector<16xf32>
      %get3A_2788 = arith.constant 30 : i32
      %get3A_2789 = arith.index_cast %get3A_2788 : i32 to index
      %get3A_2790 = arith.constant 0 : index
      %get3A_2791 = tpu.vector_load %arg13[%get3A_2789, %get3A_2790] {strides = array<i32>} : memref<32x16xf32, #tpu.memory_space<vmem>>, vector<16xf32>,
      %get3A_2792 = arith.constant 30 : i32
      %get3A_2793 = arith.index_cast %get3A_2792 : i32 to index
      %get3A_2794 = arith.constant 0 : index
      %get3A_2795 = tpu.vector_load %arg14[%get3A_2793, %get3A_2794] {strides = array<i32>} : memref<32x16xf32, #tpu.memory_space<vmem>>, vector<16xf32>,
      %mul3A_2796 = arith.mulf %get3A_2791, %get3A_2795 : vector<16xf32>
      %add3A_2797 = arith.addf %add3A_2781, %mul3A_2796 : vector<16xf32>
      %get3A_2798 = arith.constant 30 : i32
      %get3A_2799 = arith.index_cast %get3A_2798 : i32 to index
      %get3A_2800 = arith.constant 0 : index
      %get3A_2801 = tpu.vector_load %arg15[%get3A_2799, %get3A_2800] {strides = array<i32>} : memref<32x16xf32, #tpu.memory_space<vmem>>, vector<16xf32>,
      %mul3A_2802 = arith.mulf %get3A_2791, %get3A_2801 : vector<16xf32>
      %add3A_2803 = arith.addf %add3A_2787, %mul3A_2802 : vector<16xf32>
      %get3A_2804 = arith.constant 31 : i32
      %get3A_2805 = arith.index_cast %get3A_2804 : i32 to index
      %get3A_2806 = arith.constant 0 : index
      %get3A_2807 = tpu.vector_load %arg13[%get3A_2805, %get3A_2806] {strides = array<i32>} : memref<32x16xf32, #tpu.memory_space<vmem>>, vector<16xf32>,
      %get3A_2808 = arith.constant 31 : i32
      %get3A_2809 = arith.index_cast %get3A_2808 : i32 to index
      %get3A_2810 = arith.constant 0 : index
      %get3A_2811 = tpu.vector_load %arg14[%get3A_2809, %get3A_2810] {strides = array<i32>} : memref<32x16xf32, #tpu.memory_space<vmem>>, vector<16xf32>,
      %mul3A_2812 = arith.mulf %get3A_2807, %get3A_2811 : vector<16xf32>
      %add3A_2813 = arith.addf %add3A_2797, %mul3A_2812 : vector<16xf32>
      %get3A_2814 = arith.constant 31 : i32
      %get3A_2815 = arith.index_cast %get3A_2814 : i32 to index
      %get3A_2816 = arith.constant 0 : index
      %get3A_2817 = tpu.vector_load %arg15[%get3A_2815, %get3A_2816] {strides = array<i32>} : memref<32x16xf32, #tpu.memory_space<vmem>>, vector<16xf32>,
      %mul3A_2818 = arith.mulf %get3A_2807, %get3A_2817 : vector<16xf32>
      %add3A_2819 = arith.addf %add3A_2803, %mul3A_2818 : vector<16xf32>
      %mul3A_2820 = arith.constant 16 : i32
      %mul3A_2821 = arith.muli %scan3A_8, %mul3A_2820 : i32
      %swap3A_2822 = arith.index_cast %mul3A_2821 : i32 to index
      %swap3A_2823 = tpu.vector_load %arg16[%swap3A_2822] {strides = array<i32>} : memref<512xf32, #tpu.memory_space<vmem>>, vector<16xf32>,
      tpu.vector_store %arg16[%swap3A_2822], %add3A_2813 {strides = array<i32>} : memref<512xf32, #tpu.memory_space<vmem>>, vector<16xf32>,
      %swap3A_2824 = arith.index_cast %mul3A_2821 : i32 to index
      %swap3A_2825 = tpu.vector_load %arg17[%swap3A_2824] {strides = array<i32>} : memref<512xf32, #tpu.memory_space<vmem>>, vector<16xf32>,
      tpu.vector_store %arg17[%swap3A_2824], %add3A_2819 {strides = array<i32>} : memref<512xf32, #tpu.memory_space<vmem>>, vector<16xf32>,
    }
    %scan3A_7 = arith.constant 32 : i32
    "tpu.region"() ({
      %run_scoped3A = tpu.sem_alloc : memref<!tpu.dma_semaphore, #tpu.memory_space<semaphore_mem>>
      %dma_start3A = tpu.memref_slice %arg7[%mul3A_2] : memref<16384xf32, #tpu.memory_space<hbm>> -> memref<512xf32, #tpu.memory_space<hbm>>
      %dma_start3A_8 = tpu.memref_slice %arg7[%mul3A_2] : memref<16384xf32, #tpu.memory_space<hbm>> -> memref<512xf32, #tpu.memory_space<hbm>>
      tpu.enqueue_dma source(%arg16 : memref<512xf32, #tpu.memory_space<vmem>>) target(%dma_start3A_8 : memref<512xf32, #tpu.memory_space<hbm>>) target_semaphore(%run_scoped3A : memref<!tpu.dma_semaphore, #tpu.memory_space<semaphore_mem>>)
      %dma_wait3A = tpu.memref_slice %arg7[%mul3A_2] : memref<16384xf32, #tpu.memory_space<hbm>> -> memref<512xf32, #tpu.memory_space<hbm>>
      %dma_wait3A_9 = tpu.memref_slice %arg7[%mul3A_2] : memref<16384xf32, #tpu.memory_space<hbm>> -> memref<512xf32, #tpu.memory_space<hbm>>
      tpu.wait_dma2 semaphore(%run_scoped3A : memref<!tpu.dma_semaphore, #tpu.memory_space<semaphore_mem>>) src(%arg16 : memref<512xf32, #tpu.memory_space<vmem>>) dst(%dma_wait3A_9 : memref<512xf32, #tpu.memory_space<hbm>>)
      tpu.yield
    }) : () -> ()
    "tpu.region"() ({
      %run_scoped3A = tpu.sem_alloc : memref<!tpu.dma_semaphore, #tpu.memory_space<semaphore_mem>>
      %dma_start3A = tpu.memref_slice %arg8[%mul3A_2] : memref<16384xf32, #tpu.memory_space<hbm>> -> memref<512xf32, #tpu.memory_space<hbm>>
      %dma_start3A_8 = tpu.memref_slice %arg8[%mul3A_2] : memref<16384xf32, #tpu.memory_space<hbm>> -> memref<512xf32, #tpu.memory_space<hbm>>
      tpu.enqueue_dma source(%arg17 : memref<512xf32, #tpu.memory_space<vmem>>) target(%dma_start3A_8 : memref<512xf32, #tpu.memory_space<hbm>>) target_semaphore(%run_scoped3A : memref<!tpu.dma_semaphore, #tpu.memory_space<semaphore_mem>>)
      %dma_wait3A = tpu.memref_slice %arg8[%mul3A_2] : memref<16384xf32, #tpu.memory_space<hbm>> -> memref<512xf32, #tpu.memory_space<hbm>>
      %dma_wait3A_9 = tpu.memref_slice %arg8[%mul3A_2] : memref<16384xf32, #tpu.memory_space<hbm>> -> memref<512xf32, #tpu.memory_space<hbm>>
      tpu.wait_dma2 semaphore(%run_scoped3A : memref<!tpu.dma_semaphore, #tpu.memory_space<semaphore_mem>>) src(%arg17 : memref<512xf32, #tpu.memory_space<vmem>>) dst(%dma_wait3A_9 : memref<512xf32, #tpu.memory_space<hbm>>)
      tpu.yield
    }) : () -> ()
    return
  }
}

</mosaic_0001>

<sc_bundles>
// kernel: _run.3.cloned.1.call-start
scs
__scs_entry_jumppad:
0x0: {  	(pc) =	sbr.rel $0x88, $3  }
0x1: {  	(tag) =	ssettag $0x0;
	lr =	simm.s32 $0x1  }
0x2: {  	[smem:$0x3F9C] =	sst lr;
	_ =	strace $0xD0000000  }
0x3: {  	_ = 	snop  }
0x4: {  	_ = 	snop  }
0x5: {  	_ = 	snop  }
0x6: {  	_ = 	snop  }
0x7: {  	_ = 	snop  }
__scs_overlays_trampoline_lowered:
0x8: {  	[smem:$0x3FAB] =	sst s0  }
0x9: {  	[smem:$0x3FAC] =	sst s1  }
0xa: {  	[smem:$0x3FAD] =	sst s2  }
0xb: {  	[smem:$0x3FAE] =	sst s3  }
0xc: {  	[smem:$0x3FAF] =	sst s4  }
0xd: {  	[smem:$0x3FB0] =	sst s5  }
0xe: {  	[smem:$0x3FB1] =	sst s6  }
0xf: {  	[smem:$0x3FB2] =	sst s7  }
0x10: {  	[smem:$0x3FB3] =	sst s8  }
0x11: {  	[smem:$0x3FB4] =	sst s9;
	s0 =	simm.s32 @!p0 $0x0  }
0x12: {  	s1 =	sld [smem:$0x3F9A];
	s0 =	simm.s32 @p0 $0x1  }
0x13: {  	[smem:$0x3FB5] =	sst s0;
	s0 =	simm.s32 @!p1 $0x0  }
0x14: {  	s2 =	sld [smem:$0x3F99];
	s0 =	simm.s32 @p1 $0x1  }
0x15: {  	[smem:$0x3FB6] =	sst s0;
	s0 =	simm.s32 @!p2 $0x0  }
0x16: {  	s3 =	sld [smem:$0x3FDB];
	s0 =	simm.s32 @p2 $0x1  }
0x17: {  	s4 =	simm.s32 $0x1BF5;
	[smem:$0x3FB8] =	sst s0  }
0x18: {  	s0 =	sld [smem:$0x3F9B];
	_ =	swait.ge [sflag:s4], $0x0  }
0x19: {  	s7 =	sld [smem:$0x3F9C]  }
0x1a: {  	s8 =	sadd.s32 $0xFFFFE003, lr  }
0x1b: {  	s9 =	sadd.s32 $0xFFFFFEF7, lr;
	s5 =	simm.s32 $0xFFFFFFFF;
	p2 =	slt.u32 s8, $0xFFFFF086  }
0x1c: {  	p1 =	slt.u32 s9, $0xF7A;
	s5 =	simm.s32 @!p2 $0x0  }
0x1d: {  	s5 =	simm.s32 @p1 $0x1;
	p0 =	seq.s32 s7, s2  }
0x1e: {  	s7 =	smul.u32 @!p0 $0xF7A, s2;
	p2 =	seq.s32 @!p0 s5, $0x0  }
0x1f: {  	s9 =	smul.u32 $0xF7A, s1;
	s8 =	simm.s32 @!p0 $0x1BF5;
	p2 =	por !p2, p0  }
0x20: {  	[sflag:s8] =	ssyncset.s32 @!p0 $0xFFFFF086;
	s6 =	sadd.s32 @!p0 s3, s7;
	s7 =	simm.s32 @!p0 $0x108  }
0x21: {  	s3 =	sadd.s32 s3, s9;
	s6 =	sadd.s32 @!p0 $0x88, s6;
	s7 =	simm.s32 @p2 $0x1082  }
0x22: {  	[simem:s7], [sflag:s8] =	dma.local @!p0 [hbm:s6], $0xF7A  }
0x23: {  	s9 =	sor.u32 $0xD0000000, s2;
	s6 =	simm.s32 $0x108;
	_ =	swait.ge @!p0 [sflag:s8], $0x0  }
0x24: {  	s3 =	sadd.s32 $0x88, s3;
	s6 =	simm.s32 @!p1 $0x1082;
	[sflag:s4] =	ssyncset.s32 $0xFFFFF086  }
0x25: {  	[simem:s6], [sflag:s4] =	dma.local [hbm:s3], $0xF7A  }
0x26: {  	[smem:$0x3F9C] =	sst s1;
	(tag) =	ssettag s2;
	_ =	strace s9  }
0x27: {  	s1 =	sld [smem:$0x3FAC]  }
0x28: {  	s2 =	sld [smem:$0x3FAD]  }
0x29: {  	s4 =	sld [smem:$0x3FAF]  }
0x2a: {  	p0 =	seq.s32 s5, $0x0;
	s5 =	sld [smem:$0x3FB0]  }
0x2b: {  	s6 =	sld [smem:$0x3FB1]  }
0x2c: {  	s7 =	sld [smem:$0x3FB2]  }
0x2d: {  	s3 =	simm.s32 $0x108;
	s8 =	sld [smem:$0x3FB3]  }
0x2e: {  	s3 =	simm.s32 @!p0 $0x1082;
	s9 =	sld [smem:$0x3FB4]  }
0x2f: {  	lr =	sadd.s32 s0, s3;
	s0 =	sld [smem:$0x3FAB]  }
0x30: {  	s3 =	sld [smem:$0x3FAE]  }
0x31: {  	[smem:$0x3FB7] =	sst s10  }
0x32: {  	s10 =	sld [smem:$0x3FB5];
	_ =	sdelay $0x3  }
0x33: {  	p0 =	seq.s32 s10, $0x1;
	s10 =	sld [smem:$0x3FB7];
	_ =	sdelay $0x3  }
0x34: {  	[smem:$0x3FB7] =	sst s10  }
0x35: {  	s10 =	sld [smem:$0x3FB6];
	_ =	sdelay $0x3  }
0x36: {  	p1 =	seq.s32 s10, $0x1;
	s10 =	sld [smem:$0x3FB7];
	_ =	sdelay $0x3  }
0x37: {  	[smem:$0x3FB7] =	sst s10  }
0x38: {  	s10 =	sld [smem:$0x3FB8]  }
0x39: {  	_ = 	snop;
	(pc) =	sbr.ind lr, $3  }
0x3a: {  	_ = 	snop  }
0x3b: {  	_ = 	snop  }
0x3c: {  	p2 =	seq.s32 s10, $0x1;
	s10 =	sld [smem:$0x3FB7]  }
0x3d: {  	_ =	shalt  }
0x3e: {  	_ =	shalt  }
0x3f: {  	_ =	shalt  }
0x40: {  	_ =	shalt  }
0x41: {  	_ =	shalt  }
0x42: {  	_ =	shalt  }
0x43: {  	_ =	shalt  }
0x44: {  	_ =	shalt  }
0x45: {  	_ =	shalt  }
0x46: {  	_ =	shalt  }
0x47: {  	_ =	shalt  }
0x48: {  	_ =	shalt  }
0x49: {  	_ =	shalt  }
0x4a: {  	_ =	shalt  }
0x4b: {  	_ =	shalt  }
0x4c: {  	_ =	shalt  }
0x4d: {  	_ =	shalt  }
0x4e: {  	_ =	shalt  }
0x4f: {  	_ =	shalt  }
0x50: {  	_ =	shalt  }
0x51: {  	_ =	shalt  }
0x52: {  	_ =	shalt  }
0x53: {  	_ =	shalt  }
0x54: {  	_ =	shalt  }
0x55: {  	_ =	shalt  }
0x56: {  	_ =	shalt  }
0x57: {  	_ =	shalt  }
0x58: {  	_ =	shalt  }
0x59: {  	_ =	shalt  }
0x5a: {  	_ =	shalt  }
0x5b: {  	_ =	shalt  }
0x5c: {  	_ =	shalt  }
0x5d: {  	_ =	shalt  }
0x5e: {  	_ =	shalt  }
0x5f: {  	_ =	shalt  }
0x60: {  	_ =	shalt  }
0x61: {  	_ =	shalt  }
0x62: {  	_ =	shalt  }
0x63: {  	_ =	shalt  }
0x64: {  	_ =	shalt  }
0x65: {  	_ =	shalt  }
0x66: {  	_ =	shalt  }
0x67: {  	_ =	shalt  }
0x68: {  	_ =	shalt  }
0x69: {  	_ =	shalt  }
0x6a: {  	_ =	shalt  }
0x6b: {  	_ =	shalt  }
0x6c: {  	_ =	shalt  }
0x6d: {  	_ =	shalt  }
0x6e: {  	_ =	shalt  }
0x6f: {  	_ =	shalt  }
0x70: {  	_ =	shalt  }
0x71: {  	_ =	shalt  }
0x72: {  	_ =	shalt  }
0x73: {  	_ =	shalt  }
0x74: {  	_ =	shalt  }
0x75: {  	_ =	shalt  }
0x76: {  	_ =	shalt  }
0x77: {  	_ =	shalt  }
0x78: {  	_ =	shalt  }
0x79: {  	_ =	shalt  }
0x7a: {  	_ =	shalt  }
0x7b: {  	_ =	shalt  }
0x7c: {  	_ =	shalt  }
0x7d: {  	_ =	shalt  }
0x7e: {  	_ =	shalt  }
0x7f: {  	_ =	shalt  }
0x80: {  	_ =	shalt  }
0x81: {  	_ =	shalt  }
0x82: {  	_ =	shalt  }
0x83: {  	_ =	shalt  }
0x84: {  	_ =	shalt  }
0x85: {  	_ =	shalt  }
0x86: {  	_ =	shalt  }
0x87: {  	_ =	shalt  }
.Lfunc_end0:
.L_simem_size_0:
called_computation_lowered:
.L_overlay_start_0:
0x88: {  	s2 =	sld [smem:$0x3FD9]  }
0x89: {  	s3 =	sld [smem:$0x3FFE];
	_ =	sdelay $0x1  }
0x8a: {  	s1 =	srdreg.scid  }
0x8b: {  	s0 =	sand.u32 $0x1, s1  }
0x8c: {  	s14 =	sshll.u32 s0, $0xA;
	s2 =	sadd.s32 s3, s2  }
0x8d: {  	s2 =	sadd.s32 s2, s14  }
0x8e: {  	[smem:$0x3FC3] =	sst s2  }
0x8f: {  	_ = 	snop  }
0x90: {  	s2 =	sld [smem:$0x3FD0]  }
0x91: {  	s15 =	sld [smem:$0x3FC9]  }
0x92: {  	s4 =	sld [smem:$0x3FC8]  }
0x93: {  	s6 =	simm.s32 $0xA;
	s7 =	simm.s32 $0x10;
	s5 =	sld [smem:$0x3FC7]  }
0x94: {  	[smem:s7], [sflag:s6] =	dma.local [hbm:s2], $0x1  }
0x95: {  	_ =	swait.eq [sflag:s6], $0x1  }
0x96: {  	[sflag:s6] =	ssyncset.done $0x0  }
0x97: {  	s16 =	sld [smem:$0x10];
	[sflag:s6] =	ssyncadd.s32 $0xFFFFFFFF  }
0x98: {  	s17 =	sld [smem:$0x11];
	(tm) =	ssettm $0x1  }
0x99: {  	s18 =	sld [smem:$0x3FFB];
	_ =	sdelay $0x3  }
0x9a: {  	_ =	strace s18  }
0x9b: {  	s7 =	sld [smem:$0x3FFC];
	_ =	sdelay $0x3  }
0x9c: {  	_ =	strace s7  }
0x9d: {  	s7 =	sld [smem:$0x3FFD];
	_ =	sdelay $0x3  }
0x9e: {  	_ =	strace s7  }
0x9f: {  	_ =	strace $0x8FFFFFFF  }
0xa0: {  	s19 =	sld [smem:$0x3FDB];
	_ =	sdelay $0x1  }
0xa1: {  	s8 =	simm.s32 $_scs_section_size  }
0xa2: {  	s9 =	simm.s32 $_size__tile_overlayer_lowered;
	s10 =	simm.s32 $_tile_overlayer_lowered  }
0xa3: {  	s22 =	simm.s32 $0x1BFF;
	s21 =	sshll.u32 s10, $0x1;
	s7 =	sadd.s32 s8, s19  }
0xa4: {  	s11 =	simm.s32 $0x0;
	s20 =	sshll.u32 s9, $0x1;
	s9 =	sadd.s32 s21, s7  }
0xa5: {  	[timem:s11], [sflag:s22] =	dma.local [hbm:s9], s20  }
0xa6: {  	_ =	swait.ge [sflag:s22], s20  }
0xa7: {  	s8 =	ssub.s32 $0x0, s20;
	[sflag:s22] =	ssyncset.done $0x0  }
0xa8: {  	[sflag:s22] =	ssyncadd.s32 s8;
	_ =	sdelay $0x1  }
0xa9: {  	s23 =	simm.s32 $0x1B8B  }
0xaa: {  	_ =	swait.ge [sflag:s23], $0x1  }
0xab: {  	[sflag:s23] =	ssyncset.done $0x0  }
0xac: {  	s25 =	simm.s32 $0x1B8E;
	s24 =	sld [smem:$0x3FFE];
	[sflag:s23] =	ssyncadd.s32 $0xFFFFFFFF  }
0xad: {  	s26 =	simm.s32 $execute0_lowered;
	[smem:$0x3FD2] =	sst s25  }
0xae: {  	s9 =	sshll.u32 s26, $0x1;
	_ =	strace $0x80000046;
	[dreg:$0x1] =	wrdreg $0xFFFFFFFF  }
0xaf: {  	s28 =	simm.s32 $_size_execute0_lowered;
	s7 =	sadd.s32 s7, s9;
	[dreg:$0x0] =	wrdreg $0x0  }
0xb0: {  	s9 =	sshll.u32 s28, $0x1;
	[dreg:$0x2] =	wrdreg s7  }
0xb1: {  	[dreg:$0x3] =	wrdreg s9  }
0xb2: {  	[dreg:$0x4] =	wrdreg $0xC0  }
0xb3: {  	_ =	task [dreg:s11], $0x5FFFF  }
0xb4: {  	[dreg:$0x1] =	wrdreg $0xFFFFFFFF  }
0xb5: {  	[dreg:$0x0] =	wrdreg $0x60  }
0xb6: {  	[dreg:$0x2] =	wrdreg s15  }
0xb7: {  	[dreg:$0x3] =	wrdreg s4  }
0xb8: {  	[dreg:$0x4] =	wrdreg s5  }
0xb9: {  	[dreg:$0x5] =	wrdreg s24  }
0xba: {  	[dreg:$0x6] =	wrdreg s16  }
0xbb: {  	[dreg:$0x7] =	wrdreg s17  }
0xbc: {  	[dreg:$0x8] =	wrdreg $0x9  }
0xbd: {  	_ =	task.clear_ibuf [dreg:s11], $0x9FFFF;
	_ =	strace $0x90000046  }
0xbe: {  	s29 =	simm.s32 $0x9;
	_ =	strace $0x80000048  }
0xbf: {  	_ =	swait.ge [sflag:s29], $0x1  }
0xc0: {  	[sflag:s29] =	ssyncadd.s32 $0xFFFFFFFF  }
0xc1: {  	_ =	strace $0x90000048  }
0xc2: {  	_ =	sfence  }
0xc3: {  	s30 =	sld [smem:$0x0];
	_ =	sdelay $0x2  }
0xc4: {  	s31 =	sshll.u32 s1, $0xD;
	s1 =	sshrl.u32 s1, $0x2  }
0xc5: {  	s3 =	sand.u32 $0x4000, s31;
	s1 =	sadd.s32 s1, s30  }
0xc6: {  	s0 =	sor.u32 s3, s0;
	s1 =	sshll.u32 s1, $0x11  }
0xc7: {  	s0 =	sor.u32 s1, s0  }
0xc8: {  	s0 =	sadd.s32 $0x8F2B, s0  }
0xc9: {  	[sflag:s0] =	ssyncadd.remote.s32 $0x1  }
0xca: {  	_ =	sfence.sel $0xFFFF  }
0xcb: {  	[dreg:$0x0] =	wrdreg $0xFFFFFFFF;
	(pc) =	sbr.abs _section_cstart, $3  }
0xcc: {  	[dreg:$0x1] =	wrdreg $0xFFFFFFFF  }
0xcd: {  	_ =	task.clear_ibuf [dreg:s11], $0x2FFFF;
	_ =	strace $0x9FFFFFFF  }
0xce: {  	(tm) =	ssettm $0x7FFFFFFF  }
0xcf: {  	_ =	shalt  }
tec
execute0_lowered:
.L_overlay_start_1:
0x0: {  	(tag) =	ssettag $0x1  }
0x1: {  	s0 =	rddreg [dreg:$0x0]  }
0x2: {  	s2 =	rddreg [dreg:$0x1]  }
0x3: {  	s6 =	rddreg [dreg:$0x2]  }
0x4: {  	s3 =	rddreg [dreg:$0x3]  }
0x5: {  	s7 =	rddreg [dreg:$0x4]  }
0x6: {  	s8 =	rddreg [dreg:$0x5];
	s1 =	simm.s32 $0x0  }
0x7: {  	s4 =	srdreg.scid;
	v0 =	vlaneseq.u32;
	s12 =	simm.s32 $0x7A1400;
	s14 =	simm.s32 $0x600  }
0x8: {  	s15 =	simm.s32 $0x1600;
	s16 =	simm.s32 $0x2600;
	s17 =	simm.s32 $0x3600;
	v0 =	vmul.u32 $0x1000, v0  }
0x9: {  	s18 =	simm.s32 $0x4600;
	s19 =	simm.s32 $0x5600;
	s20 =	simm.s32 $0x6600  }
0xa: {  	s21 =	simm.s32 $0x7600;
	s22 =	simm.s32 $0x8600;
	s23 =	simm.s32 $0x9600;
	v1 =	vor.u32 $0x80, v0  }
0xb: {  	s24 =	simm.s32 $0xA600;
	s25 =	simm.s32 $0xB600;
	s28 =	simm.s32 $0xD600;
	v2 =	vor.u32 $0x100, v0;
	v3 =	vor.u32 $0x180, v0;
	v4 =	vor.u32 $0x200, v0  }
0xc: {  	s29 =	simm.s32 $0xE600;
	s30 =	simm.s32 $0xF600;
	[smem:$0x7FF] =	sst s1;
	v5 =	vor.u32 $0x280, v0;
	v6 =	vor.u32 $0x300, v0;
	v7 =	vor.u32 $0x380, v0  }
0xd: {  	s10 =	stileid.u32;
	s13 =	simm.s32 $0x400;
	_ =	strace $0x80000047;
	v8 =	vor.u32 $0x400, v0;
	v9 =	vor.u32 $0x480, v0;
	v17 =	vor.u32 $0x880, v0;
	[tilespmem:$0x1FFF0] =	vst v0  }
0xe: {  	s31 =	simm.s32 $0x1;
	s11 =	simm.s32 $0x0;
	s4 =	sand.u32 $0x1, s4;
	v10 =	vor.u32 $0x500, v0;
	v11 =	vor.u32 $0x580, v0;
	v25 =	vor.u32 $0xC80, v0;
	[tilespmem:$0x1FF80] =	vst v17  }
0xf: {  	s5 =	sadd.s32 $0x600, s3;
	s10 =	sshll.u32 s10, $0x7;
	s26 =	ssub.s32 $0x2, s4;
	v12 =	vor.u32 $0x600, v0;
	v13 =	vor.u32 $0x680, v0;
	v14 =	vor.u32 $0x700, v0;
	[tilespmem:$0x1FF90] =	vst v25  }
0x10: {  	s3 =	sadd.s32 $0x3D1000, s3;
	s4 =	sshll.u32 s4, $0x6;
	s9 =	sshrl.u32 s26, $0x1;
	v31 =	vor.u32 $0x780, v0;
	v16 =	vor.u32 $0x800, v0;
	v18 =	vor.u32 $0x900, v0;
	[tilespmem:$0x1FFA0] =	vst v9  }
0x11: {  	[dreg:$0x7] =	wrdreg s5;
	s10 =	sor.u32 s4, s10;
	v19 =	vor.u32 $0x980, v0;
	v20 =	vor.u32 $0xA00, v0;
	v24 =	vor.u32 $0xC00, v0;
	s9 =	ssub.s32 s26, s9;
	[tilespmem:$0x1FFB0] =	vst v1  }
0x12: {  	v21 =	vor.u32 $0xA80, v0;
	v22 =	vor.u32 $0xB00, v0;
	v23 =	vor.u32 $0xB80, v0;
	s0 =	sadd.s32 s0, s10;
	s5 =	sadd.s32 s2, s10;
	s6 =	sadd.s32 s6, s10;
	[tilespmem:$0x1FFC0] =	vst v24  }
0x13: {  	v26 =	vor.u32 $0xD00, v0;
	v27 =	vor.u32 $0xD80, v0;
	v28 =	vor.u32 $0xE00, v0;
	s7 =	sadd.s32 s7, s10;
	s8 =	sadd.s32 s8, s10;
	s10 =	simm.s32 $0x2;
	[tilespmem:$0x1FFD0] =	vst v16  }
0x14: {  	v29 =	vor.u32 $0xE80, v0;
	v30 =	vor.u32 $0xF00, v0;
	v40 =	vor.u32 $0xF80, v0;
	s26 =	simm.s32 $0xC600;
	[tilespmem:$0x1FFE0] =	vst v8;
	[dreg:$0x8] =	wrdreg s0;
	s9 =	smax.u32 s9, $0x1  }
.LBB2_1:
0x15: {  	s0 =	rddreg [dreg:$0x8]  }
0x16: {  	[tilespmem:s1], [sflag:$0x2] =	stream.linear.gather [hbm4b:s0+s1], $0x200, $0x38;
	[tilespmem:$0x13A00] =	vst v63  }
0x17: {  	_ =	swait.ge [sflag:s10], $0x200  }
0x18: {  	[sflag:s10] =	ssyncset.done $0x0  }
0x19: {  	s4 =	simm.s32 $0x200;
	[sflag:s10] =	ssyncadd.s32 $0xFFFFFE00  }
0x1a: {  	[tilespmem:s4], [sflag:$0x2] =	stream.linear.gather [hbm4b:s5+s1], $0x200, $0x38;
	[tilespmem:$0x13A00] =	vst v63  }
0x1b: {  	_ =	swait.ge [sflag:s10], $0x200  }
0x1c: {  	[sflag:s10] =	ssyncset.done $0x0  }
0x1d: {  	[sflag:s10] =	ssyncadd.s32 $0xFFFFFE00  }
0x1e: {  	[tilespmem:s13], [sflag:$0x2] =	stream.linear.gather [hbm4b:s6+s1], $0x200, $0x38;
	[tilespmem:$0x13A00] =	vst v63  }
0x1f: {  	_ =	swait.ge [sflag:s10], $0x200  }
0x20: {  	[sflag:s10] =	ssyncset.done $0x0  }
0x21: {  	s0 =	simm.s32 $0x0;
	[sflag:s10] =	ssyncadd.s32 $0xFFFFFE00  }
.LBB2_2:
0x22: {  	s2 =	sshra.s32 s0, $0x2  }
0x23: {  	v32 =	vld [tilespmem:s2+$0x0];
	_ =	sdelay $0x4  }
0x24: {  	s4 =	rddreg [dreg:$0x7];
	v32 =	vand.u32 $0xFFFFFF80, v32  }
0x25: {  	v32 =	vadd.s32 s4, v32  }
0x26: {  	(v2sf) =	vpush v32, $0x0;
	_ =	sdelay $0xe  }
0x27: {  	s4 =	spop (v2sf);
	(v2sf) =	vpush v32, $0x1;
	_ =	sdelay $0x1  }
0x28: {  	(v2sf) =	vpush v32, $0x2;
	_ =	sdelay $0x1  }
0x29: {  	(v2sf) =	vpush v32, $0x3;
	_ =	sdelay $0x1  }
0x2a: {  	(v2sf) =	vpush v32, $0x4;
	_ =	sdelay $0x1  }
0x2b: {  	(v2sf) =	vpush v32, $0x5;
	_ =	sdelay $0x1  }
0x2c: {  	(v2sf) =	vpush v32, $0x6;
	_ =	sdelay $0x1  }
0x2d: {  	(v2sf) =	vpush v32, $0x7;
	_ =	sdelay $0x1  }
0x2e: {  	[tilespmem:s14], [sflag:$0x1] =	stream.strided.gather [hbm4b:s4+s13], $0x1000, s12, s13, $0x38;
	(v2sf) =	vpush v32, $0x8;
	[tilespmem:$0x13A00] =	vst v63  }
0x2f: {  	s4 =	spop (v2sf)  }
0x30: {  	[tilespmem:s15], [sflag:$0x1] =	stream.strided.gather [hbm4b:s4+s13], $0x1000, s12, s13, $0x38;
	(v2sf) =	vpush v32, $0x9;
	[tilespmem:$0x13A00] =	vst v63  }
0x31: {  	s4 =	spop (v2sf)  }
0x32: {  	(v2sf) =	vpush v32, $0xA;
	[tilespmem:s16], [sflag:$0x1] =	stream.strided.gather [hbm4b:s4+s13], $0x1000, s12, s13, $0x38;
	[tilespmem:$0x13A00] =	vst v63  }
0x33: {  	s4 =	spop (v2sf)  }
0x34: {  	(v2sf) =	vpush v32, $0xB;
	[tilespmem:s17], [sflag:$0x1] =	stream.strided.gather [hbm4b:s4+s13], $0x1000, s12, s13, $0x38;
	[tilespmem:$0x13A00] =	vst v63  }
0x35: {  	s4 =	spop (v2sf)  }
0x36: {  	(v2sf) =	vpush v32, $0xC;
	[tilespmem:s18], [sflag:$0x1] =	stream.strided.gather [hbm4b:s4+s13], $0x1000, s12, s13, $0x38;
	[tilespmem:$0x13A00] =	vst v63  }
0x37: {  	s4 =	spop (v2sf)  }
0x38: {  	(v2sf) =	vpush v32, $0xD;
	[tilespmem:s19], [sflag:$0x1] =	stream.strided.gather [hbm4b:s4+s13], $0x1000, s12, s13, $0x38;
	[tilespmem:$0x13A00] =	vst v63  }
0x39: {  	s4 =	spop (v2sf)  }
0x3a: {  	(v2sf) =	vpush v32, $0xE;
	[tilespmem:s20], [sflag:$0x1] =	stream.strided.gather [hbm4b:s4+s13], $0x1000, s12, s13, $0x38;
	[tilespmem:$0x13A00] =	vst v63  }
0x3b: {  	s4 =	spop (v2sf)  }
0x3c: {  	(v2sf) =	vpush v32, $0xF;
	[tilespmem:s21], [sflag:$0x1] =	stream.strided.gather [hbm4b:s4+s13], $0x1000, s12, s13, $0x38;
	[tilespmem:$0x13A00] =	vst v63  }
0x3d: {  	s4 =	spop (v2sf)  }
0x3e: {  	[tilespmem:s22], [sflag:$0x1] =	stream.strided.gather [hbm4b:s4+s13], $0x1000, s12, s13, $0x38;
	[tilespmem:$0x13A00] =	vst v63  }
0x3f: {  	s4 =	spop (v2sf)  }
0x40: {  	[tilespmem:s23], [sflag:$0x1] =	stream.strided.gather [hbm4b:s4+s13], $0x1000, s12, s13, $0x38;
	[tilespmem:$0x13A00] =	vst v63  }
0x41: {  	s4 =	spop (v2sf)  }
0x42: {  	[tilespmem:s24], [sflag:$0x1] =	stream.strided.gather [hbm4b:s4+s13], $0x1000, s12, s13, $0x38;
	[tilespmem:$0x13A00] =	vst v63  }
0x43: {  	s4 =	spop (v2sf)  }
0x44: {  	[tilespmem:s25], [sflag:$0x1] =	stream.strided.gather [hbm4b:s4+s13], $0x1000, s12, s13, $0x38;
	[tilespmem:$0x13A00] =	vst v63  }
0x45: {  	s4 =	spop (v2sf)  }
0x46: {  	[tilespmem:s26], [sflag:$0x1] =	stream.strided.gather [hbm4b:s4+s13], $0x1000, s12, s13, $0x38;
	[tilespmem:$0x13A00] =	vst v63  }
0x47: {  	s4 =	spop (v2sf)  }
0x48: {  	[tilespmem:s28], [sflag:$0x1] =	stream.strided.gather [hbm4b:s4+s13], $0x1000, s12, s13, $0x38;
	[tilespmem:$0x13A00] =	vst v63  }
0x49: {  	s4 =	spop (v2sf)  }
0x4a: {  	[tilespmem:s29], [sflag:$0x1] =	stream.strided.gather [hbm4b:s4+s13], $0x1000, s12, s13, $0x38;
	[tilespmem:$0x13A00] =	vst v63  }
0x4b: {  	s4 =	spop (v2sf)  }
0x4c: {  	[tilespmem:s30], [sflag:$0x1] =	stream.strided.gather [hbm4b:s4+s13], $0x1000, s12, s13, $0x38;
	[tilespmem:$0x13A00] =	vst v63  }
0x4d: {  	_ =	swait.ge [sflag:s31], $0x1000  }
0x4e: {  	[sflag:s31] =	ssyncset.done $0x0  }
0x4f: {  	[sflag:s31] =	ssyncadd.s32 $0xFFFFF000  }
0x50: {  	_ =	swait.ge [sflag:s31], $0x1000  }
0x51: {  	[sflag:s31] =	ssyncset.done $0x0  }
0x52: {  	[sflag:s31] =	ssyncadd.s32 $0xFFFFF000  }
0x53: {  	_ =	swait.ge [sflag:s31], $0x1000  }
0x54: {  	[sflag:s31] =	ssyncset.done $0x0  }
0x55: {  	[sflag:s31] =	ssyncadd.s32 $0xFFFFF000  }
0x56: {  	_ =	swait.ge [sflag:s31], $0x1000  }
0x57: {  	[sflag:s31] =	ssyncset.done $0x0  }
0x58: {  	[sflag:s31] =	ssyncadd.s32 $0xFFFFF000  }
0x59: {  	_ =	swait.ge [sflag:s31], $0x1000  }
0x5a: {  	[sflag:s31] =	ssyncset.done $0x0  }
0x5b: {  	[sflag:s31] =	ssyncadd.s32 $0xFFFFF000  }
0x5c: {  	_ =	swait.ge [sflag:s31], $0x1000  }
0x5d: {  	[sflag:s31] =	ssyncset.done $0x0  }
0x5e: {  	[sflag:s31] =	ssyncadd.s32 $0xFFFFF000  }
0x5f: {  	_ =	swait.ge [sflag:s31], $0x1000  }
0x60: {  	[sflag:s31] =	ssyncset.done $0x0  }
0x61: {  	[sflag:s31] =	ssyncadd.s32 $0xFFFFF000  }
0x62: {  	_ =	swait.ge [sflag:s31], $0x1000  }
0x63: {  	[sflag:s31] =	ssyncset.done $0x0  }
0x64: {  	[sflag:s31] =	ssyncadd.s32 $0xFFFFF000  }
0x65: {  	_ =	swait.ge [sflag:s31], $0x1000  }
0x66: {  	[sflag:s31] =	ssyncset.done $0x0  }
0x67: {  	[sflag:s31] =	ssyncadd.s32 $0xFFFFF000  }
0x68: {  	_ =	swait.ge [sflag:s31], $0x1000  }
0x69: {  	[sflag:s31] =	ssyncset.done $0x0  }
0x6a: {  	[sflag:s31] =	ssyncadd.s32 $0xFFFFF000  }
0x6b: {  	_ =	swait.ge [sflag:s31], $0x1000  }
0x6c: {  	[sflag:s31] =	ssyncset.done $0x0  }
0x6d: {  	[sflag:s31] =	ssyncadd.s32 $0xFFFFF000  }
0x6e: {  	_ =	swait.ge [sflag:s31], $0x1000  }
0x6f: {  	[sflag:s31] =	ssyncset.done $0x0  }
0x70: {  	[sflag:s31] =	ssyncadd.s32 $0xFFFFF000  }
0x71: {  	_ =	swait.ge [sflag:s31], $0x1000  }
0x72: {  	[sflag:s31] =	ssyncset.done $0x0  }
0x73: {  	[sflag:s31] =	ssyncadd.s32 $0xFFFFF000  }
0x74: {  	_ =	swait.ge [sflag:s31], $0x1000  }
0x75: {  	[sflag:s31] =	ssyncset.done $0x0  }
0x76: {  	[sflag:s31] =	ssyncadd.s32 $0xFFFFF000  }
0x77: {  	_ =	swait.ge [sflag:s31], $0x1000  }
0x78: {  	[sflag:s31] =	ssyncset.done $0x0  }
0x79: {  	[sflag:s31] =	ssyncadd.s32 $0xFFFFF000  }
0x7a: {  	_ =	swait.ge [sflag:s31], $0x1000  }
0x7b: {  	[sflag:s31] =	ssyncset.done $0x0  }
0x7c: {  	[sflag:s31] =	ssyncadd.s32 $0xFFFFF000  }
0x7d: {  	v55 =	vld [tilespmem:s2+$0x0];
	_ =	sdelay $0x4  }
0x7e: {  	v32 =	vand.u32 $0x7F, v55  }
0x7f: {  	v33 =	vor.u32 v0, v32;
	_ =	sdelay $0x4  }
0x80: {  	v33 =	vld.idx.msk [tilespmem:v33+s14+$0x0], $0xffff  }
0x81: {  	v34 =	vor.u32 v1, v32;
	_ =	sdelay $0x3  }
0x82: {  	[tilespmem:$0x10600] =	vst v33  }
0x83: {  	v33 =	vld.idx.msk [tilespmem:v34+s14+$0x0], $0xffff  }
0x84: {  	v56 =	vor.u32 v2, v32;
	_ =	sdelay $0x3  }
0x85: {  	[tilespmem:$0x10680] =	vst v33  }
0x86: {  	v33 =	vld.idx.msk [tilespmem:v56+s14+$0x0], $0xffff  }
0x87: {  	v57 =	vor.u32 v3, v32;
	_ =	sdelay $0x3  }
0x88: {  	[tilespmem:$0x10700] =	vst v33  }
0x89: {  	v33 =	vld.idx.msk [tilespmem:v57+s14+$0x0], $0xffff  }
0x8a: {  	v58 =	vor.u32 v4, v32;
	_ =	sdelay $0x3  }
0x8b: {  	[tilespmem:$0x10780] =	vst v33  }
0x8c: {  	v33 =	vld.idx.msk [tilespmem:v58+s14+$0x0], $0xffff  }
0x8d: {  	v59 =	vor.u32 v5, v32;
	_ =	sdelay $0x3  }
0x8e: {  	[tilespmem:$0x10800] =	vst v33  }
0x8f: {  	v33 =	vld.idx.msk [tilespmem:v59+s14+$0x0], $0xffff  }
0x90: {  	v60 =	vor.u32 v6, v32;
	_ =	sdelay $0x3  }
0x91: {  	[tilespmem:$0x10880] =	vst v33  }
0x92: {  	v33 =	vld.idx.msk [tilespmem:v60+s14+$0x0], $0xffff  }
0x93: {  	v61 =	vor.u32 v7, v32;
	_ =	sdelay $0x3  }
0x94: {  	[tilespmem:$0x10900] =	vst v33  }
0x95: {  	v33 =	vld.idx.msk [tilespmem:v61+s14+$0x0], $0xffff  }
0x96: {  	v62 =	vor.u32 v8, v32;
	_ =	sdelay $0x3  }
0x97: {  	[tilespmem:$0x10980] =	vst v33  }
0x98: {  	v33 =	vld.idx.msk [tilespmem:v62+s14+$0x0], $0xffff  }
0x99: {  	v63 =	vor.u32 v9, v32;
	_ =	sdelay $0x3  }
0x9a: {  	[tilespmem:$0x10A00] =	vst v33  }
0x9b: {  	v33 =	vld.idx.msk [tilespmem:v63+s14+$0x0], $0xffff  }
0x9c: {  	v36 =	vor.u32 v10, v32;
	_ =	sdelay $0x3  }
0x9d: {  	[tilespmem:$0x10A80] =	vst v33  }
0x9e: {  	v33 =	vld.idx.msk [tilespmem:v36+s14+$0x0], $0xffff  }
0x9f: {  	v37 =	vor.u32 v11, v32;
	_ =	sdelay $0x3  }
0xa0: {  	[tilespmem:$0x10B00] =	vst v33  }
0xa1: {  	v33 =	vld.idx.msk [tilespmem:v37+s14+$0x0], $0xffff  }
0xa2: {  	v38 =	vor.u32 v12, v32;
	_ =	sdelay $0x3  }
0xa3: {  	[tilespmem:$0x10B80] =	vst v33  }
0xa4: {  	v33 =	vld.idx.msk [tilespmem:v38+s14+$0x0], $0xffff  }
0xa5: {  	v39 =	vor.u32 v13, v32;
	_ =	sdelay $0x3  }
0xa6: {  	[tilespmem:$0x10C00] =	vst v33  }
0xa7: {  	v33 =	vld.idx.msk [tilespmem:v39+s14+$0x0], $0xffff  }
0xa8: {  	v41 =	vor.u32 v14, v32;
	_ =	sdelay $0x3  }
0xa9: {  	[tilespmem:$0x10C80] =	vst v33  }
0xaa: {  	v33 =	vld.idx.msk [tilespmem:v41+s14+$0x0], $0xffff  }
0xab: {  	v42 =	vor.u32 v31, v32;
	_ =	sdelay $0x3  }
0xac: {  	[tilespmem:$0x10D00] =	vst v33  }
0xad: {  	v33 =	vld.idx.msk [tilespmem:v42+s14+$0x0], $0xffff  }
0xae: {  	v43 =	vor.u32 v16, v32;
	_ =	sdelay $0x3  }
0xaf: {  	[tilespmem:$0x10D80] =	vst v33  }
0xb0: {  	v33 =	vld.idx.msk [tilespmem:v43+s14+$0x0], $0xffff  }
0xb1: {  	v44 =	vor.u32 v17, v32;
	_ =	sdelay $0x3  }
0xb2: {  	[tilespmem:$0x10E00] =	vst v33  }
0xb3: {  	v33 =	vld.idx.msk [tilespmem:v44+s14+$0x0], $0xffff  }
0xb4: {  	v45 =	vor.u32 v18, v32;
	_ =	sdelay $0x3  }
0xb5: {  	[tilespmem:$0x10E80] =	vst v33  }
0xb6: {  	v33 =	vld.idx.msk [tilespmem:v45+s14+$0x0], $0xffff  }
0xb7: {  	v46 =	vor.u32 v19, v32;
	_ =	sdelay $0x3  }
0xb8: {  	[tilespmem:$0x10F00] =	vst v33  }
0xb9: {  	v33 =	vld.idx.msk [tilespmem:v46+s14+$0x0], $0xffff  }
0xba: {  	v47 =	vor.u32 v20, v32;
	_ =	sdelay $0x3  }
0xbb: {  	[tilespmem:$0x10F80] =	vst v33  }
0xbc: {  	v33 =	vld.idx.msk [tilespmem:v47+s14+$0x0], $0xffff  }
0xbd: {  	v48 =	vor.u32 v21, v32;
	_ =	sdelay $0x3  }
0xbe: {  	[tilespmem:$0x11000] =	vst v33  }
0xbf: {  	v33 =	vld.idx.msk [tilespmem:v48+s14+$0x0], $0xffff  }
0xc0: {  	v49 =	vor.u32 v22, v32;
	_ =	sdelay $0x3  }
0xc1: {  	[tilespmem:$0x11080] =	vst v33  }
0xc2: {  	v33 =	vld.idx.msk [tilespmem:v49+s14+$0x0], $0xffff  }
0xc3: {  	v50 =	vor.u32 v23, v32;
	_ =	sdelay $0x3  }
0xc4: {  	[tilespmem:$0x11100] =	vst v33  }
0xc5: {  	v33 =	vld.idx.msk [tilespmem:v50+s14+$0x0], $0xffff  }
0xc6: {  	v51 =	vor.u32 v24, v32;
	_ =	sdelay $0x3  }
0xc7: {  	[tilespmem:$0x11180] =	vst v33  }
0xc8: {  	v33 =	vld.idx.msk [tilespmem:v51+s14+$0x0], $0xffff  }
0xc9: {  	v52 =	vor.u32 v25, v32;
	_ =	sdelay $0x3  }
0xca: {  	[tilespmem:$0x11200] =	vst v33  }
0xcb: {  	v33 =	vld.idx.msk [tilespmem:v52+s14+$0x0], $0xffff  }
0xcc: {  	v53 =	vor.u32 v26, v32;
	_ =	sdelay $0x3  }
0xcd: {  	[tilespmem:$0x11280] =	vst v33  }
0xce: {  	v33 =	vld.idx.msk [tilespmem:v53+s14+$0x0], $0xffff  }
0xcf: {  	v54 =	vor.u32 v27, v32;
	_ =	sdelay $0x3  }
0xd0: {  	[tilespmem:$0x11300] =	vst v33  }
0xd1: {  	v33 =	vld.idx.msk [tilespmem:v54+s14+$0x0], $0xffff  }
0xd2: {  	v55 =	vor.u32 v28, v32;
	_ =	sdelay $0x3  }
0xd3: {  	[tilespmem:$0x11380] =	vst v33  }
0xd4: {  	v33 =	vld.idx.msk [tilespmem:v55+s14+$0x0], $0xffff  }
0xd5: {  	v56 =	vor.u32 v29, v32;
	_ =	sdelay $0x3  }
0xd6: {  	[tilespmem:$0x11400] =	vst v33  }
0xd7: {  	v33 =	vld.idx.msk [tilespmem:v56+s14+$0x0], $0xffff  }
0xd8: {  	v57 =	vor.u32 v30, v32;
	_ =	sdelay $0x3  }
0xd9: {  	[tilespmem:$0x11480] =	vst v33  }
0xda: {  	v33 =	vld.idx.msk [tilespmem:v57+s14+$0x0], $0xffff  }
0xdb: {  	v32 =	vor.u32 v40, v32;
	_ =	sdelay $0x3  }
0xdc: {  	[tilespmem:$0x11500] =	vst v33  }
0xdd: {  	v32 =	vld.idx.msk [tilespmem:v32+s14+$0x0], $0xffff;
	_ =	sdelay $0x4  }
0xde: {  	[tilespmem:$0x11580] =	vst v32  }
0xdf: {  	v32 =	vld [tilespmem:s2+$0x200];
	_ =	sdelay $0x4  }
0xe0: {  	v32 =	vand.u32 $0xFFFFFF80, v32  }
0xe1: {  	v32 =	vadd.s32 s3, v32  }
0xe2: {  	(v2sf) =	vpush v32, $0x0;
	_ =	sdelay $0x1  }
0xe3: {  	(v2sf) =	vpush v32, $0x1;
	_ =	sdelay $0x1  }
0xe4: {  	(v2sf) =	vpush v32, $0x2;
	_ =	sdelay $0x1  }
0xe5: {  	(v2sf) =	vpush v32, $0x3;
	_ =	sdelay $0x1  }
0xe6: {  	(v2sf) =	vpush v32, $0x4;
	_ =	sdelay $0x1  }
0xe7: {  	(v2sf) =	vpush v32, $0x5;
	_ =	sdelay $0x1  }
0xe8: {  	(v2sf) =	vpush v32, $0x6;
	_ =	sdelay $0x1  }
0xe9: {  	(v2sf) =	vpush v32, $0x7  }
0xea: {  	s4 =	spop (v2sf)  }
0xeb: {  	(v2sf) =	vpush v32, $0x8;
	[tilespmem:s14], [sflag:$0x1] =	stream.strided.gather [hbm4b:s4+s13], $0x1000, s12, s13, $0x38;
	[tilespmem:$0x13A00] =	vst v63  }
0xec: {  	s4 =	spop (v2sf)  }
0xed: {  	(v2sf) =	vpush v32, $0x9;
	[tilespmem:s15], [sflag:$0x1] =	stream.strided.gather [hbm4b:s4+s13], $0x1000, s12, s13, $0x38;
	[tilespmem:$0x13A00] =	vst v63  }
0xee: {  	s4 =	spop (v2sf)  }
0xef: {  	(v2sf) =	vpush v32, $0xA;
	[tilespmem:s16], [sflag:$0x1] =	stream.strided.gather [hbm4b:s4+s13], $0x1000, s12, s13, $0x38;
	[tilespmem:$0x13A00] =	vst v63  }
0xf0: {  	s4 =	spop (v2sf)  }
0xf1: {  	(v2sf) =	vpush v32, $0xB;
	[tilespmem:s17], [sflag:$0x1] =	stream.strided.gather [hbm4b:s4+s13], $0x1000, s12, s13, $0x38;
	[tilespmem:$0x13A00] =	vst v63  }
0xf2: {  	s4 =	spop (v2sf)  }
0xf3: {  	(v2sf) =	vpush v32, $0xC;
	[tilespmem:s18], [sflag:$0x1] =	stream.strided.gather [hbm4b:s4+s13], $0x1000, s12, s13, $0x38;
	[tilespmem:$0x13A00] =	vst v63  }
0xf4: {  	s4 =	spop (v2sf)  }
0xf5: {  	(v2sf) =	vpush v32, $0xD;
	[tilespmem:s19], [sflag:$0x1] =	stream.strided.gather [hbm4b:s4+s13], $0x1000, s12, s13, $0x38;
	[tilespmem:$0x13A00] =	vst v63  }
0xf6: {  	s4 =	spop (v2sf)  }
0xf7: {  	(v2sf) =	vpush v32, $0xE;
	[tilespmem:s20], [sflag:$0x1] =	stream.strided.gather [hbm4b:s4+s13], $0x1000, s12, s13, $0x38;
	[tilespmem:$0x13A00] =	vst v63  }
0xf8: {  	s4 =	spop (v2sf)  }
0xf9: {  	(v2sf) =	vpush v32, $0xF;
	[tilespmem:s21], [sflag:$0x1] =	stream.strided.gather [hbm4b:s4+s13], $0x1000, s12, s13, $0x38;
	[tilespmem:$0x13A00] =	vst v63  }
0xfa: {  	s4 =	spop (v2sf)  }
0xfb: {  	[tilespmem:s22], [sflag:$0x1] =	stream.strided.gather [hbm4b:s4+s13], $0x1000, s12, s13, $0x38;
	[tilespmem:$0x13A00] =	vst v63  }
0xfc: {  	s4 =	spop (v2sf)  }
0xfd: {  	[tilespmem:s23], [sflag:$0x1] =	stream.strided.gather [hbm4b:s4+s13], $0x1000, s12, s13, $0x38;
	[tilespmem:$0x13A00] =	vst v63  }
0xfe: {  	s4 =	spop (v2sf)  }
0xff: {  	[tilespmem:s24], [sflag:$0x1] =	stream.strided.gather [hbm4b:s4+s13], $0x1000, s12, s13, $0x38;
	[tilespmem:$0x13A00] =	vst v63  }
0x100: {  	s4 =	spop (v2sf)  }
0x101: {  	[tilespmem:s25], [sflag:$0x1] =	stream.strided.gather [hbm4b:s4+s13], $0x1000, s12, s13, $0x38;
	[tilespmem:$0x13A00] =	vst v63  }
0x102: {  	s4 =	spop (v2sf)  }
0x103: {  	[tilespmem:s26], [sflag:$0x1] =	stream.strided.gather [hbm4b:s4+s13], $0x1000, s12, s13, $0x38;
	[tilespmem:$0x13A00] =	vst v63  }
0x104: {  	s4 =	spop (v2sf)  }
0x105: {  	[tilespmem:s28], [sflag:$0x1] =	stream.strided.gather [hbm4b:s4+s13], $0x1000, s12, s13, $0x38;
	[tilespmem:$0x13A00] =	vst v63  }
0x106: {  	s4 =	spop (v2sf)  }
0x107: {  	[tilespmem:s29], [sflag:$0x1] =	stream.strided.gather [hbm4b:s4+s13], $0x1000, s12, s13, $0x38;
	[tilespmem:$0x13A00] =	vst v63  }
0x108: {  	s4 =	spop (v2sf)  }
0x109: {  	[tilespmem:s30], [sflag:$0x1] =	stream.strided.gather [hbm4b:s4+s13], $0x1000, s12, s13, $0x38;
	[tilespmem:$0x13A00] =	vst v63  }
0x10a: {  	_ =	swait.ge [sflag:s31], $0x1000  }
0x10b: {  	[sflag:s31] =	ssyncset.done $0x0  }
0x10c: {  	[sflag:s31] =	ssyncadd.s32 $0xFFFFF000  }
0x10d: {  	_ =	swait.ge [sflag:s31], $0x1000  }
0x10e: {  	[sflag:s31] =	ssyncset.done $0x0  }
0x10f: {  	[sflag:s31] =	ssyncadd.s32 $0xFFFFF000  }
0x110: {  	_ =	swait.ge [sflag:s31], $0x1000  }
0x111: {  	[sflag:s31] =	ssyncset.done $0x0  }
0x112: {  	[sflag:s31] =	ssyncadd.s32 $0xFFFFF000  }
0x113: {  	_ =	swait.ge [sflag:s31], $0x1000  }
0x114: {  	[sflag:s31] =	ssyncset.done $0x0  }
0x115: {  	[sflag:s31] =	ssyncadd.s32 $0xFFFFF000  }
0x116: {  	_ =	swait.ge [sflag:s31], $0x1000  }
0x117: {  	[sflag:s31] =	ssyncset.done $0x0  }
0x118: {  	[sflag:s31] =	ssyncadd.s32 $0xFFFFF000  }
0x119: {  	_ =	swait.ge [sflag:s31], $0x1000  }
0x11a: {  	[sflag:s31] =	ssyncset.done $0x0  }
0x11b: {  	[sflag:s31] =	ssyncadd.s32 $0xFFFFF000  }
0x11c: {  	_ =	swait.ge [sflag:s31], $0x1000  }
0x11d: {  	[sflag:s31] =	ssyncset.done $0x0  }
0x11e: {  	[sflag:s31] =	ssyncadd.s32 $0xFFFFF000  }
0x11f: {  	_ =	swait.ge [sflag:s31], $0x1000  }
0x120: {  	[sflag:s31] =	ssyncset.done $0x0  }
0x121: {  	[sflag:s31] =	ssyncadd.s32 $0xFFFFF000  }
0x122: {  	_ =	swait.ge [sflag:s31], $0x1000  }
0x123: {  	[sflag:s31] =	ssyncset.done $0x0  }
0x124: {  	[sflag:s31] =	ssyncadd.s32 $0xFFFFF000  }
0x125: {  	_ =	swait.ge [sflag:s31], $0x1000  }
0x126: {  	[sflag:s31] =	ssyncset.done $0x0  }
0x127: {  	[sflag:s31] =	ssyncadd.s32 $0xFFFFF000  }
0x128: {  	_ =	swait.ge [sflag:s31], $0x1000  }
0x129: {  	[sflag:s31] =	ssyncset.done $0x0  }
0x12a: {  	[sflag:s31] =	ssyncadd.s32 $0xFFFFF000  }
0x12b: {  	_ =	swait.ge [sflag:s31], $0x1000  }
0x12c: {  	[sflag:s31] =	ssyncset.done $0x0  }
0x12d: {  	[sflag:s31] =	ssyncadd.s32 $0xFFFFF000  }
0x12e: {  	_ =	swait.ge [sflag:s31], $0x1000  }
0x12f: {  	[sflag:s31] =	ssyncset.done $0x0  }
0x130: {  	[sflag:s31] =	ssyncadd.s32 $0xFFFFF000  }
0x131: {  	_ =	swait.ge [sflag:s31], $0x1000  }
0x132: {  	[sflag:s31] =	ssyncset.done $0x0  }
0x133: {  	[sflag:s31] =	ssyncadd.s32 $0xFFFFF000  }
0x134: {  	_ =	swait.ge [sflag:s31], $0x1000  }
0x135: {  	[sflag:s31] =	ssyncset.done $0x0  }
0x136: {  	[sflag:s31] =	ssyncadd.s32 $0xFFFFF000  }
0x137: {  	_ =	swait.ge [sflag:s31], $0x1000  }
0x138: {  	[sflag:s31] =	ssyncset.done $0x0  }
0x139: {  	[sflag:s31] =	ssyncadd.s32 $0xFFFFF000  }
0x13a: {  	v58 =	vld [tilespmem:s2+$0x200];
	_ =	sdelay $0x4  }
0x13b: {  	v32 =	vand.u32 $0x7F, v58  }
0x13c: {  	v59 =	vor.u32 v0, v32;
	_ =	sdelay $0x4  }
0x13d: {  	v33 =	vld.idx.msk [tilespmem:v59+s14+$0x0], $0xffff  }
0x13e: {  	v60 =	vor.u32 v1, v32;
	_ =	sdelay $0x3  }
0x13f: {  	[tilespmem:$0x11600] =	vst v33  }
0x140: {  	v33 =	vld.idx.msk [tilespmem:v60+s14+$0x0], $0xffff  }
0x141: {  	v61 =	vor.u32 v2, v32;
	_ =	sdelay $0x3  }
0x142: {  	[tilespmem:$0x11680] =	vst v33  }
0x143: {  	v33 =	vld.idx.msk [tilespmem:v61+s14+$0x0], $0xffff  }
0x144: {  	v62 =	vor.u32 v3, v32;
	_ =	sdelay $0x3  }
0x145: {  	[tilespmem:$0x11700] =	vst v33  }
0x146: {  	v33 =	vld.idx.msk [tilespmem:v62+s14+$0x0], $0xffff  }
0x147: {  	v63 =	vor.u32 v4, v32;
	_ =	sdelay $0x3  }
0x148: {  	[tilespmem:$0x11780] =	vst v33  }
0x149: {  	v33 =	vld.idx.msk [tilespmem:v63+s14+$0x0], $0xffff  }
0x14a: {  	v36 =	vor.u32 v5, v32;
	_ =	sdelay $0x3  }
0x14b: {  	[tilespmem:$0x11800] =	vst v33  }
0x14c: {  	v33 =	vld.idx.msk [tilespmem:v36+s14+$0x0], $0xffff  }
0x14d: {  	v37 =	vor.u32 v6, v32;
	_ =	sdelay $0x3  }
0x14e: {  	[tilespmem:$0x11880] =	vst v33  }
0x14f: {  	v33 =	vld.idx.msk [tilespmem:v37+s14+$0x0], $0xffff  }
0x150: {  	v38 =	vor.u32 v7, v32;
	_ =	sdelay $0x3  }
0x151: {  	[tilespmem:$0x11900] =	vst v33  }
0x152: {  	v33 =	vld.idx.msk [tilespmem:v38+s14+$0x0], $0xffff  }
0x153: {  	v39 =	vor.u32 v8, v32;
	_ =	sdelay $0x3  }
0x154: {  	[tilespmem:$0x11980] =	vst v33  }
0x155: {  	v33 =	vld.idx.msk [tilespmem:v39+s14+$0x0], $0xffff  }
0x156: {  	v41 =	vor.u32 v9, v32;
	_ =	sdelay $0x3  }
0x157: {  	[tilespmem:$0x11A00] =	vst v33  }
0x158: {  	v33 =	vld.idx.msk [tilespmem:v41+s14+$0x0], $0xffff  }
0x159: {  	v42 =	vor.u32 v10, v32;
	_ =	sdelay $0x3  }
0x15a: {  	[tilespmem:$0x11A80] =	vst v33  }
0x15b: {  	v33 =	vld.idx.msk [tilespmem:v42+s14+$0x0], $0xffff  }
0x15c: {  	v43 =	vor.u32 v11, v32;
	_ =	sdelay $0x3  }
0x15d: {  	[tilespmem:$0x11B00] =	vst v33  }
0x15e: {  	v33 =	vld.idx.msk [tilespmem:v43+s14+$0x0], $0xffff  }
0x15f: {  	v44 =	vor.u32 v12, v32;
	_ =	sdelay $0x3  }
0x160: {  	[tilespmem:$0x11B80] =	vst v33  }
0x161: {  	v33 =	vld.idx.msk [tilespmem:v44+s14+$0x0], $0xffff  }
0x162: {  	v45 =	vor.u32 v13, v32;
	_ =	sdelay $0x3  }
0x163: {  	[tilespmem:$0x11C00] =	vst v33  }
0x164: {  	v33 =	vld.idx.msk [tilespmem:v45+s14+$0x0], $0xffff  }
0x165: {  	v46 =	vor.u32 v14, v32;
	_ =	sdelay $0x3  }
0x166: {  	[tilespmem:$0x11C80] =	vst v33  }
0x167: {  	v33 =	vld.idx.msk [tilespmem:v46+s14+$0x0], $0xffff  }
0x168: {  	v47 =	vor.u32 v31, v32;
	_ =	sdelay $0x3  }
0x169: {  	[tilespmem:$0x11D00] =	vst v33  }
0x16a: {  	v33 =	vld.idx.msk [tilespmem:v47+s14+$0x0], $0xffff  }
0x16b: {  	v48 =	vor.u32 v16, v32;
	_ =	sdelay $0x3  }
0x16c: {  	[tilespmem:$0x11D80] =	vst v33  }
0x16d: {  	v33 =	vld.idx.msk [tilespmem:v48+s14+$0x0], $0xffff  }
0x16e: {  	v49 =	vor.u32 v17, v32;
	_ =	sdelay $0x3  }
0x16f: {  	[tilespmem:$0x11E00] =	vst v33  }
0x170: {  	v33 =	vld.idx.msk [tilespmem:v49+s14+$0x0], $0xffff  }
0x171: {  	v50 =	vor.u32 v18, v32;
	_ =	sdelay $0x3  }
0x172: {  	[tilespmem:$0x11E80] =	vst v33  }
0x173: {  	v33 =	vld.idx.msk [tilespmem:v50+s14+$0x0], $0xffff  }
0x174: {  	v51 =	vor.u32 v19, v32;
	_ =	sdelay $0x3  }
0x175: {  	[tilespmem:$0x11F00] =	vst v33  }
0x176: {  	v33 =	vld.idx.msk [tilespmem:v51+s14+$0x0], $0xffff  }
0x177: {  	v52 =	vor.u32 v20, v32;
	_ =	sdelay $0x3  }
0x178: {  	[tilespmem:$0x11F80] =	vst v33  }
0x179: {  	v33 =	vld.idx.msk [tilespmem:v52+s14+$0x0], $0xffff  }
0x17a: {  	v53 =	vor.u32 v21, v32;
	_ =	sdelay $0x3  }
0x17b: {  	[tilespmem:$0x12000] =	vst v33  }
0x17c: {  	v33 =	vld.idx.msk [tilespmem:v53+s14+$0x0], $0xffff  }
0x17d: {  	v54 =	vor.u32 v22, v32;
	_ =	sdelay $0x3  }
0x17e: {  	[tilespmem:$0x12080] =	vst v33  }
0x17f: {  	v33 =	vld.idx.msk [tilespmem:v54+s14+$0x0], $0xffff  }
0x180: {  	v55 =	vor.u32 v23, v32;
	_ =	sdelay $0x3  }
0x181: {  	[tilespmem:$0x12100] =	vst v33  }
0x182: {  	v33 =	vld.idx.msk [tilespmem:v55+s14+$0x0], $0xffff  }
0x183: {  	v56 =	vor.u32 v24, v32;
	_ =	sdelay $0x3  }
0x184: {  	[tilespmem:$0x12180] =	vst v33  }
0x185: {  	v33 =	vld.idx.msk [tilespmem:v56+s14+$0x0], $0xffff  }
0x186: {  	v57 =	vor.u32 v25, v32;
	_ =	sdelay $0x3  }
0x187: {  	[tilespmem:$0x12200] =	vst v33  }
0x188: {  	v33 =	vld.idx.msk [tilespmem:v57+s14+$0x0], $0xffff  }
0x189: {  	v58 =	vor.u32 v26, v32;
	_ =	sdelay $0x3  }
0x18a: {  	[tilespmem:$0x12280] =	vst v33  }
0x18b: {  	v33 =	vld.idx.msk [tilespmem:v58+s14+$0x0], $0xffff  }
0x18c: {  	v59 =	vor.u32 v27, v32;
	_ =	sdelay $0x3  }
0x18d: {  	[tilespmem:$0x12300] =	vst v33  }
0x18e: {  	v33 =	vld.idx.msk [tilespmem:v59+s14+$0x0], $0xffff  }
0x18f: {  	v60 =	vor.u32 v28, v32;
	_ =	sdelay $0x3  }
0x190: {  	[tilespmem:$0x12380] =	vst v33  }
0x191: {  	v33 =	vld.idx.msk [tilespmem:v60+s14+$0x0], $0xffff  }
0x192: {  	v61 =	vor.u32 v29, v32;
	_ =	sdelay $0x3  }
0x193: {  	[tilespmem:$0x12400] =	vst v33  }
0x194: {  	v33 =	vld.idx.msk [tilespmem:v61+s14+$0x0], $0xffff  }
0x195: {  	v62 =	vor.u32 v30, v32;
	_ =	sdelay $0x3  }
0x196: {  	[tilespmem:$0x12480] =	vst v33  }
0x197: {  	v33 =	vld.idx.msk [tilespmem:v62+s14+$0x0], $0xffff  }
0x198: {  	v32 =	vor.u32 v40, v32;
	_ =	sdelay $0x3  }
0x199: {  	[tilespmem:$0x12500] =	vst v33  }
0x19a: {  	v32 =	vld.idx.msk [tilespmem:v32+s14+$0x0], $0xffff;
	_ =	sdelay $0x4  }
0x19b: {  	[tilespmem:$0x12580] =	vst v32  }
0x19c: {  	v32 =	vld [tilespmem:s2+$0x400];
	_ =	sdelay $0x4  }
0x19d: {  	v32 =	vand.u32 $0xFFFFFF80, v32  }
0x19e: {  	v32 =	vadd.s32 s3, v32  }
0x19f: {  	(v2sf) =	vpush v32, $0x0;
	_ =	sdelay $0x1  }
0x1a0: {  	(v2sf) =	vpush v32, $0x1;
	_ =	sdelay $0x1  }
0x1a1: {  	(v2sf) =	vpush v32, $0x2;
	_ =	sdelay $0x1  }
0x1a2: {  	(v2sf) =	vpush v32, $0x3;
	_ =	sdelay $0x1  }
0x1a3: {  	(v2sf) =	vpush v32, $0x4;
	_ =	sdelay $0x1  }
0x1a4: {  	(v2sf) =	vpush v32, $0x5;
	_ =	sdelay $0x1  }
0x1a5: {  	(v2sf) =	vpush v32, $0x6;
	_ =	sdelay $0x1  }
0x1a6: {  	(v2sf) =	vpush v32, $0x7  }
0x1a7: {  	s4 =	spop (v2sf)  }
0x1a8: {  	(v2sf) =	vpush v32, $0x8;
	[tilespmem:s14], [sflag:$0x1] =	stream.strided.gather [hbm4b:s4+s13], $0x1000, s12, s13, $0x38;
	[tilespmem:$0x13A00] =	vst v63  }
0x1a9: {  	s4 =	spop (v2sf)  }
0x1aa: {  	(v2sf) =	vpush v32, $0x9;
	[tilespmem:s15], [sflag:$0x1] =	stream.strided.gather [hbm4b:s4+s13], $0x1000, s12, s13, $0x38;
	[tilespmem:$0x13A00] =	vst v63  }
0x1ab: {  	s4 =	spop (v2sf)  }
0x1ac: {  	(v2sf) =	vpush v32, $0xA;
	[tilespmem:s16], [sflag:$0x1] =	stream.strided.gather [hbm4b:s4+s13], $0x1000, s12, s13, $0x38;
	[tilespmem:$0x13A00] =	vst v63  }
0x1ad: {  	s4 =	spop (v2sf)  }
0x1ae: {  	(v2sf) =	vpush v32, $0xB;
	[tilespmem:s17], [sflag:$0x1] =	stream.strided.gather [hbm4b:s4+s13], $0x1000, s12, s13, $0x38;
	[tilespmem:$0x13A00] =	vst v63  }
0x1af: {  	s4 =	spop (v2sf)  }
0x1b0: {  	(v2sf) =	vpush v32, $0xC;
	[tilespmem:s18], [sflag:$0x1] =	stream.strided.gather [hbm4b:s4+s13], $0x1000, s12, s13, $0x38;
	[tilespmem:$0x13A00] =	vst v63  }
0x1b1: {  	s4 =	spop (v2sf)  }
0x1b2: {  	(v2sf) =	vpush v32, $0xD;
	[tilespmem:s19], [sflag:$0x1] =	stream.strided.gather [hbm4b:s4+s13], $0x1000, s12, s13, $0x38;
	[tilespmem:$0x13A00] =	vst v63  }
0x1b3: {  	s4 =	spop (v2sf)  }
0x1b4: {  	(v2sf) =	vpush v32, $0xE;
	[tilespmem:s20], [sflag:$0x1] =	stream.strided.gather [hbm4b:s4+s13], $0x1000, s12, s13, $0x38;
	[tilespmem:$0x13A00] =	vst v63  }
0x1b5: {  	s4 =	spop (v2sf)  }
0x1b6: {  	(v2sf) =	vpush v32, $0xF;
	[tilespmem:s21], [sflag:$0x1] =	stream.strided.gather [hbm4b:s4+s13], $0x1000, s12, s13, $0x38;
	[tilespmem:$0x13A00] =	vst v63  }
0x1b7: {  	s4 =	spop (v2sf)  }
0x1b8: {  	[tilespmem:s22], [sflag:$0x1] =	stream.strided.gather [hbm4b:s4+s13], $0x1000, s12, s13, $0x38;
	[tilespmem:$0x13A00] =	vst v63  }
0x1b9: {  	s4 =	spop (v2sf)  }
0x1ba: {  	[tilespmem:s23], [sflag:$0x1] =	stream.strided.gather [hbm4b:s4+s13], $0x1000, s12, s13, $0x38;
	[tilespmem:$0x13A00] =	vst v63  }
0x1bb: {  	s4 =	spop (v2sf)  }
0x1bc: {  	[tilespmem:s24], [sflag:$0x1] =	stream.strided.gather [hbm4b:s4+s13], $0x1000, s12, s13, $0x38;
	[tilespmem:$0x13A00] =	vst v63  }
0x1bd: {  	s4 =	spop (v2sf)  }
0x1be: {  	[tilespmem:s25], [sflag:$0x1] =	stream.strided.gather [hbm4b:s4+s13], $0x1000, s12, s13, $0x38;
	[tilespmem:$0x13A00] =	vst v63  }
0x1bf: {  	s4 =	spop (v2sf)  }
0x1c0: {  	[tilespmem:s26], [sflag:$0x1] =	stream.strided.gather [hbm4b:s4+s13], $0x1000, s12, s13, $0x38;
	[tilespmem:$0x13A00] =	vst v63  }
0x1c1: {  	s4 =	spop (v2sf)  }
0x1c2: {  	[tilespmem:s28], [sflag:$0x1] =	stream.strided.gather [hbm4b:s4+s13], $0x1000, s12, s13, $0x38;
	[tilespmem:$0x13A00] =	vst v63  }
0x1c3: {  	s4 =	spop (v2sf)  }
0x1c4: {  	[tilespmem:s29], [sflag:$0x1] =	stream.strided.gather [hbm4b:s4+s13], $0x1000, s12, s13, $0x38;
	[tilespmem:$0x13A00] =	vst v63  }
0x1c5: {  	s4 =	spop (v2sf)  }
0x1c6: {  	[tilespmem:s30], [sflag:$0x1] =	stream.strided.gather [hbm4b:s4+s13], $0x1000, s12, s13, $0x38;
	[tilespmem:$0x13A00] =	vst v63  }
0x1c7: {  	_ =	swait.ge [sflag:s31], $0x1000  }
0x1c8: {  	[sflag:s31] =	ssyncset.done $0x0  }
0x1c9: {  	[sflag:s31] =	ssyncadd.s32 $0xFFFFF000  }
0x1ca: {  	_ =	swait.ge [sflag:s31], $0x1000  }
0x1cb: {  	[sflag:s31] =	ssyncset.done $0x0  }
0x1cc: {  	[sflag:s31] =	ssyncadd.s32 $0xFFFFF000  }
0x1cd: {  	_ =	swait.ge [sflag:s31], $0x1000  }
0x1ce: {  	[sflag:s31] =	ssyncset.done $0x0  }
0x1cf: {  	[sflag:s31] =	ssyncadd.s32 $0xFFFFF000  }
0x1d0: {  	_ =	swait.ge [sflag:s31], $0x1000  }
0x1d1: {  	[sflag:s31] =	ssyncset.done $0x0  }
0x1d2: {  	[sflag:s31] =	ssyncadd.s32 $0xFFFFF000  }
0x1d3: {  	_ =	swait.ge [sflag:s31], $0x1000  }
0x1d4: {  	[sflag:s31] =	ssyncset.done $0x0  }
0x1d5: {  	[sflag:s31] =	ssyncadd.s32 $0xFFFFF000  }
0x1d6: {  	_ =	swait.ge [sflag:s31], $0x1000  }
0x1d7: {  	[sflag:s31] =	ssyncset.done $0x0  }
0x1d8: {  	[sflag:s31] =	ssyncadd.s32 $0xFFFFF000  }
0x1d9: {  	_ =	swait.ge [sflag:s31], $0x1000  }
0x1da: {  	[sflag:s31] =	ssyncset.done $0x0  }
0x1db: {  	[sflag:s31] =	ssyncadd.s32 $0xFFFFF000  }
0x1dc: {  	_ =	swait.ge [sflag:s31], $0x1000  }
0x1dd: {  	[sflag:s31] =	ssyncset.done $0x0  }
0x1de: {  	[sflag:s31] =	ssyncadd.s32 $0xFFFFF000  }
0x1df: {  	_ =	swait.ge [sflag:s31], $0x1000  }
0x1e0: {  	[sflag:s31] =	ssyncset.done $0x0  }
0x1e1: {  	[sflag:s31] =	ssyncadd.s32 $0xFFFFF000  }
0x1e2: {  	_ =	swait.ge [sflag:s31], $0x1000  }
0x1e3: {  	[sflag:s31] =	ssyncset.done $0x0  }
0x1e4: {  	[sflag:s31] =	ssyncadd.s32 $0xFFFFF000  }
0x1e5: {  	_ =	swait.ge [sflag:s31], $0x1000  }
0x1e6: {  	[sflag:s31] =	ssyncset.done $0x0  }
0x1e7: {  	[sflag:s31] =	ssyncadd.s32 $0xFFFFF000  }
0x1e8: {  	_ =	swait.ge [sflag:s31], $0x1000  }
0x1e9: {  	[sflag:s31] =	ssyncset.done $0x0  }
0x1ea: {  	[sflag:s31] =	ssyncadd.s32 $0xFFFFF000  }
0x1eb: {  	_ =	swait.ge [sflag:s31], $0x1000  }
0x1ec: {  	[sflag:s31] =	ssyncset.done $0x0  }
0x1ed: {  	[sflag:s31] =	ssyncadd.s32 $0xFFFFF000  }
0x1ee: {  	_ =	swait.ge [sflag:s31], $0x1000  }
0x1ef: {  	[sflag:s31] =	ssyncset.done $0x0  }
0x1f0: {  	[sflag:s31] =	ssyncadd.s32 $0xFFFFF000  }
0x1f1: {  	_ =	swait.ge [sflag:s31], $0x1000  }
0x1f2: {  	[sflag:s31] =	ssyncset.done $0x0  }
0x1f3: {  	[sflag:s31] =	ssyncadd.s32 $0xFFFFF000  }
0x1f4: {  	_ =	swait.ge [sflag:s31], $0x1000  }
0x1f5: {  	[sflag:s31] =	ssyncset.done $0x0  }
0x1f6: {  	[sflag:s31] =	ssyncadd.s32 $0xFFFFF000  }
0x1f7: {  	v63 =	vld [tilespmem:s2+$0x400];
	_ =	sdelay $0x4  }
0x1f8: {  	v32 =	vand.u32 $0x7F, v63  }
0x1f9: {  	v36 =	vor.u32 v0, v32;
	_ =	sdelay $0x4  }
0x1fa: {  	v54 =	vld.idx.msk [tilespmem:v36+s14+$0x0], $0xffff  }
0x1fb: {  	v37 =	vor.u32 v1, v32;
	_ =	sdelay $0x3  }
0x1fc: {  	[tilespmem:$0x12600] =	vst v54  }
0x1fd: {  	v55 =	vld.idx.msk [tilespmem:v37+s14+$0x0], $0xffff  }
0x1fe: {  	v38 =	vor.u32 v2, v32;
	_ =	sdelay $0x3  }
0x1ff: {  	[tilespmem:$0x12680] =	vst v55  }
0x200: {  	v56 =	vld.idx.msk [tilespmem:v38+s14+$0x0], $0xffff  }
0x201: {  	v39 =	vor.u32 v3, v32;
	_ =	sdelay $0x3  }
0x202: {  	[tilespmem:$0x12700] =	vst v56  }
0x203: {  	v57 =	vld.idx.msk [tilespmem:v39+s14+$0x0], $0xffff  }
0x204: {  	v41 =	vor.u32 v4, v32;
	_ =	sdelay $0x3  }
0x205: {  	[tilespmem:$0x12780] =	vst v57  }
0x206: {  	v58 =	vld.idx.msk [tilespmem:v41+s14+$0x0], $0xffff  }
0x207: {  	v42 =	vor.u32 v5, v32;
	_ =	sdelay $0x3  }
0x208: {  	[tilespmem:$0x12800] =	vst v58  }
0x209: {  	v59 =	vld.idx.msk [tilespmem:v42+s14+$0x0], $0xffff  }
0x20a: {  	v43 =	vor.u32 v6, v32;
	_ =	sdelay $0x3  }
0x20b: {  	[tilespmem:$0x12880] =	vst v59  }
0x20c: {  	v60 =	vld.idx.msk [tilespmem:v43+s14+$0x0], $0xffff  }
0x20d: {  	v44 =	vor.u32 v7, v32;
	_ =	sdelay $0x3  }
0x20e: {  	[tilespmem:$0x12900] =	vst v60  }
0x20f: {  	v61 =	vld.idx.msk [tilespmem:v44+s14+$0x0], $0xffff  }
0x210: {  	v45 =	vor.u32 v8, v32;
	_ =	sdelay $0x3  }
0x211: {  	[tilespmem:$0x12980] =	vst v61  }
0x212: {  	v62 =	vld.idx.msk [tilespmem:v45+s14+$0x0], $0xffff  }
0x213: {  	v46 =	vor.u32 v9, v32;
	_ =	sdelay $0x3  }
0x214: {  	[tilespmem:$0x12A00] =	vst v62  }
0x215: {  	v63 =	vld.idx.msk [tilespmem:v46+s14+$0x0], $0xffff  }
0x216: {  	v47 =	vor.u32 v10, v32;
	_ =	sdelay $0x3  }
0x217: {  	[tilespmem:$0x12A80] =	vst v63  }
0x218: {  	v53 =	vld.idx.msk [tilespmem:v47+s14+$0x0], $0xffff  }
0x219: {  	v48 =	vor.u32 v11, v32;
	_ =	sdelay $0x3  }
0x21a: {  	[tilespmem:$0x12B00] =	vst v53  }
0x21b: {  	v52 =	vld.idx.msk [tilespmem:v48+s14+$0x0], $0xffff  }
0x21c: {  	v49 =	vor.u32 v12, v32;
	_ =	sdelay $0x3  }
0x21d: {  	[tilespmem:$0x12B80] =	vst v52  }
0x21e: {  	v51 =	vld.idx.msk [tilespmem:v49+s14+$0x0], $0xffff  }
0x21f: {  	v50 =	vor.u32 v13, v32;
	_ =	sdelay $0x3  }
0x220: {  	[tilespmem:$0x12C00] =	vst v51  }
0x221: {  	v50 =	vld.idx.msk [tilespmem:v50+s14+$0x0], $0xffff  }
0x222: {  	v36 =	vor.u32 v14, v32;
	_ =	sdelay $0x3  }
0x223: {  	[tilespmem:$0x12C80] =	vst v50  }
0x224: {  	v49 =	vld.idx.msk [tilespmem:v36+s14+$0x0], $0xffff  }
0x225: {  	v37 =	vor.u32 v31, v32;
	_ =	sdelay $0x3  }
0x226: {  	[tilespmem:$0x12D00] =	vst v49  }
0x227: {  	v48 =	vld.idx.msk [tilespmem:v37+s14+$0x0], $0xffff  }
0x228: {  	v38 =	vor.u32 v16, v32;
	_ =	sdelay $0x3  }
0x229: {  	[tilespmem:$0x12D80] =	vst v48  }
0x22a: {  	v47 =	vld.idx.msk [tilespmem:v38+s14+$0x0], $0xffff  }
0x22b: {  	v39 =	vor.u32 v17, v32;
	_ =	sdelay $0x3  }
0x22c: {  	[tilespmem:$0x12E00] =	vst v47  }
0x22d: {  	v46 =	vld.idx.msk [tilespmem:v39+s14+$0x0], $0xffff  }
0x22e: {  	v41 =	vor.u32 v18, v32;
	_ =	sdelay $0x3  }
0x22f: {  	[tilespmem:$0x12E80] =	vst v46  }
0x230: {  	v45 =	vld.idx.msk [tilespmem:v41+s14+$0x0], $0xffff  }
0x231: {  	v42 =	vor.u32 v19, v32;
	_ =	sdelay $0x3  }
0x232: {  	[tilespmem:$0x12F00] =	vst v45  }
0x233: {  	v44 =	vld.idx.msk [tilespmem:v42+s14+$0x0], $0xffff  }
0x234: {  	v43 =	vor.u32 v20, v32  }
0x235: {  	v1 =	vld [tilespmem:$0x10600]  }
0x236: {  	v0 =	vld [tilespmem:$0x11600]  }
0x237: {  	v16 =	vmov v11;
	v11 =	vmov v3;
	v3 =	vld [tilespmem:$0x11680]  }
0x238: {  	v39 =	vor.u32 v24, v32;
	v24 =	vmov v2;
	v2 =	vld [tilespmem:$0x10680];
	[tilespmem:$0x12F80] =	vst v44  }
0x239: {  	v43 =	vld.idx.msk [tilespmem:v43+s14+$0x0], $0xffff  }
0x23a: {  	v36 =	vor.u32 v21, v32  }
0x23b: {  	v0 =	vmul.f32 v0, v1;
	v1 =	vmul.f32 v1, v54;
	v17 =	vmovc v12;
	v12 =	vmov v4;
	v4 =	vld [tilespmem:$0x10700]  }
0x23c: {  	v15 =	vmov v7;
	v7 =	vld [tilespmem:$0x10800]  }
0x23d: {  	v9 =	vmovc v14;
	v14 =	vmovc v6;
	v6 =	vld [tilespmem:$0x10780];
	v1 =	vadd.f32 $0.0e+00, v1;
	v3 =	vmul.f32 v3, v2;
	v2 =	vmul.f32 v2, v55  }
0x23e: {  	v54 =	vld [tilespmem:$0x11780];
	[tilespmem:$0x13000] =	vst v43  }
0x23f: {  	v1 =	vadd.f32 v2, v1;
	v42 =	vld.idx.msk [tilespmem:v36+s14+$0x0], $0xffff  }
0x240: {  	v2 =	vmul.f32 v4, v56;
	v36 =	vor.u32 v25, v32;
	v25 =	vmovc v10;
	v10 =	vmovc v13;
	v13 =	vmov v5;
	v5 =	vld [tilespmem:$0x11700]  }
0x241: {  	v55 =	vld [tilespmem:$0x11800]  }
0x242: {  	v37 =	vor.u32 v22, v32;
	v56 =	vld [tilespmem:$0x12100];
	v1 =	vadd.f32 v2, v1;
	v2 =	vmul.f32 v6, v57  }
0x243: {  	v0 =	vadd.f32 $0.0e+00, v0;
	v57 =	vld [tilespmem:$0x10980]  }
0x244: {  	v1 =	vadd.f32 v2, v1;
	v2 =	vmul.f32 v7, v58;
	v58 =	vld [tilespmem:$0x11280]  }
0x245: {  	v0 =	vadd.f32 v3, v0;
	v3 =	vmul.f32 v5, v4;
	v5 =	vld [tilespmem:$0x10880]  }
0x246: {  	[tilespmem:$0x13080] =	vst v42;
	v4 =	vld [tilespmem:$0x11880]  }
0x247: {  	v41 =	vld.idx.msk [tilespmem:v37+s14+$0x0], $0xffff  }
0x248: {  	v0 =	vadd.f32 v3, v0;
	v3 =	vmul.f32 v54, v6;
	v54 =	vld [tilespmem:$0x10900]  }
0x249: {  	v6 =	vld [tilespmem:$0x11900]  }
0x24a: {  	v38 =	vor.u32 v23, v32;
	v0 =	vadd.f32 v3, v0;
	v3 =	vmul.f32 v55, v7;
	v7 =	vld [tilespmem:$0x11980]  }
0x24b: {  	v55 =	vld [tilespmem:$0x12080]  }
0x24c: {  	v1 =	vadd.f32 v2, v1;
	v2 =	vmul.f32 v5, v59;
	v59 =	vld [tilespmem:$0x11A80]  }
0x24d: {  	v0 =	vadd.f32 v3, v0;
	v3 =	vmul.f32 v4, v5;
	v4 =	vld [tilespmem:$0x10A00]  }
0x24e: {  	[tilespmem:$0x13100] =	vst v41;
	v5 =	vld [tilespmem:$0x11A00]  }
0x24f: {  	v8 =	vmov v40;
	v40 =	vld.idx.msk [tilespmem:v38+s14+$0x0], $0xffff  }
0x250: {  	v1 =	vadd.f32 v2, v1;
	v2 =	vmul.f32 v54, v60;
	v60 =	vld [tilespmem:$0x11B00]  }
0x251: {  	v0 =	vadd.f32 v3, v0;
	v3 =	vmul.f32 v6, v54;
	v6 =	vld [tilespmem:$0x10A80]  }
0x252: {  	v1 =	vadd.f32 v2, v1;
	v2 =	vmul.f32 v57, v61;
	v61 =	vld [tilespmem:$0x10C00]  }
0x253: {  	v0 =	vadd.f32 v3, v0;
	v3 =	vmul.f32 v7, v57;
	v7 =	vld [tilespmem:$0x10B00]  }
0x254: {  	v1 =	vadd.f32 v2, v1;
	v2 =	vmul.f32 v4, v62;
	v62 =	vld [tilespmem:$0x10C80]  }
0x255: {  	v0 =	vadd.f32 v3, v0;
	v3 =	vmul.f32 v5, v4;
	v5 =	vld [tilespmem:$0x10B80]  }
0x256: {  	[tilespmem:$0x13180] =	vst v40;
	v4 =	vld [tilespmem:$0x11B80]  }
0x257: {  	v39 =	vld.idx.msk [tilespmem:v39+s14+$0x0], $0xffff;
	v1 =	vadd.f32 v2, v1;
	v2 =	vmul.f32 v6, v63  }
0x258: {  	v63 =	vld [tilespmem:$0x11D80];
	v0 =	vadd.f32 v3, v0;
	v3 =	vmul.f32 v59, v6  }
0x259: {  	v6 =	vld [tilespmem:$0x11C00];
	v1 =	vadd.f32 v2, v1  }
0x25a: {  	v2 =	vmul.f32 v7, v53;
	v53 =	vld [tilespmem:$0x10F00];
	v0 =	vadd.f32 v3, v0;
	v3 =	vmul.f32 v60, v7  }
0x25b: {  	v7 =	vld [tilespmem:$0x11C80]  }
0x25c: {  	v0 =	vadd.f32 v3, v0;
	v3 =	vmul.f32 v4, v5;
	v4 =	vld [tilespmem:$0x10D00]  }
0x25d: {  	v1 =	vadd.f32 v2, v1;
	v2 =	vmul.f32 v5, v52;
	[tilespmem:$0x13200] =	vst v39;
	v5 =	vld [tilespmem:$0x11D00]  }
0x25e: {  	v38 =	vld.idx.msk [tilespmem:v36+s14+$0x0], $0xffff;
	v0 =	vadd.f32 v3, v0;
	v3 =	vmul.f32 v6, v61  }
0x25f: {  	v37 =	vor.u32 v26, v32;
	v1 =	vadd.f32 v2, v1;
	v2 =	vmul.f32 v61, v51;
	v6 =	vld [tilespmem:$0x10D80]  }
0x260: {  	v52 =	vld [tilespmem:$0x11E00];
	v0 =	vadd.f32 v3, v0;
	v3 =	vmul.f32 v7, v62  }
0x261: {  	v1 =	vadd.f32 v2, v1;
	v2 =	vmul.f32 v62, v50;
	v7 =	vld [tilespmem:$0x10E00]  }
0x262: {  	v0 =	vadd.f32 v3, v0;
	v3 =	vmul.f32 v5, v4;
	v5 =	vld [tilespmem:$0x10E80]  }
0x263: {  	v1 =	vadd.f32 v2, v1;
	v2 =	vmul.f32 v4, v49;
	[tilespmem:$0x13280] =	vst v38;
	v4 =	vld [tilespmem:$0x11E80]  }
0x264: {  	v37 =	vld.idx.msk [tilespmem:v37+s14+$0x0], $0xffff;
	v0 =	vadd.f32 v3, v0;
	v3 =	vmul.f32 v63, v6  }
0x265: {  	v36 =	vor.u32 v27, v32;
	v1 =	vadd.f32 v2, v1;
	v2 =	vmul.f32 v6, v48;
	v6 =	vld [tilespmem:$0x11F00]  }
0x266: {  	v54 =	vld [tilespmem:$0x10F80];
	v0 =	vadd.f32 v3, v0;
	v3 =	vmul.f32 v52, v7  }
0x267: {  	v1 =	vadd.f32 v2, v1;
	v2 =	vmul.f32 v7, v47;
	v7 =	vld [tilespmem:$0x11F80]  }
0x268: {  	v0 =	vadd.f32 v3, v0;
	v3 =	vmul.f32 v4, v5;
	v4 =	vld [tilespmem:$0x11000]  }
0x269: {  	v1 =	vadd.f32 v2, v1;
	v2 =	vmul.f32 v5, v46;
	[tilespmem:$0x13300] =	vst v37;
	v5 =	vld [tilespmem:$0x12000]  }
0x26a: {  	v36 =	vld.idx.msk [tilespmem:v36+s14+$0x0], $0xffff;
	v0 =	vadd.f32 v3, v0;
	v3 =	vmul.f32 v6, v53  }
0x26b: {  	v33 =	vor.u32 v28, v32;
	v1 =	vadd.f32 v2, v1;
	v2 =	vmul.f32 v53, v45;
	v6 =	vld [tilespmem:$0x11080]  }
0x26c: {  	v57 =	vld [tilespmem:$0x11200];
	v0 =	vadd.f32 v3, v0;
	v3 =	vmul.f32 v7, v54  }
0x26d: {  	v1 =	vadd.f32 v2, v1;
	v2 =	vmul.f32 v54, v44;
	v7 =	vld [tilespmem:$0x11100]  }
0x26e: {  	v0 =	vadd.f32 v3, v0;
	v3 =	vmul.f32 v5, v4;
	v5 =	vld [tilespmem:$0x11180]  }
0x26f: {  	v1 =	vadd.f32 v2, v1;
	v2 =	vmul.f32 v4, v43;
	[tilespmem:$0x13380] =	vst v36;
	v4 =	vld [tilespmem:$0x12180]  }
0x270: {  	v35 =	vld.idx.msk [tilespmem:v33+s14+$0x0], $0xffff;
	v0 =	vadd.f32 v3, v0;
	v3 =	vmul.f32 v55, v6  }
0x271: {  	v59 =	vld [tilespmem:$0x12380];
	v33 =	vor.u32 v29, v32;
	v1 =	vadd.f32 v2, v1;
	v2 =	vmul.f32 v6, v42  }
0x272: {  	v6 =	vld [tilespmem:$0x12200];
	v0 =	vadd.f32 v3, v0;
	v3 =	vmul.f32 v56, v7  }
0x273: {  	v1 =	vadd.f32 v2, v1;
	v2 =	vmul.f32 v7, v41;
	v7 =	vld [tilespmem:$0x12280]  }
0x274: {  	v0 =	vadd.f32 v3, v0;
	v3 =	vmul.f32 v4, v5;
	v4 =	vld [tilespmem:$0x11300]  }
0x275: {  	v1 =	vadd.f32 v2, v1;
	v2 =	vmul.f32 v5, v40;
	[tilespmem:$0x13400] =	vst v35;
	v5 =	vld [tilespmem:$0x12300]  }
0x276: {  	v34 =	vld.idx.msk [tilespmem:v33+s14+$0x0], $0xffff  }
0x277: {  	v60 =	vld [tilespmem:$0x12400];
	v33 =	vor.u32 v30, v32;
	v0 =	vadd.f32 v3, v0;
	v3 =	vmul.f32 v6, v57  }
0x278: {  	v1 =	vadd.f32 v2, v1;
	v2 =	vmul.f32 v57, v39;
	v6 =	vld [tilespmem:$0x11380]  }
0x279: {  	v61 =	vld [tilespmem:$0x12480];
	v0 =	vadd.f32 v3, v0;
	v3 =	vmul.f32 v7, v58  }
0x27a: {  	v1 =	vadd.f32 v2, v1;
	v2 =	vmul.f32 v58, v38;
	v7 =	vld [tilespmem:$0x11400]  }
0x27b: {  	[tilespmem:$0x13480] =	vst v34;
	v0 =	vadd.f32 v3, v0;
	v3 =	vmul.f32 v5, v4;
	v5 =	vld [tilespmem:$0x11480]  }
0x27c: {  	v1 =	vadd.f32 v2, v1;
	v4 =	vmul.f32 v4, v37;
	v33 =	vld.idx.msk [tilespmem:v33+s14+$0x0], $0xffff  }
0x27d: {  	v62 =	vld [tilespmem:$0x11500];
	v2 =	vor.u32 v8, v32;
	v0 =	vadd.f32 v3, v0;
	v3 =	vmul.f32 v59, v6  }
0x27e: {  	v1 =	vadd.f32 v4, v1;
	v4 =	vmul.f32 v6, v36;
	v6 =	vld [tilespmem:$0x12500]  }
0x27f: {  	v63 =	vld [tilespmem:$0x11580];
	v0 =	vadd.f32 v3, v0;
	v3 =	vmul.f32 v60, v7  }
0x280: {  	v1 =	vadd.f32 v4, v1;
	v4 =	vmul.f32 v7, v35;
	v7 =	vld [tilespmem:$0x12580]  }
0x281: {  	[tilespmem:$0x13500] =	vst v33;
	v0 =	vadd.f32 v3, v0;
	v3 =	vmul.f32 v61, v5  }
0x282: {  	v1 =	vadd.f32 v4, v1;
	v4 =	vmul.f32 v5, v34;
	v2 =	vld.idx.msk [tilespmem:v2+s14+$0x0], $0xffff  }
0x283: {  	v0 =	vadd.f32 v3, v0;
	v3 =	vmul.f32 v6, v62  }
0x284: {  	v1 =	vadd.f32 v4, v1  }
0x285: {  	v40 =	vmovc v8;
	v8 =	vld [tilespmem:$0x1FFE0];
	v4 =	vmul.f32 v62, v33;
	v0 =	vadd.f32 v3, v0;
	v3 =	vmul.f32 v7, v63  }
0x286: {  	v5 =	vmovc v13;
	v13 =	vmov v10;
	v10 =	vmov v25;
	v25 =	vld [tilespmem:$0x1FF90];
	v6 =	vmov v14  }
0x287: {  	p0 =	sne.s32 s0, $0x7C0;
	v14 =	vmovc v9;
	v9 =	vld [tilespmem:$0x1FFA0];
	v1 =	vadd.f32 v4, v1;
	v4 =	vmul.f32 v63, v2;
	v0 =	vadd.f32 v3, v0  }
.Ltmp0:
0x288: {  	[tilespmem:$0x13580] =	vst v2;
	v2 =	vmov v24;
	v24 =	vld [tilespmem:$0x1FFC0];
	(pc) =	sbr.rel @p0 .LBB2_2-.Ltmp0, $4  }
0x289: {  	v1 =	vadd.f32 v4, v1;
	[tilespmem:s2+$0x13600] =	vst v0;
	v0 =	vld [tilespmem:$0x1FFF0]  }
0x28a: {  	v3 =	vmov v11;
	v11 =	vmov v16;
	v16 =	vld [tilespmem:$0x1FFD0]  }
0x28b: {  	[tilespmem:s2+$0x13800] =	vst v1;
	v1 =	vld [tilespmem:$0x1FFB0]  }
0x28c: {  	s0 =	sadd.s32 $0x40, s0;
	v7 =	vmov v15;
	v4 =	vmov v12;
	v12 =	vmov v17;
	v17 =	vld [tilespmem:$0x1FF80]  }
0x28d: {  	s0 =	simm.s32 $0x13600  }
0x28e: {  	[hbm4b:s7+s1] =	stream.linear.scatter [tilespmem:s0], [sflag:$0x2], $0x200, $0x38;
	[tilespmem:$0x13A00] =	vst v63  }
0x28f: {  	s11 =	sadd.s32 $0x1, s11;
	_ =	swait.ge [sflag:s10], $0x200  }
0x290: {  	p0 =	sne.s32 s11, s9;
	[sflag:s10] =	ssyncset.done $0x0  }
.Ltmp1:
0x291: {  	s4 =	simm.s32 $0x13800;
	[sflag:s10] =	ssyncadd.s32 $0xFFFFFE00;
	(pc) =	sbr.rel @p0 .LBB2_1-.Ltmp1, $4  }
0x292: {  	[hbm4b:s8+s1] =	stream.linear.scatter [tilespmem:s4], [sflag:$0x2], $0x200, $0x38;
	[tilespmem:$0x13A00] =	vst v63  }
0x293: {  	_ =	swait.ge [sflag:s10], $0x200  }
0x294: {  	[sflag:s10] =	ssyncset.done $0x0  }
0x295: {  	[sflag:s10] =	ssyncadd.s32 $0xFFFFFE00  }
0x296: {  	_ =	sfence.sel $0x180000  }
0x297: {  	[bflag:$0x0] =	sbarrier.arrive $0xFFFF  }
0x298: {  	_ =	strace $0x90000047  }
0x299: {  	s0 =	stileid.u32;
	[bflag:$0x2] =	sbarrier.arrive $0xFFFF  }
0x29a: {  	p0 =	sne.s32 s0, $0x0;
	s0 =	rddreg [dreg:$0x6]  }
0x29b: {  	s0 =	sadd.s32 @!p0 $0x100000, s0  }
0x29c: {  	[sflag:s0] =	ssyncadd.tile.s32 @!p0 $0x1;
	_ =	shalt  }
.Lfunc_end2:
_tile_overlayer_lowered:
.L_overlay_start_2:
0x29d: {  	(tag) =	ssettag $0x2  }
0x29e: {  	s0 =	rddreg [dreg:$0x0];
	s2 =	stileid.u32  }
0x29f: {  	s1 =	rddreg [dreg:$0x1];
	p0 =	sne.s32 s2, $0x0  }
0x2a0: {  	s3 =	rddreg [dreg:$0x2];
	[bflag:$0x3] =	sbarrier.arrive $0xFFFF;
	s2 =	simm.s32 @!p0 $0x1C02  }
0x2a1: {  	[timem:s3], [sflag:s2] =	dma.local @!p0 [hbm:s0], s1  }
0x2a2: {  	s0 =	simm.s32 @!p0 $0x2  }
0x2a3: {  	_ =	swait.ge @!p0 [sflag:s0], s1  }
0x2a4: {  	s1 =	ssub.s32 @!p0 $0x0, s1;
	[sflag:s0] =	ssyncset.done @!p0 $0x0  }
0x2a5: {  	[sflag:s0] =	ssyncadd.s32 @!p0 s1  }
0x2a6: {  	[bflag:$0x3] =	sbarrier.arrive $0xFFFF  }
0x2a7: {  	_ =	shalt  }

</sc_bundles>
